<compile_context>
chip_gen: v7x
topology: tpu7x:2x2x1
jax: 0.10.2.dev20260603
libtpu: 0.0.44.dev20260713+nightly
codegen_flags: <defaults>
</compile_context>

<pallas_src>
import jax
import jax.numpy as jnp
from jax import lax
from jax.experimental import pallas as pl
from jax.experimental.pallas import tpu as pltpu
from jax.experimental.pallas import tpu_sc as plsc

_D = 64
_DH = _D // 2
_POS = 441
_VROWS = _POS * 4
_EXT = 10.0
_STR0, _STR1 = 1.0, 21.0
_NC, _NS = 2, 16
_NW = _NC * _NS
_N = 1024
_SEQ = 256
_NB = _N // _SEQ
_NRG = _NW // 2
_RPG = _N // _NRG
_GPB = _SEQ // _RPG
_CH = _SEQ // 16


def _body(feat_h, imap_h, et_h, zoff_h, kwt_h, vwt_h, outk_h, outv_h,
          feat_v, imap_v, x_v, y_v, eto_v, zoff_v, kidx_v, vidx_v,
          ktab_v, vtab_v, kbuf_a, vbuf_a, kbuf_b, vbuf_b, osem_a, osem_b):
    wid = lax.axis_index("s") * _NC + lax.axis_index("c")
    rg = wid // 2
    dh = wid % 2
    b = rg // _GPB
    iloc0 = (rg % _GPB) * _RPG
    base = b * _SEQ
    dsd = pl.ds(dh * 4, 4)

    pltpu.sync_copy(kwt_h.at[pl.ds(dh * (_DH * _POS), _DH * _POS)], ktab_v)
    pltpu.sync_copy(vwt_h.at[pl.ds(dh * (_DH * _VROWS), _DH * _VROWS)], vtab_v)
    pltpu.sync_copy(feat_h, feat_v)
    pltpu.sync_copy(imap_h.at[pl.ds(base, _SEQ)], imap_v)
    pltpu.sync_copy(et_h.at[pl.ds(base, _SEQ)], eto_v)
    pltpu.sync_copy(zoff_h, zoff_v)

    for c in range(_CH):
        sl = pl.ds(c * 16, 16)
        jv = imap_v[sl] * 8
        x_v[sl] = plsc.load_gather(feat_v, [jv])
        y_v[sl] = plsc.load_gather(feat_v, [jv + 1])
        eto_v[sl] = eto_v[sl] * _POS

    zoff = zoff_v[...]

    def compute_idx(ii):
        isp = lax.broadcast_in_dim(ii, (16,), ())
        xi = plsc.load_gather(x_v, [isp])
        yi = plsc.load_gather(y_v, [isp])

        for c in range(_CH):
            sl = pl.ds(c * 16, 16)
            dx = x_v[sl] - xi
            dy = y_v[sl] - yi
            dxc = jnp.maximum(jnp.minimum(dx, _EXT), -_EXT)
            dyc = jnp.maximum(jnp.minimum(dy, _EXT), -_EXT)
            fidx = (dxc + _EXT) * _STR0 + (dyc + _EXT) * _STR1
            iidx = fidx.astype(jnp.int32) + zoff
            kidx_v[sl] = iidx
            vidx_v[sl] = iidx + eto_v[sl]

    def fill(kbuf, vbuf):
        @plsc.parallel_loop(jnp.int32(0), jnp.int32(_SEQ), jnp.int32(16),
                            unroll=4)
        def chunk(cc):
            sl = pl.ds(cc, 16)
            kb = kidx_v[sl]
            vb = vidx_v[sl]
            jt = cc // 128
            jsl = pl.ds(cc - jt * 128, 16)
            for d in range(_DH):
                kbuf[d // 8, jt, d % 8, jsl] = plsc.load_gather(
                    ktab_v, [kb + d * _POS])
                vbuf[d // 8, jt, d % 8, jsl] = plsc.load_gather(
                    vtab_v, [vb + d * _VROWS])

    def fire_outputs(ii, kbuf, vbuf, sem):
        pltpu.async_copy(kbuf, outk_h.at[b, ii, dsd], sem)
        pltpu.async_copy(vbuf, outv_h.at[b, ii, dsd], sem)

    def drain_outputs(kbuf, vbuf, sem):
        r0 = jnp.int32(0)
        pltpu.make_async_copy(kbuf, outk_h.at[r0, r0, pl.ds(0, 4)], sem).wait()
        pltpu.make_async_copy(vbuf, outv_h.at[r0, r0, pl.ds(0, 4)], sem).wait()

    def step(u, ii):
        pl.when(ii > iloc0)(lambda: drain_outputs(kbuf_a, vbuf_a, osem_a))
        compute_idx(ii)
        fill(kbuf_a, vbuf_a)
        fire_outputs(ii, kbuf_a, vbuf_a, osem_a)
        pl.when(ii > iloc0)(lambda: drain_outputs(kbuf_b, vbuf_b, osem_b))
        compute_idx(ii + 1)
        fill(kbuf_b, vbuf_b)
        fire_outputs(ii + 1, kbuf_b, vbuf_b, osem_b)
        return ii + 2

    lax.fori_loop(0, _RPG // 2, step, iloc0)
    drain_outputs(kbuf_a, vbuf_a, osem_a)
    drain_outputs(kbuf_b, vbuf_b, osem_b)


def kernel(features, index_map, entity_type, keys_weight, values_weight,
           size0, size1):
    n = features.shape[0]
    imap32 = index_map.astype(jnp.int32)
    et32 = entity_type.astype(jnp.int32)
    zoff = (jnp.asarray(size0, jnp.int32) * jnp.asarray(size1, jnp.int32)
            - jnp.int32(n))
    zoff16 = jnp.zeros((16,), jnp.int32) + zoff
    kwt = jnp.transpose(keys_weight).reshape(-1)
    vwt = jnp.transpose(values_weight).reshape(-1)

    mesh = plsc.VectorSubcoreMesh(core_axis_name="c", subcore_axis_name="s",
                                  num_cores=_NC, num_subcores=_NS)
    run = pl.kernel(
        _body,
        out_type=(jax.ShapeDtypeStruct((_NB, n // _NB, 8, 2, 8, 128),
                                       jnp.float32),
                  jax.ShapeDtypeStruct((_NB, n // _NB, 8, 2, 8, 128),
                                       jnp.float32)),
        mesh=mesh,
        compiler_params=pltpu.CompilerParams(needs_layout_passes=False,
                                             use_tc_tiling_on_sc=False),
        scratch_types=[
            pltpu.VMEM((n * 8,), jnp.float32),
            pltpu.VMEM((_SEQ,), jnp.int32),
            pltpu.VMEM((_SEQ,), jnp.float32),
            pltpu.VMEM((_SEQ,), jnp.float32),
            pltpu.VMEM((_SEQ,), jnp.int32),
            pltpu.VMEM((16,), jnp.int32),
            pltpu.VMEM((_SEQ,), jnp.int32),
            pltpu.VMEM((_SEQ,), jnp.int32),
            pltpu.VMEM((_DH * _POS,), jnp.float32),
            pltpu.VMEM((_DH * _VROWS,), jnp.float32),
            pltpu.VMEM((4, 2, 8, 128), jnp.float32),
            pltpu.VMEM((4, 2, 8, 128), jnp.float32),
            pltpu.VMEM((4, 2, 8, 128), jnp.float32),
            pltpu.VMEM((4, 2, 8, 128), jnp.float32),
            pltpu.SemaphoreType.DMA,
            pltpu.SemaphoreType.DMA,
        ],
    )
    okt, ovt = run(features.reshape(-1), imap32, et32, zoff16, kwt, vwt)
    s1 = n // _NB
    ok = jnp.transpose(okt, (0, 1, 3, 5, 2, 4)).reshape(_NB, s1, _SEQ, _D)
    ov = jnp.transpose(ovt, (0, 1, 3, 5, 2, 4)).reshape(_NB, s1, _SEQ, _D)
    return (ok, ov)

# --- scband reference (transcript-rebuilt; emitter-appended) ---
"""Pipeline reference for scband-relpos-encoding-69295002354260 (READ-ONLY COPY).

The authoritative reference and input builder live on the scoring server;
editing this copy changes nothing except your own understanding.
"""

import jax, jax.numpy as jnp
import numpy as np
jax.config.update("jax_enable_x64", True)

D_HEAD = 64
EXTENT = [10.0, 10.0]
STRIDES = [1.0, 21.0]
POSITIONS = 441  # (2*10+1) * (2*10+1)
N_ENTITY = 4
POS_FEATURE_IDX = [0, 1]


def setup_inputs(seed: int = 0) -> dict:
    key = jax.random.key(seed)
    k1, k2, k3, k4, k5 = jax.random.split(key, 5)
    N = 1024
    features = jax.random.normal(k1, (N, 8), dtype=jnp.float32) * 5.0
    index_map = jax.random.randint(k2, (N,), 0, N, dtype=jnp.int64)
    entity_type = jax.random.randint(k3, (N,), 0, N_ENTITY, dtype=jnp.int64)
    keys_weight = jax.random.normal(k4, (POSITIONS, D_HEAD), dtype=jnp.float32) * 0.05
    values_weight = jax.random.normal(k5, (POSITIONS * N_ENTITY, D_HEAD), dtype=jnp.float32) * 0.2
    return {
        "features": features,
        "index_map": index_map,
        "entity_type": entity_type,
        "keys_weight": keys_weight,
        "values_weight": values_weight,
        "size0": 4,
        "size1": 256,
    }


def reference(features, index_map, entity_type, keys_weight, values_weight, size0, size1):
    extent = jnp.array(EXTENT, dtype=jnp.float32).reshape(1, 1, 1, -1)
    strides = jnp.array(STRIDES, dtype=jnp.float32)
    pos_idx = jnp.array(POS_FEATURE_IDX)
    # single (non-excluded) entity table: gather positional feature columns
    tpos = features[:, pos_idx]
    # reorder into observation order
    tpos = tpos[index_map]
    # packpad_index is None -> reshape via ragged shape (size0, size1)
    s0 = 4
    s1 = features.shape[0] // s0
    tpos = tpos.reshape(s0, s1, -1)
    et = entity_type.reshape(s0, s1, 1)
    # pairwise relative positions: rel[b, i, j] = tpos[b, j] - tpos[b, i]
    relative_positions = tpos[:, None, :, :] - tpos[:, :, None, :]
    clamped_positions = jnp.maximum(jnp.minimum(extent, relative_positions), -extent)
    positive_positions = clamped_positions + extent
    indices = (positive_positions * strides).sum(axis=-1).astype(jnp.int64)
    zero_offset = (jnp.asarray(size0, dtype=jnp.int64) * jnp.asarray(size1, dtype=jnp.int64)
                   - jnp.int64(s0 * s1))
    indices = indices + zero_offset
    keys = jnp.take(keys_weight, indices, axis=0)
    # per-entity value offsets: [B, S, 1] -> transpose -> [B, 1, S], broadcast over dim 1
    per_entity_type_indices = indices + jnp.transpose(et * POSITIONS, (0, 2, 1)).astype(jnp.int64)
    values = jnp.take(values_weight, per_entity_type_indices, axis=0)
    return (keys, values)

if __name__ == "__main__":
    import jax
    _d = setup_inputs()
    print(jax.jit(kernel)(*tuple(_d.values())))

</pallas_src>

<mosaic_0001>
#map = affine_map<(d0, d1) -> (0)>
#map1 = affine_map<(d0, d1) -> (0, 0, 0, 0, 0, 0)>
module attributes {stable_mosaic.version = 14 : i64} {
  func.func @_body(%arg0: i32, %arg1: i32, %arg2: memref<8192xf32, #tpu.memory_space<hbm>>, %arg3: memref<1024xi32, #tpu.memory_space<hbm>>, %arg4: memref<1024xi32, #tpu.memory_space<hbm>>, %arg5: memref<16xi32, #tpu.memory_space<hbm>>, %arg6: memref<28224xf32, #tpu.memory_space<hbm>>, %arg7: memref<112896xf32, #tpu.memory_space<hbm>>, %arg8: memref<4x256x8x2x8x128xf32, #tpu.memory_space<hbm>>, %arg9: memref<4x256x8x2x8x128xf32, #tpu.memory_space<hbm>>, %arg10: memref<8192xf32, #tpu.memory_space<vmem>>, %arg11: memref<256xi32, #tpu.memory_space<vmem>>, %arg12: memref<256xf32, #tpu.memory_space<vmem>>, %arg13: memref<256xf32, #tpu.memory_space<vmem>>, %arg14: memref<256xi32, #tpu.memory_space<vmem>>, %arg15: memref<16xi32, #tpu.memory_space<vmem>>, %arg16: memref<256xi32, #tpu.memory_space<vmem>>, %arg17: memref<256xi32, #tpu.memory_space<vmem>>, %arg18: memref<14112xf32, #tpu.memory_space<vmem>>, %arg19: memref<56448xf32, #tpu.memory_space<vmem>>, %arg20: memref<4x2x8x128xf32, #tpu.memory_space<vmem>>, %arg21: memref<4x2x8x128xf32, #tpu.memory_space<vmem>>, %arg22: memref<4x2x8x128xf32, #tpu.memory_space<vmem>>, %arg23: memref<4x2x8x128xf32, #tpu.memory_space<vmem>>, %arg24: memref<!tpu.dma_semaphore, #tpu.memory_space<semaphore_mem>>, %arg25: memref<!tpu.dma_semaphore, #tpu.memory_space<semaphore_mem>>) attributes {dimension_semantics = [#tpu.dimension_semantics<core_parallel>, #tpu.dimension_semantics<subcore_parallel>], iteration_bounds = array<i64: 2, 16>, scalar_prefetch = 0 : i64, scratch_operands = 16 : i64, tpu.core_type = #tpu.core_type<sc_vector_subcore>, window_params = [{transform_indices = #map}, {transform_indices = #map}, {transform_indices = #map}, {transform_indices = #map}, {transform_indices = #map}, {transform_indices = #map}, {transform_indices = #map1}, {transform_indices = #map1}]} {
    %mul3A = arith.constant 2 : i32
    %mul3A_0 = arith.muli %arg1, %mul3A : i32
    %add3A = arith.addi %mul3A_0, %arg0 : i32
    %jit3A = arith.constant 2 : i64
    %convert_element_type3A = arith.trunci %jit3A : i64 to i32
    %div3A = arith.divsi %add3A, %convert_element_type3A : i32
    %sign3A = arith.constant 0 : i32
    %sign3A_1 = arith.cmpi sgt, %add3A, %sign3A : i32
    %sign3A_2 = arith.extui %sign3A_1 : i1 to i32
    %sign3A_3 = arith.constant 0 : i32
    %sign3A_4 = arith.cmpi slt, %add3A, %sign3A_3 : i32
    %sign3A_5 = arith.extui %sign3A_4 : i1 to i32
    %sign3A_6 = arith.subi %sign3A_2, %sign3A_5 : i32
    %sign3A_7 = arith.constant 0 : i32
    %sign3A_8 = arith.cmpi sgt, %convert_element_type3A, %sign3A_7 : i32
    %sign3A_9 = arith.extui %sign3A_8 : i1 to i32
    %sign3A_10 = arith.constant 0 : i32
    %sign3A_11 = arith.cmpi slt, %convert_element_type3A, %sign3A_10 : i32
    %sign3A_12 = arith.extui %sign3A_11 : i1 to i32
    %sign3A_13 = arith.subi %sign3A_9, %sign3A_12 : i32
    %ne3A = arith.cmpi ne, %sign3A_6, %sign3A_13 : i32
    %rem3A = arith.remsi %add3A, %convert_element_type3A : i32
    %ne3A_14 = arith.constant 0 : i32
    %ne3A_15 = arith.cmpi ne, %rem3A, %ne3A_14 : i32
    %and3A = arith.andi %ne3A, %ne3A_15 : i1
    %sub3A = arith.constant 1 : i32
    %sub3A_16 = arith.subi %div3A, %sub3A : i32
    %select_n3A = arith.select %and3A, %sub3A_16, %div3A : i32
    %jit3A_17 = arith.constant 2 : i64
    %convert_element_type3A_18 = arith.trunci %jit3A_17 : i64 to i32
    %eq3A = arith.constant 0 : i32
    %eq3A_19 = arith.cmpi eq, %convert_element_type3A_18, %eq3A : i32
    %jit3A_20 = arith.constant 1 : i32
    %select_n3A_21 = arith.select %eq3A_19, %jit3A_20, %convert_element_type3A_18 : i32
    %rem3A_22 = arith.remsi %add3A, %select_n3A_21 : i32
    %ne3A_23 = arith.constant 0 : i32
    %ne3A_24 = arith.cmpi ne, %rem3A_22, %ne3A_23 : i32
    %lt3A = arith.constant 0 : i32
    %lt3A_25 = arith.cmpi slt, %rem3A_22, %lt3A : i32
    %lt3A_26 = arith.constant 0 : i32
    %lt3A_27 = arith.cmpi slt, %select_n3A_21, %lt3A_26 : i32
    %ne3A_28 = arith.xori %lt3A_25, %lt3A_27 : i1
    %and3A_29 = arith.andi %ne3A_28, %ne3A_24 : i1
    %add3A_30 = arith.addi %rem3A_22, %select_n3A_21 : i32
    %select_n3A_31 = arith.select %and3A_29, %add3A_30, %rem3A_22 : i32
    %jit3A_32 = arith.constant 4 : i64
    %convert_element_type3A_33 = arith.trunci %jit3A_32 : i64 to i32
    %div3A_34 = arith.divsi %select_n3A, %convert_element_type3A_33 : i32
    %sign3A_35 = arith.constant 0 : i32
    %sign3A_36 = arith.cmpi sgt, %select_n3A, %sign3A_35 : i32
    %sign3A_37 = arith.extui %sign3A_36 : i1 to i32
    %sign3A_38 = arith.constant 0 : i32
    %sign3A_39 = arith.cmpi slt, %select_n3A, %sign3A_38 : i32
    %sign3A_40 = arith.extui %sign3A_39 : i1 to i32
    %sign3A_41 = arith.subi %sign3A_37, %sign3A_40 : i32
    %sign3A_42 = arith.constant 0 : i32
    %sign3A_43 = arith.cmpi sgt, %convert_element_type3A_33, %sign3A_42 : i32
    %sign3A_44 = arith.extui %sign3A_43 : i1 to i32
    %sign3A_45 = arith.constant 0 : i32
    %sign3A_46 = arith.cmpi slt, %convert_element_type3A_33, %sign3A_45 : i32
    %sign3A_47 = arith.extui %sign3A_46 : i1 to i32
    %sign3A_48 = arith.subi %sign3A_44, %sign3A_47 : i32
    %ne3A_49 = arith.cmpi ne, %sign3A_41, %sign3A_48 : i32
    %rem3A_50 = arith.remsi %select_n3A, %convert_element_type3A_33 : i32
    %ne3A_51 = arith.constant 0 : i32
    %ne3A_52 = arith.cmpi ne, %rem3A_50, %ne3A_51 : i32
    %and3A_53 = arith.andi %ne3A_49, %ne3A_52 : i1
    %sub3A_54 = arith.constant 1 : i32
    %sub3A_55 = arith.subi %div3A_34, %sub3A_54 : i32
    %select_n3A_56 = arith.select %and3A_53, %sub3A_55, %div3A_34 : i32
    %jit3A_57 = arith.constant 4 : i64
    %convert_element_type3A_58 = arith.trunci %jit3A_57 : i64 to i32
    %eq3A_59 = arith.constant 0 : i32
    %eq3A_60 = arith.cmpi eq, %convert_element_type3A_58, %eq3A_59 : i32
    %jit3A_61 = arith.constant 1 : i32
    %select_n3A_62 = arith.select %eq3A_60, %jit3A_61, %convert_element_type3A_58 : i32
    %rem3A_63 = arith.remsi %select_n3A, %select_n3A_62 : i32
    %ne3A_64 = arith.constant 0 : i32
    %ne3A_65 = arith.cmpi ne, %rem3A_63, %ne3A_64 : i32
    %lt3A_66 = arith.constant 0 : i32
    %lt3A_67 = arith.cmpi slt, %rem3A_63, %lt3A_66 : i32
    %lt3A_68 = arith.constant 0 : i32
    %lt3A_69 = arith.cmpi slt, %select_n3A_62, %lt3A_68 : i32
    %ne3A_70 = arith.xori %lt3A_67, %lt3A_69 : i1
    %and3A_71 = arith.andi %ne3A_70, %ne3A_65 : i1
    %add3A_72 = arith.addi %rem3A_63, %select_n3A_62 : i32
    %select_n3A_73 = arith.select %and3A_71, %add3A_72, %rem3A_63 : i32
    %mul3A_74 = arith.constant 64 : i32
    %mul3A_75 = arith.muli %select_n3A_73, %mul3A_74 : i32
    %mul3A_76 = arith.constant 256 : i32
    %mul3A_77 = arith.muli %select_n3A_56, %mul3A_76 : i32
    %mul3A_78 = arith.constant 4 : i32
    %mul3A_79 = arith.muli %select_n3A_31, %mul3A_78 : i32
    %mul3A_80 = arith.constant 14112 : i32
    %mul3A_81 = arith.muli %select_n3A_31, %mul3A_80 : i32
    "tpu.region"() ({
      %run_scoped3A = tpu.sem_alloc : memref<!tpu.dma_semaphore, #tpu.memory_space<semaphore_mem>>
      %dma_start3A = tpu.memref_slice %arg6[%mul3A_81] : memref<28224xf32, #tpu.memory_space<hbm>> -> memref<14112xf32, #tpu.memory_space<hbm>>
      %dma_start3A_479 = tpu.memref_slice %arg6[%mul3A_81] : memref<28224xf32, #tpu.memory_space<hbm>> -> memref<14112xf32, #tpu.memory_space<hbm>>
      tpu.enqueue_dma source(%dma_start3A_479 : memref<14112xf32, #tpu.memory_space<hbm>>) target(%arg18 : memref<14112xf32, #tpu.memory_space<vmem>>) target_semaphore(%run_scoped3A : memref<!tpu.dma_semaphore, #tpu.memory_space<semaphore_mem>>)
      %dma_wait3A_480 = tpu.memref_slice %arg6[%mul3A_81] : memref<28224xf32, #tpu.memory_space<hbm>> -> memref<14112xf32, #tpu.memory_space<hbm>>
      %dma_wait3A_481 = tpu.memref_slice %arg6[%mul3A_81] : memref<28224xf32, #tpu.memory_space<hbm>> -> memref<14112xf32, #tpu.memory_space<hbm>>
      tpu.wait_dma2 semaphore(%run_scoped3A : memref<!tpu.dma_semaphore, #tpu.memory_space<semaphore_mem>>) src(%dma_wait3A_481 : memref<14112xf32, #tpu.memory_space<hbm>>) dst(%arg18 : memref<14112xf32, #tpu.memory_space<vmem>>)
      tpu.yield
    }) : () -> ()
    %mul3A_82 = arith.constant 56448 : i32
    %mul3A_83 = arith.muli %select_n3A_31, %mul3A_82 : i32
    "tpu.region"() ({
      %run_scoped3A = tpu.sem_alloc : memref<!tpu.dma_semaphore, #tpu.memory_space<semaphore_mem>>
      %dma_start3A = tpu.memref_slice %arg7[%mul3A_83] : memref<112896xf32, #tpu.memory_space<hbm>> -> memref<56448xf32, #tpu.memory_space<hbm>>
      %dma_start3A_479 = tpu.memref_slice %arg7[%mul3A_83] : memref<112896xf32, #tpu.memory_space<hbm>> -> memref<56448xf32, #tpu.memory_space<hbm>>
      tpu.enqueue_dma source(%dma_start3A_479 : memref<56448xf32, #tpu.memory_space<hbm>>) target(%arg19 : memref<56448xf32, #tpu.memory_space<vmem>>) target_semaphore(%run_scoped3A : memref<!tpu.dma_semaphore, #tpu.memory_space<semaphore_mem>>)
      %dma_wait3A_480 = tpu.memref_slice %arg7[%mul3A_83] : memref<112896xf32, #tpu.memory_space<hbm>> -> memref<56448xf32, #tpu.memory_space<hbm>>
      %dma_wait3A_481 = tpu.memref_slice %arg7[%mul3A_83] : memref<112896xf32, #tpu.memory_space<hbm>> -> memref<56448xf32, #tpu.memory_space<hbm>>
      tpu.wait_dma2 semaphore(%run_scoped3A : memref<!tpu.dma_semaphore, #tpu.memory_space<semaphore_mem>>) src(%dma_wait3A_481 : memref<56448xf32, #tpu.memory_space<hbm>>) dst(%arg19 : memref<56448xf32, #tpu.memory_space<vmem>>)
      tpu.yield
    }) : () -> ()
    "tpu.region"() ({
      %run_scoped3A = tpu.sem_alloc : memref<!tpu.dma_semaphore, #tpu.memory_space<semaphore_mem>>
      tpu.enqueue_dma source(%arg2 : memref<8192xf32, #tpu.memory_space<hbm>>) target(%arg10 : memref<8192xf32, #tpu.memory_space<vmem>>) target_semaphore(%run_scoped3A : memref<!tpu.dma_semaphore, #tpu.memory_space<semaphore_mem>>)
      tpu.wait_dma2 semaphore(%run_scoped3A : memref<!tpu.dma_semaphore, #tpu.memory_space<semaphore_mem>>) src(%arg2 : memref<8192xf32, #tpu.memory_space<hbm>>) dst(%arg10 : memref<8192xf32, #tpu.memory_space<vmem>>)
      tpu.yield
    }) : () -> ()
    "tpu.region"() ({
      %run_scoped3A = tpu.sem_alloc : memref<!tpu.dma_semaphore, #tpu.memory_space<semaphore_mem>>
      %dma_start3A = tpu.memref_slice %arg3[%mul3A_77] : memref<1024xi32, #tpu.memory_space<hbm>> -> memref<256xi32, #tpu.memory_space<hbm>>
      %dma_start3A_479 = tpu.memref_slice %arg3[%mul3A_77] : memref<1024xi32, #tpu.memory_space<hbm>> -> memref<256xi32, #tpu.memory_space<hbm>>
      tpu.enqueue_dma source(%dma_start3A_479 : memref<256xi32, #tpu.memory_space<hbm>>) target(%arg11 : memref<256xi32, #tpu.memory_space<vmem>>) target_semaphore(%run_scoped3A : memref<!tpu.dma_semaphore, #tpu.memory_space<semaphore_mem>>)
      %dma_wait3A_480 = tpu.memref_slice %arg3[%mul3A_77] : memref<1024xi32, #tpu.memory_space<hbm>> -> memref<256xi32, #tpu.memory_space<hbm>>
      %dma_wait3A_481 = tpu.memref_slice %arg3[%mul3A_77] : memref<1024xi32, #tpu.memory_space<hbm>> -> memref<256xi32, #tpu.memory_space<hbm>>
      tpu.wait_dma2 semaphore(%run_scoped3A : memref<!tpu.dma_semaphore, #tpu.memory_space<semaphore_mem>>) src(%dma_wait3A_481 : memref<256xi32, #tpu.memory_space<hbm>>) dst(%arg11 : memref<256xi32, #tpu.memory_space<vmem>>)
      tpu.yield
    }) : () -> ()
    "tpu.region"() ({
      %run_scoped3A = tpu.sem_alloc : memref<!tpu.dma_semaphore, #tpu.memory_space<semaphore_mem>>
      %dma_start3A = tpu.memref_slice %arg4[%mul3A_77] : memref<1024xi32, #tpu.memory_space<hbm>> -> memref<256xi32, #tpu.memory_space<hbm>>
      %dma_start3A_479 = tpu.memref_slice %arg4[%mul3A_77] : memref<1024xi32, #tpu.memory_space<hbm>> -> memref<256xi32, #tpu.memory_space<hbm>>
      tpu.enqueue_dma source(%dma_start3A_479 : memref<256xi32, #tpu.memory_space<hbm>>) target(%arg14 : memref<256xi32, #tpu.memory_space<vmem>>) target_semaphore(%run_scoped3A : memref<!tpu.dma_semaphore, #tpu.memory_space<semaphore_mem>>)
      %dma_wait3A_480 = tpu.memref_slice %arg4[%mul3A_77] : memref<1024xi32, #tpu.memory_space<hbm>> -> memref<256xi32, #tpu.memory_space<hbm>>
      %dma_wait3A_481 = tpu.memref_slice %arg4[%mul3A_77] : memref<1024xi32, #tpu.memory_space<hbm>> -> memref<256xi32, #tpu.memory_space<hbm>>
      tpu.wait_dma2 semaphore(%run_scoped3A : memref<!tpu.dma_semaphore, #tpu.memory_space<semaphore_mem>>) src(%dma_wait3A_481 : memref<256xi32, #tpu.memory_space<hbm>>) dst(%arg14 : memref<256xi32, #tpu.memory_space<vmem>>)
      tpu.yield
    }) : () -> ()
    "tpu.region"() ({
      %run_scoped3A = tpu.sem_alloc : memref<!tpu.dma_semaphore, #tpu.memory_space<semaphore_mem>>
      tpu.enqueue_dma source(%arg5 : memref<16xi32, #tpu.memory_space<hbm>>) target(%arg15 : memref<16xi32, #tpu.memory_space<vmem>>) target_semaphore(%run_scoped3A : memref<!tpu.dma_semaphore, #tpu.memory_space<semaphore_mem>>)
      tpu.wait_dma2 semaphore(%run_scoped3A : memref<!tpu.dma_semaphore, #tpu.memory_space<semaphore_mem>>) src(%arg5 : memref<16xi32, #tpu.memory_space<hbm>>) dst(%arg15 : memref<16xi32, #tpu.memory_space<vmem>>)
      tpu.yield
    }) : () -> ()
    %get3A = arith.constant 0 : index
    %get3A_84 = tpu.vector_load %arg11[%get3A] {strides = array<i32>} : memref<256xi32, #tpu.memory_space<vmem>>, vector<16xi32>,
    %mul3A_85 = arith.constant 8 : i32
    %mul3A_86 = vector.broadcast %mul3A_85 : i32 to vector<16xi32>
    %mul3A_87 = arith.muli %get3A_84, %mul3A_86 : vector<16xi32>
    %gather3A = tpu.vector_load_idx %arg10[%mul3A_87] : memref<8192xf32, #tpu.memory_space<vmem>>[vector<16xi32>], vector<16xf32>,
    %swap3A = arith.constant 0 : index
    %swap3A_88 = tpu.vector_load %arg12[%swap3A] {strides = array<i32>} : memref<256xf32, #tpu.memory_space<vmem>>, vector<16xf32>,
    tpu.vector_store %arg12[%swap3A], %gather3A {strides = array<i32>} : memref<256xf32, #tpu.memory_space<vmem>>, vector<16xf32>,
    %add3A_89 = arith.constant 1 : i32
    %add3A_90 = vector.broadcast %add3A_89 : i32 to vector<16xi32>
    %add3A_91 = arith.addi %mul3A_87, %add3A_90 : vector<16xi32>
    %gather3A_92 = tpu.vector_load_idx %arg10[%add3A_91] : memref<8192xf32, #tpu.memory_space<vmem>>[vector<16xi32>], vector<16xf32>,
    %swap3A_93 = arith.constant 0 : index
    %swap3A_94 = tpu.vector_load %arg13[%swap3A_93] {strides = array<i32>} : memref<256xf32, #tpu.memory_space<vmem>>, vector<16xf32>,
    tpu.vector_store %arg13[%swap3A_93], %gather3A_92 {strides = array<i32>} : memref<256xf32, #tpu.memory_space<vmem>>, vector<16xf32>,
    %get3A_95 = arith.constant 0 : index
    %get3A_96 = tpu.vector_load %arg14[%get3A_95] {strides = array<i32>} : memref<256xi32, #tpu.memory_space<vmem>>, vector<16xi32>,
    %mul3A_97 = arith.constant 441 : i32
    %mul3A_98 = vector.broadcast %mul3A_97 : i32 to vector<16xi32>
    %mul3A_99 = arith.muli %get3A_96, %mul3A_98 : vector<16xi32>
    %swap3A_100 = arith.constant 0 : index
    %swap3A_101 = tpu.vector_load %arg14[%swap3A_100] {strides = array<i32>} : memref<256xi32, #tpu.memory_space<vmem>>, vector<16xi32>,
    tpu.vector_store %arg14[%swap3A_100], %mul3A_99 {strides = array<i32>} : memref<256xi32, #tpu.memory_space<vmem>>, vector<16xi32>,
    %get3A_102 = arith.constant 16 : index
    %get3A_103 = tpu.vector_load %arg11[%get3A_102] {strides = array<i32>} : memref<256xi32, #tpu.memory_space<vmem>>, vector<16xi32>,
    %mul3A_104 = arith.constant 8 : i32
    %mul3A_105 = vector.broadcast %mul3A_104 : i32 to vector<16xi32>
    %mul3A_106 = arith.muli %get3A_103, %mul3A_105 : vector<16xi32>
    %gather3A_107 = tpu.vector_load_idx %arg10[%mul3A_106] : memref<8192xf32, #tpu.memory_space<vmem>>[vector<16xi32>], vector<16xf32>,
    %swap3A_108 = arith.constant 16 : index
    %swap3A_109 = tpu.vector_load %arg12[%swap3A_108] {strides = array<i32>} : memref<256xf32, #tpu.memory_space<vmem>>, vector<16xf32>,
    tpu.vector_store %arg12[%swap3A_108], %gather3A_107 {strides = array<i32>} : memref<256xf32, #tpu.memory_space<vmem>>, vector<16xf32>,
    %add3A_110 = arith.constant 1 : i32
    %add3A_111 = vector.broadcast %add3A_110 : i32 to vector<16xi32>
    %add3A_112 = arith.addi %mul3A_106, %add3A_111 : vector<16xi32>
    %gather3A_113 = tpu.vector_load_idx %arg10[%add3A_112] : memref<8192xf32, #tpu.memory_space<vmem>>[vector<16xi32>], vector<16xf32>,
    %swap3A_114 = arith.constant 16 : index
    %swap3A_115 = tpu.vector_load %arg13[%swap3A_114] {strides = array<i32>} : memref<256xf32, #tpu.memory_space<vmem>>, vector<16xf32>,
    tpu.vector_store %arg13[%swap3A_114], %gather3A_113 {strides = array<i32>} : memref<256xf32, #tpu.memory_space<vmem>>, vector<16xf32>,
    %get3A_116 = arith.constant 16 : index
    %get3A_117 = tpu.vector_load %arg14[%get3A_116] {strides = array<i32>} : memref<256xi32, #tpu.memory_space<vmem>>, vector<16xi32>,
    %mul3A_118 = arith.constant 441 : i32
    %mul3A_119 = vector.broadcast %mul3A_118 : i32 to vector<16xi32>
    %mul3A_120 = arith.muli %get3A_117, %mul3A_119 : vector<16xi32>
    %swap3A_121 = arith.constant 16 : index
    %swap3A_122 = tpu.vector_load %arg14[%swap3A_121] {strides = array<i32>} : memref<256xi32, #tpu.memory_space<vmem>>, vector<16xi32>,
    tpu.vector_store %arg14[%swap3A_121], %mul3A_120 {strides = array<i32>} : memref<256xi32, #tpu.memory_space<vmem>>, vector<16xi32>,
    %get3A_123 = arith.constant 32 : index
    %get3A_124 = tpu.vector_load %arg11[%get3A_123] {strides = array<i32>} : memref<256xi32, #tpu.memory_space<vmem>>, vector<16xi32>,
    %mul3A_125 = arith.constant 8 : i32
    %mul3A_126 = vector.broadcast %mul3A_125 : i32 to vector<16xi32>
    %mul3A_127 = arith.muli %get3A_124, %mul3A_126 : vector<16xi32>
    %gather3A_128 = tpu.vector_load_idx %arg10[%mul3A_127] : memref<8192xf32, #tpu.memory_space<vmem>>[vector<16xi32>], vector<16xf32>,
    %swap3A_129 = arith.constant 32 : index
    %swap3A_130 = tpu.vector_load %arg12[%swap3A_129] {strides = array<i32>} : memref<256xf32, #tpu.memory_space<vmem>>, vector<16xf32>,
    tpu.vector_store %arg12[%swap3A_129], %gather3A_128 {strides = array<i32>} : memref<256xf32, #tpu.memory_space<vmem>>, vector<16xf32>,
    %add3A_131 = arith.constant 1 : i32
    %add3A_132 = vector.broadcast %add3A_131 : i32 to vector<16xi32>
    %add3A_133 = arith.addi %mul3A_127, %add3A_132 : vector<16xi32>
    %gather3A_134 = tpu.vector_load_idx %arg10[%add3A_133] : memref<8192xf32, #tpu.memory_space<vmem>>[vector<16xi32>], vector<16xf32>,
    %swap3A_135 = arith.constant 32 : index
    %swap3A_136 = tpu.vector_load %arg13[%swap3A_135] {strides = array<i32>} : memref<256xf32, #tpu.memory_space<vmem>>, vector<16xf32>,
    tpu.vector_store %arg13[%swap3A_135], %gather3A_134 {strides = array<i32>} : memref<256xf32, #tpu.memory_space<vmem>>, vector<16xf32>,
    %get3A_137 = arith.constant 32 : index
    %get3A_138 = tpu.vector_load %arg14[%get3A_137] {strides = array<i32>} : memref<256xi32, #tpu.memory_space<vmem>>, vector<16xi32>,
    %mul3A_139 = arith.constant 441 : i32
    %mul3A_140 = vector.broadcast %mul3A_139 : i32 to vector<16xi32>
    %mul3A_141 = arith.muli %get3A_138, %mul3A_140 : vector<16xi32>
    %swap3A_142 = arith.constant 32 : index
    %swap3A_143 = tpu.vector_load %arg14[%swap3A_142] {strides = array<i32>} : memref<256xi32, #tpu.memory_space<vmem>>, vector<16xi32>,
    tpu.vector_store %arg14[%swap3A_142], %mul3A_141 {strides = array<i32>} : memref<256xi32, #tpu.memory_space<vmem>>, vector<16xi32>,
    %get3A_144 = arith.constant 48 : index
    %get3A_145 = tpu.vector_load %arg11[%get3A_144] {strides = array<i32>} : memref<256xi32, #tpu.memory_space<vmem>>, vector<16xi32>,
    %mul3A_146 = arith.constant 8 : i32
    %mul3A_147 = vector.broadcast %mul3A_146 : i32 to vector<16xi32>
    %mul3A_148 = arith.muli %get3A_145, %mul3A_147 : vector<16xi32>
    %gather3A_149 = tpu.vector_load_idx %arg10[%mul3A_148] : memref<8192xf32, #tpu.memory_space<vmem>>[vector<16xi32>], vector<16xf32>,
    %swap3A_150 = arith.constant 48 : index
    %swap3A_151 = tpu.vector_load %arg12[%swap3A_150] {strides = array<i32>} : memref<256xf32, #tpu.memory_space<vmem>>, vector<16xf32>,
    tpu.vector_store %arg12[%swap3A_150], %gather3A_149 {strides = array<i32>} : memref<256xf32, #tpu.memory_space<vmem>>, vector<16xf32>,
    %add3A_152 = arith.constant 1 : i32
    %add3A_153 = vector.broadcast %add3A_152 : i32 to vector<16xi32>
    %add3A_154 = arith.addi %mul3A_148, %add3A_153 : vector<16xi32>
    %gather3A_155 = tpu.vector_load_idx %arg10[%add3A_154] : memref<8192xf32, #tpu.memory_space<vmem>>[vector<16xi32>], vector<16xf32>,
    %swap3A_156 = arith.constant 48 : index
    %swap3A_157 = tpu.vector_load %arg13[%swap3A_156] {strides = array<i32>} : memref<256xf32, #tpu.memory_space<vmem>>, vector<16xf32>,
    tpu.vector_store %arg13[%swap3A_156], %gather3A_155 {strides = array<i32>} : memref<256xf32, #tpu.memory_space<vmem>>, vector<16xf32>,
    %get3A_158 = arith.constant 48 : index
    %get3A_159 = tpu.vector_load %arg14[%get3A_158] {strides = array<i32>} : memref<256xi32, #tpu.memory_space<vmem>>, vector<16xi32>,
    %mul3A_160 = arith.constant 441 : i32
    %mul3A_161 = vector.broadcast %mul3A_160 : i32 to vector<16xi32>
    %mul3A_162 = arith.muli %get3A_159, %mul3A_161 : vector<16xi32>
    %swap3A_163 = arith.constant 48 : index
    %swap3A_164 = tpu.vector_load %arg14[%swap3A_163] {strides = array<i32>} : memref<256xi32, #tpu.memory_space<vmem>>, vector<16xi32>,
    tpu.vector_store %arg14[%swap3A_163], %mul3A_162 {strides = array<i32>} : memref<256xi32, #tpu.memory_space<vmem>>, vector<16xi32>,
    %get3A_165 = arith.constant 64 : index
    %get3A_166 = tpu.vector_load %arg11[%get3A_165] {strides = array<i32>} : memref<256xi32, #tpu.memory_space<vmem>>, vector<16xi32>,
    %mul3A_167 = arith.constant 8 : i32
    %mul3A_168 = vector.broadcast %mul3A_167 : i32 to vector<16xi32>
    %mul3A_169 = arith.muli %get3A_166, %mul3A_168 : vector<16xi32>
    %gather3A_170 = tpu.vector_load_idx %arg10[%mul3A_169] : memref<8192xf32, #tpu.memory_space<vmem>>[vector<16xi32>], vector<16xf32>,
    %swap3A_171 = arith.constant 64 : index
    %swap3A_172 = tpu.vector_load %arg12[%swap3A_171] {strides = array<i32>} : memref<256xf32, #tpu.memory_space<vmem>>, vector<16xf32>,
    tpu.vector_store %arg12[%swap3A_171], %gather3A_170 {strides = array<i32>} : memref<256xf32, #tpu.memory_space<vmem>>, vector<16xf32>,
    %add3A_173 = arith.constant 1 : i32
    %add3A_174 = vector.broadcast %add3A_173 : i32 to vector<16xi32>
    %add3A_175 = arith.addi %mul3A_169, %add3A_174 : vector<16xi32>
    %gather3A_176 = tpu.vector_load_idx %arg10[%add3A_175] : memref<8192xf32, #tpu.memory_space<vmem>>[vector<16xi32>], vector<16xf32>,
    %swap3A_177 = arith.constant 64 : index
    %swap3A_178 = tpu.vector_load %arg13[%swap3A_177] {strides = array<i32>} : memref<256xf32, #tpu.memory_space<vmem>>, vector<16xf32>,
    tpu.vector_store %arg13[%swap3A_177], %gather3A_176 {strides = array<i32>} : memref<256xf32, #tpu.memory_space<vmem>>, vector<16xf32>,
    %get3A_179 = arith.constant 64 : index
    %get3A_180 = tpu.vector_load %arg14[%get3A_179] {strides = array<i32>} : memref<256xi32, #tpu.memory_space<vmem>>, vector<16xi32>,
    %mul3A_181 = arith.constant 441 : i32
    %mul3A_182 = vector.broadcast %mul3A_181 : i32 to vector<16xi32>
    %mul3A_183 = arith.muli %get3A_180, %mul3A_182 : vector<16xi32>
    %swap3A_184 = arith.constant 64 : index
    %swap3A_185 = tpu.vector_load %arg14[%swap3A_184] {strides = array<i32>} : memref<256xi32, #tpu.memory_space<vmem>>, vector<16xi32>,
    tpu.vector_store %arg14[%swap3A_184], %mul3A_183 {strides = array<i32>} : memref<256xi32, #tpu.memory_space<vmem>>, vector<16xi32>,
    %get3A_186 = arith.constant 80 : index
    %get3A_187 = tpu.vector_load %arg11[%get3A_186] {strides = array<i32>} : memref<256xi32, #tpu.memory_space<vmem>>, vector<16xi32>,
    %mul3A_188 = arith.constant 8 : i32
    %mul3A_189 = vector.broadcast %mul3A_188 : i32 to vector<16xi32>
    %mul3A_190 = arith.muli %get3A_187, %mul3A_189 : vector<16xi32>
    %gather3A_191 = tpu.vector_load_idx %arg10[%mul3A_190] : memref<8192xf32, #tpu.memory_space<vmem>>[vector<16xi32>], vector<16xf32>,
    %swap3A_192 = arith.constant 80 : index
    %swap3A_193 = tpu.vector_load %arg12[%swap3A_192] {strides = array<i32>} : memref<256xf32, #tpu.memory_space<vmem>>, vector<16xf32>,
    tpu.vector_store %arg12[%swap3A_192], %gather3A_191 {strides = array<i32>} : memref<256xf32, #tpu.memory_space<vmem>>, vector<16xf32>,
    %add3A_194 = arith.constant 1 : i32
    %add3A_195 = vector.broadcast %add3A_194 : i32 to vector<16xi32>
    %add3A_196 = arith.addi %mul3A_190, %add3A_195 : vector<16xi32>
    %gather3A_197 = tpu.vector_load_idx %arg10[%add3A_196] : memref<8192xf32, #tpu.memory_space<vmem>>[vector<16xi32>], vector<16xf32>,
    %swap3A_198 = arith.constant 80 : index
    %swap3A_199 = tpu.vector_load %arg13[%swap3A_198] {strides = array<i32>} : memref<256xf32, #tpu.memory_space<vmem>>, vector<16xf32>,
    tpu.vector_store %arg13[%swap3A_198], %gather3A_197 {strides = array<i32>} : memref<256xf32, #tpu.memory_space<vmem>>, vector<16xf32>,
    %get3A_200 = arith.constant 80 : index
    %get3A_201 = tpu.vector_load %arg14[%get3A_200] {strides = array<i32>} : memref<256xi32, #tpu.memory_space<vmem>>, vector<16xi32>,
    %mul3A_202 = arith.constant 441 : i32
    %mul3A_203 = vector.broadcast %mul3A_202 : i32 to vector<16xi32>
    %mul3A_204 = arith.muli %get3A_201, %mul3A_203 : vector<16xi32>
    %swap3A_205 = arith.constant 80 : index
    %swap3A_206 = tpu.vector_load %arg14[%swap3A_205] {strides = array<i32>} : memref<256xi32, #tpu.memory_space<vmem>>, vector<16xi32>,
    tpu.vector_store %arg14[%swap3A_205], %mul3A_204 {strides = array<i32>} : memref<256xi32, #tpu.memory_space<vmem>>, vector<16xi32>,
    %get3A_207 = arith.constant 96 : index
    %get3A_208 = tpu.vector_load %arg11[%get3A_207] {strides = array<i32>} : memref<256xi32, #tpu.memory_space<vmem>>, vector<16xi32>,
    %mul3A_209 = arith.constant 8 : i32
    %mul3A_210 = vector.broadcast %mul3A_209 : i32 to vector<16xi32>
    %mul3A_211 = arith.muli %get3A_208, %mul3A_210 : vector<16xi32>
    %gather3A_212 = tpu.vector_load_idx %arg10[%mul3A_211] : memref<8192xf32, #tpu.memory_space<vmem>>[vector<16xi32>], vector<16xf32>,
    %swap3A_213 = arith.constant 96 : index
    %swap3A_214 = tpu.vector_load %arg12[%swap3A_213] {strides = array<i32>} : memref<256xf32, #tpu.memory_space<vmem>>, vector<16xf32>,
    tpu.vector_store %arg12[%swap3A_213], %gather3A_212 {strides = array<i32>} : memref<256xf32, #tpu.memory_space<vmem>>, vector<16xf32>,
    %add3A_215 = arith.constant 1 : i32
    %add3A_216 = vector.broadcast %add3A_215 : i32 to vector<16xi32>
    %add3A_217 = arith.addi %mul3A_211, %add3A_216 : vector<16xi32>
    %gather3A_218 = tpu.vector_load_idx %arg10[%add3A_217] : memref<8192xf32, #tpu.memory_space<vmem>>[vector<16xi32>], vector<16xf32>,
    %swap3A_219 = arith.constant 96 : index
    %swap3A_220 = tpu.vector_load %arg13[%swap3A_219] {strides = array<i32>} : memref<256xf32, #tpu.memory_space<vmem>>, vector<16xf32>,
    tpu.vector_store %arg13[%swap3A_219], %gather3A_218 {strides = array<i32>} : memref<256xf32, #tpu.memory_space<vmem>>, vector<16xf32>,
    %get3A_221 = arith.constant 96 : index
    %get3A_222 = tpu.vector_load %arg14[%get3A_221] {strides = array<i32>} : memref<256xi32, #tpu.memory_space<vmem>>, vector<16xi32>,
    %mul3A_223 = arith.constant 441 : i32
    %mul3A_224 = vector.broadcast %mul3A_223 : i32 to vector<16xi32>
    %mul3A_225 = arith.muli %get3A_222, %mul3A_224 : vector<16xi32>
    %swap3A_226 = arith.constant 96 : index
    %swap3A_227 = tpu.vector_load %arg14[%swap3A_226] {strides = array<i32>} : memref<256xi32, #tpu.memory_space<vmem>>, vector<16xi32>,
    tpu.vector_store %arg14[%swap3A_226], %mul3A_225 {strides = array<i32>} : memref<256xi32, #tpu.memory_space<vmem>>, vector<16xi32>,
    %get3A_228 = arith.constant 112 : index
    %get3A_229 = tpu.vector_load %arg11[%get3A_228] {strides = array<i32>} : memref<256xi32, #tpu.memory_space<vmem>>, vector<16xi32>,
    %mul3A_230 = arith.constant 8 : i32
    %mul3A_231 = vector.broadcast %mul3A_230 : i32 to vector<16xi32>
    %mul3A_232 = arith.muli %get3A_229, %mul3A_231 : vector<16xi32>
    %gather3A_233 = tpu.vector_load_idx %arg10[%mul3A_232] : memref<8192xf32, #tpu.memory_space<vmem>>[vector<16xi32>], vector<16xf32>,
    %swap3A_234 = arith.constant 112 : index
    %swap3A_235 = tpu.vector_load %arg12[%swap3A_234] {strides = array<i32>} : memref<256xf32, #tpu.memory_space<vmem>>, vector<16xf32>,
    tpu.vector_store %arg12[%swap3A_234], %gather3A_233 {strides = array<i32>} : memref<256xf32, #tpu.memory_space<vmem>>, vector<16xf32>,
    %add3A_236 = arith.constant 1 : i32
    %add3A_237 = vector.broadcast %add3A_236 : i32 to vector<16xi32>
    %add3A_238 = arith.addi %mul3A_232, %add3A_237 : vector<16xi32>
    %gather3A_239 = tpu.vector_load_idx %arg10[%add3A_238] : memref<8192xf32, #tpu.memory_space<vmem>>[vector<16xi32>], vector<16xf32>,
    %swap3A_240 = arith.constant 112 : index
    %swap3A_241 = tpu.vector_load %arg13[%swap3A_240] {strides = array<i32>} : memref<256xf32, #tpu.memory_space<vmem>>, vector<16xf32>,
    tpu.vector_store %arg13[%swap3A_240], %gather3A_239 {strides = array<i32>} : memref<256xf32, #tpu.memory_space<vmem>>, vector<16xf32>,
    %get3A_242 = arith.constant 112 : index
    %get3A_243 = tpu.vector_load %arg14[%get3A_242] {strides = array<i32>} : memref<256xi32, #tpu.memory_space<vmem>>, vector<16xi32>,
    %mul3A_244 = arith.constant 441 : i32
    %mul3A_245 = vector.broadcast %mul3A_244 : i32 to vector<16xi32>
    %mul3A_246 = arith.muli %get3A_243, %mul3A_245 : vector<16xi32>
    %swap3A_247 = arith.constant 112 : index
    %swap3A_248 = tpu.vector_load %arg14[%swap3A_247] {strides = array<i32>} : memref<256xi32, #tpu.memory_space<vmem>>, vector<16xi32>,
    tpu.vector_store %arg14[%swap3A_247], %mul3A_246 {strides = array<i32>} : memref<256xi32, #tpu.memory_space<vmem>>, vector<16xi32>,
    %get3A_249 = arith.constant 128 : index
    %get3A_250 = tpu.vector_load %arg11[%get3A_249] {strides = array<i32>} : memref<256xi32, #tpu.memory_space<vmem>>, vector<16xi32>,
    %mul3A_251 = arith.constant 8 : i32
    %mul3A_252 = vector.broadcast %mul3A_251 : i32 to vector<16xi32>
    %mul3A_253 = arith.muli %get3A_250, %mul3A_252 : vector<16xi32>
    %gather3A_254 = tpu.vector_load_idx %arg10[%mul3A_253] : memref<8192xf32, #tpu.memory_space<vmem>>[vector<16xi32>], vector<16xf32>,
    %swap3A_255 = arith.constant 128 : index
    %swap3A_256 = tpu.vector_load %arg12[%swap3A_255] {strides = array<i32>} : memref<256xf32, #tpu.memory_space<vmem>>, vector<16xf32>,
    tpu.vector_store %arg12[%swap3A_255], %gather3A_254 {strides = array<i32>} : memref<256xf32, #tpu.memory_space<vmem>>, vector<16xf32>,
    %add3A_257 = arith.constant 1 : i32
    %add3A_258 = vector.broadcast %add3A_257 : i32 to vector<16xi32>
    %add3A_259 = arith.addi %mul3A_253, %add3A_258 : vector<16xi32>
    %gather3A_260 = tpu.vector_load_idx %arg10[%add3A_259] : memref<8192xf32, #tpu.memory_space<vmem>>[vector<16xi32>], vector<16xf32>,
    %swap3A_261 = arith.constant 128 : index
    %swap3A_262 = tpu.vector_load %arg13[%swap3A_261] {strides = array<i32>} : memref<256xf32, #tpu.memory_space<vmem>>, vector<16xf32>,
    tpu.vector_store %arg13[%swap3A_261], %gather3A_260 {strides = array<i32>} : memref<256xf32, #tpu.memory_space<vmem>>, vector<16xf32>,
    %get3A_263 = arith.constant 128 : index
    %get3A_264 = tpu.vector_load %arg14[%get3A_263] {strides = array<i32>} : memref<256xi32, #tpu.memory_space<vmem>>, vector<16xi32>,
    %mul3A_265 = arith.constant 441 : i32
    %mul3A_266 = vector.broadcast %mul3A_265 : i32 to vector<16xi32>
    %mul3A_267 = arith.muli %get3A_264, %mul3A_266 : vector<16xi32>
    %swap3A_268 = arith.constant 128 : index
    %swap3A_269 = tpu.vector_load %arg14[%swap3A_268] {strides = array<i32>} : memref<256xi32, #tpu.memory_space<vmem>>, vector<16xi32>,
    tpu.vector_store %arg14[%swap3A_268], %mul3A_267 {strides = array<i32>} : memref<256xi32, #tpu.memory_space<vmem>>, vector<16xi32>,
    %get3A_270 = arith.constant 144 : index
    %get3A_271 = tpu.vector_load %arg11[%get3A_270] {strides = array<i32>} : memref<256xi32, #tpu.memory_space<vmem>>, vector<16xi32>,
    %mul3A_272 = arith.constant 8 : i32
    %mul3A_273 = vector.broadcast %mul3A_272 : i32 to vector<16xi32>
    %mul3A_274 = arith.muli %get3A_271, %mul3A_273 : vector<16xi32>
    %gather3A_275 = tpu.vector_load_idx %arg10[%mul3A_274] : memref<8192xf32, #tpu.memory_space<vmem>>[vector<16xi32>], vector<16xf32>,
    %swap3A_276 = arith.constant 144 : index
    %swap3A_277 = tpu.vector_load %arg12[%swap3A_276] {strides = array<i32>} : memref<256xf32, #tpu.memory_space<vmem>>, vector<16xf32>,
    tpu.vector_store %arg12[%swap3A_276], %gather3A_275 {strides = array<i32>} : memref<256xf32, #tpu.memory_space<vmem>>, vector<16xf32>,
    %add3A_278 = arith.constant 1 : i32
    %add3A_279 = vector.broadcast %add3A_278 : i32 to vector<16xi32>
    %add3A_280 = arith.addi %mul3A_274, %add3A_279 : vector<16xi32>
    %gather3A_281 = tpu.vector_load_idx %arg10[%add3A_280] : memref<8192xf32, #tpu.memory_space<vmem>>[vector<16xi32>], vector<16xf32>,
    %swap3A_282 = arith.constant 144 : index
    %swap3A_283 = tpu.vector_load %arg13[%swap3A_282] {strides = array<i32>} : memref<256xf32, #tpu.memory_space<vmem>>, vector<16xf32>,
    tpu.vector_store %arg13[%swap3A_282], %gather3A_281 {strides = array<i32>} : memref<256xf32, #tpu.memory_space<vmem>>, vector<16xf32>,
    %get3A_284 = arith.constant 144 : index
    %get3A_285 = tpu.vector_load %arg14[%get3A_284] {strides = array<i32>} : memref<256xi32, #tpu.memory_space<vmem>>, vector<16xi32>,
    %mul3A_286 = arith.constant 441 : i32
    %mul3A_287 = vector.broadcast %mul3A_286 : i32 to vector<16xi32>
    %mul3A_288 = arith.muli %get3A_285, %mul3A_287 : vector<16xi32>
    %swap3A_289 = arith.constant 144 : index
    %swap3A_290 = tpu.vector_load %arg14[%swap3A_289] {strides = array<i32>} : memref<256xi32, #tpu.memory_space<vmem>>, vector<16xi32>,
    tpu.vector_store %arg14[%swap3A_289], %mul3A_288 {strides = array<i32>} : memref<256xi32, #tpu.memory_space<vmem>>, vector<16xi32>,
    %get3A_291 = arith.constant 160 : index
    %get3A_292 = tpu.vector_load %arg11[%get3A_291] {strides = array<i32>} : memref<256xi32, #tpu.memory_space<vmem>>, vector<16xi32>,
    %mul3A_293 = arith.constant 8 : i32
    %mul3A_294 = vector.broadcast %mul3A_293 : i32 to vector<16xi32>
    %mul3A_295 = arith.muli %get3A_292, %mul3A_294 : vector<16xi32>
    %gather3A_296 = tpu.vector_load_idx %arg10[%mul3A_295] : memref<8192xf32, #tpu.memory_space<vmem>>[vector<16xi32>], vector<16xf32>,
    %swap3A_297 = arith.constant 160 : index
    %swap3A_298 = tpu.vector_load %arg12[%swap3A_297] {strides = array<i32>} : memref<256xf32, #tpu.memory_space<vmem>>, vector<16xf32>,
    tpu.vector_store %arg12[%swap3A_297], %gather3A_296 {strides = array<i32>} : memref<256xf32, #tpu.memory_space<vmem>>, vector<16xf32>,
    %add3A_299 = arith.constant 1 : i32
    %add3A_300 = vector.broadcast %add3A_299 : i32 to vector<16xi32>
    %add3A_301 = arith.addi %mul3A_295, %add3A_300 : vector<16xi32>
    %gather3A_302 = tpu.vector_load_idx %arg10[%add3A_301] : memref<8192xf32, #tpu.memory_space<vmem>>[vector<16xi32>], vector<16xf32>,
    %swap3A_303 = arith.constant 160 : index
    %swap3A_304 = tpu.vector_load %arg13[%swap3A_303] {strides = array<i32>} : memref<256xf32, #tpu.memory_space<vmem>>, vector<16xf32>,
    tpu.vector_store %arg13[%swap3A_303], %gather3A_302 {strides = array<i32>} : memref<256xf32, #tpu.memory_space<vmem>>, vector<16xf32>,
    %get3A_305 = arith.constant 160 : index
    %get3A_306 = tpu.vector_load %arg14[%get3A_305] {strides = array<i32>} : memref<256xi32, #tpu.memory_space<vmem>>, vector<16xi32>,
    %mul3A_307 = arith.constant 441 : i32
    %mul3A_308 = vector.broadcast %mul3A_307 : i32 to vector<16xi32>
    %mul3A_309 = arith.muli %get3A_306, %mul3A_308 : vector<16xi32>
    %swap3A_310 = arith.constant 160 : index
    %swap3A_311 = tpu.vector_load %arg14[%swap3A_310] {strides = array<i32>} : memref<256xi32, #tpu.memory_space<vmem>>, vector<16xi32>,
    tpu.vector_store %arg14[%swap3A_310], %mul3A_309 {strides = array<i32>} : memref<256xi32, #tpu.memory_space<vmem>>, vector<16xi32>,
    %get3A_312 = arith.constant 176 : index
    %get3A_313 = tpu.vector_load %arg11[%get3A_312] {strides = array<i32>} : memref<256xi32, #tpu.memory_space<vmem>>, vector<16xi32>,
    %mul3A_314 = arith.constant 8 : i32
    %mul3A_315 = vector.broadcast %mul3A_314 : i32 to vector<16xi32>
    %mul3A_316 = arith.muli %get3A_313, %mul3A_315 : vector<16xi32>
    %gather3A_317 = tpu.vector_load_idx %arg10[%mul3A_316] : memref<8192xf32, #tpu.memory_space<vmem>>[vector<16xi32>], vector<16xf32>,
    %swap3A_318 = arith.constant 176 : index
    %swap3A_319 = tpu.vector_load %arg12[%swap3A_318] {strides = array<i32>} : memref<256xf32, #tpu.memory_space<vmem>>, vector<16xf32>,
    tpu.vector_store %arg12[%swap3A_318], %gather3A_317 {strides = array<i32>} : memref<256xf32, #tpu.memory_space<vmem>>, vector<16xf32>,
    %add3A_320 = arith.constant 1 : i32
    %add3A_321 = vector.broadcast %add3A_320 : i32 to vector<16xi32>
    %add3A_322 = arith.addi %mul3A_316, %add3A_321 : vector<16xi32>
    %gather3A_323 = tpu.vector_load_idx %arg10[%add3A_322] : memref<8192xf32, #tpu.memory_space<vmem>>[vector<16xi32>], vector<16xf32>,
    %swap3A_324 = arith.constant 176 : index
    %swap3A_325 = tpu.vector_load %arg13[%swap3A_324] {strides = array<i32>} : memref<256xf32, #tpu.memory_space<vmem>>, vector<16xf32>,
    tpu.vector_store %arg13[%swap3A_324], %gather3A_323 {strides = array<i32>} : memref<256xf32, #tpu.memory_space<vmem>>, vector<16xf32>,
    %get3A_326 = arith.constant 176 : index
    %get3A_327 = tpu.vector_load %arg14[%get3A_326] {strides = array<i32>} : memref<256xi32, #tpu.memory_space<vmem>>, vector<16xi32>,
    %mul3A_328 = arith.constant 441 : i32
    %mul3A_329 = vector.broadcast %mul3A_328 : i32 to vector<16xi32>
    %mul3A_330 = arith.muli %get3A_327, %mul3A_329 : vector<16xi32>
    %swap3A_331 = arith.constant 176 : index
    %swap3A_332 = tpu.vector_load %arg14[%swap3A_331] {strides = array<i32>} : memref<256xi32, #tpu.memory_space<vmem>>, vector<16xi32>,
    tpu.vector_store %arg14[%swap3A_331], %mul3A_330 {strides = array<i32>} : memref<256xi32, #tpu.memory_space<vmem>>, vector<16xi32>,
    %get3A_333 = arith.constant 192 : index
    %get3A_334 = tpu.vector_load %arg11[%get3A_333] {strides = array<i32>} : memref<256xi32, #tpu.memory_space<vmem>>, vector<16xi32>,
    %mul3A_335 = arith.constant 8 : i32
    %mul3A_336 = vector.broadcast %mul3A_335 : i32 to vector<16xi32>
    %mul3A_337 = arith.muli %get3A_334, %mul3A_336 : vector<16xi32>
    %gather3A_338 = tpu.vector_load_idx %arg10[%mul3A_337] : memref<8192xf32, #tpu.memory_space<vmem>>[vector<16xi32>], vector<16xf32>,
    %swap3A_339 = arith.constant 192 : index
    %swap3A_340 = tpu.vector_load %arg12[%swap3A_339] {strides = array<i32>} : memref<256xf32, #tpu.memory_space<vmem>>, vector<16xf32>,
    tpu.vector_store %arg12[%swap3A_339], %gather3A_338 {strides = array<i32>} : memref<256xf32, #tpu.memory_space<vmem>>, vector<16xf32>,
    %add3A_341 = arith.constant 1 : i32
    %add3A_342 = vector.broadcast %add3A_341 : i32 to vector<16xi32>
    %add3A_343 = arith.addi %mul3A_337, %add3A_342 : vector<16xi32>
    %gather3A_344 = tpu.vector_load_idx %arg10[%add3A_343] : memref<8192xf32, #tpu.memory_space<vmem>>[vector<16xi32>], vector<16xf32>,
    %swap3A_345 = arith.constant 192 : index
    %swap3A_346 = tpu.vector_load %arg13[%swap3A_345] {strides = array<i32>} : memref<256xf32, #tpu.memory_space<vmem>>, vector<16xf32>,
    tpu.vector_store %arg13[%swap3A_345], %gather3A_344 {strides = array<i32>} : memref<256xf32, #tpu.memory_space<vmem>>, vector<16xf32>,
    %get3A_347 = arith.constant 192 : index
    %get3A_348 = tpu.vector_load %arg14[%get3A_347] {strides = array<i32>} : memref<256xi32, #tpu.memory_space<vmem>>, vector<16xi32>,
    %mul3A_349 = arith.constant 441 : i32
    %mul3A_350 = vector.broadcast %mul3A_349 : i32 to vector<16xi32>
    %mul3A_351 = arith.muli %get3A_348, %mul3A_350 : vector<16xi32>
    %swap3A_352 = arith.constant 192 : index
    %swap3A_353 = tpu.vector_load %arg14[%swap3A_352] {strides = array<i32>} : memref<256xi32, #tpu.memory_space<vmem>>, vector<16xi32>,
    tpu.vector_store %arg14[%swap3A_352], %mul3A_351 {strides = array<i32>} : memref<256xi32, #tpu.memory_space<vmem>>, vector<16xi32>,
    %get3A_354 = arith.constant 208 : index
    %get3A_355 = tpu.vector_load %arg11[%get3A_354] {strides = array<i32>} : memref<256xi32, #tpu.memory_space<vmem>>, vector<16xi32>,
    %mul3A_356 = arith.constant 8 : i32
    %mul3A_357 = vector.broadcast %mul3A_356 : i32 to vector<16xi32>
    %mul3A_358 = arith.muli %get3A_355, %mul3A_357 : vector<16xi32>
    %gather3A_359 = tpu.vector_load_idx %arg10[%mul3A_358] : memref<8192xf32, #tpu.memory_space<vmem>>[vector<16xi32>], vector<16xf32>,
    %swap3A_360 = arith.constant 208 : index
    %swap3A_361 = tpu.vector_load %arg12[%swap3A_360] {strides = array<i32>} : memref<256xf32, #tpu.memory_space<vmem>>, vector<16xf32>,
    tpu.vector_store %arg12[%swap3A_360], %gather3A_359 {strides = array<i32>} : memref<256xf32, #tpu.memory_space<vmem>>, vector<16xf32>,
    %add3A_362 = arith.constant 1 : i32
    %add3A_363 = vector.broadcast %add3A_362 : i32 to vector<16xi32>
    %add3A_364 = arith.addi %mul3A_358, %add3A_363 : vector<16xi32>
    %gather3A_365 = tpu.vector_load_idx %arg10[%add3A_364] : memref<8192xf32, #tpu.memory_space<vmem>>[vector<16xi32>], vector<16xf32>,
    %swap3A_366 = arith.constant 208 : index
    %swap3A_367 = tpu.vector_load %arg13[%swap3A_366] {strides = array<i32>} : memref<256xf32, #tpu.memory_space<vmem>>, vector<16xf32>,
    tpu.vector_store %arg13[%swap3A_366], %gather3A_365 {strides = array<i32>} : memref<256xf32, #tpu.memory_space<vmem>>, vector<16xf32>,
    %get3A_368 = arith.constant 208 : index
    %get3A_369 = tpu.vector_load %arg14[%get3A_368] {strides = array<i32>} : memref<256xi32, #tpu.memory_space<vmem>>, vector<16xi32>,
    %mul3A_370 = arith.constant 441 : i32
    %mul3A_371 = vector.broadcast %mul3A_370 : i32 to vector<16xi32>
    %mul3A_372 = arith.muli %get3A_369, %mul3A_371 : vector<16xi32>
    %swap3A_373 = arith.constant 208 : index
    %swap3A_374 = tpu.vector_load %arg14[%swap3A_373] {strides = array<i32>} : memref<256xi32, #tpu.memory_space<vmem>>, vector<16xi32>,
    tpu.vector_store %arg14[%swap3A_373], %mul3A_372 {strides = array<i32>} : memref<256xi32, #tpu.memory_space<vmem>>, vector<16xi32>,
    %get3A_375 = arith.constant 224 : index
    %get3A_376 = tpu.vector_load %arg11[%get3A_375] {strides = array<i32>} : memref<256xi32, #tpu.memory_space<vmem>>, vector<16xi32>,
    %mul3A_377 = arith.constant 8 : i32
    %mul3A_378 = vector.broadcast %mul3A_377 : i32 to vector<16xi32>
    %mul3A_379 = arith.muli %get3A_376, %mul3A_378 : vector<16xi32>
    %gather3A_380 = tpu.vector_load_idx %arg10[%mul3A_379] : memref<8192xf32, #tpu.memory_space<vmem>>[vector<16xi32>], vector<16xf32>,
    %swap3A_381 = arith.constant 224 : index
    %swap3A_382 = tpu.vector_load %arg12[%swap3A_381] {strides = array<i32>} : memref<256xf32, #tpu.memory_space<vmem>>, vector<16xf32>,
    tpu.vector_store %arg12[%swap3A_381], %gather3A_380 {strides = array<i32>} : memref<256xf32, #tpu.memory_space<vmem>>, vector<16xf32>,
    %add3A_383 = arith.constant 1 : i32
    %add3A_384 = vector.broadcast %add3A_383 : i32 to vector<16xi32>
    %add3A_385 = arith.addi %mul3A_379, %add3A_384 : vector<16xi32>
    %gather3A_386 = tpu.vector_load_idx %arg10[%add3A_385] : memref<8192xf32, #tpu.memory_space<vmem>>[vector<16xi32>], vector<16xf32>,
    %swap3A_387 = arith.constant 224 : index
    %swap3A_388 = tpu.vector_load %arg13[%swap3A_387] {strides = array<i32>} : memref<256xf32, #tpu.memory_space<vmem>>, vector<16xf32>,
    tpu.vector_store %arg13[%swap3A_387], %gather3A_386 {strides = array<i32>} : memref<256xf32, #tpu.memory_space<vmem>>, vector<16xf32>,
    %get3A_389 = arith.constant 224 : index
    %get3A_390 = tpu.vector_load %arg14[%get3A_389] {strides = array<i32>} : memref<256xi32, #tpu.memory_space<vmem>>, vector<16xi32>,
    %mul3A_391 = arith.constant 441 : i32
    %mul3A_392 = vector.broadcast %mul3A_391 : i32 to vector<16xi32>
    %mul3A_393 = arith.muli %get3A_390, %mul3A_392 : vector<16xi32>
    %swap3A_394 = arith.constant 224 : index
    %swap3A_395 = tpu.vector_load %arg14[%swap3A_394] {strides = array<i32>} : memref<256xi32, #tpu.memory_space<vmem>>, vector<16xi32>,
    tpu.vector_store %arg14[%swap3A_394], %mul3A_393 {strides = array<i32>} : memref<256xi32, #tpu.memory_space<vmem>>, vector<16xi32>,
    %get3A_396 = arith.constant 240 : index
    %get3A_397 = tpu.vector_load %arg11[%get3A_396] {strides = array<i32>} : memref<256xi32, #tpu.memory_space<vmem>>, vector<16xi32>,
    %mul3A_398 = arith.constant 8 : i32
    %mul3A_399 = vector.broadcast %mul3A_398 : i32 to vector<16xi32>
    %mul3A_400 = arith.muli %get3A_397, %mul3A_399 : vector<16xi32>
    %gather3A_401 = tpu.vector_load_idx %arg10[%mul3A_400] : memref<8192xf32, #tpu.memory_space<vmem>>[vector<16xi32>], vector<16xf32>,
    %swap3A_402 = arith.constant 240 : index
    %swap3A_403 = tpu.vector_load %arg12[%swap3A_402] {strides = array<i32>} : memref<256xf32, #tpu.memory_space<vmem>>, vector<16xf32>,
    tpu.vector_store %arg12[%swap3A_402], %gather3A_401 {strides = array<i32>} : memref<256xf32, #tpu.memory_space<vmem>>, vector<16xf32>,
    %add3A_404 = arith.constant 1 : i32
    %add3A_405 = vector.broadcast %add3A_404 : i32 to vector<16xi32>
    %add3A_406 = arith.addi %mul3A_400, %add3A_405 : vector<16xi32>
    %gather3A_407 = tpu.vector_load_idx %arg10[%add3A_406] : memref<8192xf32, #tpu.memory_space<vmem>>[vector<16xi32>], vector<16xf32>,
    %swap3A_408 = arith.constant 240 : index
    %swap3A_409 = tpu.vector_load %arg13[%swap3A_408] {strides = array<i32>} : memref<256xf32, #tpu.memory_space<vmem>>, vector<16xf32>,
    tpu.vector_store %arg13[%swap3A_408], %gather3A_407 {strides = array<i32>} : memref<256xf32, #tpu.memory_space<vmem>>, vector<16xf32>,
    %get3A_410 = arith.constant 240 : index
    %get3A_411 = tpu.vector_load %arg14[%get3A_410] {strides = array<i32>} : memref<256xi32, #tpu.memory_space<vmem>>, vector<16xi32>,
    %mul3A_412 = arith.constant 441 : i32
    %mul3A_413 = vector.broadcast %mul3A_412 : i32 to vector<16xi32>
    %mul3A_414 = arith.muli %get3A_411, %mul3A_413 : vector<16xi32>
    %swap3A_415 = arith.constant 240 : index
    %swap3A_416 = tpu.vector_load %arg14[%swap3A_415] {strides = array<i32>} : memref<256xi32, #tpu.memory_space<vmem>>, vector<16xi32>,
    tpu.vector_store %arg14[%swap3A_415], %mul3A_414 {strides = array<i32>} : memref<256xi32, #tpu.memory_space<vmem>>, vector<16xi32>,
    %get3A_417 = arith.constant 0 : index
    %get3A_418 = tpu.vector_load %arg15[%get3A_417] {strides = array<i32>} : memref<16xi32, #tpu.memory_space<vmem>>, vector<16xi32>,
    %scan3A = arith.constant 0 : i32
    %scan3A_419 = arith.constant 32 : i32
    %scan3A_420 = arith.addi %scan3A, %scan3A_419 : i32
    %scan3A_421 = arith.constant 1 : i32
    %scan3A_422 = scf.for %scan3A_479 = %scan3A to %scan3A_420 step %scan3A_421 iter_args(%scan3A_480 = %mul3A_75) -> (i32)  : i32 {
      %gt3A = arith.cmpi sgt, %scan3A_480, %mul3A_75 : i32
      %convert_element_type3A_481 = arith.extui %gt3A : i1 to i32
      %cond3A = arith.constant 0 : i32
      %cond3A_482 = arith.cmpi ne, %convert_element_type3A_481, %cond3A : i32
      scf.if %cond3A_482 {
        %dma_wait3A_1820 = arith.constant 0 : i32
        %dma_wait3A_1821 = arith.constant 0 : i32
        %dma_wait3A_1822 = arith.constant 0 : i32
        %dma_wait3A_1823 = arith.constant 0 : i32
        %dma_wait3A_1824 = arith.constant 0 : i32
        %dma_wait3A_1825 = arith.constant 0 : i32
        %dma_wait3A_1826 = tpu.memref_slice %arg8[%dma_wait3A_1820, %dma_wait3A_1821, %dma_wait3A_1822, %dma_wait3A_1823, %dma_wait3A_1824, %dma_wait3A_1825] : memref<4x256x8x2x8x128xf32, #tpu.memory_space<hbm>> -> memref<1x1x4x2x8x128xf32, #tpu.memory_space<hbm>>
        %dma_wait3A_1827 = tpu.memref_squeeze %dma_wait3A_1826 : memref<1x1x4x2x8x128xf32, #tpu.memory_space<hbm>> -> memref<4x2x8x128xf32, #tpu.memory_space<hbm>>
        %dma_wait3A_1828 = arith.constant 0 : i32
        %dma_wait3A_1829 = arith.constant 0 : i32
        %dma_wait3A_1830 = arith.constant 0 : i32
        %dma_wait3A_1831 = arith.constant 0 : i32
        %dma_wait3A_1832 = tpu.memref_slice %arg8[%dma_wait3A_1820, %dma_wait3A_1821, %dma_wait3A_1828, %dma_wait3A_1829, %dma_wait3A_1830, %dma_wait3A_1831] : memref<4x256x8x2x8x128xf32, #tpu.memory_space<hbm>> -> memref<1x1x4x2x8x128xf32, #tpu.memory_space<hbm>>
        %dma_wait3A_1833 = tpu.memref_squeeze %dma_wait3A_1832 : memref<1x1x4x2x8x128xf32, #tpu.memory_space<hbm>> -> memref<4x2x8x128xf32, #tpu.memory_space<hbm>>
        tpu.wait_dma2 semaphore(%arg24 : memref<!tpu.dma_semaphore, #tpu.memory_space<semaphore_mem>>) src(%arg20 : memref<4x2x8x128xf32, #tpu.memory_space<vmem>>) dst(%dma_wait3A_1833 : memref<4x2x8x128xf32, #tpu.memory_space<hbm>>)
        %dma_wait3A_1834 = arith.constant 0 : i32
        %dma_wait3A_1835 = arith.constant 0 : i32
        %dma_wait3A_1836 = arith.constant 0 : i32
        %dma_wait3A_1837 = arith.constant 0 : i32
        %dma_wait3A_1838 = arith.constant 0 : i32
        %dma_wait3A_1839 = arith.constant 0 : i32
        %dma_wait3A_1840 = tpu.memref_slice %arg9[%dma_wait3A_1834, %dma_wait3A_1835, %dma_wait3A_1836, %dma_wait3A_1837, %dma_wait3A_1838, %dma_wait3A_1839] : memref<4x256x8x2x8x128xf32, #tpu.memory_space<hbm>> -> memref<1x1x4x2x8x128xf32, #tpu.memory_space<hbm>>
        %dma_wait3A_1841 = tpu.memref_squeeze %dma_wait3A_1840 : memref<1x1x4x2x8x128xf32, #tpu.memory_space<hbm>> -> memref<4x2x8x128xf32, #tpu.memory_space<hbm>>
        %dma_wait3A_1842 = arith.constant 0 : i32
        %dma_wait3A_1843 = arith.constant 0 : i32
        %dma_wait3A_1844 = arith.constant 0 : i32
        %dma_wait3A_1845 = arith.constant 0 : i32
        %dma_wait3A_1846 = tpu.memref_slice %arg9[%dma_wait3A_1834, %dma_wait3A_1835, %dma_wait3A_1842, %dma_wait3A_1843, %dma_wait3A_1844, %dma_wait3A_1845] : memref<4x256x8x2x8x128xf32, #tpu.memory_space<hbm>> -> memref<1x1x4x2x8x128xf32, #tpu.memory_space<hbm>>
        %dma_wait3A_1847 = tpu.memref_squeeze %dma_wait3A_1846 : memref<1x1x4x2x8x128xf32, #tpu.memory_space<hbm>> -> memref<4x2x8x128xf32, #tpu.memory_space<hbm>>
        tpu.wait_dma2 semaphore(%arg24 : memref<!tpu.dma_semaphore, #tpu.memory_space<semaphore_mem>>) src(%arg21 : memref<4x2x8x128xf32, #tpu.memory_space<vmem>>) dst(%dma_wait3A_1847 : memref<4x2x8x128xf32, #tpu.memory_space<hbm>>)
      } else {
      }
      %broadcast_in_dim3A = vector.broadcast %scan3A_480 : i32 to vector<16xi32>
      %gather3A_483 = tpu.vector_load_idx %arg12[%broadcast_in_dim3A] : memref<256xf32, #tpu.memory_space<vmem>>[vector<16xi32>], vector<16xf32>,
      %gather3A_484 = tpu.vector_load_idx %arg13[%broadcast_in_dim3A] : memref<256xf32, #tpu.memory_space<vmem>>[vector<16xi32>], vector<16xf32>,
      %get3A_485 = arith.constant 0 : index
      %get3A_486 = tpu.vector_load %arg12[%get3A_485] {strides = array<i32>} : memref<256xf32, #tpu.memory_space<vmem>>, vector<16xf32>,
      %sub3A_487 = arith.subf %get3A_486, %gather3A_483 : vector<16xf32>
      %get3A_488 = arith.constant 0 : index
      %get3A_489 = tpu.vector_load %arg13[%get3A_488] {strides = array<i32>} : memref<256xf32, #tpu.memory_space<vmem>>, vector<16xf32>,
      %sub3A_490 = arith.subf %get3A_489, %gather3A_484 : vector<16xf32>
      %min3A = arith.constant 1.000000e+01 : f32
      %min3A_491 = vector.broadcast %min3A : f32 to vector<16xf32>
      %min3A_492 = arith.minimumf %sub3A_487, %min3A_491 : vector<16xf32>
      %max3A = arith.constant -1.000000e+01 : f32
      %max3A_493 = vector.broadcast %max3A : f32 to vector<16xf32>
      %max3A_494 = arith.maximumf %min3A_492, %max3A_493 : vector<16xf32>
      %min3A_495 = arith.constant 1.000000e+01 : f32
      %min3A_496 = vector.broadcast %min3A_495 : f32 to vector<16xf32>
      %min3A_497 = arith.minimumf %sub3A_490, %min3A_496 : vector<16xf32>
      %max3A_498 = arith.constant -1.000000e+01 : f32
      %max3A_499 = vector.broadcast %max3A_498 : f32 to vector<16xf32>
      %max3A_500 = arith.maximumf %min3A_497, %max3A_499 : vector<16xf32>
      %add3A_501 = arith.constant 1.000000e+01 : f32
      %add3A_502 = vector.broadcast %add3A_501 : f32 to vector<16xf32>
      %add3A_503 = arith.addf %max3A_494, %add3A_502 : vector<16xf32>
      %mul3A_504 = arith.constant 1.000000e+00 : f32
      %mul3A_505 = vector.broadcast %mul3A_504 : f32 to vector<16xf32>
      %mul3A_506 = arith.mulf %add3A_503, %mul3A_505 : vector<16xf32>
      %add3A_507 = arith.constant 1.000000e+01 : f32
      %add3A_508 = vector.broadcast %add3A_507 : f32 to vector<16xf32>
      %add3A_509 = arith.addf %max3A_500, %add3A_508 : vector<16xf32>
      %mul3A_510 = arith.constant 2.100000e+01 : f32
      %mul3A_511 = vector.broadcast %mul3A_510 : f32 to vector<16xf32>
      %mul3A_512 = arith.mulf %add3A_509, %mul3A_511 : vector<16xf32>
      %add3A_513 = arith.addf %mul3A_506, %mul3A_512 : vector<16xf32>
      %convert_element_type3A_514 = arith.fptosi %add3A_513 : vector<16xf32> to vector<16xi32>
      %add3A_515 = arith.addi %convert_element_type3A_514, %get3A_418 : vector<16xi32>
      %swap3A_516 = arith.constant 0 : index
      %swap3A_517 = tpu.vector_load %arg16[%swap3A_516] {strides = array<i32>} : memref<256xi32, #tpu.memory_space<vmem>>, vector<16xi32>,
      tpu.vector_store %arg16[%swap3A_516], %add3A_515 {strides = array<i32>} : memref<256xi32, #tpu.memory_space<vmem>>, vector<16xi32>,
      %get3A_518 = arith.constant 0 : index
      %get3A_519 = tpu.vector_load %arg14[%get3A_518] {strides = array<i32>} : memref<256xi32, #tpu.memory_space<vmem>>, vector<16xi32>,
      %add3A_520 = arith.addi %add3A_515, %get3A_519 : vector<16xi32>
      %swap3A_521 = arith.constant 0 : index
      %swap3A_522 = tpu.vector_load %arg17[%swap3A_521] {strides = array<i32>} : memref<256xi32, #tpu.memory_space<vmem>>, vector<16xi32>,
      tpu.vector_store %arg17[%swap3A_521], %add3A_520 {strides = array<i32>} : memref<256xi32, #tpu.memory_space<vmem>>, vector<16xi32>,
      %get3A_523 = arith.constant 16 : index
      %get3A_524 = tpu.vector_load %arg12[%get3A_523] {strides = array<i32>} : memref<256xf32, #tpu.memory_space<vmem>>, vector<16xf32>,
      %sub3A_525 = arith.subf %get3A_524, %gather3A_483 : vector<16xf32>
      %get3A_526 = arith.constant 16 : index
      %get3A_527 = tpu.vector_load %arg13[%get3A_526] {strides = array<i32>} : memref<256xf32, #tpu.memory_space<vmem>>, vector<16xf32>,
      %sub3A_528 = arith.subf %get3A_527, %gather3A_484 : vector<16xf32>
      %min3A_529 = arith.constant 1.000000e+01 : f32
      %min3A_530 = vector.broadcast %min3A_529 : f32 to vector<16xf32>
      %min3A_531 = arith.minimumf %sub3A_525, %min3A_530 : vector<16xf32>
      %max3A_532 = arith.constant -1.000000e+01 : f32
      %max3A_533 = vector.broadcast %max3A_532 : f32 to vector<16xf32>
      %max3A_534 = arith.maximumf %min3A_531, %max3A_533 : vector<16xf32>
      %min3A_535 = arith.constant 1.000000e+01 : f32
      %min3A_536 = vector.broadcast %min3A_535 : f32 to vector<16xf32>
      %min3A_537 = arith.minimumf %sub3A_528, %min3A_536 : vector<16xf32>
      %max3A_538 = arith.constant -1.000000e+01 : f32
      %max3A_539 = vector.broadcast %max3A_538 : f32 to vector<16xf32>
      %max3A_540 = arith.maximumf %min3A_537, %max3A_539 : vector<16xf32>
      %add3A_541 = arith.constant 1.000000e+01 : f32
      %add3A_542 = vector.broadcast %add3A_541 : f32 to vector<16xf32>
      %add3A_543 = arith.addf %max3A_534, %add3A_542 : vector<16xf32>
      %mul3A_544 = arith.constant 1.000000e+00 : f32
      %mul3A_545 = vector.broadcast %mul3A_544 : f32 to vector<16xf32>
      %mul3A_546 = arith.mulf %add3A_543, %mul3A_545 : vector<16xf32>
      %add3A_547 = arith.constant 1.000000e+01 : f32
      %add3A_548 = vector.broadcast %add3A_547 : f32 to vector<16xf32>
      %add3A_549 = arith.addf %max3A_540, %add3A_548 : vector<16xf32>
      %mul3A_550 = arith.constant 2.100000e+01 : f32
      %mul3A_551 = vector.broadcast %mul3A_550 : f32 to vector<16xf32>
      %mul3A_552 = arith.mulf %add3A_549, %mul3A_551 : vector<16xf32>
      %add3A_553 = arith.addf %mul3A_546, %mul3A_552 : vector<16xf32>
      %convert_element_type3A_554 = arith.fptosi %add3A_553 : vector<16xf32> to vector<16xi32>
      %add3A_555 = arith.addi %convert_element_type3A_554, %get3A_418 : vector<16xi32>
      %swap3A_556 = arith.constant 16 : index
      %swap3A_557 = tpu.vector_load %arg16[%swap3A_556] {strides = array<i32>} : memref<256xi32, #tpu.memory_space<vmem>>, vector<16xi32>,
      tpu.vector_store %arg16[%swap3A_556], %add3A_555 {strides = array<i32>} : memref<256xi32, #tpu.memory_space<vmem>>, vector<16xi32>,
      %get3A_558 = arith.constant 16 : index
      %get3A_559 = tpu.vector_load %arg14[%get3A_558] {strides = array<i32>} : memref<256xi32, #tpu.memory_space<vmem>>, vector<16xi32>,
      %add3A_560 = arith.addi %add3A_555, %get3A_559 : vector<16xi32>
      %swap3A_561 = arith.constant 16 : index
      %swap3A_562 = tpu.vector_load %arg17[%swap3A_561] {strides = array<i32>} : memref<256xi32, #tpu.memory_space<vmem>>, vector<16xi32>,
      tpu.vector_store %arg17[%swap3A_561], %add3A_560 {strides = array<i32>} : memref<256xi32, #tpu.memory_space<vmem>>, vector<16xi32>,
      %get3A_563 = arith.constant 32 : index
      %get3A_564 = tpu.vector_load %arg12[%get3A_563] {strides = array<i32>} : memref<256xf32, #tpu.memory_space<vmem>>, vector<16xf32>,
      %sub3A_565 = arith.subf %get3A_564, %gather3A_483 : vector<16xf32>
      %get3A_566 = arith.constant 32 : index
      %get3A_567 = tpu.vector_load %arg13[%get3A_566] {strides = array<i32>} : memref<256xf32, #tpu.memory_space<vmem>>, vector<16xf32>,
      %sub3A_568 = arith.subf %get3A_567, %gather3A_484 : vector<16xf32>
      %min3A_569 = arith.constant 1.000000e+01 : f32
      %min3A_570 = vector.broadcast %min3A_569 : f32 to vector<16xf32>
      %min3A_571 = arith.minimumf %sub3A_565, %min3A_570 : vector<16xf32>
      %max3A_572 = arith.constant -1.000000e+01 : f32
      %max3A_573 = vector.broadcast %max3A_572 : f32 to vector<16xf32>
      %max3A_574 = arith.maximumf %min3A_571, %max3A_573 : vector<16xf32>
      %min3A_575 = arith.constant 1.000000e+01 : f32
      %min3A_576 = vector.broadcast %min3A_575 : f32 to vector<16xf32>
      %min3A_577 = arith.minimumf %sub3A_568, %min3A_576 : vector<16xf32>
      %max3A_578 = arith.constant -1.000000e+01 : f32
      %max3A_579 = vector.broadcast %max3A_578 : f32 to vector<16xf32>
      %max3A_580 = arith.maximumf %min3A_577, %max3A_579 : vector<16xf32>
      %add3A_581 = arith.constant 1.000000e+01 : f32
      %add3A_582 = vector.broadcast %add3A_581 : f32 to vector<16xf32>
      %add3A_583 = arith.addf %max3A_574, %add3A_582 : vector<16xf32>
      %mul3A_584 = arith.constant 1.000000e+00 : f32
      %mul3A_585 = vector.broadcast %mul3A_584 : f32 to vector<16xf32>
      %mul3A_586 = arith.mulf %add3A_583, %mul3A_585 : vector<16xf32>
      %add3A_587 = arith.constant 1.000000e+01 : f32
      %add3A_588 = vector.broadcast %add3A_587 : f32 to vector<16xf32>
      %add3A_589 = arith.addf %max3A_580, %add3A_588 : vector<16xf32>
      %mul3A_590 = arith.constant 2.100000e+01 : f32
      %mul3A_591 = vector.broadcast %mul3A_590 : f32 to vector<16xf32>
      %mul3A_592 = arith.mulf %add3A_589, %mul3A_591 : vector<16xf32>
      %add3A_593 = arith.addf %mul3A_586, %mul3A_592 : vector<16xf32>
      %convert_element_type3A_594 = arith.fptosi %add3A_593 : vector<16xf32> to vector<16xi32>
      %add3A_595 = arith.addi %convert_element_type3A_594, %get3A_418 : vector<16xi32>
      %swap3A_596 = arith.constant 32 : index
      %swap3A_597 = tpu.vector_load %arg16[%swap3A_596] {strides = array<i32>} : memref<256xi32, #tpu.memory_space<vmem>>, vector<16xi32>,
      tpu.vector_store %arg16[%swap3A_596], %add3A_595 {strides = array<i32>} : memref<256xi32, #tpu.memory_space<vmem>>, vector<16xi32>,
      %get3A_598 = arith.constant 32 : index
      %get3A_599 = tpu.vector_load %arg14[%get3A_598] {strides = array<i32>} : memref<256xi32, #tpu.memory_space<vmem>>, vector<16xi32>,
      %add3A_600 = arith.addi %add3A_595, %get3A_599 : vector<16xi32>
      %swap3A_601 = arith.constant 32 : index
      %swap3A_602 = tpu.vector_load %arg17[%swap3A_601] {strides = array<i32>} : memref<256xi32, #tpu.memory_space<vmem>>, vector<16xi32>,
      tpu.vector_store %arg17[%swap3A_601], %add3A_600 {strides = array<i32>} : memref<256xi32, #tpu.memory_space<vmem>>, vector<16xi32>,
      %get3A_603 = arith.constant 48 : index
      %get3A_604 = tpu.vector_load %arg12[%get3A_603] {strides = array<i32>} : memref<256xf32, #tpu.memory_space<vmem>>, vector<16xf32>,
      %sub3A_605 = arith.subf %get3A_604, %gather3A_483 : vector<16xf32>
      %get3A_606 = arith.constant 48 : index
      %get3A_607 = tpu.vector_load %arg13[%get3A_606] {strides = array<i32>} : memref<256xf32, #tpu.memory_space<vmem>>, vector<16xf32>,
      %sub3A_608 = arith.subf %get3A_607, %gather3A_484 : vector<16xf32>
      %min3A_609 = arith.constant 1.000000e+01 : f32
      %min3A_610 = vector.broadcast %min3A_609 : f32 to vector<16xf32>
      %min3A_611 = arith.minimumf %sub3A_605, %min3A_610 : vector<16xf32>
      %max3A_612 = arith.constant -1.000000e+01 : f32
      %max3A_613 = vector.broadcast %max3A_612 : f32 to vector<16xf32>
      %max3A_614 = arith.maximumf %min3A_611, %max3A_613 : vector<16xf32>
      %min3A_615 = arith.constant 1.000000e+01 : f32
      %min3A_616 = vector.broadcast %min3A_615 : f32 to vector<16xf32>
      %min3A_617 = arith.minimumf %sub3A_608, %min3A_616 : vector<16xf32>
      %max3A_618 = arith.constant -1.000000e+01 : f32
      %max3A_619 = vector.broadcast %max3A_618 : f32 to vector<16xf32>
      %max3A_620 = arith.maximumf %min3A_617, %max3A_619 : vector<16xf32>
      %add3A_621 = arith.constant 1.000000e+01 : f32
      %add3A_622 = vector.broadcast %add3A_621 : f32 to vector<16xf32>
      %add3A_623 = arith.addf %max3A_614, %add3A_622 : vector<16xf32>
      %mul3A_624 = arith.constant 1.000000e+00 : f32
      %mul3A_625 = vector.broadcast %mul3A_624 : f32 to vector<16xf32>
      %mul3A_626 = arith.mulf %add3A_623, %mul3A_625 : vector<16xf32>
      %add3A_627 = arith.constant 1.000000e+01 : f32
      %add3A_628 = vector.broadcast %add3A_627 : f32 to vector<16xf32>
      %add3A_629 = arith.addf %max3A_620, %add3A_628 : vector<16xf32>
      %mul3A_630 = arith.constant 2.100000e+01 : f32
      %mul3A_631 = vector.broadcast %mul3A_630 : f32 to vector<16xf32>
      %mul3A_632 = arith.mulf %add3A_629, %mul3A_631 : vector<16xf32>
      %add3A_633 = arith.addf %mul3A_626, %mul3A_632 : vector<16xf32>
      %convert_element_type3A_634 = arith.fptosi %add3A_633 : vector<16xf32> to vector<16xi32>
      %add3A_635 = arith.addi %convert_element_type3A_634, %get3A_418 : vector<16xi32>
      %swap3A_636 = arith.constant 48 : index
      %swap3A_637 = tpu.vector_load %arg16[%swap3A_636] {strides = array<i32>} : memref<256xi32, #tpu.memory_space<vmem>>, vector<16xi32>,
      tpu.vector_store %arg16[%swap3A_636], %add3A_635 {strides = array<i32>} : memref<256xi32, #tpu.memory_space<vmem>>, vector<16xi32>,
      %get3A_638 = arith.constant 48 : index
      %get3A_639 = tpu.vector_load %arg14[%get3A_638] {strides = array<i32>} : memref<256xi32, #tpu.memory_space<vmem>>, vector<16xi32>,
      %add3A_640 = arith.addi %add3A_635, %get3A_639 : vector<16xi32>
      %swap3A_641 = arith.constant 48 : index
      %swap3A_642 = tpu.vector_load %arg17[%swap3A_641] {strides = array<i32>} : memref<256xi32, #tpu.memory_space<vmem>>, vector<16xi32>,
      tpu.vector_store %arg17[%swap3A_641], %add3A_640 {strides = array<i32>} : memref<256xi32, #tpu.memory_space<vmem>>, vector<16xi32>,
      %get3A_643 = arith.constant 64 : index
      %get3A_644 = tpu.vector_load %arg12[%get3A_643] {strides = array<i32>} : memref<256xf32, #tpu.memory_space<vmem>>, vector<16xf32>,
      %sub3A_645 = arith.subf %get3A_644, %gather3A_483 : vector<16xf32>
      %get3A_646 = arith.constant 64 : index
      %get3A_647 = tpu.vector_load %arg13[%get3A_646] {strides = array<i32>} : memref<256xf32, #tpu.memory_space<vmem>>, vector<16xf32>,
      %sub3A_648 = arith.subf %get3A_647, %gather3A_484 : vector<16xf32>
      %min3A_649 = arith.constant 1.000000e+01 : f32
      %min3A_650 = vector.broadcast %min3A_649 : f32 to vector<16xf32>
      %min3A_651 = arith.minimumf %sub3A_645, %min3A_650 : vector<16xf32>
      %max3A_652 = arith.constant -1.000000e+01 : f32
      %max3A_653 = vector.broadcast %max3A_652 : f32 to vector<16xf32>
      %max3A_654 = arith.maximumf %min3A_651, %max3A_653 : vector<16xf32>
      %min3A_655 = arith.constant 1.000000e+01 : f32
      %min3A_656 = vector.broadcast %min3A_655 : f32 to vector<16xf32>
      %min3A_657 = arith.minimumf %sub3A_648, %min3A_656 : vector<16xf32>
      %max3A_658 = arith.constant -1.000000e+01 : f32
      %max3A_659 = vector.broadcast %max3A_658 : f32 to vector<16xf32>
      %max3A_660 = arith.maximumf %min3A_657, %max3A_659 : vector<16xf32>
      %add3A_661 = arith.constant 1.000000e+01 : f32
      %add3A_662 = vector.broadcast %add3A_661 : f32 to vector<16xf32>
      %add3A_663 = arith.addf %max3A_654, %add3A_662 : vector<16xf32>
      %mul3A_664 = arith.constant 1.000000e+00 : f32
      %mul3A_665 = vector.broadcast %mul3A_664 : f32 to vector<16xf32>
      %mul3A_666 = arith.mulf %add3A_663, %mul3A_665 : vector<16xf32>
      %add3A_667 = arith.constant 1.000000e+01 : f32
      %add3A_668 = vector.broadcast %add3A_667 : f32 to vector<16xf32>
      %add3A_669 = arith.addf %max3A_660, %add3A_668 : vector<16xf32>
      %mul3A_670 = arith.constant 2.100000e+01 : f32
      %mul3A_671 = vector.broadcast %mul3A_670 : f32 to vector<16xf32>
      %mul3A_672 = arith.mulf %add3A_669, %mul3A_671 : vector<16xf32>
      %add3A_673 = arith.addf %mul3A_666, %mul3A_672 : vector<16xf32>
      %convert_element_type3A_674 = arith.fptosi %add3A_673 : vector<16xf32> to vector<16xi32>
      %add3A_675 = arith.addi %convert_element_type3A_674, %get3A_418 : vector<16xi32>
      %swap3A_676 = arith.constant 64 : index
      %swap3A_677 = tpu.vector_load %arg16[%swap3A_676] {strides = array<i32>} : memref<256xi32, #tpu.memory_space<vmem>>, vector<16xi32>,
      tpu.vector_store %arg16[%swap3A_676], %add3A_675 {strides = array<i32>} : memref<256xi32, #tpu.memory_space<vmem>>, vector<16xi32>,
      %get3A_678 = arith.constant 64 : index
      %get3A_679 = tpu.vector_load %arg14[%get3A_678] {strides = array<i32>} : memref<256xi32, #tpu.memory_space<vmem>>, vector<16xi32>,
      %add3A_680 = arith.addi %add3A_675, %get3A_679 : vector<16xi32>
      %swap3A_681 = arith.constant 64 : index
      %swap3A_682 = tpu.vector_load %arg17[%swap3A_681] {strides = array<i32>} : memref<256xi32, #tpu.memory_space<vmem>>, vector<16xi32>,
      tpu.vector_store %arg17[%swap3A_681], %add3A_680 {strides = array<i32>} : memref<256xi32, #tpu.memory_space<vmem>>, vector<16xi32>,
      %get3A_683 = arith.constant 80 : index
      %get3A_684 = tpu.vector_load %arg12[%get3A_683] {strides = array<i32>} : memref<256xf32, #tpu.memory_space<vmem>>, vector<16xf32>,
      %sub3A_685 = arith.subf %get3A_684, %gather3A_483 : vector<16xf32>
      %get3A_686 = arith.constant 80 : index
      %get3A_687 = tpu.vector_load %arg13[%get3A_686] {strides = array<i32>} : memref<256xf32, #tpu.memory_space<vmem>>, vector<16xf32>,
      %sub3A_688 = arith.subf %get3A_687, %gather3A_484 : vector<16xf32>
      %min3A_689 = arith.constant 1.000000e+01 : f32
      %min3A_690 = vector.broadcast %min3A_689 : f32 to vector<16xf32>
      %min3A_691 = arith.minimumf %sub3A_685, %min3A_690 : vector<16xf32>
      %max3A_692 = arith.constant -1.000000e+01 : f32
      %max3A_693 = vector.broadcast %max3A_692 : f32 to vector<16xf32>
      %max3A_694 = arith.maximumf %min3A_691, %max3A_693 : vector<16xf32>
      %min3A_695 = arith.constant 1.000000e+01 : f32
      %min3A_696 = vector.broadcast %min3A_695 : f32 to vector<16xf32>
      %min3A_697 = arith.minimumf %sub3A_688, %min3A_696 : vector<16xf32>
      %max3A_698 = arith.constant -1.000000e+01 : f32
      %max3A_699 = vector.broadcast %max3A_698 : f32 to vector<16xf32>
      %max3A_700 = arith.maximumf %min3A_697, %max3A_699 : vector<16xf32>
      %add3A_701 = arith.constant 1.000000e+01 : f32
      %add3A_702 = vector.broadcast %add3A_701 : f32 to vector<16xf32>
      %add3A_703 = arith.addf %max3A_694, %add3A_702 : vector<16xf32>
      %mul3A_704 = arith.constant 1.000000e+00 : f32
      %mul3A_705 = vector.broadcast %mul3A_704 : f32 to vector<16xf32>
      %mul3A_706 = arith.mulf %add3A_703, %mul3A_705 : vector<16xf32>
      %add3A_707 = arith.constant 1.000000e+01 : f32
      %add3A_708 = vector.broadcast %add3A_707 : f32 to vector<16xf32>
      %add3A_709 = arith.addf %max3A_700, %add3A_708 : vector<16xf32>
      %mul3A_710 = arith.constant 2.100000e+01 : f32
      %mul3A_711 = vector.broadcast %mul3A_710 : f32 to vector<16xf32>
      %mul3A_712 = arith.mulf %add3A_709, %mul3A_711 : vector<16xf32>
      %add3A_713 = arith.addf %mul3A_706, %mul3A_712 : vector<16xf32>
      %convert_element_type3A_714 = arith.fptosi %add3A_713 : vector<16xf32> to vector<16xi32>
      %add3A_715 = arith.addi %convert_element_type3A_714, %get3A_418 : vector<16xi32>
      %swap3A_716 = arith.constant 80 : index
      %swap3A_717 = tpu.vector_load %arg16[%swap3A_716] {strides = array<i32>} : memref<256xi32, #tpu.memory_space<vmem>>, vector<16xi32>,
      tpu.vector_store %arg16[%swap3A_716], %add3A_715 {strides = array<i32>} : memref<256xi32, #tpu.memory_space<vmem>>, vector<16xi32>,
      %get3A_718 = arith.constant 80 : index
      %get3A_719 = tpu.vector_load %arg14[%get3A_718] {strides = array<i32>} : memref<256xi32, #tpu.memory_space<vmem>>, vector<16xi32>,
      %add3A_720 = arith.addi %add3A_715, %get3A_719 : vector<16xi32>
      %swap3A_721 = arith.constant 80 : index
      %swap3A_722 = tpu.vector_load %arg17[%swap3A_721] {strides = array<i32>} : memref<256xi32, #tpu.memory_space<vmem>>, vector<16xi32>,
      tpu.vector_store %arg17[%swap3A_721], %add3A_720 {strides = array<i32>} : memref<256xi32, #tpu.memory_space<vmem>>, vector<16xi32>,
      %get3A_723 = arith.constant 96 : index
      %get3A_724 = tpu.vector_load %arg12[%get3A_723] {strides = array<i32>} : memref<256xf32, #tpu.memory_space<vmem>>, vector<16xf32>,
      %sub3A_725 = arith.subf %get3A_724, %gather3A_483 : vector<16xf32>
      %get3A_726 = arith.constant 96 : index
      %get3A_727 = tpu.vector_load %arg13[%get3A_726] {strides = array<i32>} : memref<256xf32, #tpu.memory_space<vmem>>, vector<16xf32>,
      %sub3A_728 = arith.subf %get3A_727, %gather3A_484 : vector<16xf32>
      %min3A_729 = arith.constant 1.000000e+01 : f32
      %min3A_730 = vector.broadcast %min3A_729 : f32 to vector<16xf32>
      %min3A_731 = arith.minimumf %sub3A_725, %min3A_730 : vector<16xf32>
      %max3A_732 = arith.constant -1.000000e+01 : f32
      %max3A_733 = vector.broadcast %max3A_732 : f32 to vector<16xf32>
      %max3A_734 = arith.maximumf %min3A_731, %max3A_733 : vector<16xf32>
      %min3A_735 = arith.constant 1.000000e+01 : f32
      %min3A_736 = vector.broadcast %min3A_735 : f32 to vector<16xf32>
      %min3A_737 = arith.minimumf %sub3A_728, %min3A_736 : vector<16xf32>
      %max3A_738 = arith.constant -1.000000e+01 : f32
      %max3A_739 = vector.broadcast %max3A_738 : f32 to vector<16xf32>
      %max3A_740 = arith.maximumf %min3A_737, %max3A_739 : vector<16xf32>
      %add3A_741 = arith.constant 1.000000e+01 : f32
      %add3A_742 = vector.broadcast %add3A_741 : f32 to vector<16xf32>
      %add3A_743 = arith.addf %max3A_734, %add3A_742 : vector<16xf32>
      %mul3A_744 = arith.constant 1.000000e+00 : f32
      %mul3A_745 = vector.broadcast %mul3A_744 : f32 to vector<16xf32>
      %mul3A_746 = arith.mulf %add3A_743, %mul3A_745 : vector<16xf32>
      %add3A_747 = arith.constant 1.000000e+01 : f32
      %add3A_748 = vector.broadcast %add3A_747 : f32 to vector<16xf32>
      %add3A_749 = arith.addf %max3A_740, %add3A_748 : vector<16xf32>
      %mul3A_750 = arith.constant 2.100000e+01 : f32
      %mul3A_751 = vector.broadcast %mul3A_750 : f32 to vector<16xf32>
      %mul3A_752 = arith.mulf %add3A_749, %mul3A_751 : vector<16xf32>
      %add3A_753 = arith.addf %mul3A_746, %mul3A_752 : vector<16xf32>
      %convert_element_type3A_754 = arith.fptosi %add3A_753 : vector<16xf32> to vector<16xi32>
      %add3A_755 = arith.addi %convert_element_type3A_754, %get3A_418 : vector<16xi32>
      %swap3A_756 = arith.constant 96 : index
      %swap3A_757 = tpu.vector_load %arg16[%swap3A_756] {strides = array<i32>} : memref<256xi32, #tpu.memory_space<vmem>>, vector<16xi32>,
      tpu.vector_store %arg16[%swap3A_756], %add3A_755 {strides = array<i32>} : memref<256xi32, #tpu.memory_space<vmem>>, vector<16xi32>,
      %get3A_758 = arith.constant 96 : index
      %get3A_759 = tpu.vector_load %arg14[%get3A_758] {strides = array<i32>} : memref<256xi32, #tpu.memory_space<vmem>>, vector<16xi32>,
      %add3A_760 = arith.addi %add3A_755, %get3A_759 : vector<16xi32>
      %swap3A_761 = arith.constant 96 : index
      %swap3A_762 = tpu.vector_load %arg17[%swap3A_761] {strides = array<i32>} : memref<256xi32, #tpu.memory_space<vmem>>, vector<16xi32>,
      tpu.vector_store %arg17[%swap3A_761], %add3A_760 {strides = array<i32>} : memref<256xi32, #tpu.memory_space<vmem>>, vector<16xi32>,
      %get3A_763 = arith.constant 112 : index
      %get3A_764 = tpu.vector_load %arg12[%get3A_763] {strides = array<i32>} : memref<256xf32, #tpu.memory_space<vmem>>, vector<16xf32>,
      %sub3A_765 = arith.subf %get3A_764, %gather3A_483 : vector<16xf32>
      %get3A_766 = arith.constant 112 : index
      %get3A_767 = tpu.vector_load %arg13[%get3A_766] {strides = array<i32>} : memref<256xf32, #tpu.memory_space<vmem>>, vector<16xf32>,
      %sub3A_768 = arith.subf %get3A_767, %gather3A_484 : vector<16xf32>
      %min3A_769 = arith.constant 1.000000e+01 : f32
      %min3A_770 = vector.broadcast %min3A_769 : f32 to vector<16xf32>
      %min3A_771 = arith.minimumf %sub3A_765, %min3A_770 : vector<16xf32>
      %max3A_772 = arith.constant -1.000000e+01 : f32
      %max3A_773 = vector.broadcast %max3A_772 : f32 to vector<16xf32>
      %max3A_774 = arith.maximumf %min3A_771, %max3A_773 : vector<16xf32>
      %min3A_775 = arith.constant 1.000000e+01 : f32
      %min3A_776 = vector.broadcast %min3A_775 : f32 to vector<16xf32>
      %min3A_777 = arith.minimumf %sub3A_768, %min3A_776 : vector<16xf32>
      %max3A_778 = arith.constant -1.000000e+01 : f32
      %max3A_779 = vector.broadcast %max3A_778 : f32 to vector<16xf32>
      %max3A_780 = arith.maximumf %min3A_777, %max3A_779 : vector<16xf32>
      %add3A_781 = arith.constant 1.000000e+01 : f32
      %add3A_782 = vector.broadcast %add3A_781 : f32 to vector<16xf32>
      %add3A_783 = arith.addf %max3A_774, %add3A_782 : vector<16xf32>
      %mul3A_784 = arith.constant 1.000000e+00 : f32
      %mul3A_785 = vector.broadcast %mul3A_784 : f32 to vector<16xf32>
      %mul3A_786 = arith.mulf %add3A_783, %mul3A_785 : vector<16xf32>
      %add3A_787 = arith.constant 1.000000e+01 : f32
      %add3A_788 = vector.broadcast %add3A_787 : f32 to vector<16xf32>
      %add3A_789 = arith.addf %max3A_780, %add3A_788 : vector<16xf32>
      %mul3A_790 = arith.constant 2.100000e+01 : f32
      %mul3A_791 = vector.broadcast %mul3A_790 : f32 to vector<16xf32>
      %mul3A_792 = arith.mulf %add3A_789, %mul3A_791 : vector<16xf32>
      %add3A_793 = arith.addf %mul3A_786, %mul3A_792 : vector<16xf32>
      %convert_element_type3A_794 = arith.fptosi %add3A_793 : vector<16xf32> to vector<16xi32>
      %add3A_795 = arith.addi %convert_element_type3A_794, %get3A_418 : vector<16xi32>
      %swap3A_796 = arith.constant 112 : index
      %swap3A_797 = tpu.vector_load %arg16[%swap3A_796] {strides = array<i32>} : memref<256xi32, #tpu.memory_space<vmem>>, vector<16xi32>,
      tpu.vector_store %arg16[%swap3A_796], %add3A_795 {strides = array<i32>} : memref<256xi32, #tpu.memory_space<vmem>>, vector<16xi32>,
      %get3A_798 = arith.constant 112 : index
      %get3A_799 = tpu.vector_load %arg14[%get3A_798] {strides = array<i32>} : memref<256xi32, #tpu.memory_space<vmem>>, vector<16xi32>,
      %add3A_800 = arith.addi %add3A_795, %get3A_799 : vector<16xi32>
      %swap3A_801 = arith.constant 112 : index
      %swap3A_802 = tpu.vector_load %arg17[%swap3A_801] {strides = array<i32>} : memref<256xi32, #tpu.memory_space<vmem>>, vector<16xi32>,
      tpu.vector_store %arg17[%swap3A_801], %add3A_800 {strides = array<i32>} : memref<256xi32, #tpu.memory_space<vmem>>, vector<16xi32>,
      %get3A_803 = arith.constant 128 : index
      %get3A_804 = tpu.vector_load %arg12[%get3A_803] {strides = array<i32>} : memref<256xf32, #tpu.memory_space<vmem>>, vector<16xf32>,
      %sub3A_805 = arith.subf %get3A_804, %gather3A_483 : vector<16xf32>
      %get3A_806 = arith.constant 128 : index
      %get3A_807 = tpu.vector_load %arg13[%get3A_806] {strides = array<i32>} : memref<256xf32, #tpu.memory_space<vmem>>, vector<16xf32>,
      %sub3A_808 = arith.subf %get3A_807, %gather3A_484 : vector<16xf32>
      %min3A_809 = arith.constant 1.000000e+01 : f32
      %min3A_810 = vector.broadcast %min3A_809 : f32 to vector<16xf32>
      %min3A_811 = arith.minimumf %sub3A_805, %min3A_810 : vector<16xf32>
      %max3A_812 = arith.constant -1.000000e+01 : f32
      %max3A_813 = vector.broadcast %max3A_812 : f32 to vector<16xf32>
      %max3A_814 = arith.maximumf %min3A_811, %max3A_813 : vector<16xf32>
      %min3A_815 = arith.constant 1.000000e+01 : f32
      %min3A_816 = vector.broadcast %min3A_815 : f32 to vector<16xf32>
      %min3A_817 = arith.minimumf %sub3A_808, %min3A_816 : vector<16xf32>
      %max3A_818 = arith.constant -1.000000e+01 : f32
      %max3A_819 = vector.broadcast %max3A_818 : f32 to vector<16xf32>
      %max3A_820 = arith.maximumf %min3A_817, %max3A_819 : vector<16xf32>
      %add3A_821 = arith.constant 1.000000e+01 : f32
      %add3A_822 = vector.broadcast %add3A_821 : f32 to vector<16xf32>
      %add3A_823 = arith.addf %max3A_814, %add3A_822 : vector<16xf32>
      %mul3A_824 = arith.constant 1.000000e+00 : f32
      %mul3A_825 = vector.broadcast %mul3A_824 : f32 to vector<16xf32>
      %mul3A_826 = arith.mulf %add3A_823, %mul3A_825 : vector<16xf32>
      %add3A_827 = arith.constant 1.000000e+01 : f32
      %add3A_828 = vector.broadcast %add3A_827 : f32 to vector<16xf32>
      %add3A_829 = arith.addf %max3A_820, %add3A_828 : vector<16xf32>
      %mul3A_830 = arith.constant 2.100000e+01 : f32
      %mul3A_831 = vector.broadcast %mul3A_830 : f32 to vector<16xf32>
      %mul3A_832 = arith.mulf %add3A_829, %mul3A_831 : vector<16xf32>
      %add3A_833 = arith.addf %mul3A_826, %mul3A_832 : vector<16xf32>
      %convert_element_type3A_834 = arith.fptosi %add3A_833 : vector<16xf32> to vector<16xi32>
      %add3A_835 = arith.addi %convert_element_type3A_834, %get3A_418 : vector<16xi32>
      %swap3A_836 = arith.constant 128 : index
      %swap3A_837 = tpu.vector_load %arg16[%swap3A_836] {strides = array<i32>} : memref<256xi32, #tpu.memory_space<vmem>>, vector<16xi32>,
      tpu.vector_store %arg16[%swap3A_836], %add3A_835 {strides = array<i32>} : memref<256xi32, #tpu.memory_space<vmem>>, vector<16xi32>,
      %get3A_838 = arith.constant 128 : index
      %get3A_839 = tpu.vector_load %arg14[%get3A_838] {strides = array<i32>} : memref<256xi32, #tpu.memory_space<vmem>>, vector<16xi32>,
      %add3A_840 = arith.addi %add3A_835, %get3A_839 : vector<16xi32>
      %swap3A_841 = arith.constant 128 : index
      %swap3A_842 = tpu.vector_load %arg17[%swap3A_841] {strides = array<i32>} : memref<256xi32, #tpu.memory_space<vmem>>, vector<16xi32>,
      tpu.vector_store %arg17[%swap3A_841], %add3A_840 {strides = array<i32>} : memref<256xi32, #tpu.memory_space<vmem>>, vector<16xi32>,
      %get3A_843 = arith.constant 144 : index
      %get3A_844 = tpu.vector_load %arg12[%get3A_843] {strides = array<i32>} : memref<256xf32, #tpu.memory_space<vmem>>, vector<16xf32>,
      %sub3A_845 = arith.subf %get3A_844, %gather3A_483 : vector<16xf32>
      %get3A_846 = arith.constant 144 : index
      %get3A_847 = tpu.vector_load %arg13[%get3A_846] {strides = array<i32>} : memref<256xf32, #tpu.memory_space<vmem>>, vector<16xf32>,
      %sub3A_848 = arith.subf %get3A_847, %gather3A_484 : vector<16xf32>
      %min3A_849 = arith.constant 1.000000e+01 : f32
      %min3A_850 = vector.broadcast %min3A_849 : f32 to vector<16xf32>
      %min3A_851 = arith.minimumf %sub3A_845, %min3A_850 : vector<16xf32>
      %max3A_852 = arith.constant -1.000000e+01 : f32
      %max3A_853 = vector.broadcast %max3A_852 : f32 to vector<16xf32>
      %max3A_854 = arith.maximumf %min3A_851, %max3A_853 : vector<16xf32>
      %min3A_855 = arith.constant 1.000000e+01 : f32
      %min3A_856 = vector.broadcast %min3A_855 : f32 to vector<16xf32>
      %min3A_857 = arith.minimumf %sub3A_848, %min3A_856 : vector<16xf32>
      %max3A_858 = arith.constant -1.000000e+01 : f32
      %max3A_859 = vector.broadcast %max3A_858 : f32 to vector<16xf32>
      %max3A_860 = arith.maximumf %min3A_857, %max3A_859 : vector<16xf32>
      %add3A_861 = arith.constant 1.000000e+01 : f32
      %add3A_862 = vector.broadcast %add3A_861 : f32 to vector<16xf32>
      %add3A_863 = arith.addf %max3A_854, %add3A_862 : vector<16xf32>
      %mul3A_864 = arith.constant 1.000000e+00 : f32
      %mul3A_865 = vector.broadcast %mul3A_864 : f32 to vector<16xf32>
      %mul3A_866 = arith.mulf %add3A_863, %mul3A_865 : vector<16xf32>
      %add3A_867 = arith.constant 1.000000e+01 : f32
      %add3A_868 = vector.broadcast %add3A_867 : f32 to vector<16xf32>
      %add3A_869 = arith.addf %max3A_860, %add3A_868 : vector<16xf32>
      %mul3A_870 = arith.constant 2.100000e+01 : f32
      %mul3A_871 = vector.broadcast %mul3A_870 : f32 to vector<16xf32>
      %mul3A_872 = arith.mulf %add3A_869, %mul3A_871 : vector<16xf32>
      %add3A_873 = arith.addf %mul3A_866, %mul3A_872 : vector<16xf32>
      %convert_element_type3A_874 = arith.fptosi %add3A_873 : vector<16xf32> to vector<16xi32>
      %add3A_875 = arith.addi %convert_element_type3A_874, %get3A_418 : vector<16xi32>
      %swap3A_876 = arith.constant 144 : index
      %swap3A_877 = tpu.vector_load %arg16[%swap3A_876] {strides = array<i32>} : memref<256xi32, #tpu.memory_space<vmem>>, vector<16xi32>,
      tpu.vector_store %arg16[%swap3A_876], %add3A_875 {strides = array<i32>} : memref<256xi32, #tpu.memory_space<vmem>>, vector<16xi32>,
      %get3A_878 = arith.constant 144 : index
      %get3A_879 = tpu.vector_load %arg14[%get3A_878] {strides = array<i32>} : memref<256xi32, #tpu.memory_space<vmem>>, vector<16xi32>,
      %add3A_880 = arith.addi %add3A_875, %get3A_879 : vector<16xi32>
      %swap3A_881 = arith.constant 144 : index
      %swap3A_882 = tpu.vector_load %arg17[%swap3A_881] {strides = array<i32>} : memref<256xi32, #tpu.memory_space<vmem>>, vector<16xi32>,
      tpu.vector_store %arg17[%swap3A_881], %add3A_880 {strides = array<i32>} : memref<256xi32, #tpu.memory_space<vmem>>, vector<16xi32>,
      %get3A_883 = arith.constant 160 : index
      %get3A_884 = tpu.vector_load %arg12[%get3A_883] {strides = array<i32>} : memref<256xf32, #tpu.memory_space<vmem>>, vector<16xf32>,
      %sub3A_885 = arith.subf %get3A_884, %gather3A_483 : vector<16xf32>
      %get3A_886 = arith.constant 160 : index
      %get3A_887 = tpu.vector_load %arg13[%get3A_886] {strides = array<i32>} : memref<256xf32, #tpu.memory_space<vmem>>, vector<16xf32>,
      %sub3A_888 = arith.subf %get3A_887, %gather3A_484 : vector<16xf32>
      %min3A_889 = arith.constant 1.000000e+01 : f32
      %min3A_890 = vector.broadcast %min3A_889 : f32 to vector<16xf32>
      %min3A_891 = arith.minimumf %sub3A_885, %min3A_890 : vector<16xf32>
      %max3A_892 = arith.constant -1.000000e+01 : f32
      %max3A_893 = vector.broadcast %max3A_892 : f32 to vector<16xf32>
      %max3A_894 = arith.maximumf %min3A_891, %max3A_893 : vector<16xf32>
      %min3A_895 = arith.constant 1.000000e+01 : f32
      %min3A_896 = vector.broadcast %min3A_895 : f32 to vector<16xf32>
      %min3A_897 = arith.minimumf %sub3A_888, %min3A_896 : vector<16xf32>
      %max3A_898 = arith.constant -1.000000e+01 : f32
      %max3A_899 = vector.broadcast %max3A_898 : f32 to vector<16xf32>
      %max3A_900 = arith.maximumf %min3A_897, %max3A_899 : vector<16xf32>
      %add3A_901 = arith.constant 1.000000e+01 : f32
      %add3A_902 = vector.broadcast %add3A_901 : f32 to vector<16xf32>
      %add3A_903 = arith.addf %max3A_894, %add3A_902 : vector<16xf32>
      %mul3A_904 = arith.constant 1.000000e+00 : f32
      %mul3A_905 = vector.broadcast %mul3A_904 : f32 to vector<16xf32>
      %mul3A_906 = arith.mulf %add3A_903, %mul3A_905 : vector<16xf32>
      %add3A_907 = arith.constant 1.000000e+01 : f32
      %add3A_908 = vector.broadcast %add3A_907 : f32 to vector<16xf32>
      %add3A_909 = arith.addf %max3A_900, %add3A_908 : vector<16xf32>
      %mul3A_910 = arith.constant 2.100000e+01 : f32
      %mul3A_911 = vector.broadcast %mul3A_910 : f32 to vector<16xf32>
      %mul3A_912 = arith.mulf %add3A_909, %mul3A_911 : vector<16xf32>
      %add3A_913 = arith.addf %mul3A_906, %mul3A_912 : vector<16xf32>
      %convert_element_type3A_914 = arith.fptosi %add3A_913 : vector<16xf32> to vector<16xi32>
      %add3A_915 = arith.addi %convert_element_type3A_914, %get3A_418 : vector<16xi32>
      %swap3A_916 = arith.constant 160 : index
      %swap3A_917 = tpu.vector_load %arg16[%swap3A_916] {strides = array<i32>} : memref<256xi32, #tpu.memory_space<vmem>>, vector<16xi32>,
      tpu.vector_store %arg16[%swap3A_916], %add3A_915 {strides = array<i32>} : memref<256xi32, #tpu.memory_space<vmem>>, vector<16xi32>,
      %get3A_918 = arith.constant 160 : index
      %get3A_919 = tpu.vector_load %arg14[%get3A_918] {strides = array<i32>} : memref<256xi32, #tpu.memory_space<vmem>>, vector<16xi32>,
      %add3A_920 = arith.addi %add3A_915, %get3A_919 : vector<16xi32>
      %swap3A_921 = arith.constant 160 : index
      %swap3A_922 = tpu.vector_load %arg17[%swap3A_921] {strides = array<i32>} : memref<256xi32, #tpu.memory_space<vmem>>, vector<16xi32>,
      tpu.vector_store %arg17[%swap3A_921], %add3A_920 {strides = array<i32>} : memref<256xi32, #tpu.memory_space<vmem>>, vector<16xi32>,
      %get3A_923 = arith.constant 176 : index
      %get3A_924 = tpu.vector_load %arg12[%get3A_923] {strides = array<i32>} : memref<256xf32, #tpu.memory_space<vmem>>, vector<16xf32>,
      %sub3A_925 = arith.subf %get3A_924, %gather3A_483 : vector<16xf32>
      %get3A_926 = arith.constant 176 : index
      %get3A_927 = tpu.vector_load %arg13[%get3A_926] {strides = array<i32>} : memref<256xf32, #tpu.memory_space<vmem>>, vector<16xf32>,
      %sub3A_928 = arith.subf %get3A_927, %gather3A_484 : vector<16xf32>
      %min3A_929 = arith.constant 1.000000e+01 : f32
      %min3A_930 = vector.broadcast %min3A_929 : f32 to vector<16xf32>
      %min3A_931 = arith.minimumf %sub3A_925, %min3A_930 : vector<16xf32>
      %max3A_932 = arith.constant -1.000000e+01 : f32
      %max3A_933 = vector.broadcast %max3A_932 : f32 to vector<16xf32>
      %max3A_934 = arith.maximumf %min3A_931, %max3A_933 : vector<16xf32>
      %min3A_935 = arith.constant 1.000000e+01 : f32
      %min3A_936 = vector.broadcast %min3A_935 : f32 to vector<16xf32>
      %min3A_937 = arith.minimumf %sub3A_928, %min3A_936 : vector<16xf32>
      %max3A_938 = arith.constant -1.000000e+01 : f32
      %max3A_939 = vector.broadcast %max3A_938 : f32 to vector<16xf32>
      %max3A_940 = arith.maximumf %min3A_937, %max3A_939 : vector<16xf32>
      %add3A_941 = arith.constant 1.000000e+01 : f32
      %add3A_942 = vector.broadcast %add3A_941 : f32 to vector<16xf32>
      %add3A_943 = arith.addf %max3A_934, %add3A_942 : vector<16xf32>
      %mul3A_944 = arith.constant 1.000000e+00 : f32
      %mul3A_945 = vector.broadcast %mul3A_944 : f32 to vector<16xf32>
      %mul3A_946 = arith.mulf %add3A_943, %mul3A_945 : vector<16xf32>
      %add3A_947 = arith.constant 1.000000e+01 : f32
      %add3A_948 = vector.broadcast %add3A_947 : f32 to vector<16xf32>
      %add3A_949 = arith.addf %max3A_940, %add3A_948 : vector<16xf32>
      %mul3A_950 = arith.constant 2.100000e+01 : f32
      %mul3A_951 = vector.broadcast %mul3A_950 : f32 to vector<16xf32>
      %mul3A_952 = arith.mulf %add3A_949, %mul3A_951 : vector<16xf32>
      %add3A_953 = arith.addf %mul3A_946, %mul3A_952 : vector<16xf32>
      %convert_element_type3A_954 = arith.fptosi %add3A_953 : vector<16xf32> to vector<16xi32>
      %add3A_955 = arith.addi %convert_element_type3A_954, %get3A_418 : vector<16xi32>
      %swap3A_956 = arith.constant 176 : index
      %swap3A_957 = tpu.vector_load %arg16[%swap3A_956] {strides = array<i32>} : memref<256xi32, #tpu.memory_space<vmem>>, vector<16xi32>,
      tpu.vector_store %arg16[%swap3A_956], %add3A_955 {strides = array<i32>} : memref<256xi32, #tpu.memory_space<vmem>>, vector<16xi32>,
      %get3A_958 = arith.constant 176 : index
      %get3A_959 = tpu.vector_load %arg14[%get3A_958] {strides = array<i32>} : memref<256xi32, #tpu.memory_space<vmem>>, vector<16xi32>,
      %add3A_960 = arith.addi %add3A_955, %get3A_959 : vector<16xi32>
      %swap3A_961 = arith.constant 176 : index
      %swap3A_962 = tpu.vector_load %arg17[%swap3A_961] {strides = array<i32>} : memref<256xi32, #tpu.memory_space<vmem>>, vector<16xi32>,
      tpu.vector_store %arg17[%swap3A_961], %add3A_960 {strides = array<i32>} : memref<256xi32, #tpu.memory_space<vmem>>, vector<16xi32>,
      %get3A_963 = arith.constant 192 : index
      %get3A_964 = tpu.vector_load %arg12[%get3A_963] {strides = array<i32>} : memref<256xf32, #tpu.memory_space<vmem>>, vector<16xf32>,
      %sub3A_965 = arith.subf %get3A_964, %gather3A_483 : vector<16xf32>
      %get3A_966 = arith.constant 192 : index
      %get3A_967 = tpu.vector_load %arg13[%get3A_966] {strides = array<i32>} : memref<256xf32, #tpu.memory_space<vmem>>, vector<16xf32>,
      %sub3A_968 = arith.subf %get3A_967, %gather3A_484 : vector<16xf32>
      %min3A_969 = arith.constant 1.000000e+01 : f32
      %min3A_970 = vector.broadcast %min3A_969 : f32 to vector<16xf32>
      %min3A_971 = arith.minimumf %sub3A_965, %min3A_970 : vector<16xf32>
      %max3A_972 = arith.constant -1.000000e+01 : f32
      %max3A_973 = vector.broadcast %max3A_972 : f32 to vector<16xf32>
      %max3A_974 = arith.maximumf %min3A_971, %max3A_973 : vector<16xf32>
      %min3A_975 = arith.constant 1.000000e+01 : f32
      %min3A_976 = vector.broadcast %min3A_975 : f32 to vector<16xf32>
      %min3A_977 = arith.minimumf %sub3A_968, %min3A_976 : vector<16xf32>
      %max3A_978 = arith.constant -1.000000e+01 : f32
      %max3A_979 = vector.broadcast %max3A_978 : f32 to vector<16xf32>
      %max3A_980 = arith.maximumf %min3A_977, %max3A_979 : vector<16xf32>
      %add3A_981 = arith.constant 1.000000e+01 : f32
      %add3A_982 = vector.broadcast %add3A_981 : f32 to vector<16xf32>
      %add3A_983 = arith.addf %max3A_974, %add3A_982 : vector<16xf32>
      %mul3A_984 = arith.constant 1.000000e+00 : f32
      %mul3A_985 = vector.broadcast %mul3A_984 : f32 to vector<16xf32>
      %mul3A_986 = arith.mulf %add3A_983, %mul3A_985 : vector<16xf32>
      %add3A_987 = arith.constant 1.000000e+01 : f32
      %add3A_988 = vector.broadcast %add3A_987 : f32 to vector<16xf32>
      %add3A_989 = arith.addf %max3A_980, %add3A_988 : vector<16xf32>
      %mul3A_990 = arith.constant 2.100000e+01 : f32
      %mul3A_991 = vector.broadcast %mul3A_990 : f32 to vector<16xf32>
      %mul3A_992 = arith.mulf %add3A_989, %mul3A_991 : vector<16xf32>
      %add3A_993 = arith.addf %mul3A_986, %mul3A_992 : vector<16xf32>
      %convert_element_type3A_994 = arith.fptosi %add3A_993 : vector<16xf32> to vector<16xi32>
      %add3A_995 = arith.addi %convert_element_type3A_994, %get3A_418 : vector<16xi32>
      %swap3A_996 = arith.constant 192 : index
      %swap3A_997 = tpu.vector_load %arg16[%swap3A_996] {strides = array<i32>} : memref<256xi32, #tpu.memory_space<vmem>>, vector<16xi32>,
      tpu.vector_store %arg16[%swap3A_996], %add3A_995 {strides = array<i32>} : memref<256xi32, #tpu.memory_space<vmem>>, vector<16xi32>,
      %get3A_998 = arith.constant 192 : index
      %get3A_999 = tpu.vector_load %arg14[%get3A_998] {strides = array<i32>} : memref<256xi32, #tpu.memory_space<vmem>>, vector<16xi32>,
      %add3A_1000 = arith.addi %add3A_995, %get3A_999 : vector<16xi32>
      %swap3A_1001 = arith.constant 192 : index
      %swap3A_1002 = tpu.vector_load %arg17[%swap3A_1001] {strides = array<i32>} : memref<256xi32, #tpu.memory_space<vmem>>, vector<16xi32>,
      tpu.vector_store %arg17[%swap3A_1001], %add3A_1000 {strides = array<i32>} : memref<256xi32, #tpu.memory_space<vmem>>, vector<16xi32>,
      %get3A_1003 = arith.constant 208 : index
      %get3A_1004 = tpu.vector_load %arg12[%get3A_1003] {strides = array<i32>} : memref<256xf32, #tpu.memory_space<vmem>>, vector<16xf32>,
      %sub3A_1005 = arith.subf %get3A_1004, %gather3A_483 : vector<16xf32>
      %get3A_1006 = arith.constant 208 : index
      %get3A_1007 = tpu.vector_load %arg13[%get3A_1006] {strides = array<i32>} : memref<256xf32, #tpu.memory_space<vmem>>, vector<16xf32>,
      %sub3A_1008 = arith.subf %get3A_1007, %gather3A_484 : vector<16xf32>
      %min3A_1009 = arith.constant 1.000000e+01 : f32
      %min3A_1010 = vector.broadcast %min3A_1009 : f32 to vector<16xf32>
      %min3A_1011 = arith.minimumf %sub3A_1005, %min3A_1010 : vector<16xf32>
      %max3A_1012 = arith.constant -1.000000e+01 : f32
      %max3A_1013 = vector.broadcast %max3A_1012 : f32 to vector<16xf32>
      %max3A_1014 = arith.maximumf %min3A_1011, %max3A_1013 : vector<16xf32>
      %min3A_1015 = arith.constant 1.000000e+01 : f32
      %min3A_1016 = vector.broadcast %min3A_1015 : f32 to vector<16xf32>
      %min3A_1017 = arith.minimumf %sub3A_1008, %min3A_1016 : vector<16xf32>
      %max3A_1018 = arith.constant -1.000000e+01 : f32
      %max3A_1019 = vector.broadcast %max3A_1018 : f32 to vector<16xf32>
      %max3A_1020 = arith.maximumf %min3A_1017, %max3A_1019 : vector<16xf32>
      %add3A_1021 = arith.constant 1.000000e+01 : f32
      %add3A_1022 = vector.broadcast %add3A_1021 : f32 to vector<16xf32>
      %add3A_1023 = arith.addf %max3A_1014, %add3A_1022 : vector<16xf32>
      %mul3A_1024 = arith.constant 1.000000e+00 : f32
      %mul3A_1025 = vector.broadcast %mul3A_1024 : f32 to vector<16xf32>
      %mul3A_1026 = arith.mulf %add3A_1023, %mul3A_1025 : vector<16xf32>
      %add3A_1027 = arith.constant 1.000000e+01 : f32
      %add3A_1028 = vector.broadcast %add3A_1027 : f32 to vector<16xf32>
      %add3A_1029 = arith.addf %max3A_1020, %add3A_1028 : vector<16xf32>
      %mul3A_1030 = arith.constant 2.100000e+01 : f32
      %mul3A_1031 = vector.broadcast %mul3A_1030 : f32 to vector<16xf32>
      %mul3A_1032 = arith.mulf %add3A_1029, %mul3A_1031 : vector<16xf32>
      %add3A_1033 = arith.addf %mul3A_1026, %mul3A_1032 : vector<16xf32>
      %convert_element_type3A_1034 = arith.fptosi %add3A_1033 : vector<16xf32> to vector<16xi32>
      %add3A_1035 = arith.addi %convert_element_type3A_1034, %get3A_418 : vector<16xi32>
      %swap3A_1036 = arith.constant 208 : index
      %swap3A_1037 = tpu.vector_load %arg16[%swap3A_1036] {strides = array<i32>} : memref<256xi32, #tpu.memory_space<vmem>>, vector<16xi32>,
      tpu.vector_store %arg16[%swap3A_1036], %add3A_1035 {strides = array<i32>} : memref<256xi32, #tpu.memory_space<vmem>>, vector<16xi32>,
      %get3A_1038 = arith.constant 208 : index
      %get3A_1039 = tpu.vector_load %arg14[%get3A_1038] {strides = array<i32>} : memref<256xi32, #tpu.memory_space<vmem>>, vector<16xi32>,
      %add3A_1040 = arith.addi %add3A_1035, %get3A_1039 : vector<16xi32>
      %swap3A_1041 = arith.constant 208 : index
      %swap3A_1042 = tpu.vector_load %arg17[%swap3A_1041] {strides = array<i32>} : memref<256xi32, #tpu.memory_space<vmem>>, vector<16xi32>,
      tpu.vector_store %arg17[%swap3A_1041], %add3A_1040 {strides = array<i32>} : memref<256xi32, #tpu.memory_space<vmem>>, vector<16xi32>,
      %get3A_1043 = arith.constant 224 : index
      %get3A_1044 = tpu.vector_load %arg12[%get3A_1043] {strides = array<i32>} : memref<256xf32, #tpu.memory_space<vmem>>, vector<16xf32>,
      %sub3A_1045 = arith.subf %get3A_1044, %gather3A_483 : vector<16xf32>
      %get3A_1046 = arith.constant 224 : index
      %get3A_1047 = tpu.vector_load %arg13[%get3A_1046] {strides = array<i32>} : memref<256xf32, #tpu.memory_space<vmem>>, vector<16xf32>,
      %sub3A_1048 = arith.subf %get3A_1047, %gather3A_484 : vector<16xf32>
      %min3A_1049 = arith.constant 1.000000e+01 : f32
      %min3A_1050 = vector.broadcast %min3A_1049 : f32 to vector<16xf32>
      %min3A_1051 = arith.minimumf %sub3A_1045, %min3A_1050 : vector<16xf32>
      %max3A_1052 = arith.constant -1.000000e+01 : f32
      %max3A_1053 = vector.broadcast %max3A_1052 : f32 to vector<16xf32>
      %max3A_1054 = arith.maximumf %min3A_1051, %max3A_1053 : vector<16xf32>
      %min3A_1055 = arith.constant 1.000000e+01 : f32
      %min3A_1056 = vector.broadcast %min3A_1055 : f32 to vector<16xf32>
      %min3A_1057 = arith.minimumf %sub3A_1048, %min3A_1056 : vector<16xf32>
      %max3A_1058 = arith.constant -1.000000e+01 : f32
      %max3A_1059 = vector.broadcast %max3A_1058 : f32 to vector<16xf32>
      %max3A_1060 = arith.maximumf %min3A_1057, %max3A_1059 : vector<16xf32>
      %add3A_1061 = arith.constant 1.000000e+01 : f32
      %add3A_1062 = vector.broadcast %add3A_1061 : f32 to vector<16xf32>
      %add3A_1063 = arith.addf %max3A_1054, %add3A_1062 : vector<16xf32>
      %mul3A_1064 = arith.constant 1.000000e+00 : f32
      %mul3A_1065 = vector.broadcast %mul3A_1064 : f32 to vector<16xf32>
      %mul3A_1066 = arith.mulf %add3A_1063, %mul3A_1065 : vector<16xf32>
      %add3A_1067 = arith.constant 1.000000e+01 : f32
      %add3A_1068 = vector.broadcast %add3A_1067 : f32 to vector<16xf32>
      %add3A_1069 = arith.addf %max3A_1060, %add3A_1068 : vector<16xf32>
      %mul3A_1070 = arith.constant 2.100000e+01 : f32
      %mul3A_1071 = vector.broadcast %mul3A_1070 : f32 to vector<16xf32>
      %mul3A_1072 = arith.mulf %add3A_1069, %mul3A_1071 : vector<16xf32>
      %add3A_1073 = arith.addf %mul3A_1066, %mul3A_1072 : vector<16xf32>
      %convert_element_type3A_1074 = arith.fptosi %add3A_1073 : vector<16xf32> to vector<16xi32>
      %add3A_1075 = arith.addi %convert_element_type3A_1074, %get3A_418 : vector<16xi32>
      %swap3A_1076 = arith.constant 224 : index
      %swap3A_1077 = tpu.vector_load %arg16[%swap3A_1076] {strides = array<i32>} : memref<256xi32, #tpu.memory_space<vmem>>, vector<16xi32>,
      tpu.vector_store %arg16[%swap3A_1076], %add3A_1075 {strides = array<i32>} : memref<256xi32, #tpu.memory_space<vmem>>, vector<16xi32>,
      %get3A_1078 = arith.constant 224 : index
      %get3A_1079 = tpu.vector_load %arg14[%get3A_1078] {strides = array<i32>} : memref<256xi32, #tpu.memory_space<vmem>>, vector<16xi32>,
      %add3A_1080 = arith.addi %add3A_1075, %get3A_1079 : vector<16xi32>
      %swap3A_1081 = arith.constant 224 : index
      %swap3A_1082 = tpu.vector_load %arg17[%swap3A_1081] {strides = array<i32>} : memref<256xi32, #tpu.memory_space<vmem>>, vector<16xi32>,
      tpu.vector_store %arg17[%swap3A_1081], %add3A_1080 {strides = array<i32>} : memref<256xi32, #tpu.memory_space<vmem>>, vector<16xi32>,
      %get3A_1083 = arith.constant 240 : index
      %get3A_1084 = tpu.vector_load %arg12[%get3A_1083] {strides = array<i32>} : memref<256xf32, #tpu.memory_space<vmem>>, vector<16xf32>,
      %sub3A_1085 = arith.subf %get3A_1084, %gather3A_483 : vector<16xf32>
      %get3A_1086 = arith.constant 240 : index
      %get3A_1087 = tpu.vector_load %arg13[%get3A_1086] {strides = array<i32>} : memref<256xf32, #tpu.memory_space<vmem>>, vector<16xf32>,
      %sub3A_1088 = arith.subf %get3A_1087, %gather3A_484 : vector<16xf32>
      %min3A_1089 = arith.constant 1.000000e+01 : f32
      %min3A_1090 = vector.broadcast %min3A_1089 : f32 to vector<16xf32>
      %min3A_1091 = arith.minimumf %sub3A_1085, %min3A_1090 : vector<16xf32>
      %max3A_1092 = arith.constant -1.000000e+01 : f32
      %max3A_1093 = vector.broadcast %max3A_1092 : f32 to vector<16xf32>
      %max3A_1094 = arith.maximumf %min3A_1091, %max3A_1093 : vector<16xf32>
      %min3A_1095 = arith.constant 1.000000e+01 : f32
      %min3A_1096 = vector.broadcast %min3A_1095 : f32 to vector<16xf32>
      %min3A_1097 = arith.minimumf %sub3A_1088, %min3A_1096 : vector<16xf32>
      %max3A_1098 = arith.constant -1.000000e+01 : f32
      %max3A_1099 = vector.broadcast %max3A_1098 : f32 to vector<16xf32>
      %max3A_1100 = arith.maximumf %min3A_1097, %max3A_1099 : vector<16xf32>
      %add3A_1101 = arith.constant 1.000000e+01 : f32
      %add3A_1102 = vector.broadcast %add3A_1101 : f32 to vector<16xf32>
      %add3A_1103 = arith.addf %max3A_1094, %add3A_1102 : vector<16xf32>
      %mul3A_1104 = arith.constant 1.000000e+00 : f32
      %mul3A_1105 = vector.broadcast %mul3A_1104 : f32 to vector<16xf32>
      %mul3A_1106 = arith.mulf %add3A_1103, %mul3A_1105 : vector<16xf32>
      %add3A_1107 = arith.constant 1.000000e+01 : f32
      %add3A_1108 = vector.broadcast %add3A_1107 : f32 to vector<16xf32>
      %add3A_1109 = arith.addf %max3A_1100, %add3A_1108 : vector<16xf32>
      %mul3A_1110 = arith.constant 2.100000e+01 : f32
      %mul3A_1111 = vector.broadcast %mul3A_1110 : f32 to vector<16xf32>
      %mul3A_1112 = arith.mulf %add3A_1109, %mul3A_1111 : vector<16xf32>
      %add3A_1113 = arith.addf %mul3A_1106, %mul3A_1112 : vector<16xf32>
      %convert_element_type3A_1114 = arith.fptosi %add3A_1113 : vector<16xf32> to vector<16xi32>
      %add3A_1115 = arith.addi %convert_element_type3A_1114, %get3A_418 : vector<16xi32>
      %swap3A_1116 = arith.constant 240 : index
      %swap3A_1117 = tpu.vector_load %arg16[%swap3A_1116] {strides = array<i32>} : memref<256xi32, #tpu.memory_space<vmem>>, vector<16xi32>,
      tpu.vector_store %arg16[%swap3A_1116], %add3A_1115 {strides = array<i32>} : memref<256xi32, #tpu.memory_space<vmem>>, vector<16xi32>,
      %get3A_1118 = arith.constant 240 : index
      %get3A_1119 = tpu.vector_load %arg14[%get3A_1118] {strides = array<i32>} : memref<256xi32, #tpu.memory_space<vmem>>, vector<16xi32>,
      %add3A_1120 = arith.addi %add3A_1115, %get3A_1119 : vector<16xi32>
      %swap3A_1121 = arith.constant 240 : index
      %swap3A_1122 = tpu.vector_load %arg17[%swap3A_1121] {strides = array<i32>} : memref<256xi32, #tpu.memory_space<vmem>>, vector<16xi32>,
      tpu.vector_store %arg17[%swap3A_1121], %add3A_1120 {strides = array<i32>} : memref<256xi32, #tpu.memory_space<vmem>>, vector<16xi32>,
      %parallel_loop3A = arith.constant 0 : i32
      %parallel_loop3A_1123 = arith.constant 256 : i32
      %parallel_loop3A_1124 = arith.constant 16 : i32
      scf.for %parallel_loop3A_1820 = %parallel_loop3A to %parallel_loop3A_1123 step %parallel_loop3A_1124  : i32 {
        %parallel_loop3A_1821 = arith.index_cast %parallel_loop3A_1820 : i32 to index
        %parallel_loop3A_1822 = tpu.vector_load %arg16[%parallel_loop3A_1821] {strides = array<i32>} : memref<256xi32, #tpu.memory_space<vmem>>, vector<16xi32>,
        %parallel_loop3A_1823 = arith.index_cast %parallel_loop3A_1820 : i32 to index
        %parallel_loop3A_1824 = tpu.vector_load %arg17[%parallel_loop3A_1823] {strides = array<i32>} : memref<256xi32, #tpu.memory_space<vmem>>, vector<16xi32>,
        %parallel_loop3A_1825 = arith.constant 128 : i64
        %parallel_loop3A_1826 = arith.trunci %parallel_loop3A_1825 : i64 to i32
        %parallel_loop3A_1827 = arith.divsi %parallel_loop3A_1820, %parallel_loop3A_1826 : i32
        %parallel_loop3A_1828 = arith.constant 0 : i32
        %parallel_loop3A_1829 = arith.cmpi sgt, %parallel_loop3A_1820, %parallel_loop3A_1828 : i32
        %parallel_loop3A_1830 = arith.extui %parallel_loop3A_1829 : i1 to i32
        %parallel_loop3A_1831 = arith.constant 0 : i32
        %parallel_loop3A_1832 = arith.cmpi slt, %parallel_loop3A_1820, %parallel_loop3A_1831 : i32
        %parallel_loop3A_1833 = arith.extui %parallel_loop3A_1832 : i1 to i32
        %parallel_loop3A_1834 = arith.subi %parallel_loop3A_1830, %parallel_loop3A_1833 : i32
        %parallel_loop3A_1835 = arith.constant 0 : i32
        %parallel_loop3A_1836 = arith.cmpi sgt, %parallel_loop3A_1826, %parallel_loop3A_1835 : i32
        %parallel_loop3A_1837 = arith.extui %parallel_loop3A_1836 : i1 to i32
        %parallel_loop3A_1838 = arith.constant 0 : i32
        %parallel_loop3A_1839 = arith.cmpi slt, %parallel_loop3A_1826, %parallel_loop3A_1838 : i32
        %parallel_loop3A_1840 = arith.extui %parallel_loop3A_1839 : i1 to i32
        %parallel_loop3A_1841 = arith.subi %parallel_loop3A_1837, %parallel_loop3A_1840 : i32
        %parallel_loop3A_1842 = arith.cmpi ne, %parallel_loop3A_1834, %parallel_loop3A_1841 : i32
        %parallel_loop3A_1843 = arith.remsi %parallel_loop3A_1820, %parallel_loop3A_1826 : i32
        %parallel_loop3A_1844 = arith.constant 0 : i32
        %parallel_loop3A_1845 = arith.cmpi ne, %parallel_loop3A_1843, %parallel_loop3A_1844 : i32
        %parallel_loop3A_1846 = arith.andi %parallel_loop3A_1842, %parallel_loop3A_1845 : i1
        %parallel_loop3A_1847 = arith.constant 1 : i32
        %parallel_loop3A_1848 = arith.subi %parallel_loop3A_1827, %parallel_loop3A_1847 : i32
        %parallel_loop3A_1849 = arith.select %parallel_loop3A_1846, %parallel_loop3A_1848, %parallel_loop3A_1827 : i32
        %parallel_loop3A_1850 = arith.constant 128 : i32
        %parallel_loop3A_1851 = arith.muli %parallel_loop3A_1849, %parallel_loop3A_1850 : i32
        %parallel_loop3A_1852 = arith.subi %parallel_loop3A_1820, %parallel_loop3A_1851 : i32
        %parallel_loop3A_1853 = arith.constant 0 : i32
        %parallel_loop3A_1854 = vector.broadcast %parallel_loop3A_1853 : i32 to vector<16xi32>
        %parallel_loop3A_1855 = arith.addi %parallel_loop3A_1822, %parallel_loop3A_1854 : vector<16xi32>
        %parallel_loop3A_1856 = tpu.vector_load_idx %arg18[%parallel_loop3A_1855] : memref<14112xf32, #tpu.memory_space<vmem>>[vector<16xi32>], vector<16xf32>,
        %parallel_loop3A_1857 = arith.constant 0 : i64
        %parallel_loop3A_1858 = arith.constant 0 : i64
        %parallel_loop3A_1859 = arith.index_cast %parallel_loop3A_1857 : i64 to index
        %parallel_loop3A_1860 = arith.index_cast %parallel_loop3A_1849 : i32 to index
        %parallel_loop3A_1861 = arith.index_cast %parallel_loop3A_1858 : i64 to index
        %parallel_loop3A_1862 = arith.index_cast %parallel_loop3A_1852 : i32 to index
        %parallel_loop3A_1863 = tpu.vector_load %arg20[%parallel_loop3A_1859, %parallel_loop3A_1860, %parallel_loop3A_1861, %parallel_loop3A_1862] {strides = array<i32>} : memref<4x2x8x128xf32, #tpu.memory_space<vmem>>, vector<16xf32>,
        tpu.vector_store %arg20[%parallel_loop3A_1859, %parallel_loop3A_1860, %parallel_loop3A_1861, %parallel_loop3A_1862], %parallel_loop3A_1856 {strides = array<i32>} : memref<4x2x8x128xf32, #tpu.memory_space<vmem>>, vector<16xf32>,
        %parallel_loop3A_1864 = arith.constant 0 : i32
        %parallel_loop3A_1865 = vector.broadcast %parallel_loop3A_1864 : i32 to vector<16xi32>
        %parallel_loop3A_1866 = arith.addi %parallel_loop3A_1824, %parallel_loop3A_1865 : vector<16xi32>
        %parallel_loop3A_1867 = tpu.vector_load_idx %arg19[%parallel_loop3A_1866] : memref<56448xf32, #tpu.memory_space<vmem>>[vector<16xi32>], vector<16xf32>,
        %parallel_loop3A_1868 = arith.constant 0 : i64
        %parallel_loop3A_1869 = arith.constant 0 : i64
        %parallel_loop3A_1870 = arith.index_cast %parallel_loop3A_1868 : i64 to index
        %parallel_loop3A_1871 = arith.index_cast %parallel_loop3A_1849 : i32 to index
        %parallel_loop3A_1872 = arith.index_cast %parallel_loop3A_1869 : i64 to index
        %parallel_loop3A_1873 = arith.index_cast %parallel_loop3A_1852 : i32 to index
        %parallel_loop3A_1874 = tpu.vector_load %arg21[%parallel_loop3A_1870, %parallel_loop3A_1871, %parallel_loop3A_1872, %parallel_loop3A_1873] {strides = array<i32>} : memref<4x2x8x128xf32, #tpu.memory_space<vmem>>, vector<16xf32>,
        tpu.vector_store %arg21[%parallel_loop3A_1870, %parallel_loop3A_1871, %parallel_loop3A_1872, %parallel_loop3A_1873], %parallel_loop3A_1867 {strides = array<i32>} : memref<4x2x8x128xf32, #tpu.memory_space<vmem>>, vector<16xf32>,
        %parallel_loop3A_1875 = arith.constant 441 : i32
        %parallel_loop3A_1876 = vector.broadcast %parallel_loop3A_1875 : i32 to vector<16xi32>
        %parallel_loop3A_1877 = arith.addi %parallel_loop3A_1822, %parallel_loop3A_1876 : vector<16xi32>
        %parallel_loop3A_1878 = tpu.vector_load_idx %arg18[%parallel_loop3A_1877] : memref<14112xf32, #tpu.memory_space<vmem>>[vector<16xi32>], vector<16xf32>,
        %parallel_loop3A_1879 = arith.constant 0 : i64
        %parallel_loop3A_1880 = arith.constant 1 : i64
        %parallel_loop3A_1881 = arith.index_cast %parallel_loop3A_1879 : i64 to index
        %parallel_loop3A_1882 = arith.index_cast %parallel_loop3A_1849 : i32 to index
        %parallel_loop3A_1883 = arith.index_cast %parallel_loop3A_1880 : i64 to index
        %parallel_loop3A_1884 = arith.index_cast %parallel_loop3A_1852 : i32 to index
        %parallel_loop3A_1885 = tpu.vector_load %arg20[%parallel_loop3A_1881, %parallel_loop3A_1882, %parallel_loop3A_1883, %parallel_loop3A_1884] {strides = array<i32>} : memref<4x2x8x128xf32, #tpu.memory_space<vmem>>, vector<16xf32>,
        tpu.vector_store %arg20[%parallel_loop3A_1881, %parallel_loop3A_1882, %parallel_loop3A_1883, %parallel_loop3A_1884], %parallel_loop3A_1878 {strides = array<i32>} : memref<4x2x8x128xf32, #tpu.memory_space<vmem>>, vector<16xf32>,
        %parallel_loop3A_1886 = arith.constant 1764 : i32
        %parallel_loop3A_1887 = vector.broadcast %parallel_loop3A_1886 : i32 to vector<16xi32>
        %parallel_loop3A_1888 = arith.addi %parallel_loop3A_1824, %parallel_loop3A_1887 : vector<16xi32>
        %parallel_loop3A_1889 = tpu.vector_load_idx %arg19[%parallel_loop3A_1888] : memref<56448xf32, #tpu.memory_space<vmem>>[vector<16xi32>], vector<16xf32>,
        %parallel_loop3A_1890 = arith.constant 0 : i64
        %parallel_loop3A_1891 = arith.constant 1 : i64
        %parallel_loop3A_1892 = arith.index_cast %parallel_loop3A_1890 : i64 to index
        %parallel_loop3A_1893 = arith.index_cast %parallel_loop3A_1849 : i32 to index
        %parallel_loop3A_1894 = arith.index_cast %parallel_loop3A_1891 : i64 to index
        %parallel_loop3A_1895 = arith.index_cast %parallel_loop3A_1852 : i32 to index
        %parallel_loop3A_1896 = tpu.vector_load %arg21[%parallel_loop3A_1892, %parallel_loop3A_1893, %parallel_loop3A_1894, %parallel_loop3A_1895] {strides = array<i32>} : memref<4x2x8x128xf32, #tpu.memory_space<vmem>>, vector<16xf32>,
        tpu.vector_store %arg21[%parallel_loop3A_1892, %parallel_loop3A_1893, %parallel_loop3A_1894, %parallel_loop3A_1895], %parallel_loop3A_1889 {strides = array<i32>} : memref<4x2x8x128xf32, #tpu.memory_space<vmem>>, vector<16xf32>,
        %parallel_loop3A_1897 = arith.constant 882 : i32
        %parallel_loop3A_1898 = vector.broadcast %parallel_loop3A_1897 : i32 to vector<16xi32>
        %parallel_loop3A_1899 = arith.addi %parallel_loop3A_1822, %parallel_loop3A_1898 : vector<16xi32>
        %parallel_loop3A_1900 = tpu.vector_load_idx %arg18[%parallel_loop3A_1899] : memref<14112xf32, #tpu.memory_space<vmem>>[vector<16xi32>], vector<16xf32>,
        %parallel_loop3A_1901 = arith.constant 0 : i64
        %parallel_loop3A_1902 = arith.constant 2 : i64
        %parallel_loop3A_1903 = arith.index_cast %parallel_loop3A_1901 : i64 to index
        %parallel_loop3A_1904 = arith.index_cast %parallel_loop3A_1849 : i32 to index
        %parallel_loop3A_1905 = arith.index_cast %parallel_loop3A_1902 : i64 to index
        %parallel_loop3A_1906 = arith.index_cast %parallel_loop3A_1852 : i32 to index
        %parallel_loop3A_1907 = tpu.vector_load %arg20[%parallel_loop3A_1903, %parallel_loop3A_1904, %parallel_loop3A_1905, %parallel_loop3A_1906] {strides = array<i32>} : memref<4x2x8x128xf32, #tpu.memory_space<vmem>>, vector<16xf32>,
        tpu.vector_store %arg20[%parallel_loop3A_1903, %parallel_loop3A_1904, %parallel_loop3A_1905, %parallel_loop3A_1906], %parallel_loop3A_1900 {strides = array<i32>} : memref<4x2x8x128xf32, #tpu.memory_space<vmem>>, vector<16xf32>,
        %parallel_loop3A_1908 = arith.constant 3528 : i32
        %parallel_loop3A_1909 = vector.broadcast %parallel_loop3A_1908 : i32 to vector<16xi32>
        %parallel_loop3A_1910 = arith.addi %parallel_loop3A_1824, %parallel_loop3A_1909 : vector<16xi32>
        %parallel_loop3A_1911 = tpu.vector_load_idx %arg19[%parallel_loop3A_1910] : memref<56448xf32, #tpu.memory_space<vmem>>[vector<16xi32>], vector<16xf32>,
        %parallel_loop3A_1912 = arith.constant 0 : i64
        %parallel_loop3A_1913 = arith.constant 2 : i64
        %parallel_loop3A_1914 = arith.index_cast %parallel_loop3A_1912 : i64 to index
        %parallel_loop3A_1915 = arith.index_cast %parallel_loop3A_1849 : i32 to index
        %parallel_loop3A_1916 = arith.index_cast %parallel_loop3A_1913 : i64 to index
        %parallel_loop3A_1917 = arith.index_cast %parallel_loop3A_1852 : i32 to index
        %parallel_loop3A_1918 = tpu.vector_load %arg21[%parallel_loop3A_1914, %parallel_loop3A_1915, %parallel_loop3A_1916, %parallel_loop3A_1917] {strides = array<i32>} : memref<4x2x8x128xf32, #tpu.memory_space<vmem>>, vector<16xf32>,
        tpu.vector_store %arg21[%parallel_loop3A_1914, %parallel_loop3A_1915, %parallel_loop3A_1916, %parallel_loop3A_1917], %parallel_loop3A_1911 {strides = array<i32>} : memref<4x2x8x128xf32, #tpu.memory_space<vmem>>, vector<16xf32>,
        %parallel_loop3A_1919 = arith.constant 1323 : i32
        %parallel_loop3A_1920 = vector.broadcast %parallel_loop3A_1919 : i32 to vector<16xi32>
        %parallel_loop3A_1921 = arith.addi %parallel_loop3A_1822, %parallel_loop3A_1920 : vector<16xi32>
        %parallel_loop3A_1922 = tpu.vector_load_idx %arg18[%parallel_loop3A_1921] : memref<14112xf32, #tpu.memory_space<vmem>>[vector<16xi32>], vector<16xf32>,
        %parallel_loop3A_1923 = arith.constant 0 : i64
        %parallel_loop3A_1924 = arith.constant 3 : i64
        %parallel_loop3A_1925 = arith.index_cast %parallel_loop3A_1923 : i64 to index
        %parallel_loop3A_1926 = arith.index_cast %parallel_loop3A_1849 : i32 to index
        %parallel_loop3A_1927 = arith.index_cast %parallel_loop3A_1924 : i64 to index
        %parallel_loop3A_1928 = arith.index_cast %parallel_loop3A_1852 : i32 to index
        %parallel_loop3A_1929 = tpu.vector_load %arg20[%parallel_loop3A_1925, %parallel_loop3A_1926, %parallel_loop3A_1927, %parallel_loop3A_1928] {strides = array<i32>} : memref<4x2x8x128xf32, #tpu.memory_space<vmem>>, vector<16xf32>,
        tpu.vector_store %arg20[%parallel_loop3A_1925, %parallel_loop3A_1926, %parallel_loop3A_1927, %parallel_loop3A_1928], %parallel_loop3A_1922 {strides = array<i32>} : memref<4x2x8x128xf32, #tpu.memory_space<vmem>>, vector<16xf32>,
        %parallel_loop3A_1930 = arith.constant 5292 : i32
        %parallel_loop3A_1931 = vector.broadcast %parallel_loop3A_1930 : i32 to vector<16xi32>
        %parallel_loop3A_1932 = arith.addi %parallel_loop3A_1824, %parallel_loop3A_1931 : vector<16xi32>
        %parallel_loop3A_1933 = tpu.vector_load_idx %arg19[%parallel_loop3A_1932] : memref<56448xf32, #tpu.memory_space<vmem>>[vector<16xi32>], vector<16xf32>,
        %parallel_loop3A_1934 = arith.constant 0 : i64
        %parallel_loop3A_1935 = arith.constant 3 : i64
        %parallel_loop3A_1936 = arith.index_cast %parallel_loop3A_1934 : i64 to index
        %parallel_loop3A_1937 = arith.index_cast %parallel_loop3A_1849 : i32 to index
        %parallel_loop3A_1938 = arith.index_cast %parallel_loop3A_1935 : i64 to index
        %parallel_loop3A_1939 = arith.index_cast %parallel_loop3A_1852 : i32 to index
        %parallel_loop3A_1940 = tpu.vector_load %arg21[%parallel_loop3A_1936, %parallel_loop3A_1937, %parallel_loop3A_1938, %parallel_loop3A_1939] {strides = array<i32>} : memref<4x2x8x128xf32, #tpu.memory_space<vmem>>, vector<16xf32>,
        tpu.vector_store %arg21[%parallel_loop3A_1936, %parallel_loop3A_1937, %parallel_loop3A_1938, %parallel_loop3A_1939], %parallel_loop3A_1933 {strides = array<i32>} : memref<4x2x8x128xf32, #tpu.memory_space<vmem>>, vector<16xf32>,
        %parallel_loop3A_1941 = arith.constant 1764 : i32
        %parallel_loop3A_1942 = vector.broadcast %parallel_loop3A_1941 : i32 to vector<16xi32>
        %parallel_loop3A_1943 = arith.addi %parallel_loop3A_1822, %parallel_loop3A_1942 : vector<16xi32>
        %parallel_loop3A_1944 = tpu.vector_load_idx %arg18[%parallel_loop3A_1943] : memref<14112xf32, #tpu.memory_space<vmem>>[vector<16xi32>], vector<16xf32>,
        %parallel_loop3A_1945 = arith.constant 0 : i64
        %parallel_loop3A_1946 = arith.constant 4 : i64
        %parallel_loop3A_1947 = arith.index_cast %parallel_loop3A_1945 : i64 to index
        %parallel_loop3A_1948 = arith.index_cast %parallel_loop3A_1849 : i32 to index
        %parallel_loop3A_1949 = arith.index_cast %parallel_loop3A_1946 : i64 to index
        %parallel_loop3A_1950 = arith.index_cast %parallel_loop3A_1852 : i32 to index
        %parallel_loop3A_1951 = tpu.vector_load %arg20[%parallel_loop3A_1947, %parallel_loop3A_1948, %parallel_loop3A_1949, %parallel_loop3A_1950] {strides = array<i32>} : memref<4x2x8x128xf32, #tpu.memory_space<vmem>>, vector<16xf32>,
        tpu.vector_store %arg20[%parallel_loop3A_1947, %parallel_loop3A_1948, %parallel_loop3A_1949, %parallel_loop3A_1950], %parallel_loop3A_1944 {strides = array<i32>} : memref<4x2x8x128xf32, #tpu.memory_space<vmem>>, vector<16xf32>,
        %parallel_loop3A_1952 = arith.constant 7056 : i32
        %parallel_loop3A_1953 = vector.broadcast %parallel_loop3A_1952 : i32 to vector<16xi32>
        %parallel_loop3A_1954 = arith.addi %parallel_loop3A_1824, %parallel_loop3A_1953 : vector<16xi32>
        %parallel_loop3A_1955 = tpu.vector_load_idx %arg19[%parallel_loop3A_1954] : memref<56448xf32, #tpu.memory_space<vmem>>[vector<16xi32>], vector<16xf32>,
        %parallel_loop3A_1956 = arith.constant 0 : i64
        %parallel_loop3A_1957 = arith.constant 4 : i64
        %parallel_loop3A_1958 = arith.index_cast %parallel_loop3A_1956 : i64 to index
        %parallel_loop3A_1959 = arith.index_cast %parallel_loop3A_1849 : i32 to index
        %parallel_loop3A_1960 = arith.index_cast %parallel_loop3A_1957 : i64 to index
        %parallel_loop3A_1961 = arith.index_cast %parallel_loop3A_1852 : i32 to index
        %parallel_loop3A_1962 = tpu.vector_load %arg21[%parallel_loop3A_1958, %parallel_loop3A_1959, %parallel_loop3A_1960, %parallel_loop3A_1961] {strides = array<i32>} : memref<4x2x8x128xf32, #tpu.memory_space<vmem>>, vector<16xf32>,
        tpu.vector_store %arg21[%parallel_loop3A_1958, %parallel_loop3A_1959, %parallel_loop3A_1960, %parallel_loop3A_1961], %parallel_loop3A_1955 {strides = array<i32>} : memref<4x2x8x128xf32, #tpu.memory_space<vmem>>, vector<16xf32>,
        %parallel_loop3A_1963 = arith.constant 2205 : i32
        %parallel_loop3A_1964 = vector.broadcast %parallel_loop3A_1963 : i32 to vector<16xi32>
        %parallel_loop3A_1965 = arith.addi %parallel_loop3A_1822, %parallel_loop3A_1964 : vector<16xi32>
        %parallel_loop3A_1966 = tpu.vector_load_idx %arg18[%parallel_loop3A_1965] : memref<14112xf32, #tpu.memory_space<vmem>>[vector<16xi32>], vector<16xf32>,
        %parallel_loop3A_1967 = arith.constant 0 : i64
        %parallel_loop3A_1968 = arith.constant 5 : i64
        %parallel_loop3A_1969 = arith.index_cast %parallel_loop3A_1967 : i64 to index
        %parallel_loop3A_1970 = arith.index_cast %parallel_loop3A_1849 : i32 to index
        %parallel_loop3A_1971 = arith.index_cast %parallel_loop3A_1968 : i64 to index
        %parallel_loop3A_1972 = arith.index_cast %parallel_loop3A_1852 : i32 to index
        %parallel_loop3A_1973 = tpu.vector_load %arg20[%parallel_loop3A_1969, %parallel_loop3A_1970, %parallel_loop3A_1971, %parallel_loop3A_1972] {strides = array<i32>} : memref<4x2x8x128xf32, #tpu.memory_space<vmem>>, vector<16xf32>,
        tpu.vector_store %arg20[%parallel_loop3A_1969, %parallel_loop3A_1970, %parallel_loop3A_1971, %parallel_loop3A_1972], %parallel_loop3A_1966 {strides = array<i32>} : memref<4x2x8x128xf32, #tpu.memory_space<vmem>>, vector<16xf32>,
        %parallel_loop3A_1974 = arith.constant 8820 : i32
        %parallel_loop3A_1975 = vector.broadcast %parallel_loop3A_1974 : i32 to vector<16xi32>
        %parallel_loop3A_1976 = arith.addi %parallel_loop3A_1824, %parallel_loop3A_1975 : vector<16xi32>
        %parallel_loop3A_1977 = tpu.vector_load_idx %arg19[%parallel_loop3A_1976] : memref<56448xf32, #tpu.memory_space<vmem>>[vector<16xi32>], vector<16xf32>,
        %parallel_loop3A_1978 = arith.constant 0 : i64
        %parallel_loop3A_1979 = arith.constant 5 : i64
        %parallel_loop3A_1980 = arith.index_cast %parallel_loop3A_1978 : i64 to index
        %parallel_loop3A_1981 = arith.index_cast %parallel_loop3A_1849 : i32 to index
        %parallel_loop3A_1982 = arith.index_cast %parallel_loop3A_1979 : i64 to index
        %parallel_loop3A_1983 = arith.index_cast %parallel_loop3A_1852 : i32 to index
        %parallel_loop3A_1984 = tpu.vector_load %arg21[%parallel_loop3A_1980, %parallel_loop3A_1981, %parallel_loop3A_1982, %parallel_loop3A_1983] {strides = array<i32>} : memref<4x2x8x128xf32, #tpu.memory_space<vmem>>, vector<16xf32>,
        tpu.vector_store %arg21[%parallel_loop3A_1980, %parallel_loop3A_1981, %parallel_loop3A_1982, %parallel_loop3A_1983], %parallel_loop3A_1977 {strides = array<i32>} : memref<4x2x8x128xf32, #tpu.memory_space<vmem>>, vector<16xf32>,
        %parallel_loop3A_1985 = arith.constant 2646 : i32
        %parallel_loop3A_1986 = vector.broadcast %parallel_loop3A_1985 : i32 to vector<16xi32>
        %parallel_loop3A_1987 = arith.addi %parallel_loop3A_1822, %parallel_loop3A_1986 : vector<16xi32>
        %parallel_loop3A_1988 = tpu.vector_load_idx %arg18[%parallel_loop3A_1987] : memref<14112xf32, #tpu.memory_space<vmem>>[vector<16xi32>], vector<16xf32>,
        %parallel_loop3A_1989 = arith.constant 0 : i64
        %parallel_loop3A_1990 = arith.constant 6 : i64
        %parallel_loop3A_1991 = arith.index_cast %parallel_loop3A_1989 : i64 to index
        %parallel_loop3A_1992 = arith.index_cast %parallel_loop3A_1849 : i32 to index
        %parallel_loop3A_1993 = arith.index_cast %parallel_loop3A_1990 : i64 to index
        %parallel_loop3A_1994 = arith.index_cast %parallel_loop3A_1852 : i32 to index
        %parallel_loop3A_1995 = tpu.vector_load %arg20[%parallel_loop3A_1991, %parallel_loop3A_1992, %parallel_loop3A_1993, %parallel_loop3A_1994] {strides = array<i32>} : memref<4x2x8x128xf32, #tpu.memory_space<vmem>>, vector<16xf32>,
        tpu.vector_store %arg20[%parallel_loop3A_1991, %parallel_loop3A_1992, %parallel_loop3A_1993, %parallel_loop3A_1994], %parallel_loop3A_1988 {strides = array<i32>} : memref<4x2x8x128xf32, #tpu.memory_space<vmem>>, vector<16xf32>,
        %parallel_loop3A_1996 = arith.constant 10584 : i32
        %parallel_loop3A_1997 = vector.broadcast %parallel_loop3A_1996 : i32 to vector<16xi32>
        %parallel_loop3A_1998 = arith.addi %parallel_loop3A_1824, %parallel_loop3A_1997 : vector<16xi32>
        %parallel_loop3A_1999 = tpu.vector_load_idx %arg19[%parallel_loop3A_1998] : memref<56448xf32, #tpu.memory_space<vmem>>[vector<16xi32>], vector<16xf32>,
        %parallel_loop3A_2000 = arith.constant 0 : i64
        %parallel_loop3A_2001 = arith.constant 6 : i64
        %parallel_loop3A_2002 = arith.index_cast %parallel_loop3A_2000 : i64 to index
        %parallel_loop3A_2003 = arith.index_cast %parallel_loop3A_1849 : i32 to index
        %parallel_loop3A_2004 = arith.index_cast %parallel_loop3A_2001 : i64 to index
        %parallel_loop3A_2005 = arith.index_cast %parallel_loop3A_1852 : i32 to index
        %parallel_loop3A_2006 = tpu.vector_load %arg21[%parallel_loop3A_2002, %parallel_loop3A_2003, %parallel_loop3A_2004, %parallel_loop3A_2005] {strides = array<i32>} : memref<4x2x8x128xf32, #tpu.memory_space<vmem>>, vector<16xf32>,
        tpu.vector_store %arg21[%parallel_loop3A_2002, %parallel_loop3A_2003, %parallel_loop3A_2004, %parallel_loop3A_2005], %parallel_loop3A_1999 {strides = array<i32>} : memref<4x2x8x128xf32, #tpu.memory_space<vmem>>, vector<16xf32>,
        %parallel_loop3A_2007 = arith.constant 3087 : i32
        %parallel_loop3A_2008 = vector.broadcast %parallel_loop3A_2007 : i32 to vector<16xi32>
        %parallel_loop3A_2009 = arith.addi %parallel_loop3A_1822, %parallel_loop3A_2008 : vector<16xi32>
        %parallel_loop3A_2010 = tpu.vector_load_idx %arg18[%parallel_loop3A_2009] : memref<14112xf32, #tpu.memory_space<vmem>>[vector<16xi32>], vector<16xf32>,
        %parallel_loop3A_2011 = arith.constant 0 : i64
        %parallel_loop3A_2012 = arith.constant 7 : i64
        %parallel_loop3A_2013 = arith.index_cast %parallel_loop3A_2011 : i64 to index
        %parallel_loop3A_2014 = arith.index_cast %parallel_loop3A_1849 : i32 to index
        %parallel_loop3A_2015 = arith.index_cast %parallel_loop3A_2012 : i64 to index
        %parallel_loop3A_2016 = arith.index_cast %parallel_loop3A_1852 : i32 to index
        %parallel_loop3A_2017 = tpu.vector_load %arg20[%parallel_loop3A_2013, %parallel_loop3A_2014, %parallel_loop3A_2015, %parallel_loop3A_2016] {strides = array<i32>} : memref<4x2x8x128xf32, #tpu.memory_space<vmem>>, vector<16xf32>,
        tpu.vector_store %arg20[%parallel_loop3A_2013, %parallel_loop3A_2014, %parallel_loop3A_2015, %parallel_loop3A_2016], %parallel_loop3A_2010 {strides = array<i32>} : memref<4x2x8x128xf32, #tpu.memory_space<vmem>>, vector<16xf32>,
        %parallel_loop3A_2018 = arith.constant 12348 : i32
        %parallel_loop3A_2019 = vector.broadcast %parallel_loop3A_2018 : i32 to vector<16xi32>
        %parallel_loop3A_2020 = arith.addi %parallel_loop3A_1824, %parallel_loop3A_2019 : vector<16xi32>
        %parallel_loop3A_2021 = tpu.vector_load_idx %arg19[%parallel_loop3A_2020] : memref<56448xf32, #tpu.memory_space<vmem>>[vector<16xi32>], vector<16xf32>,
        %parallel_loop3A_2022 = arith.constant 0 : i64
        %parallel_loop3A_2023 = arith.constant 7 : i64
        %parallel_loop3A_2024 = arith.index_cast %parallel_loop3A_2022 : i64 to index
        %parallel_loop3A_2025 = arith.index_cast %parallel_loop3A_1849 : i32 to index
        %parallel_loop3A_2026 = arith.index_cast %parallel_loop3A_2023 : i64 to index
        %parallel_loop3A_2027 = arith.index_cast %parallel_loop3A_1852 : i32 to index
        %parallel_loop3A_2028 = tpu.vector_load %arg21[%parallel_loop3A_2024, %parallel_loop3A_2025, %parallel_loop3A_2026, %parallel_loop3A_2027] {strides = array<i32>} : memref<4x2x8x128xf32, #tpu.memory_space<vmem>>, vector<16xf32>,
        tpu.vector_store %arg21[%parallel_loop3A_2024, %parallel_loop3A_2025, %parallel_loop3A_2026, %parallel_loop3A_2027], %parallel_loop3A_2021 {strides = array<i32>} : memref<4x2x8x128xf32, #tpu.memory_space<vmem>>, vector<16xf32>,
        %parallel_loop3A_2029 = arith.constant 3528 : i32
        %parallel_loop3A_2030 = vector.broadcast %parallel_loop3A_2029 : i32 to vector<16xi32>
        %parallel_loop3A_2031 = arith.addi %parallel_loop3A_1822, %parallel_loop3A_2030 : vector<16xi32>
        %parallel_loop3A_2032 = tpu.vector_load_idx %arg18[%parallel_loop3A_2031] : memref<14112xf32, #tpu.memory_space<vmem>>[vector<16xi32>], vector<16xf32>,
        %parallel_loop3A_2033 = arith.constant 1 : i64
        %parallel_loop3A_2034 = arith.constant 0 : i64
        %parallel_loop3A_2035 = arith.index_cast %parallel_loop3A_2033 : i64 to index
        %parallel_loop3A_2036 = arith.index_cast %parallel_loop3A_1849 : i32 to index
        %parallel_loop3A_2037 = arith.index_cast %parallel_loop3A_2034 : i64 to index
        %parallel_loop3A_2038 = arith.index_cast %parallel_loop3A_1852 : i32 to index
        %parallel_loop3A_2039 = tpu.vector_load %arg20[%parallel_loop3A_2035, %parallel_loop3A_2036, %parallel_loop3A_2037, %parallel_loop3A_2038] {strides = array<i32>} : memref<4x2x8x128xf32, #tpu.memory_space<vmem>>, vector<16xf32>,
        tpu.vector_store %arg20[%parallel_loop3A_2035, %parallel_loop3A_2036, %parallel_loop3A_2037, %parallel_loop3A_2038], %parallel_loop3A_2032 {strides = array<i32>} : memref<4x2x8x128xf32, #tpu.memory_space<vmem>>, vector<16xf32>,
        %parallel_loop3A_2040 = arith.constant 14112 : i32
        %parallel_loop3A_2041 = vector.broadcast %parallel_loop3A_2040 : i32 to vector<16xi32>
        %parallel_loop3A_2042 = arith.addi %parallel_loop3A_1824, %parallel_loop3A_2041 : vector<16xi32>
        %parallel_loop3A_2043 = tpu.vector_load_idx %arg19[%parallel_loop3A_2042] : memref<56448xf32, #tpu.memory_space<vmem>>[vector<16xi32>], vector<16xf32>,
        %parallel_loop3A_2044 = arith.constant 1 : i64
        %parallel_loop3A_2045 = arith.constant 0 : i64
        %parallel_loop3A_2046 = arith.index_cast %parallel_loop3A_2044 : i64 to index
        %parallel_loop3A_2047 = arith.index_cast %parallel_loop3A_1849 : i32 to index
        %parallel_loop3A_2048 = arith.index_cast %parallel_loop3A_2045 : i64 to index
        %parallel_loop3A_2049 = arith.index_cast %parallel_loop3A_1852 : i32 to index
        %parallel_loop3A_2050 = tpu.vector_load %arg21[%parallel_loop3A_2046, %parallel_loop3A_2047, %parallel_loop3A_2048, %parallel_loop3A_2049] {strides = array<i32>} : memref<4x2x8x128xf32, #tpu.memory_space<vmem>>, vector<16xf32>,
        tpu.vector_store %arg21[%parallel_loop3A_2046, %parallel_loop3A_2047, %parallel_loop3A_2048, %parallel_loop3A_2049], %parallel_loop3A_2043 {strides = array<i32>} : memref<4x2x8x128xf32, #tpu.memory_space<vmem>>, vector<16xf32>,
        %parallel_loop3A_2051 = arith.constant 3969 : i32
        %parallel_loop3A_2052 = vector.broadcast %parallel_loop3A_2051 : i32 to vector<16xi32>
        %parallel_loop3A_2053 = arith.addi %parallel_loop3A_1822, %parallel_loop3A_2052 : vector<16xi32>
        %parallel_loop3A_2054 = tpu.vector_load_idx %arg18[%parallel_loop3A_2053] : memref<14112xf32, #tpu.memory_space<vmem>>[vector<16xi32>], vector<16xf32>,
        %parallel_loop3A_2055 = arith.constant 1 : i64
        %parallel_loop3A_2056 = arith.constant 1 : i64
        %parallel_loop3A_2057 = arith.index_cast %parallel_loop3A_2055 : i64 to index
        %parallel_loop3A_2058 = arith.index_cast %parallel_loop3A_1849 : i32 to index
        %parallel_loop3A_2059 = arith.index_cast %parallel_loop3A_2056 : i64 to index
        %parallel_loop3A_2060 = arith.index_cast %parallel_loop3A_1852 : i32 to index
        %parallel_loop3A_2061 = tpu.vector_load %arg20[%parallel_loop3A_2057, %parallel_loop3A_2058, %parallel_loop3A_2059, %parallel_loop3A_2060] {strides = array<i32>} : memref<4x2x8x128xf32, #tpu.memory_space<vmem>>, vector<16xf32>,
        tpu.vector_store %arg20[%parallel_loop3A_2057, %parallel_loop3A_2058, %parallel_loop3A_2059, %parallel_loop3A_2060], %parallel_loop3A_2054 {strides = array<i32>} : memref<4x2x8x128xf32, #tpu.memory_space<vmem>>, vector<16xf32>,
        %parallel_loop3A_2062 = arith.constant 15876 : i32
        %parallel_loop3A_2063 = vector.broadcast %parallel_loop3A_2062 : i32 to vector<16xi32>
        %parallel_loop3A_2064 = arith.addi %parallel_loop3A_1824, %parallel_loop3A_2063 : vector<16xi32>
        %parallel_loop3A_2065 = tpu.vector_load_idx %arg19[%parallel_loop3A_2064] : memref<56448xf32, #tpu.memory_space<vmem>>[vector<16xi32>], vector<16xf32>,
        %parallel_loop3A_2066 = arith.constant 1 : i64
        %parallel_loop3A_2067 = arith.constant 1 : i64
        %parallel_loop3A_2068 = arith.index_cast %parallel_loop3A_2066 : i64 to index
        %parallel_loop3A_2069 = arith.index_cast %parallel_loop3A_1849 : i32 to index
        %parallel_loop3A_2070 = arith.index_cast %parallel_loop3A_2067 : i64 to index
        %parallel_loop3A_2071 = arith.index_cast %parallel_loop3A_1852 : i32 to index
        %parallel_loop3A_2072 = tpu.vector_load %arg21[%parallel_loop3A_2068, %parallel_loop3A_2069, %parallel_loop3A_2070, %parallel_loop3A_2071] {strides = array<i32>} : memref<4x2x8x128xf32, #tpu.memory_space<vmem>>, vector<16xf32>,
        tpu.vector_store %arg21[%parallel_loop3A_2068, %parallel_loop3A_2069, %parallel_loop3A_2070, %parallel_loop3A_2071], %parallel_loop3A_2065 {strides = array<i32>} : memref<4x2x8x128xf32, #tpu.memory_space<vmem>>, vector<16xf32>,
        %parallel_loop3A_2073 = arith.constant 4410 : i32
        %parallel_loop3A_2074 = vector.broadcast %parallel_loop3A_2073 : i32 to vector<16xi32>
        %parallel_loop3A_2075 = arith.addi %parallel_loop3A_1822, %parallel_loop3A_2074 : vector<16xi32>
        %parallel_loop3A_2076 = tpu.vector_load_idx %arg18[%parallel_loop3A_2075] : memref<14112xf32, #tpu.memory_space<vmem>>[vector<16xi32>], vector<16xf32>,
        %parallel_loop3A_2077 = arith.constant 1 : i64
        %parallel_loop3A_2078 = arith.constant 2 : i64
        %parallel_loop3A_2079 = arith.index_cast %parallel_loop3A_2077 : i64 to index
        %parallel_loop3A_2080 = arith.index_cast %parallel_loop3A_1849 : i32 to index
        %parallel_loop3A_2081 = arith.index_cast %parallel_loop3A_2078 : i64 to index
        %parallel_loop3A_2082 = arith.index_cast %parallel_loop3A_1852 : i32 to index
        %parallel_loop3A_2083 = tpu.vector_load %arg20[%parallel_loop3A_2079, %parallel_loop3A_2080, %parallel_loop3A_2081, %parallel_loop3A_2082] {strides = array<i32>} : memref<4x2x8x128xf32, #tpu.memory_space<vmem>>, vector<16xf32>,
        tpu.vector_store %arg20[%parallel_loop3A_2079, %parallel_loop3A_2080, %parallel_loop3A_2081, %parallel_loop3A_2082], %parallel_loop3A_2076 {strides = array<i32>} : memref<4x2x8x128xf32, #tpu.memory_space<vmem>>, vector<16xf32>,
        %parallel_loop3A_2084 = arith.constant 17640 : i32
        %parallel_loop3A_2085 = vector.broadcast %parallel_loop3A_2084 : i32 to vector<16xi32>
        %parallel_loop3A_2086 = arith.addi %parallel_loop3A_1824, %parallel_loop3A_2085 : vector<16xi32>
        %parallel_loop3A_2087 = tpu.vector_load_idx %arg19[%parallel_loop3A_2086] : memref<56448xf32, #tpu.memory_space<vmem>>[vector<16xi32>], vector<16xf32>,
        %parallel_loop3A_2088 = arith.constant 1 : i64
        %parallel_loop3A_2089 = arith.constant 2 : i64
        %parallel_loop3A_2090 = arith.index_cast %parallel_loop3A_2088 : i64 to index
        %parallel_loop3A_2091 = arith.index_cast %parallel_loop3A_1849 : i32 to index
        %parallel_loop3A_2092 = arith.index_cast %parallel_loop3A_2089 : i64 to index
        %parallel_loop3A_2093 = arith.index_cast %parallel_loop3A_1852 : i32 to index
        %parallel_loop3A_2094 = tpu.vector_load %arg21[%parallel_loop3A_2090, %parallel_loop3A_2091, %parallel_loop3A_2092, %parallel_loop3A_2093] {strides = array<i32>} : memref<4x2x8x128xf32, #tpu.memory_space<vmem>>, vector<16xf32>,
        tpu.vector_store %arg21[%parallel_loop3A_2090, %parallel_loop3A_2091, %parallel_loop3A_2092, %parallel_loop3A_2093], %parallel_loop3A_2087 {strides = array<i32>} : memref<4x2x8x128xf32, #tpu.memory_space<vmem>>, vector<16xf32>,
        %parallel_loop3A_2095 = arith.constant 4851 : i32
        %parallel_loop3A_2096 = vector.broadcast %parallel_loop3A_2095 : i32 to vector<16xi32>
        %parallel_loop3A_2097 = arith.addi %parallel_loop3A_1822, %parallel_loop3A_2096 : vector<16xi32>
        %parallel_loop3A_2098 = tpu.vector_load_idx %arg18[%parallel_loop3A_2097] : memref<14112xf32, #tpu.memory_space<vmem>>[vector<16xi32>], vector<16xf32>,
        %parallel_loop3A_2099 = arith.constant 1 : i64
        %parallel_loop3A_2100 = arith.constant 3 : i64
        %parallel_loop3A_2101 = arith.index_cast %parallel_loop3A_2099 : i64 to index
        %parallel_loop3A_2102 = arith.index_cast %parallel_loop3A_1849 : i32 to index
        %parallel_loop3A_2103 = arith.index_cast %parallel_loop3A_2100 : i64 to index
        %parallel_loop3A_2104 = arith.index_cast %parallel_loop3A_1852 : i32 to index
        %parallel_loop3A_2105 = tpu.vector_load %arg20[%parallel_loop3A_2101, %parallel_loop3A_2102, %parallel_loop3A_2103, %parallel_loop3A_2104] {strides = array<i32>} : memref<4x2x8x128xf32, #tpu.memory_space<vmem>>, vector<16xf32>,
        tpu.vector_store %arg20[%parallel_loop3A_2101, %parallel_loop3A_2102, %parallel_loop3A_2103, %parallel_loop3A_2104], %parallel_loop3A_2098 {strides = array<i32>} : memref<4x2x8x128xf32, #tpu.memory_space<vmem>>, vector<16xf32>,
        %parallel_loop3A_2106 = arith.constant 19404 : i32
        %parallel_loop3A_2107 = vector.broadcast %parallel_loop3A_2106 : i32 to vector<16xi32>
        %parallel_loop3A_2108 = arith.addi %parallel_loop3A_1824, %parallel_loop3A_2107 : vector<16xi32>
        %parallel_loop3A_2109 = tpu.vector_load_idx %arg19[%parallel_loop3A_2108] : memref<56448xf32, #tpu.memory_space<vmem>>[vector<16xi32>], vector<16xf32>,
        %parallel_loop3A_2110 = arith.constant 1 : i64
        %parallel_loop3A_2111 = arith.constant 3 : i64
        %parallel_loop3A_2112 = arith.index_cast %parallel_loop3A_2110 : i64 to index
        %parallel_loop3A_2113 = arith.index_cast %parallel_loop3A_1849 : i32 to index
        %parallel_loop3A_2114 = arith.index_cast %parallel_loop3A_2111 : i64 to index
        %parallel_loop3A_2115 = arith.index_cast %parallel_loop3A_1852 : i32 to index
        %parallel_loop3A_2116 = tpu.vector_load %arg21[%parallel_loop3A_2112, %parallel_loop3A_2113, %parallel_loop3A_2114, %parallel_loop3A_2115] {strides = array<i32>} : memref<4x2x8x128xf32, #tpu.memory_space<vmem>>, vector<16xf32>,
        tpu.vector_store %arg21[%parallel_loop3A_2112, %parallel_loop3A_2113, %parallel_loop3A_2114, %parallel_loop3A_2115], %parallel_loop3A_2109 {strides = array<i32>} : memref<4x2x8x128xf32, #tpu.memory_space<vmem>>, vector<16xf32>,
        %parallel_loop3A_2117 = arith.constant 5292 : i32
        %parallel_loop3A_2118 = vector.broadcast %parallel_loop3A_2117 : i32 to vector<16xi32>
        %parallel_loop3A_2119 = arith.addi %parallel_loop3A_1822, %parallel_loop3A_2118 : vector<16xi32>
        %parallel_loop3A_2120 = tpu.vector_load_idx %arg18[%parallel_loop3A_2119] : memref<14112xf32, #tpu.memory_space<vmem>>[vector<16xi32>], vector<16xf32>,
        %parallel_loop3A_2121 = arith.constant 1 : i64
        %parallel_loop3A_2122 = arith.constant 4 : i64
        %parallel_loop3A_2123 = arith.index_cast %parallel_loop3A_2121 : i64 to index
        %parallel_loop3A_2124 = arith.index_cast %parallel_loop3A_1849 : i32 to index
        %parallel_loop3A_2125 = arith.index_cast %parallel_loop3A_2122 : i64 to index
        %parallel_loop3A_2126 = arith.index_cast %parallel_loop3A_1852 : i32 to index
        %parallel_loop3A_2127 = tpu.vector_load %arg20[%parallel_loop3A_2123, %parallel_loop3A_2124, %parallel_loop3A_2125, %parallel_loop3A_2126] {strides = array<i32>} : memref<4x2x8x128xf32, #tpu.memory_space<vmem>>, vector<16xf32>,
        tpu.vector_store %arg20[%parallel_loop3A_2123, %parallel_loop3A_2124, %parallel_loop3A_2125, %parallel_loop3A_2126], %parallel_loop3A_2120 {strides = array<i32>} : memref<4x2x8x128xf32, #tpu.memory_space<vmem>>, vector<16xf32>,
        %parallel_loop3A_2128 = arith.constant 21168 : i32
        %parallel_loop3A_2129 = vector.broadcast %parallel_loop3A_2128 : i32 to vector<16xi32>
        %parallel_loop3A_2130 = arith.addi %parallel_loop3A_1824, %parallel_loop3A_2129 : vector<16xi32>
        %parallel_loop3A_2131 = tpu.vector_load_idx %arg19[%parallel_loop3A_2130] : memref<56448xf32, #tpu.memory_space<vmem>>[vector<16xi32>], vector<16xf32>,
        %parallel_loop3A_2132 = arith.constant 1 : i64
        %parallel_loop3A_2133 = arith.constant 4 : i64
        %parallel_loop3A_2134 = arith.index_cast %parallel_loop3A_2132 : i64 to index
        %parallel_loop3A_2135 = arith.index_cast %parallel_loop3A_1849 : i32 to index
        %parallel_loop3A_2136 = arith.index_cast %parallel_loop3A_2133 : i64 to index
        %parallel_loop3A_2137 = arith.index_cast %parallel_loop3A_1852 : i32 to index
        %parallel_loop3A_2138 = tpu.vector_load %arg21[%parallel_loop3A_2134, %parallel_loop3A_2135, %parallel_loop3A_2136, %parallel_loop3A_2137] {strides = array<i32>} : memref<4x2x8x128xf32, #tpu.memory_space<vmem>>, vector<16xf32>,
        tpu.vector_store %arg21[%parallel_loop3A_2134, %parallel_loop3A_2135, %parallel_loop3A_2136, %parallel_loop3A_2137], %parallel_loop3A_2131 {strides = array<i32>} : memref<4x2x8x128xf32, #tpu.memory_space<vmem>>, vector<16xf32>,
        %parallel_loop3A_2139 = arith.constant 5733 : i32
        %parallel_loop3A_2140 = vector.broadcast %parallel_loop3A_2139 : i32 to vector<16xi32>
        %parallel_loop3A_2141 = arith.addi %parallel_loop3A_1822, %parallel_loop3A_2140 : vector<16xi32>
        %parallel_loop3A_2142 = tpu.vector_load_idx %arg18[%parallel_loop3A_2141] : memref<14112xf32, #tpu.memory_space<vmem>>[vector<16xi32>], vector<16xf32>,
        %parallel_loop3A_2143 = arith.constant 1 : i64
        %parallel_loop3A_2144 = arith.constant 5 : i64
        %parallel_loop3A_2145 = arith.index_cast %parallel_loop3A_2143 : i64 to index
        %parallel_loop3A_2146 = arith.index_cast %parallel_loop3A_1849 : i32 to index
        %parallel_loop3A_2147 = arith.index_cast %parallel_loop3A_2144 : i64 to index
        %parallel_loop3A_2148 = arith.index_cast %parallel_loop3A_1852 : i32 to index
        %parallel_loop3A_2149 = tpu.vector_load %arg20[%parallel_loop3A_2145, %parallel_loop3A_2146, %parallel_loop3A_2147, %parallel_loop3A_2148] {strides = array<i32>} : memref<4x2x8x128xf32, #tpu.memory_space<vmem>>, vector<16xf32>,
        tpu.vector_store %arg20[%parallel_loop3A_2145, %parallel_loop3A_2146, %parallel_loop3A_2147, %parallel_loop3A_2148], %parallel_loop3A_2142 {strides = array<i32>} : memref<4x2x8x128xf32, #tpu.memory_space<vmem>>, vector<16xf32>,
        %parallel_loop3A_2150 = arith.constant 22932 : i32
        %parallel_loop3A_2151 = vector.broadcast %parallel_loop3A_2150 : i32 to vector<16xi32>
        %parallel_loop3A_2152 = arith.addi %parallel_loop3A_1824, %parallel_loop3A_2151 : vector<16xi32>
        %parallel_loop3A_2153 = tpu.vector_load_idx %arg19[%parallel_loop3A_2152] : memref<56448xf32, #tpu.memory_space<vmem>>[vector<16xi32>], vector<16xf32>,
        %parallel_loop3A_2154 = arith.constant 1 : i64
        %parallel_loop3A_2155 = arith.constant 5 : i64
        %parallel_loop3A_2156 = arith.index_cast %parallel_loop3A_2154 : i64 to index
        %parallel_loop3A_2157 = arith.index_cast %parallel_loop3A_1849 : i32 to index
        %parallel_loop3A_2158 = arith.index_cast %parallel_loop3A_2155 : i64 to index
        %parallel_loop3A_2159 = arith.index_cast %parallel_loop3A_1852 : i32 to index
        %parallel_loop3A_2160 = tpu.vector_load %arg21[%parallel_loop3A_2156, %parallel_loop3A_2157, %parallel_loop3A_2158, %parallel_loop3A_2159] {strides = array<i32>} : memref<4x2x8x128xf32, #tpu.memory_space<vmem>>, vector<16xf32>,
        tpu.vector_store %arg21[%parallel_loop3A_2156, %parallel_loop3A_2157, %parallel_loop3A_2158, %parallel_loop3A_2159], %parallel_loop3A_2153 {strides = array<i32>} : memref<4x2x8x128xf32, #tpu.memory_space<vmem>>, vector<16xf32>,
        %parallel_loop3A_2161 = arith.constant 6174 : i32
        %parallel_loop3A_2162 = vector.broadcast %parallel_loop3A_2161 : i32 to vector<16xi32>
        %parallel_loop3A_2163 = arith.addi %parallel_loop3A_1822, %parallel_loop3A_2162 : vector<16xi32>
        %parallel_loop3A_2164 = tpu.vector_load_idx %arg18[%parallel_loop3A_2163] : memref<14112xf32, #tpu.memory_space<vmem>>[vector<16xi32>], vector<16xf32>,
        %parallel_loop3A_2165 = arith.constant 1 : i64
        %parallel_loop3A_2166 = arith.constant 6 : i64
        %parallel_loop3A_2167 = arith.index_cast %parallel_loop3A_2165 : i64 to index
        %parallel_loop3A_2168 = arith.index_cast %parallel_loop3A_1849 : i32 to index
        %parallel_loop3A_2169 = arith.index_cast %parallel_loop3A_2166 : i64 to index
        %parallel_loop3A_2170 = arith.index_cast %parallel_loop3A_1852 : i32 to index
        %parallel_loop3A_2171 = tpu.vector_load %arg20[%parallel_loop3A_2167, %parallel_loop3A_2168, %parallel_loop3A_2169, %parallel_loop3A_2170] {strides = array<i32>} : memref<4x2x8x128xf32, #tpu.memory_space<vmem>>, vector<16xf32>,
        tpu.vector_store %arg20[%parallel_loop3A_2167, %parallel_loop3A_2168, %parallel_loop3A_2169, %parallel_loop3A_2170], %parallel_loop3A_2164 {strides = array<i32>} : memref<4x2x8x128xf32, #tpu.memory_space<vmem>>, vector<16xf32>,
        %parallel_loop3A_2172 = arith.constant 24696 : i32
        %parallel_loop3A_2173 = vector.broadcast %parallel_loop3A_2172 : i32 to vector<16xi32>
        %parallel_loop3A_2174 = arith.addi %parallel_loop3A_1824, %parallel_loop3A_2173 : vector<16xi32>
        %parallel_loop3A_2175 = tpu.vector_load_idx %arg19[%parallel_loop3A_2174] : memref<56448xf32, #tpu.memory_space<vmem>>[vector<16xi32>], vector<16xf32>,
        %parallel_loop3A_2176 = arith.constant 1 : i64
        %parallel_loop3A_2177 = arith.constant 6 : i64
        %parallel_loop3A_2178 = arith.index_cast %parallel_loop3A_2176 : i64 to index
        %parallel_loop3A_2179 = arith.index_cast %parallel_loop3A_1849 : i32 to index
        %parallel_loop3A_2180 = arith.index_cast %parallel_loop3A_2177 : i64 to index
        %parallel_loop3A_2181 = arith.index_cast %parallel_loop3A_1852 : i32 to index
        %parallel_loop3A_2182 = tpu.vector_load %arg21[%parallel_loop3A_2178, %parallel_loop3A_2179, %parallel_loop3A_2180, %parallel_loop3A_2181] {strides = array<i32>} : memref<4x2x8x128xf32, #tpu.memory_space<vmem>>, vector<16xf32>,
        tpu.vector_store %arg21[%parallel_loop3A_2178, %parallel_loop3A_2179, %parallel_loop3A_2180, %parallel_loop3A_2181], %parallel_loop3A_2175 {strides = array<i32>} : memref<4x2x8x128xf32, #tpu.memory_space<vmem>>, vector<16xf32>,
        %parallel_loop3A_2183 = arith.constant 6615 : i32
        %parallel_loop3A_2184 = vector.broadcast %parallel_loop3A_2183 : i32 to vector<16xi32>
        %parallel_loop3A_2185 = arith.addi %parallel_loop3A_1822, %parallel_loop3A_2184 : vector<16xi32>
        %parallel_loop3A_2186 = tpu.vector_load_idx %arg18[%parallel_loop3A_2185] : memref<14112xf32, #tpu.memory_space<vmem>>[vector<16xi32>], vector<16xf32>,
        %parallel_loop3A_2187 = arith.constant 1 : i64
        %parallel_loop3A_2188 = arith.constant 7 : i64
        %parallel_loop3A_2189 = arith.index_cast %parallel_loop3A_2187 : i64 to index
        %parallel_loop3A_2190 = arith.index_cast %parallel_loop3A_1849 : i32 to index
        %parallel_loop3A_2191 = arith.index_cast %parallel_loop3A_2188 : i64 to index
        %parallel_loop3A_2192 = arith.index_cast %parallel_loop3A_1852 : i32 to index
        %parallel_loop3A_2193 = tpu.vector_load %arg20[%parallel_loop3A_2189, %parallel_loop3A_2190, %parallel_loop3A_2191, %parallel_loop3A_2192] {strides = array<i32>} : memref<4x2x8x128xf32, #tpu.memory_space<vmem>>, vector<16xf32>,
        tpu.vector_store %arg20[%parallel_loop3A_2189, %parallel_loop3A_2190, %parallel_loop3A_2191, %parallel_loop3A_2192], %parallel_loop3A_2186 {strides = array<i32>} : memref<4x2x8x128xf32, #tpu.memory_space<vmem>>, vector<16xf32>,
        %parallel_loop3A_2194 = arith.constant 26460 : i32
        %parallel_loop3A_2195 = vector.broadcast %parallel_loop3A_2194 : i32 to vector<16xi32>
        %parallel_loop3A_2196 = arith.addi %parallel_loop3A_1824, %parallel_loop3A_2195 : vector<16xi32>
        %parallel_loop3A_2197 = tpu.vector_load_idx %arg19[%parallel_loop3A_2196] : memref<56448xf32, #tpu.memory_space<vmem>>[vector<16xi32>], vector<16xf32>,
        %parallel_loop3A_2198 = arith.constant 1 : i64
        %parallel_loop3A_2199 = arith.constant 7 : i64
        %parallel_loop3A_2200 = arith.index_cast %parallel_loop3A_2198 : i64 to index
        %parallel_loop3A_2201 = arith.index_cast %parallel_loop3A_1849 : i32 to index
        %parallel_loop3A_2202 = arith.index_cast %parallel_loop3A_2199 : i64 to index
        %parallel_loop3A_2203 = arith.index_cast %parallel_loop3A_1852 : i32 to index
        %parallel_loop3A_2204 = tpu.vector_load %arg21[%parallel_loop3A_2200, %parallel_loop3A_2201, %parallel_loop3A_2202, %parallel_loop3A_2203] {strides = array<i32>} : memref<4x2x8x128xf32, #tpu.memory_space<vmem>>, vector<16xf32>,
        tpu.vector_store %arg21[%parallel_loop3A_2200, %parallel_loop3A_2201, %parallel_loop3A_2202, %parallel_loop3A_2203], %parallel_loop3A_2197 {strides = array<i32>} : memref<4x2x8x128xf32, #tpu.memory_space<vmem>>, vector<16xf32>,
        %parallel_loop3A_2205 = arith.constant 7056 : i32
        %parallel_loop3A_2206 = vector.broadcast %parallel_loop3A_2205 : i32 to vector<16xi32>
        %parallel_loop3A_2207 = arith.addi %parallel_loop3A_1822, %parallel_loop3A_2206 : vector<16xi32>
        %parallel_loop3A_2208 = tpu.vector_load_idx %arg18[%parallel_loop3A_2207] : memref<14112xf32, #tpu.memory_space<vmem>>[vector<16xi32>], vector<16xf32>,
        %parallel_loop3A_2209 = arith.constant 2 : i64
        %parallel_loop3A_2210 = arith.constant 0 : i64
        %parallel_loop3A_2211 = arith.index_cast %parallel_loop3A_2209 : i64 to index
        %parallel_loop3A_2212 = arith.index_cast %parallel_loop3A_1849 : i32 to index
        %parallel_loop3A_2213 = arith.index_cast %parallel_loop3A_2210 : i64 to index
        %parallel_loop3A_2214 = arith.index_cast %parallel_loop3A_1852 : i32 to index
        %parallel_loop3A_2215 = tpu.vector_load %arg20[%parallel_loop3A_2211, %parallel_loop3A_2212, %parallel_loop3A_2213, %parallel_loop3A_2214] {strides = array<i32>} : memref<4x2x8x128xf32, #tpu.memory_space<vmem>>, vector<16xf32>,
        tpu.vector_store %arg20[%parallel_loop3A_2211, %parallel_loop3A_2212, %parallel_loop3A_2213, %parallel_loop3A_2214], %parallel_loop3A_2208 {strides = array<i32>} : memref<4x2x8x128xf32, #tpu.memory_space<vmem>>, vector<16xf32>,
        %parallel_loop3A_2216 = arith.constant 28224 : i32
        %parallel_loop3A_2217 = vector.broadcast %parallel_loop3A_2216 : i32 to vector<16xi32>
        %parallel_loop3A_2218 = arith.addi %parallel_loop3A_1824, %parallel_loop3A_2217 : vector<16xi32>
        %parallel_loop3A_2219 = tpu.vector_load_idx %arg19[%parallel_loop3A_2218] : memref<56448xf32, #tpu.memory_space<vmem>>[vector<16xi32>], vector<16xf32>,
        %parallel_loop3A_2220 = arith.constant 2 : i64
        %parallel_loop3A_2221 = arith.constant 0 : i64
        %parallel_loop3A_2222 = arith.index_cast %parallel_loop3A_2220 : i64 to index
        %parallel_loop3A_2223 = arith.index_cast %parallel_loop3A_1849 : i32 to index
        %parallel_loop3A_2224 = arith.index_cast %parallel_loop3A_2221 : i64 to index
        %parallel_loop3A_2225 = arith.index_cast %parallel_loop3A_1852 : i32 to index
        %parallel_loop3A_2226 = tpu.vector_load %arg21[%parallel_loop3A_2222, %parallel_loop3A_2223, %parallel_loop3A_2224, %parallel_loop3A_2225] {strides = array<i32>} : memref<4x2x8x128xf32, #tpu.memory_space<vmem>>, vector<16xf32>,
        tpu.vector_store %arg21[%parallel_loop3A_2222, %parallel_loop3A_2223, %parallel_loop3A_2224, %parallel_loop3A_2225], %parallel_loop3A_2219 {strides = array<i32>} : memref<4x2x8x128xf32, #tpu.memory_space<vmem>>, vector<16xf32>,
        %parallel_loop3A_2227 = arith.constant 7497 : i32
        %parallel_loop3A_2228 = vector.broadcast %parallel_loop3A_2227 : i32 to vector<16xi32>
        %parallel_loop3A_2229 = arith.addi %parallel_loop3A_1822, %parallel_loop3A_2228 : vector<16xi32>
        %parallel_loop3A_2230 = tpu.vector_load_idx %arg18[%parallel_loop3A_2229] : memref<14112xf32, #tpu.memory_space<vmem>>[vector<16xi32>], vector<16xf32>,
        %parallel_loop3A_2231 = arith.constant 2 : i64
        %parallel_loop3A_2232 = arith.constant 1 : i64
        %parallel_loop3A_2233 = arith.index_cast %parallel_loop3A_2231 : i64 to index
        %parallel_loop3A_2234 = arith.index_cast %parallel_loop3A_1849 : i32 to index
        %parallel_loop3A_2235 = arith.index_cast %parallel_loop3A_2232 : i64 to index
        %parallel_loop3A_2236 = arith.index_cast %parallel_loop3A_1852 : i32 to index
        %parallel_loop3A_2237 = tpu.vector_load %arg20[%parallel_loop3A_2233, %parallel_loop3A_2234, %parallel_loop3A_2235, %parallel_loop3A_2236] {strides = array<i32>} : memref<4x2x8x128xf32, #tpu.memory_space<vmem>>, vector<16xf32>,
        tpu.vector_store %arg20[%parallel_loop3A_2233, %parallel_loop3A_2234, %parallel_loop3A_2235, %parallel_loop3A_2236], %parallel_loop3A_2230 {strides = array<i32>} : memref<4x2x8x128xf32, #tpu.memory_space<vmem>>, vector<16xf32>,
        %parallel_loop3A_2238 = arith.constant 29988 : i32
        %parallel_loop3A_2239 = vector.broadcast %parallel_loop3A_2238 : i32 to vector<16xi32>
        %parallel_loop3A_2240 = arith.addi %parallel_loop3A_1824, %parallel_loop3A_2239 : vector<16xi32>
        %parallel_loop3A_2241 = tpu.vector_load_idx %arg19[%parallel_loop3A_2240] : memref<56448xf32, #tpu.memory_space<vmem>>[vector<16xi32>], vector<16xf32>,
        %parallel_loop3A_2242 = arith.constant 2 : i64
        %parallel_loop3A_2243 = arith.constant 1 : i64
        %parallel_loop3A_2244 = arith.index_cast %parallel_loop3A_2242 : i64 to index
        %parallel_loop3A_2245 = arith.index_cast %parallel_loop3A_1849 : i32 to index
        %parallel_loop3A_2246 = arith.index_cast %parallel_loop3A_2243 : i64 to index
        %parallel_loop3A_2247 = arith.index_cast %parallel_loop3A_1852 : i32 to index
        %parallel_loop3A_2248 = tpu.vector_load %arg21[%parallel_loop3A_2244, %parallel_loop3A_2245, %parallel_loop3A_2246, %parallel_loop3A_2247] {strides = array<i32>} : memref<4x2x8x128xf32, #tpu.memory_space<vmem>>, vector<16xf32>,
        tpu.vector_store %arg21[%parallel_loop3A_2244, %parallel_loop3A_2245, %parallel_loop3A_2246, %parallel_loop3A_2247], %parallel_loop3A_2241 {strides = array<i32>} : memref<4x2x8x128xf32, #tpu.memory_space<vmem>>, vector<16xf32>,
        %parallel_loop3A_2249 = arith.constant 7938 : i32
        %parallel_loop3A_2250 = vector.broadcast %parallel_loop3A_2249 : i32 to vector<16xi32>
        %parallel_loop3A_2251 = arith.addi %parallel_loop3A_1822, %parallel_loop3A_2250 : vector<16xi32>
        %parallel_loop3A_2252 = tpu.vector_load_idx %arg18[%parallel_loop3A_2251] : memref<14112xf32, #tpu.memory_space<vmem>>[vector<16xi32>], vector<16xf32>,
        %parallel_loop3A_2253 = arith.constant 2 : i64
        %parallel_loop3A_2254 = arith.constant 2 : i64
        %parallel_loop3A_2255 = arith.index_cast %parallel_loop3A_2253 : i64 to index
        %parallel_loop3A_2256 = arith.index_cast %parallel_loop3A_1849 : i32 to index
        %parallel_loop3A_2257 = arith.index_cast %parallel_loop3A_2254 : i64 to index
        %parallel_loop3A_2258 = arith.index_cast %parallel_loop3A_1852 : i32 to index
        %parallel_loop3A_2259 = tpu.vector_load %arg20[%parallel_loop3A_2255, %parallel_loop3A_2256, %parallel_loop3A_2257, %parallel_loop3A_2258] {strides = array<i32>} : memref<4x2x8x128xf32, #tpu.memory_space<vmem>>, vector<16xf32>,
        tpu.vector_store %arg20[%parallel_loop3A_2255, %parallel_loop3A_2256, %parallel_loop3A_2257, %parallel_loop3A_2258], %parallel_loop3A_2252 {strides = array<i32>} : memref<4x2x8x128xf32, #tpu.memory_space<vmem>>, vector<16xf32>,
        %parallel_loop3A_2260 = arith.constant 31752 : i32
        %parallel_loop3A_2261 = vector.broadcast %parallel_loop3A_2260 : i32 to vector<16xi32>
        %parallel_loop3A_2262 = arith.addi %parallel_loop3A_1824, %parallel_loop3A_2261 : vector<16xi32>
        %parallel_loop3A_2263 = tpu.vector_load_idx %arg19[%parallel_loop3A_2262] : memref<56448xf32, #tpu.memory_space<vmem>>[vector<16xi32>], vector<16xf32>,
        %parallel_loop3A_2264 = arith.constant 2 : i64
        %parallel_loop3A_2265 = arith.constant 2 : i64
        %parallel_loop3A_2266 = arith.index_cast %parallel_loop3A_2264 : i64 to index
        %parallel_loop3A_2267 = arith.index_cast %parallel_loop3A_1849 : i32 to index
        %parallel_loop3A_2268 = arith.index_cast %parallel_loop3A_2265 : i64 to index
        %parallel_loop3A_2269 = arith.index_cast %parallel_loop3A_1852 : i32 to index
        %parallel_loop3A_2270 = tpu.vector_load %arg21[%parallel_loop3A_2266, %parallel_loop3A_2267, %parallel_loop3A_2268, %parallel_loop3A_2269] {strides = array<i32>} : memref<4x2x8x128xf32, #tpu.memory_space<vmem>>, vector<16xf32>,
        tpu.vector_store %arg21[%parallel_loop3A_2266, %parallel_loop3A_2267, %parallel_loop3A_2268, %parallel_loop3A_2269], %parallel_loop3A_2263 {strides = array<i32>} : memref<4x2x8x128xf32, #tpu.memory_space<vmem>>, vector<16xf32>,
        %parallel_loop3A_2271 = arith.constant 8379 : i32
        %parallel_loop3A_2272 = vector.broadcast %parallel_loop3A_2271 : i32 to vector<16xi32>
        %parallel_loop3A_2273 = arith.addi %parallel_loop3A_1822, %parallel_loop3A_2272 : vector<16xi32>
        %parallel_loop3A_2274 = tpu.vector_load_idx %arg18[%parallel_loop3A_2273] : memref<14112xf32, #tpu.memory_space<vmem>>[vector<16xi32>], vector<16xf32>,
        %parallel_loop3A_2275 = arith.constant 2 : i64
        %parallel_loop3A_2276 = arith.constant 3 : i64
        %parallel_loop3A_2277 = arith.index_cast %parallel_loop3A_2275 : i64 to index
        %parallel_loop3A_2278 = arith.index_cast %parallel_loop3A_1849 : i32 to index
        %parallel_loop3A_2279 = arith.index_cast %parallel_loop3A_2276 : i64 to index
        %parallel_loop3A_2280 = arith.index_cast %parallel_loop3A_1852 : i32 to index
        %parallel_loop3A_2281 = tpu.vector_load %arg20[%parallel_loop3A_2277, %parallel_loop3A_2278, %parallel_loop3A_2279, %parallel_loop3A_2280] {strides = array<i32>} : memref<4x2x8x128xf32, #tpu.memory_space<vmem>>, vector<16xf32>,
        tpu.vector_store %arg20[%parallel_loop3A_2277, %parallel_loop3A_2278, %parallel_loop3A_2279, %parallel_loop3A_2280], %parallel_loop3A_2274 {strides = array<i32>} : memref<4x2x8x128xf32, #tpu.memory_space<vmem>>, vector<16xf32>,
        %parallel_loop3A_2282 = arith.constant 33516 : i32
        %parallel_loop3A_2283 = vector.broadcast %parallel_loop3A_2282 : i32 to vector<16xi32>
        %parallel_loop3A_2284 = arith.addi %parallel_loop3A_1824, %parallel_loop3A_2283 : vector<16xi32>
        %parallel_loop3A_2285 = tpu.vector_load_idx %arg19[%parallel_loop3A_2284] : memref<56448xf32, #tpu.memory_space<vmem>>[vector<16xi32>], vector<16xf32>,
        %parallel_loop3A_2286 = arith.constant 2 : i64
        %parallel_loop3A_2287 = arith.constant 3 : i64
        %parallel_loop3A_2288 = arith.index_cast %parallel_loop3A_2286 : i64 to index
        %parallel_loop3A_2289 = arith.index_cast %parallel_loop3A_1849 : i32 to index
        %parallel_loop3A_2290 = arith.index_cast %parallel_loop3A_2287 : i64 to index
        %parallel_loop3A_2291 = arith.index_cast %parallel_loop3A_1852 : i32 to index
        %parallel_loop3A_2292 = tpu.vector_load %arg21[%parallel_loop3A_2288, %parallel_loop3A_2289, %parallel_loop3A_2290, %parallel_loop3A_2291] {strides = array<i32>} : memref<4x2x8x128xf32, #tpu.memory_space<vmem>>, vector<16xf32>,
        tpu.vector_store %arg21[%parallel_loop3A_2288, %parallel_loop3A_2289, %parallel_loop3A_2290, %parallel_loop3A_2291], %parallel_loop3A_2285 {strides = array<i32>} : memref<4x2x8x128xf32, #tpu.memory_space<vmem>>, vector<16xf32>,
        %parallel_loop3A_2293 = arith.constant 8820 : i32
        %parallel_loop3A_2294 = vector.broadcast %parallel_loop3A_2293 : i32 to vector<16xi32>
        %parallel_loop3A_2295 = arith.addi %parallel_loop3A_1822, %parallel_loop3A_2294 : vector<16xi32>
        %parallel_loop3A_2296 = tpu.vector_load_idx %arg18[%parallel_loop3A_2295] : memref<14112xf32, #tpu.memory_space<vmem>>[vector<16xi32>], vector<16xf32>,
        %parallel_loop3A_2297 = arith.constant 2 : i64
        %parallel_loop3A_2298 = arith.constant 4 : i64
        %parallel_loop3A_2299 = arith.index_cast %parallel_loop3A_2297 : i64 to index
        %parallel_loop3A_2300 = arith.index_cast %parallel_loop3A_1849 : i32 to index
        %parallel_loop3A_2301 = arith.index_cast %parallel_loop3A_2298 : i64 to index
        %parallel_loop3A_2302 = arith.index_cast %parallel_loop3A_1852 : i32 to index
        %parallel_loop3A_2303 = tpu.vector_load %arg20[%parallel_loop3A_2299, %parallel_loop3A_2300, %parallel_loop3A_2301, %parallel_loop3A_2302] {strides = array<i32>} : memref<4x2x8x128xf32, #tpu.memory_space<vmem>>, vector<16xf32>,
        tpu.vector_store %arg20[%parallel_loop3A_2299, %parallel_loop3A_2300, %parallel_loop3A_2301, %parallel_loop3A_2302], %parallel_loop3A_2296 {strides = array<i32>} : memref<4x2x8x128xf32, #tpu.memory_space<vmem>>, vector<16xf32>,
        %parallel_loop3A_2304 = arith.constant 35280 : i32
        %parallel_loop3A_2305 = vector.broadcast %parallel_loop3A_2304 : i32 to vector<16xi32>
        %parallel_loop3A_2306 = arith.addi %parallel_loop3A_1824, %parallel_loop3A_2305 : vector<16xi32>
        %parallel_loop3A_2307 = tpu.vector_load_idx %arg19[%parallel_loop3A_2306] : memref<56448xf32, #tpu.memory_space<vmem>>[vector<16xi32>], vector<16xf32>,
        %parallel_loop3A_2308 = arith.constant 2 : i64
        %parallel_loop3A_2309 = arith.constant 4 : i64
        %parallel_loop3A_2310 = arith.index_cast %parallel_loop3A_2308 : i64 to index
        %parallel_loop3A_2311 = arith.index_cast %parallel_loop3A_1849 : i32 to index
        %parallel_loop3A_2312 = arith.index_cast %parallel_loop3A_2309 : i64 to index
        %parallel_loop3A_2313 = arith.index_cast %parallel_loop3A_1852 : i32 to index
        %parallel_loop3A_2314 = tpu.vector_load %arg21[%parallel_loop3A_2310, %parallel_loop3A_2311, %parallel_loop3A_2312, %parallel_loop3A_2313] {strides = array<i32>} : memref<4x2x8x128xf32, #tpu.memory_space<vmem>>, vector<16xf32>,
        tpu.vector_store %arg21[%parallel_loop3A_2310, %parallel_loop3A_2311, %parallel_loop3A_2312, %parallel_loop3A_2313], %parallel_loop3A_2307 {strides = array<i32>} : memref<4x2x8x128xf32, #tpu.memory_space<vmem>>, vector<16xf32>,
        %parallel_loop3A_2315 = arith.constant 9261 : i32
        %parallel_loop3A_2316 = vector.broadcast %parallel_loop3A_2315 : i32 to vector<16xi32>
        %parallel_loop3A_2317 = arith.addi %parallel_loop3A_1822, %parallel_loop3A_2316 : vector<16xi32>
        %parallel_loop3A_2318 = tpu.vector_load_idx %arg18[%parallel_loop3A_2317] : memref<14112xf32, #tpu.memory_space<vmem>>[vector<16xi32>], vector<16xf32>,
        %parallel_loop3A_2319 = arith.constant 2 : i64
        %parallel_loop3A_2320 = arith.constant 5 : i64
        %parallel_loop3A_2321 = arith.index_cast %parallel_loop3A_2319 : i64 to index
        %parallel_loop3A_2322 = arith.index_cast %parallel_loop3A_1849 : i32 to index
        %parallel_loop3A_2323 = arith.index_cast %parallel_loop3A_2320 : i64 to index
        %parallel_loop3A_2324 = arith.index_cast %parallel_loop3A_1852 : i32 to index
        %parallel_loop3A_2325 = tpu.vector_load %arg20[%parallel_loop3A_2321, %parallel_loop3A_2322, %parallel_loop3A_2323, %parallel_loop3A_2324] {strides = array<i32>} : memref<4x2x8x128xf32, #tpu.memory_space<vmem>>, vector<16xf32>,
        tpu.vector_store %arg20[%parallel_loop3A_2321, %parallel_loop3A_2322, %parallel_loop3A_2323, %parallel_loop3A_2324], %parallel_loop3A_2318 {strides = array<i32>} : memref<4x2x8x128xf32, #tpu.memory_space<vmem>>, vector<16xf32>,
        %parallel_loop3A_2326 = arith.constant 37044 : i32
        %parallel_loop3A_2327 = vector.broadcast %parallel_loop3A_2326 : i32 to vector<16xi32>
        %parallel_loop3A_2328 = arith.addi %parallel_loop3A_1824, %parallel_loop3A_2327 : vector<16xi32>
        %parallel_loop3A_2329 = tpu.vector_load_idx %arg19[%parallel_loop3A_2328] : memref<56448xf32, #tpu.memory_space<vmem>>[vector<16xi32>], vector<16xf32>,
        %parallel_loop3A_2330 = arith.constant 2 : i64
        %parallel_loop3A_2331 = arith.constant 5 : i64
        %parallel_loop3A_2332 = arith.index_cast %parallel_loop3A_2330 : i64 to index
        %parallel_loop3A_2333 = arith.index_cast %parallel_loop3A_1849 : i32 to index
        %parallel_loop3A_2334 = arith.index_cast %parallel_loop3A_2331 : i64 to index
        %parallel_loop3A_2335 = arith.index_cast %parallel_loop3A_1852 : i32 to index
        %parallel_loop3A_2336 = tpu.vector_load %arg21[%parallel_loop3A_2332, %parallel_loop3A_2333, %parallel_loop3A_2334, %parallel_loop3A_2335] {strides = array<i32>} : memref<4x2x8x128xf32, #tpu.memory_space<vmem>>, vector<16xf32>,
        tpu.vector_store %arg21[%parallel_loop3A_2332, %parallel_loop3A_2333, %parallel_loop3A_2334, %parallel_loop3A_2335], %parallel_loop3A_2329 {strides = array<i32>} : memref<4x2x8x128xf32, #tpu.memory_space<vmem>>, vector<16xf32>,
        %parallel_loop3A_2337 = arith.constant 9702 : i32
        %parallel_loop3A_2338 = vector.broadcast %parallel_loop3A_2337 : i32 to vector<16xi32>
        %parallel_loop3A_2339 = arith.addi %parallel_loop3A_1822, %parallel_loop3A_2338 : vector<16xi32>
        %parallel_loop3A_2340 = tpu.vector_load_idx %arg18[%parallel_loop3A_2339] : memref<14112xf32, #tpu.memory_space<vmem>>[vector<16xi32>], vector<16xf32>,
        %parallel_loop3A_2341 = arith.constant 2 : i64
        %parallel_loop3A_2342 = arith.constant 6 : i64
        %parallel_loop3A_2343 = arith.index_cast %parallel_loop3A_2341 : i64 to index
        %parallel_loop3A_2344 = arith.index_cast %parallel_loop3A_1849 : i32 to index
        %parallel_loop3A_2345 = arith.index_cast %parallel_loop3A_2342 : i64 to index
        %parallel_loop3A_2346 = arith.index_cast %parallel_loop3A_1852 : i32 to index
        %parallel_loop3A_2347 = tpu.vector_load %arg20[%parallel_loop3A_2343, %parallel_loop3A_2344, %parallel_loop3A_2345, %parallel_loop3A_2346] {strides = array<i32>} : memref<4x2x8x128xf32, #tpu.memory_space<vmem>>, vector<16xf32>,
        tpu.vector_store %arg20[%parallel_loop3A_2343, %parallel_loop3A_2344, %parallel_loop3A_2345, %parallel_loop3A_2346], %parallel_loop3A_2340 {strides = array<i32>} : memref<4x2x8x128xf32, #tpu.memory_space<vmem>>, vector<16xf32>,
        %parallel_loop3A_2348 = arith.constant 38808 : i32
        %parallel_loop3A_2349 = vector.broadcast %parallel_loop3A_2348 : i32 to vector<16xi32>
        %parallel_loop3A_2350 = arith.addi %parallel_loop3A_1824, %parallel_loop3A_2349 : vector<16xi32>
        %parallel_loop3A_2351 = tpu.vector_load_idx %arg19[%parallel_loop3A_2350] : memref<56448xf32, #tpu.memory_space<vmem>>[vector<16xi32>], vector<16xf32>,
        %parallel_loop3A_2352 = arith.constant 2 : i64
        %parallel_loop3A_2353 = arith.constant 6 : i64
        %parallel_loop3A_2354 = arith.index_cast %parallel_loop3A_2352 : i64 to index
        %parallel_loop3A_2355 = arith.index_cast %parallel_loop3A_1849 : i32 to index
        %parallel_loop3A_2356 = arith.index_cast %parallel_loop3A_2353 : i64 to index
        %parallel_loop3A_2357 = arith.index_cast %parallel_loop3A_1852 : i32 to index
        %parallel_loop3A_2358 = tpu.vector_load %arg21[%parallel_loop3A_2354, %parallel_loop3A_2355, %parallel_loop3A_2356, %parallel_loop3A_2357] {strides = array<i32>} : memref<4x2x8x128xf32, #tpu.memory_space<vmem>>, vector<16xf32>,
        tpu.vector_store %arg21[%parallel_loop3A_2354, %parallel_loop3A_2355, %parallel_loop3A_2356, %parallel_loop3A_2357], %parallel_loop3A_2351 {strides = array<i32>} : memref<4x2x8x128xf32, #tpu.memory_space<vmem>>, vector<16xf32>,
        %parallel_loop3A_2359 = arith.constant 10143 : i32
        %parallel_loop3A_2360 = vector.broadcast %parallel_loop3A_2359 : i32 to vector<16xi32>
        %parallel_loop3A_2361 = arith.addi %parallel_loop3A_1822, %parallel_loop3A_2360 : vector<16xi32>
        %parallel_loop3A_2362 = tpu.vector_load_idx %arg18[%parallel_loop3A_2361] : memref<14112xf32, #tpu.memory_space<vmem>>[vector<16xi32>], vector<16xf32>,
        %parallel_loop3A_2363 = arith.constant 2 : i64
        %parallel_loop3A_2364 = arith.constant 7 : i64
        %parallel_loop3A_2365 = arith.index_cast %parallel_loop3A_2363 : i64 to index
        %parallel_loop3A_2366 = arith.index_cast %parallel_loop3A_1849 : i32 to index
        %parallel_loop3A_2367 = arith.index_cast %parallel_loop3A_2364 : i64 to index
        %parallel_loop3A_2368 = arith.index_cast %parallel_loop3A_1852 : i32 to index
        %parallel_loop3A_2369 = tpu.vector_load %arg20[%parallel_loop3A_2365, %parallel_loop3A_2366, %parallel_loop3A_2367, %parallel_loop3A_2368] {strides = array<i32>} : memref<4x2x8x128xf32, #tpu.memory_space<vmem>>, vector<16xf32>,
        tpu.vector_store %arg20[%parallel_loop3A_2365, %parallel_loop3A_2366, %parallel_loop3A_2367, %parallel_loop3A_2368], %parallel_loop3A_2362 {strides = array<i32>} : memref<4x2x8x128xf32, #tpu.memory_space<vmem>>, vector<16xf32>,
        %parallel_loop3A_2370 = arith.constant 40572 : i32
        %parallel_loop3A_2371 = vector.broadcast %parallel_loop3A_2370 : i32 to vector<16xi32>
        %parallel_loop3A_2372 = arith.addi %parallel_loop3A_1824, %parallel_loop3A_2371 : vector<16xi32>
        %parallel_loop3A_2373 = tpu.vector_load_idx %arg19[%parallel_loop3A_2372] : memref<56448xf32, #tpu.memory_space<vmem>>[vector<16xi32>], vector<16xf32>,
        %parallel_loop3A_2374 = arith.constant 2 : i64
        %parallel_loop3A_2375 = arith.constant 7 : i64
        %parallel_loop3A_2376 = arith.index_cast %parallel_loop3A_2374 : i64 to index
        %parallel_loop3A_2377 = arith.index_cast %parallel_loop3A_1849 : i32 to index
        %parallel_loop3A_2378 = arith.index_cast %parallel_loop3A_2375 : i64 to index
        %parallel_loop3A_2379 = arith.index_cast %parallel_loop3A_1852 : i32 to index
        %parallel_loop3A_2380 = tpu.vector_load %arg21[%parallel_loop3A_2376, %parallel_loop3A_2377, %parallel_loop3A_2378, %parallel_loop3A_2379] {strides = array<i32>} : memref<4x2x8x128xf32, #tpu.memory_space<vmem>>, vector<16xf32>,
        tpu.vector_store %arg21[%parallel_loop3A_2376, %parallel_loop3A_2377, %parallel_loop3A_2378, %parallel_loop3A_2379], %parallel_loop3A_2373 {strides = array<i32>} : memref<4x2x8x128xf32, #tpu.memory_space<vmem>>, vector<16xf32>,
        %parallel_loop3A_2381 = arith.constant 10584 : i32
        %parallel_loop3A_2382 = vector.broadcast %parallel_loop3A_2381 : i32 to vector<16xi32>
        %parallel_loop3A_2383 = arith.addi %parallel_loop3A_1822, %parallel_loop3A_2382 : vector<16xi32>
        %parallel_loop3A_2384 = tpu.vector_load_idx %arg18[%parallel_loop3A_2383] : memref<14112xf32, #tpu.memory_space<vmem>>[vector<16xi32>], vector<16xf32>,
        %parallel_loop3A_2385 = arith.constant 3 : i64
        %parallel_loop3A_2386 = arith.constant 0 : i64
        %parallel_loop3A_2387 = arith.index_cast %parallel_loop3A_2385 : i64 to index
        %parallel_loop3A_2388 = arith.index_cast %parallel_loop3A_1849 : i32 to index
        %parallel_loop3A_2389 = arith.index_cast %parallel_loop3A_2386 : i64 to index
        %parallel_loop3A_2390 = arith.index_cast %parallel_loop3A_1852 : i32 to index
        %parallel_loop3A_2391 = tpu.vector_load %arg20[%parallel_loop3A_2387, %parallel_loop3A_2388, %parallel_loop3A_2389, %parallel_loop3A_2390] {strides = array<i32>} : memref<4x2x8x128xf32, #tpu.memory_space<vmem>>, vector<16xf32>,
        tpu.vector_store %arg20[%parallel_loop3A_2387, %parallel_loop3A_2388, %parallel_loop3A_2389, %parallel_loop3A_2390], %parallel_loop3A_2384 {strides = array<i32>} : memref<4x2x8x128xf32, #tpu.memory_space<vmem>>, vector<16xf32>,
        %parallel_loop3A_2392 = arith.constant 42336 : i32
        %parallel_loop3A_2393 = vector.broadcast %parallel_loop3A_2392 : i32 to vector<16xi32>
        %parallel_loop3A_2394 = arith.addi %parallel_loop3A_1824, %parallel_loop3A_2393 : vector<16xi32>
        %parallel_loop3A_2395 = tpu.vector_load_idx %arg19[%parallel_loop3A_2394] : memref<56448xf32, #tpu.memory_space<vmem>>[vector<16xi32>], vector<16xf32>,
        %parallel_loop3A_2396 = arith.constant 3 : i64
        %parallel_loop3A_2397 = arith.constant 0 : i64
        %parallel_loop3A_2398 = arith.index_cast %parallel_loop3A_2396 : i64 to index
        %parallel_loop3A_2399 = arith.index_cast %parallel_loop3A_1849 : i32 to index
        %parallel_loop3A_2400 = arith.index_cast %parallel_loop3A_2397 : i64 to index
        %parallel_loop3A_2401 = arith.index_cast %parallel_loop3A_1852 : i32 to index
        %parallel_loop3A_2402 = tpu.vector_load %arg21[%parallel_loop3A_2398, %parallel_loop3A_2399, %parallel_loop3A_2400, %parallel_loop3A_2401] {strides = array<i32>} : memref<4x2x8x128xf32, #tpu.memory_space<vmem>>, vector<16xf32>,
        tpu.vector_store %arg21[%parallel_loop3A_2398, %parallel_loop3A_2399, %parallel_loop3A_2400, %parallel_loop3A_2401], %parallel_loop3A_2395 {strides = array<i32>} : memref<4x2x8x128xf32, #tpu.memory_space<vmem>>, vector<16xf32>,
        %parallel_loop3A_2403 = arith.constant 11025 : i32
        %parallel_loop3A_2404 = vector.broadcast %parallel_loop3A_2403 : i32 to vector<16xi32>
        %parallel_loop3A_2405 = arith.addi %parallel_loop3A_1822, %parallel_loop3A_2404 : vector<16xi32>
        %parallel_loop3A_2406 = tpu.vector_load_idx %arg18[%parallel_loop3A_2405] : memref<14112xf32, #tpu.memory_space<vmem>>[vector<16xi32>], vector<16xf32>,
        %parallel_loop3A_2407 = arith.constant 3 : i64
        %parallel_loop3A_2408 = arith.constant 1 : i64
        %parallel_loop3A_2409 = arith.index_cast %parallel_loop3A_2407 : i64 to index
        %parallel_loop3A_2410 = arith.index_cast %parallel_loop3A_1849 : i32 to index
        %parallel_loop3A_2411 = arith.index_cast %parallel_loop3A_2408 : i64 to index
        %parallel_loop3A_2412 = arith.index_cast %parallel_loop3A_1852 : i32 to index
        %parallel_loop3A_2413 = tpu.vector_load %arg20[%parallel_loop3A_2409, %parallel_loop3A_2410, %parallel_loop3A_2411, %parallel_loop3A_2412] {strides = array<i32>} : memref<4x2x8x128xf32, #tpu.memory_space<vmem>>, vector<16xf32>,
        tpu.vector_store %arg20[%parallel_loop3A_2409, %parallel_loop3A_2410, %parallel_loop3A_2411, %parallel_loop3A_2412], %parallel_loop3A_2406 {strides = array<i32>} : memref<4x2x8x128xf32, #tpu.memory_space<vmem>>, vector<16xf32>,
        %parallel_loop3A_2414 = arith.constant 44100 : i32
        %parallel_loop3A_2415 = vector.broadcast %parallel_loop3A_2414 : i32 to vector<16xi32>
        %parallel_loop3A_2416 = arith.addi %parallel_loop3A_1824, %parallel_loop3A_2415 : vector<16xi32>
        %parallel_loop3A_2417 = tpu.vector_load_idx %arg19[%parallel_loop3A_2416] : memref<56448xf32, #tpu.memory_space<vmem>>[vector<16xi32>], vector<16xf32>,
        %parallel_loop3A_2418 = arith.constant 3 : i64
        %parallel_loop3A_2419 = arith.constant 1 : i64
        %parallel_loop3A_2420 = arith.index_cast %parallel_loop3A_2418 : i64 to index
        %parallel_loop3A_2421 = arith.index_cast %parallel_loop3A_1849 : i32 to index
        %parallel_loop3A_2422 = arith.index_cast %parallel_loop3A_2419 : i64 to index
        %parallel_loop3A_2423 = arith.index_cast %parallel_loop3A_1852 : i32 to index
        %parallel_loop3A_2424 = tpu.vector_load %arg21[%parallel_loop3A_2420, %parallel_loop3A_2421, %parallel_loop3A_2422, %parallel_loop3A_2423] {strides = array<i32>} : memref<4x2x8x128xf32, #tpu.memory_space<vmem>>, vector<16xf32>,
        tpu.vector_store %arg21[%parallel_loop3A_2420, %parallel_loop3A_2421, %parallel_loop3A_2422, %parallel_loop3A_2423], %parallel_loop3A_2417 {strides = array<i32>} : memref<4x2x8x128xf32, #tpu.memory_space<vmem>>, vector<16xf32>,
        %parallel_loop3A_2425 = arith.constant 11466 : i32
        %parallel_loop3A_2426 = vector.broadcast %parallel_loop3A_2425 : i32 to vector<16xi32>
        %parallel_loop3A_2427 = arith.addi %parallel_loop3A_1822, %parallel_loop3A_2426 : vector<16xi32>
        %parallel_loop3A_2428 = tpu.vector_load_idx %arg18[%parallel_loop3A_2427] : memref<14112xf32, #tpu.memory_space<vmem>>[vector<16xi32>], vector<16xf32>,
        %parallel_loop3A_2429 = arith.constant 3 : i64
        %parallel_loop3A_2430 = arith.constant 2 : i64
        %parallel_loop3A_2431 = arith.index_cast %parallel_loop3A_2429 : i64 to index
        %parallel_loop3A_2432 = arith.index_cast %parallel_loop3A_1849 : i32 to index
        %parallel_loop3A_2433 = arith.index_cast %parallel_loop3A_2430 : i64 to index
        %parallel_loop3A_2434 = arith.index_cast %parallel_loop3A_1852 : i32 to index
        %parallel_loop3A_2435 = tpu.vector_load %arg20[%parallel_loop3A_2431, %parallel_loop3A_2432, %parallel_loop3A_2433, %parallel_loop3A_2434] {strides = array<i32>} : memref<4x2x8x128xf32, #tpu.memory_space<vmem>>, vector<16xf32>,
        tpu.vector_store %arg20[%parallel_loop3A_2431, %parallel_loop3A_2432, %parallel_loop3A_2433, %parallel_loop3A_2434], %parallel_loop3A_2428 {strides = array<i32>} : memref<4x2x8x128xf32, #tpu.memory_space<vmem>>, vector<16xf32>,
        %parallel_loop3A_2436 = arith.constant 45864 : i32
        %parallel_loop3A_2437 = vector.broadcast %parallel_loop3A_2436 : i32 to vector<16xi32>
        %parallel_loop3A_2438 = arith.addi %parallel_loop3A_1824, %parallel_loop3A_2437 : vector<16xi32>
        %parallel_loop3A_2439 = tpu.vector_load_idx %arg19[%parallel_loop3A_2438] : memref<56448xf32, #tpu.memory_space<vmem>>[vector<16xi32>], vector<16xf32>,
        %parallel_loop3A_2440 = arith.constant 3 : i64
        %parallel_loop3A_2441 = arith.constant 2 : i64
        %parallel_loop3A_2442 = arith.index_cast %parallel_loop3A_2440 : i64 to index
        %parallel_loop3A_2443 = arith.index_cast %parallel_loop3A_1849 : i32 to index
        %parallel_loop3A_2444 = arith.index_cast %parallel_loop3A_2441 : i64 to index
        %parallel_loop3A_2445 = arith.index_cast %parallel_loop3A_1852 : i32 to index
        %parallel_loop3A_2446 = tpu.vector_load %arg21[%parallel_loop3A_2442, %parallel_loop3A_2443, %parallel_loop3A_2444, %parallel_loop3A_2445] {strides = array<i32>} : memref<4x2x8x128xf32, #tpu.memory_space<vmem>>, vector<16xf32>,
        tpu.vector_store %arg21[%parallel_loop3A_2442, %parallel_loop3A_2443, %parallel_loop3A_2444, %parallel_loop3A_2445], %parallel_loop3A_2439 {strides = array<i32>} : memref<4x2x8x128xf32, #tpu.memory_space<vmem>>, vector<16xf32>,
        %parallel_loop3A_2447 = arith.constant 11907 : i32
        %parallel_loop3A_2448 = vector.broadcast %parallel_loop3A_2447 : i32 to vector<16xi32>
        %parallel_loop3A_2449 = arith.addi %parallel_loop3A_1822, %parallel_loop3A_2448 : vector<16xi32>
        %parallel_loop3A_2450 = tpu.vector_load_idx %arg18[%parallel_loop3A_2449] : memref<14112xf32, #tpu.memory_space<vmem>>[vector<16xi32>], vector<16xf32>,
        %parallel_loop3A_2451 = arith.constant 3 : i64
        %parallel_loop3A_2452 = arith.constant 3 : i64
        %parallel_loop3A_2453 = arith.index_cast %parallel_loop3A_2451 : i64 to index
        %parallel_loop3A_2454 = arith.index_cast %parallel_loop3A_1849 : i32 to index
        %parallel_loop3A_2455 = arith.index_cast %parallel_loop3A_2452 : i64 to index
        %parallel_loop3A_2456 = arith.index_cast %parallel_loop3A_1852 : i32 to index
        %parallel_loop3A_2457 = tpu.vector_load %arg20[%parallel_loop3A_2453, %parallel_loop3A_2454, %parallel_loop3A_2455, %parallel_loop3A_2456] {strides = array<i32>} : memref<4x2x8x128xf32, #tpu.memory_space<vmem>>, vector<16xf32>,
        tpu.vector_store %arg20[%parallel_loop3A_2453, %parallel_loop3A_2454, %parallel_loop3A_2455, %parallel_loop3A_2456], %parallel_loop3A_2450 {strides = array<i32>} : memref<4x2x8x128xf32, #tpu.memory_space<vmem>>, vector<16xf32>,
        %parallel_loop3A_2458 = arith.constant 47628 : i32
        %parallel_loop3A_2459 = vector.broadcast %parallel_loop3A_2458 : i32 to vector<16xi32>
        %parallel_loop3A_2460 = arith.addi %parallel_loop3A_1824, %parallel_loop3A_2459 : vector<16xi32>
        %parallel_loop3A_2461 = tpu.vector_load_idx %arg19[%parallel_loop3A_2460] : memref<56448xf32, #tpu.memory_space<vmem>>[vector<16xi32>], vector<16xf32>,
        %parallel_loop3A_2462 = arith.constant 3 : i64
        %parallel_loop3A_2463 = arith.constant 3 : i64
        %parallel_loop3A_2464 = arith.index_cast %parallel_loop3A_2462 : i64 to index
        %parallel_loop3A_2465 = arith.index_cast %parallel_loop3A_1849 : i32 to index
        %parallel_loop3A_2466 = arith.index_cast %parallel_loop3A_2463 : i64 to index
        %parallel_loop3A_2467 = arith.index_cast %parallel_loop3A_1852 : i32 to index
        %parallel_loop3A_2468 = tpu.vector_load %arg21[%parallel_loop3A_2464, %parallel_loop3A_2465, %parallel_loop3A_2466, %parallel_loop3A_2467] {strides = array<i32>} : memref<4x2x8x128xf32, #tpu.memory_space<vmem>>, vector<16xf32>,
        tpu.vector_store %arg21[%parallel_loop3A_2464, %parallel_loop3A_2465, %parallel_loop3A_2466, %parallel_loop3A_2467], %parallel_loop3A_2461 {strides = array<i32>} : memref<4x2x8x128xf32, #tpu.memory_space<vmem>>, vector<16xf32>,
        %parallel_loop3A_2469 = arith.constant 12348 : i32
        %parallel_loop3A_2470 = vector.broadcast %parallel_loop3A_2469 : i32 to vector<16xi32>
        %parallel_loop3A_2471 = arith.addi %parallel_loop3A_1822, %parallel_loop3A_2470 : vector<16xi32>
        %parallel_loop3A_2472 = tpu.vector_load_idx %arg18[%parallel_loop3A_2471] : memref<14112xf32, #tpu.memory_space<vmem>>[vector<16xi32>], vector<16xf32>,
        %parallel_loop3A_2473 = arith.constant 3 : i64
        %parallel_loop3A_2474 = arith.constant 4 : i64
        %parallel_loop3A_2475 = arith.index_cast %parallel_loop3A_2473 : i64 to index
        %parallel_loop3A_2476 = arith.index_cast %parallel_loop3A_1849 : i32 to index
        %parallel_loop3A_2477 = arith.index_cast %parallel_loop3A_2474 : i64 to index
        %parallel_loop3A_2478 = arith.index_cast %parallel_loop3A_1852 : i32 to index
        %parallel_loop3A_2479 = tpu.vector_load %arg20[%parallel_loop3A_2475, %parallel_loop3A_2476, %parallel_loop3A_2477, %parallel_loop3A_2478] {strides = array<i32>} : memref<4x2x8x128xf32, #tpu.memory_space<vmem>>, vector<16xf32>,
        tpu.vector_store %arg20[%parallel_loop3A_2475, %parallel_loop3A_2476, %parallel_loop3A_2477, %parallel_loop3A_2478], %parallel_loop3A_2472 {strides = array<i32>} : memref<4x2x8x128xf32, #tpu.memory_space<vmem>>, vector<16xf32>,
        %parallel_loop3A_2480 = arith.constant 49392 : i32
        %parallel_loop3A_2481 = vector.broadcast %parallel_loop3A_2480 : i32 to vector<16xi32>
        %parallel_loop3A_2482 = arith.addi %parallel_loop3A_1824, %parallel_loop3A_2481 : vector<16xi32>
        %parallel_loop3A_2483 = tpu.vector_load_idx %arg19[%parallel_loop3A_2482] : memref<56448xf32, #tpu.memory_space<vmem>>[vector<16xi32>], vector<16xf32>,
        %parallel_loop3A_2484 = arith.constant 3 : i64
        %parallel_loop3A_2485 = arith.constant 4 : i64
        %parallel_loop3A_2486 = arith.index_cast %parallel_loop3A_2484 : i64 to index
        %parallel_loop3A_2487 = arith.index_cast %parallel_loop3A_1849 : i32 to index
        %parallel_loop3A_2488 = arith.index_cast %parallel_loop3A_2485 : i64 to index
        %parallel_loop3A_2489 = arith.index_cast %parallel_loop3A_1852 : i32 to index
        %parallel_loop3A_2490 = tpu.vector_load %arg21[%parallel_loop3A_2486, %parallel_loop3A_2487, %parallel_loop3A_2488, %parallel_loop3A_2489] {strides = array<i32>} : memref<4x2x8x128xf32, #tpu.memory_space<vmem>>, vector<16xf32>,
        tpu.vector_store %arg21[%parallel_loop3A_2486, %parallel_loop3A_2487, %parallel_loop3A_2488, %parallel_loop3A_2489], %parallel_loop3A_2483 {strides = array<i32>} : memref<4x2x8x128xf32, #tpu.memory_space<vmem>>, vector<16xf32>,
        %parallel_loop3A_2491 = arith.constant 12789 : i32
        %parallel_loop3A_2492 = vector.broadcast %parallel_loop3A_2491 : i32 to vector<16xi32>
        %parallel_loop3A_2493 = arith.addi %parallel_loop3A_1822, %parallel_loop3A_2492 : vector<16xi32>
        %parallel_loop3A_2494 = tpu.vector_load_idx %arg18[%parallel_loop3A_2493] : memref<14112xf32, #tpu.memory_space<vmem>>[vector<16xi32>], vector<16xf32>,
        %parallel_loop3A_2495 = arith.constant 3 : i64
        %parallel_loop3A_2496 = arith.constant 5 : i64
        %parallel_loop3A_2497 = arith.index_cast %parallel_loop3A_2495 : i64 to index
        %parallel_loop3A_2498 = arith.index_cast %parallel_loop3A_1849 : i32 to index
        %parallel_loop3A_2499 = arith.index_cast %parallel_loop3A_2496 : i64 to index
        %parallel_loop3A_2500 = arith.index_cast %parallel_loop3A_1852 : i32 to index
        %parallel_loop3A_2501 = tpu.vector_load %arg20[%parallel_loop3A_2497, %parallel_loop3A_2498, %parallel_loop3A_2499, %parallel_loop3A_2500] {strides = array<i32>} : memref<4x2x8x128xf32, #tpu.memory_space<vmem>>, vector<16xf32>,
        tpu.vector_store %arg20[%parallel_loop3A_2497, %parallel_loop3A_2498, %parallel_loop3A_2499, %parallel_loop3A_2500], %parallel_loop3A_2494 {strides = array<i32>} : memref<4x2x8x128xf32, #tpu.memory_space<vmem>>, vector<16xf32>,
        %parallel_loop3A_2502 = arith.constant 51156 : i32
        %parallel_loop3A_2503 = vector.broadcast %parallel_loop3A_2502 : i32 to vector<16xi32>
        %parallel_loop3A_2504 = arith.addi %parallel_loop3A_1824, %parallel_loop3A_2503 : vector<16xi32>
        %parallel_loop3A_2505 = tpu.vector_load_idx %arg19[%parallel_loop3A_2504] : memref<56448xf32, #tpu.memory_space<vmem>>[vector<16xi32>], vector<16xf32>,
        %parallel_loop3A_2506 = arith.constant 3 : i64
        %parallel_loop3A_2507 = arith.constant 5 : i64
        %parallel_loop3A_2508 = arith.index_cast %parallel_loop3A_2506 : i64 to index
        %parallel_loop3A_2509 = arith.index_cast %parallel_loop3A_1849 : i32 to index
        %parallel_loop3A_2510 = arith.index_cast %parallel_loop3A_2507 : i64 to index
        %parallel_loop3A_2511 = arith.index_cast %parallel_loop3A_1852 : i32 to index
        %parallel_loop3A_2512 = tpu.vector_load %arg21[%parallel_loop3A_2508, %parallel_loop3A_2509, %parallel_loop3A_2510, %parallel_loop3A_2511] {strides = array<i32>} : memref<4x2x8x128xf32, #tpu.memory_space<vmem>>, vector<16xf32>,
        tpu.vector_store %arg21[%parallel_loop3A_2508, %parallel_loop3A_2509, %parallel_loop3A_2510, %parallel_loop3A_2511], %parallel_loop3A_2505 {strides = array<i32>} : memref<4x2x8x128xf32, #tpu.memory_space<vmem>>, vector<16xf32>,
        %parallel_loop3A_2513 = arith.constant 13230 : i32
        %parallel_loop3A_2514 = vector.broadcast %parallel_loop3A_2513 : i32 to vector<16xi32>
        %parallel_loop3A_2515 = arith.addi %parallel_loop3A_1822, %parallel_loop3A_2514 : vector<16xi32>
        %parallel_loop3A_2516 = tpu.vector_load_idx %arg18[%parallel_loop3A_2515] : memref<14112xf32, #tpu.memory_space<vmem>>[vector<16xi32>], vector<16xf32>,
        %parallel_loop3A_2517 = arith.constant 3 : i64
        %parallel_loop3A_2518 = arith.constant 6 : i64
        %parallel_loop3A_2519 = arith.index_cast %parallel_loop3A_2517 : i64 to index
        %parallel_loop3A_2520 = arith.index_cast %parallel_loop3A_1849 : i32 to index
        %parallel_loop3A_2521 = arith.index_cast %parallel_loop3A_2518 : i64 to index
        %parallel_loop3A_2522 = arith.index_cast %parallel_loop3A_1852 : i32 to index
        %parallel_loop3A_2523 = tpu.vector_load %arg20[%parallel_loop3A_2519, %parallel_loop3A_2520, %parallel_loop3A_2521, %parallel_loop3A_2522] {strides = array<i32>} : memref<4x2x8x128xf32, #tpu.memory_space<vmem>>, vector<16xf32>,
        tpu.vector_store %arg20[%parallel_loop3A_2519, %parallel_loop3A_2520, %parallel_loop3A_2521, %parallel_loop3A_2522], %parallel_loop3A_2516 {strides = array<i32>} : memref<4x2x8x128xf32, #tpu.memory_space<vmem>>, vector<16xf32>,
        %parallel_loop3A_2524 = arith.constant 52920 : i32
        %parallel_loop3A_2525 = vector.broadcast %parallel_loop3A_2524 : i32 to vector<16xi32>
        %parallel_loop3A_2526 = arith.addi %parallel_loop3A_1824, %parallel_loop3A_2525 : vector<16xi32>
        %parallel_loop3A_2527 = tpu.vector_load_idx %arg19[%parallel_loop3A_2526] : memref<56448xf32, #tpu.memory_space<vmem>>[vector<16xi32>], vector<16xf32>,
        %parallel_loop3A_2528 = arith.constant 3 : i64
        %parallel_loop3A_2529 = arith.constant 6 : i64
        %parallel_loop3A_2530 = arith.index_cast %parallel_loop3A_2528 : i64 to index
        %parallel_loop3A_2531 = arith.index_cast %parallel_loop3A_1849 : i32 to index
        %parallel_loop3A_2532 = arith.index_cast %parallel_loop3A_2529 : i64 to index
        %parallel_loop3A_2533 = arith.index_cast %parallel_loop3A_1852 : i32 to index
        %parallel_loop3A_2534 = tpu.vector_load %arg21[%parallel_loop3A_2530, %parallel_loop3A_2531, %parallel_loop3A_2532, %parallel_loop3A_2533] {strides = array<i32>} : memref<4x2x8x128xf32, #tpu.memory_space<vmem>>, vector<16xf32>,
        tpu.vector_store %arg21[%parallel_loop3A_2530, %parallel_loop3A_2531, %parallel_loop3A_2532, %parallel_loop3A_2533], %parallel_loop3A_2527 {strides = array<i32>} : memref<4x2x8x128xf32, #tpu.memory_space<vmem>>, vector<16xf32>,
        %parallel_loop3A_2535 = arith.constant 13671 : i32
        %parallel_loop3A_2536 = vector.broadcast %parallel_loop3A_2535 : i32 to vector<16xi32>
        %parallel_loop3A_2537 = arith.addi %parallel_loop3A_1822, %parallel_loop3A_2536 : vector<16xi32>
        %parallel_loop3A_2538 = tpu.vector_load_idx %arg18[%parallel_loop3A_2537] : memref<14112xf32, #tpu.memory_space<vmem>>[vector<16xi32>], vector<16xf32>,
        %parallel_loop3A_2539 = arith.constant 3 : i64
        %parallel_loop3A_2540 = arith.constant 7 : i64
        %parallel_loop3A_2541 = arith.index_cast %parallel_loop3A_2539 : i64 to index
        %parallel_loop3A_2542 = arith.index_cast %parallel_loop3A_1849 : i32 to index
        %parallel_loop3A_2543 = arith.index_cast %parallel_loop3A_2540 : i64 to index
        %parallel_loop3A_2544 = arith.index_cast %parallel_loop3A_1852 : i32 to index
        %parallel_loop3A_2545 = tpu.vector_load %arg20[%parallel_loop3A_2541, %parallel_loop3A_2542, %parallel_loop3A_2543, %parallel_loop3A_2544] {strides = array<i32>} : memref<4x2x8x128xf32, #tpu.memory_space<vmem>>, vector<16xf32>,
        tpu.vector_store %arg20[%parallel_loop3A_2541, %parallel_loop3A_2542, %parallel_loop3A_2543, %parallel_loop3A_2544], %parallel_loop3A_2538 {strides = array<i32>} : memref<4x2x8x128xf32, #tpu.memory_space<vmem>>, vector<16xf32>,
        %parallel_loop3A_2546 = arith.constant 54684 : i32
        %parallel_loop3A_2547 = vector.broadcast %parallel_loop3A_2546 : i32 to vector<16xi32>
        %parallel_loop3A_2548 = arith.addi %parallel_loop3A_1824, %parallel_loop3A_2547 : vector<16xi32>
        %parallel_loop3A_2549 = tpu.vector_load_idx %arg19[%parallel_loop3A_2548] : memref<56448xf32, #tpu.memory_space<vmem>>[vector<16xi32>], vector<16xf32>,
        %parallel_loop3A_2550 = arith.constant 3 : i64
        %parallel_loop3A_2551 = arith.constant 7 : i64
        %parallel_loop3A_2552 = arith.index_cast %parallel_loop3A_2550 : i64 to index
        %parallel_loop3A_2553 = arith.index_cast %parallel_loop3A_1849 : i32 to index
        %parallel_loop3A_2554 = arith.index_cast %parallel_loop3A_2551 : i64 to index
        %parallel_loop3A_2555 = arith.index_cast %parallel_loop3A_1852 : i32 to index
        %parallel_loop3A_2556 = tpu.vector_load %arg21[%parallel_loop3A_2552, %parallel_loop3A_2553, %parallel_loop3A_2554, %parallel_loop3A_2555] {strides = array<i32>} : memref<4x2x8x128xf32, #tpu.memory_space<vmem>>, vector<16xf32>,
        tpu.vector_store %arg21[%parallel_loop3A_2552, %parallel_loop3A_2553, %parallel_loop3A_2554, %parallel_loop3A_2555], %parallel_loop3A_2549 {strides = array<i32>} : memref<4x2x8x128xf32, #tpu.memory_space<vmem>>, vector<16xf32>,
      } {sc.loop_unroll_factor = 4 : i64, sc.parallel_access}
      %dma_start3A = arith.constant 0 : i32
      %dma_start3A_1125 = arith.constant 0 : i32
      %dma_start3A_1126 = arith.constant 0 : i32
      %dma_start3A_1127 = tpu.memref_slice %arg8[%select_n3A_56, %scan3A_480, %mul3A_79, %dma_start3A, %dma_start3A_1125, %dma_start3A_1126] : memref<4x256x8x2x8x128xf32, #tpu.memory_space<hbm>> -> memref<1x1x4x2x8x128xf32, #tpu.memory_space<hbm>>
      %dma_start3A_1128 = tpu.memref_squeeze %dma_start3A_1127 : memref<1x1x4x2x8x128xf32, #tpu.memory_space<hbm>> -> memref<4x2x8x128xf32, #tpu.memory_space<hbm>>
      %dma_start3A_1129 = arith.constant 0 : i32
      %dma_start3A_1130 = arith.constant 0 : i32
      %dma_start3A_1131 = arith.constant 0 : i32
      %dma_start3A_1132 = tpu.memref_slice %arg8[%select_n3A_56, %scan3A_480, %mul3A_79, %dma_start3A_1129, %dma_start3A_1130, %dma_start3A_1131] : memref<4x256x8x2x8x128xf32, #tpu.memory_space<hbm>> -> memref<1x1x4x2x8x128xf32, #tpu.memory_space<hbm>>
      %dma_start3A_1133 = tpu.memref_squeeze %dma_start3A_1132 : memref<1x1x4x2x8x128xf32, #tpu.memory_space<hbm>> -> memref<4x2x8x128xf32, #tpu.memory_space<hbm>>
      tpu.enqueue_dma source(%arg20 : memref<4x2x8x128xf32, #tpu.memory_space<vmem>>) target(%dma_start3A_1133 : memref<4x2x8x128xf32, #tpu.memory_space<hbm>>) target_semaphore(%arg24 : memref<!tpu.dma_semaphore, #tpu.memory_space<semaphore_mem>>)
      %dma_start3A_1134 = arith.constant 0 : i32
      %dma_start3A_1135 = arith.constant 0 : i32
      %dma_start3A_1136 = arith.constant 0 : i32
      %dma_start3A_1137 = tpu.memref_slice %arg9[%select_n3A_56, %scan3A_480, %mul3A_79, %dma_start3A_1134, %dma_start3A_1135, %dma_start3A_1136] : memref<4x256x8x2x8x128xf32, #tpu.memory_space<hbm>> -> memref<1x1x4x2x8x128xf32, #tpu.memory_space<hbm>>
      %dma_start3A_1138 = tpu.memref_squeeze %dma_start3A_1137 : memref<1x1x4x2x8x128xf32, #tpu.memory_space<hbm>> -> memref<4x2x8x128xf32, #tpu.memory_space<hbm>>
      %dma_start3A_1139 = arith.constant 0 : i32
      %dma_start3A_1140 = arith.constant 0 : i32
      %dma_start3A_1141 = arith.constant 0 : i32
      %dma_start3A_1142 = tpu.memref_slice %arg9[%select_n3A_56, %scan3A_480, %mul3A_79, %dma_start3A_1139, %dma_start3A_1140, %dma_start3A_1141] : memref<4x256x8x2x8x128xf32, #tpu.memory_space<hbm>> -> memref<1x1x4x2x8x128xf32, #tpu.memory_space<hbm>>
      %dma_start3A_1143 = tpu.memref_squeeze %dma_start3A_1142 : memref<1x1x4x2x8x128xf32, #tpu.memory_space<hbm>> -> memref<4x2x8x128xf32, #tpu.memory_space<hbm>>
      tpu.enqueue_dma source(%arg21 : memref<4x2x8x128xf32, #tpu.memory_space<vmem>>) target(%dma_start3A_1143 : memref<4x2x8x128xf32, #tpu.memory_space<hbm>>) target_semaphore(%arg24 : memref<!tpu.dma_semaphore, #tpu.memory_space<semaphore_mem>>)
      %gt3A_1144 = arith.cmpi sgt, %scan3A_480, %mul3A_75 : i32
      %convert_element_type3A_1145 = arith.extui %gt3A_1144 : i1 to i32
      %cond3A_1146 = arith.constant 0 : i32
      %cond3A_1147 = arith.cmpi ne, %convert_element_type3A_1145, %cond3A_1146 : i32
      scf.if %cond3A_1147 {
        %dma_wait3A_1820 = arith.constant 0 : i32
        %dma_wait3A_1821 = arith.constant 0 : i32
        %dma_wait3A_1822 = arith.constant 0 : i32
        %dma_wait3A_1823 = arith.constant 0 : i32
        %dma_wait3A_1824 = arith.constant 0 : i32
        %dma_wait3A_1825 = arith.constant 0 : i32
        %dma_wait3A_1826 = tpu.memref_slice %arg8[%dma_wait3A_1820, %dma_wait3A_1821, %dma_wait3A_1822, %dma_wait3A_1823, %dma_wait3A_1824, %dma_wait3A_1825] : memref<4x256x8x2x8x128xf32, #tpu.memory_space<hbm>> -> memref<1x1x4x2x8x128xf32, #tpu.memory_space<hbm>>
        %dma_wait3A_1827 = tpu.memref_squeeze %dma_wait3A_1826 : memref<1x1x4x2x8x128xf32, #tpu.memory_space<hbm>> -> memref<4x2x8x128xf32, #tpu.memory_space<hbm>>
        %dma_wait3A_1828 = arith.constant 0 : i32
        %dma_wait3A_1829 = arith.constant 0 : i32
        %dma_wait3A_1830 = arith.constant 0 : i32
        %dma_wait3A_1831 = arith.constant 0 : i32
        %dma_wait3A_1832 = tpu.memref_slice %arg8[%dma_wait3A_1820, %dma_wait3A_1821, %dma_wait3A_1828, %dma_wait3A_1829, %dma_wait3A_1830, %dma_wait3A_1831] : memref<4x256x8x2x8x128xf32, #tpu.memory_space<hbm>> -> memref<1x1x4x2x8x128xf32, #tpu.memory_space<hbm>>
        %dma_wait3A_1833 = tpu.memref_squeeze %dma_wait3A_1832 : memref<1x1x4x2x8x128xf32, #tpu.memory_space<hbm>> -> memref<4x2x8x128xf32, #tpu.memory_space<hbm>>
        tpu.wait_dma2 semaphore(%arg25 : memref<!tpu.dma_semaphore, #tpu.memory_space<semaphore_mem>>) src(%arg22 : memref<4x2x8x128xf32, #tpu.memory_space<vmem>>) dst(%dma_wait3A_1833 : memref<4x2x8x128xf32, #tpu.memory_space<hbm>>)
        %dma_wait3A_1834 = arith.constant 0 : i32
        %dma_wait3A_1835 = arith.constant 0 : i32
        %dma_wait3A_1836 = arith.constant 0 : i32
        %dma_wait3A_1837 = arith.constant 0 : i32
        %dma_wait3A_1838 = arith.constant 0 : i32
        %dma_wait3A_1839 = arith.constant 0 : i32
        %dma_wait3A_1840 = tpu.memref_slice %arg9[%dma_wait3A_1834, %dma_wait3A_1835, %dma_wait3A_1836, %dma_wait3A_1837, %dma_wait3A_1838, %dma_wait3A_1839] : memref<4x256x8x2x8x128xf32, #tpu.memory_space<hbm>> -> memref<1x1x4x2x8x128xf32, #tpu.memory_space<hbm>>
        %dma_wait3A_1841 = tpu.memref_squeeze %dma_wait3A_1840 : memref<1x1x4x2x8x128xf32, #tpu.memory_space<hbm>> -> memref<4x2x8x128xf32, #tpu.memory_space<hbm>>
        %dma_wait3A_1842 = arith.constant 0 : i32
        %dma_wait3A_1843 = arith.constant 0 : i32
        %dma_wait3A_1844 = arith.constant 0 : i32
        %dma_wait3A_1845 = arith.constant 0 : i32
        %dma_wait3A_1846 = tpu.memref_slice %arg9[%dma_wait3A_1834, %dma_wait3A_1835, %dma_wait3A_1842, %dma_wait3A_1843, %dma_wait3A_1844, %dma_wait3A_1845] : memref<4x256x8x2x8x128xf32, #tpu.memory_space<hbm>> -> memref<1x1x4x2x8x128xf32, #tpu.memory_space<hbm>>
        %dma_wait3A_1847 = tpu.memref_squeeze %dma_wait3A_1846 : memref<1x1x4x2x8x128xf32, #tpu.memory_space<hbm>> -> memref<4x2x8x128xf32, #tpu.memory_space<hbm>>
        tpu.wait_dma2 semaphore(%arg25 : memref<!tpu.dma_semaphore, #tpu.memory_space<semaphore_mem>>) src(%arg23 : memref<4x2x8x128xf32, #tpu.memory_space<vmem>>) dst(%dma_wait3A_1847 : memref<4x2x8x128xf32, #tpu.memory_space<hbm>>)
      } else {
      }
      %add3A_1148 = arith.constant 1 : i32
      %add3A_1149 = arith.addi %scan3A_480, %add3A_1148 : i32
      %broadcast_in_dim3A_1150 = vector.broadcast %add3A_1149 : i32 to vector<16xi32>
      %gather3A_1151 = tpu.vector_load_idx %arg12[%broadcast_in_dim3A_1150] : memref<256xf32, #tpu.memory_space<vmem>>[vector<16xi32>], vector<16xf32>,
      %gather3A_1152 = tpu.vector_load_idx %arg13[%broadcast_in_dim3A_1150] : memref<256xf32, #tpu.memory_space<vmem>>[vector<16xi32>], vector<16xf32>,
      %get3A_1153 = arith.constant 0 : index
      %get3A_1154 = tpu.vector_load %arg12[%get3A_1153] {strides = array<i32>} : memref<256xf32, #tpu.memory_space<vmem>>, vector<16xf32>,
      %sub3A_1155 = arith.subf %get3A_1154, %gather3A_1151 : vector<16xf32>
      %get3A_1156 = arith.constant 0 : index
      %get3A_1157 = tpu.vector_load %arg13[%get3A_1156] {strides = array<i32>} : memref<256xf32, #tpu.memory_space<vmem>>, vector<16xf32>,
      %sub3A_1158 = arith.subf %get3A_1157, %gather3A_1152 : vector<16xf32>
      %min3A_1159 = arith.constant 1.000000e+01 : f32
      %min3A_1160 = vector.broadcast %min3A_1159 : f32 to vector<16xf32>
      %min3A_1161 = arith.minimumf %sub3A_1155, %min3A_1160 : vector<16xf32>
      %max3A_1162 = arith.constant -1.000000e+01 : f32
      %max3A_1163 = vector.broadcast %max3A_1162 : f32 to vector<16xf32>
      %max3A_1164 = arith.maximumf %min3A_1161, %max3A_1163 : vector<16xf32>
      %min3A_1165 = arith.constant 1.000000e+01 : f32
      %min3A_1166 = vector.broadcast %min3A_1165 : f32 to vector<16xf32>
      %min3A_1167 = arith.minimumf %sub3A_1158, %min3A_1166 : vector<16xf32>
      %max3A_1168 = arith.constant -1.000000e+01 : f32
      %max3A_1169 = vector.broadcast %max3A_1168 : f32 to vector<16xf32>
      %max3A_1170 = arith.maximumf %min3A_1167, %max3A_1169 : vector<16xf32>
      %add3A_1171 = arith.constant 1.000000e+01 : f32
      %add3A_1172 = vector.broadcast %add3A_1171 : f32 to vector<16xf32>
      %add3A_1173 = arith.addf %max3A_1164, %add3A_1172 : vector<16xf32>
      %mul3A_1174 = arith.constant 1.000000e+00 : f32
      %mul3A_1175 = vector.broadcast %mul3A_1174 : f32 to vector<16xf32>
      %mul3A_1176 = arith.mulf %add3A_1173, %mul3A_1175 : vector<16xf32>
      %add3A_1177 = arith.constant 1.000000e+01 : f32
      %add3A_1178 = vector.broadcast %add3A_1177 : f32 to vector<16xf32>
      %add3A_1179 = arith.addf %max3A_1170, %add3A_1178 : vector<16xf32>
      %mul3A_1180 = arith.constant 2.100000e+01 : f32
      %mul3A_1181 = vector.broadcast %mul3A_1180 : f32 to vector<16xf32>
      %mul3A_1182 = arith.mulf %add3A_1179, %mul3A_1181 : vector<16xf32>
      %add3A_1183 = arith.addf %mul3A_1176, %mul3A_1182 : vector<16xf32>
      %convert_element_type3A_1184 = arith.fptosi %add3A_1183 : vector<16xf32> to vector<16xi32>
      %add3A_1185 = arith.addi %convert_element_type3A_1184, %get3A_418 : vector<16xi32>
      %swap3A_1186 = arith.constant 0 : index
      %swap3A_1187 = tpu.vector_load %arg16[%swap3A_1186] {strides = array<i32>} : memref<256xi32, #tpu.memory_space<vmem>>, vector<16xi32>,
      tpu.vector_store %arg16[%swap3A_1186], %add3A_1185 {strides = array<i32>} : memref<256xi32, #tpu.memory_space<vmem>>, vector<16xi32>,
      %get3A_1188 = arith.constant 0 : index
      %get3A_1189 = tpu.vector_load %arg14[%get3A_1188] {strides = array<i32>} : memref<256xi32, #tpu.memory_space<vmem>>, vector<16xi32>,
      %add3A_1190 = arith.addi %add3A_1185, %get3A_1189 : vector<16xi32>
      %swap3A_1191 = arith.constant 0 : index
      %swap3A_1192 = tpu.vector_load %arg17[%swap3A_1191] {strides = array<i32>} : memref<256xi32, #tpu.memory_space<vmem>>, vector<16xi32>,
      tpu.vector_store %arg17[%swap3A_1191], %add3A_1190 {strides = array<i32>} : memref<256xi32, #tpu.memory_space<vmem>>, vector<16xi32>,
      %get3A_1193 = arith.constant 16 : index
      %get3A_1194 = tpu.vector_load %arg12[%get3A_1193] {strides = array<i32>} : memref<256xf32, #tpu.memory_space<vmem>>, vector<16xf32>,
      %sub3A_1195 = arith.subf %get3A_1194, %gather3A_1151 : vector<16xf32>
      %get3A_1196 = arith.constant 16 : index
      %get3A_1197 = tpu.vector_load %arg13[%get3A_1196] {strides = array<i32>} : memref<256xf32, #tpu.memory_space<vmem>>, vector<16xf32>,
      %sub3A_1198 = arith.subf %get3A_1197, %gather3A_1152 : vector<16xf32>
      %min3A_1199 = arith.constant 1.000000e+01 : f32
      %min3A_1200 = vector.broadcast %min3A_1199 : f32 to vector<16xf32>
      %min3A_1201 = arith.minimumf %sub3A_1195, %min3A_1200 : vector<16xf32>
      %max3A_1202 = arith.constant -1.000000e+01 : f32
      %max3A_1203 = vector.broadcast %max3A_1202 : f32 to vector<16xf32>
      %max3A_1204 = arith.maximumf %min3A_1201, %max3A_1203 : vector<16xf32>
      %min3A_1205 = arith.constant 1.000000e+01 : f32
      %min3A_1206 = vector.broadcast %min3A_1205 : f32 to vector<16xf32>
      %min3A_1207 = arith.minimumf %sub3A_1198, %min3A_1206 : vector<16xf32>
      %max3A_1208 = arith.constant -1.000000e+01 : f32
      %max3A_1209 = vector.broadcast %max3A_1208 : f32 to vector<16xf32>
      %max3A_1210 = arith.maximumf %min3A_1207, %max3A_1209 : vector<16xf32>
      %add3A_1211 = arith.constant 1.000000e+01 : f32
      %add3A_1212 = vector.broadcast %add3A_1211 : f32 to vector<16xf32>
      %add3A_1213 = arith.addf %max3A_1204, %add3A_1212 : vector<16xf32>
      %mul3A_1214 = arith.constant 1.000000e+00 : f32
      %mul3A_1215 = vector.broadcast %mul3A_1214 : f32 to vector<16xf32>
      %mul3A_1216 = arith.mulf %add3A_1213, %mul3A_1215 : vector<16xf32>
      %add3A_1217 = arith.constant 1.000000e+01 : f32
      %add3A_1218 = vector.broadcast %add3A_1217 : f32 to vector<16xf32>
      %add3A_1219 = arith.addf %max3A_1210, %add3A_1218 : vector<16xf32>
      %mul3A_1220 = arith.constant 2.100000e+01 : f32
      %mul3A_1221 = vector.broadcast %mul3A_1220 : f32 to vector<16xf32>
      %mul3A_1222 = arith.mulf %add3A_1219, %mul3A_1221 : vector<16xf32>
      %add3A_1223 = arith.addf %mul3A_1216, %mul3A_1222 : vector<16xf32>
      %convert_element_type3A_1224 = arith.fptosi %add3A_1223 : vector<16xf32> to vector<16xi32>
      %add3A_1225 = arith.addi %convert_element_type3A_1224, %get3A_418 : vector<16xi32>
      %swap3A_1226 = arith.constant 16 : index
      %swap3A_1227 = tpu.vector_load %arg16[%swap3A_1226] {strides = array<i32>} : memref<256xi32, #tpu.memory_space<vmem>>, vector<16xi32>,
      tpu.vector_store %arg16[%swap3A_1226], %add3A_1225 {strides = array<i32>} : memref<256xi32, #tpu.memory_space<vmem>>, vector<16xi32>,
      %get3A_1228 = arith.constant 16 : index
      %get3A_1229 = tpu.vector_load %arg14[%get3A_1228] {strides = array<i32>} : memref<256xi32, #tpu.memory_space<vmem>>, vector<16xi32>,
      %add3A_1230 = arith.addi %add3A_1225, %get3A_1229 : vector<16xi32>
      %swap3A_1231 = arith.constant 16 : index
      %swap3A_1232 = tpu.vector_load %arg17[%swap3A_1231] {strides = array<i32>} : memref<256xi32, #tpu.memory_space<vmem>>, vector<16xi32>,
      tpu.vector_store %arg17[%swap3A_1231], %add3A_1230 {strides = array<i32>} : memref<256xi32, #tpu.memory_space<vmem>>, vector<16xi32>,
      %get3A_1233 = arith.constant 32 : index
      %get3A_1234 = tpu.vector_load %arg12[%get3A_1233] {strides = array<i32>} : memref<256xf32, #tpu.memory_space<vmem>>, vector<16xf32>,
      %sub3A_1235 = arith.subf %get3A_1234, %gather3A_1151 : vector<16xf32>
      %get3A_1236 = arith.constant 32 : index
      %get3A_1237 = tpu.vector_load %arg13[%get3A_1236] {strides = array<i32>} : memref<256xf32, #tpu.memory_space<vmem>>, vector<16xf32>,
      %sub3A_1238 = arith.subf %get3A_1237, %gather3A_1152 : vector<16xf32>
      %min3A_1239 = arith.constant 1.000000e+01 : f32
      %min3A_1240 = vector.broadcast %min3A_1239 : f32 to vector<16xf32>
      %min3A_1241 = arith.minimumf %sub3A_1235, %min3A_1240 : vector<16xf32>
      %max3A_1242 = arith.constant -1.000000e+01 : f32
      %max3A_1243 = vector.broadcast %max3A_1242 : f32 to vector<16xf32>
      %max3A_1244 = arith.maximumf %min3A_1241, %max3A_1243 : vector<16xf32>
      %min3A_1245 = arith.constant 1.000000e+01 : f32
      %min3A_1246 = vector.broadcast %min3A_1245 : f32 to vector<16xf32>
      %min3A_1247 = arith.minimumf %sub3A_1238, %min3A_1246 : vector<16xf32>
      %max3A_1248 = arith.constant -1.000000e+01 : f32
      %max3A_1249 = vector.broadcast %max3A_1248 : f32 to vector<16xf32>
      %max3A_1250 = arith.maximumf %min3A_1247, %max3A_1249 : vector<16xf32>
      %add3A_1251 = arith.constant 1.000000e+01 : f32
      %add3A_1252 = vector.broadcast %add3A_1251 : f32 to vector<16xf32>
      %add3A_1253 = arith.addf %max3A_1244, %add3A_1252 : vector<16xf32>
      %mul3A_1254 = arith.constant 1.000000e+00 : f32
      %mul3A_1255 = vector.broadcast %mul3A_1254 : f32 to vector<16xf32>
      %mul3A_1256 = arith.mulf %add3A_1253, %mul3A_1255 : vector<16xf32>
      %add3A_1257 = arith.constant 1.000000e+01 : f32
      %add3A_1258 = vector.broadcast %add3A_1257 : f32 to vector<16xf32>
      %add3A_1259 = arith.addf %max3A_1250, %add3A_1258 : vector<16xf32>
      %mul3A_1260 = arith.constant 2.100000e+01 : f32
      %mul3A_1261 = vector.broadcast %mul3A_1260 : f32 to vector<16xf32>
      %mul3A_1262 = arith.mulf %add3A_1259, %mul3A_1261 : vector<16xf32>
      %add3A_1263 = arith.addf %mul3A_1256, %mul3A_1262 : vector<16xf32>
      %convert_element_type3A_1264 = arith.fptosi %add3A_1263 : vector<16xf32> to vector<16xi32>
      %add3A_1265 = arith.addi %convert_element_type3A_1264, %get3A_418 : vector<16xi32>
      %swap3A_1266 = arith.constant 32 : index
      %swap3A_1267 = tpu.vector_load %arg16[%swap3A_1266] {strides = array<i32>} : memref<256xi32, #tpu.memory_space<vmem>>, vector<16xi32>,
      tpu.vector_store %arg16[%swap3A_1266], %add3A_1265 {strides = array<i32>} : memref<256xi32, #tpu.memory_space<vmem>>, vector<16xi32>,
      %get3A_1268 = arith.constant 32 : index
      %get3A_1269 = tpu.vector_load %arg14[%get3A_1268] {strides = array<i32>} : memref<256xi32, #tpu.memory_space<vmem>>, vector<16xi32>,
      %add3A_1270 = arith.addi %add3A_1265, %get3A_1269 : vector<16xi32>
      %swap3A_1271 = arith.constant 32 : index
      %swap3A_1272 = tpu.vector_load %arg17[%swap3A_1271] {strides = array<i32>} : memref<256xi32, #tpu.memory_space<vmem>>, vector<16xi32>,
      tpu.vector_store %arg17[%swap3A_1271], %add3A_1270 {strides = array<i32>} : memref<256xi32, #tpu.memory_space<vmem>>, vector<16xi32>,
      %get3A_1273 = arith.constant 48 : index
      %get3A_1274 = tpu.vector_load %arg12[%get3A_1273] {strides = array<i32>} : memref<256xf32, #tpu.memory_space<vmem>>, vector<16xf32>,
      %sub3A_1275 = arith.subf %get3A_1274, %gather3A_1151 : vector<16xf32>
      %get3A_1276 = arith.constant 48 : index
      %get3A_1277 = tpu.vector_load %arg13[%get3A_1276] {strides = array<i32>} : memref<256xf32, #tpu.memory_space<vmem>>, vector<16xf32>,
      %sub3A_1278 = arith.subf %get3A_1277, %gather3A_1152 : vector<16xf32>
      %min3A_1279 = arith.constant 1.000000e+01 : f32
      %min3A_1280 = vector.broadcast %min3A_1279 : f32 to vector<16xf32>
      %min3A_1281 = arith.minimumf %sub3A_1275, %min3A_1280 : vector<16xf32>
      %max3A_1282 = arith.constant -1.000000e+01 : f32
      %max3A_1283 = vector.broadcast %max3A_1282 : f32 to vector<16xf32>
      %max3A_1284 = arith.maximumf %min3A_1281, %max3A_1283 : vector<16xf32>
      %min3A_1285 = arith.constant 1.000000e+01 : f32
      %min3A_1286 = vector.broadcast %min3A_1285 : f32 to vector<16xf32>
      %min3A_1287 = arith.minimumf %sub3A_1278, %min3A_1286 : vector<16xf32>
      %max3A_1288 = arith.constant -1.000000e+01 : f32
      %max3A_1289 = vector.broadcast %max3A_1288 : f32 to vector<16xf32>
      %max3A_1290 = arith.maximumf %min3A_1287, %max3A_1289 : vector<16xf32>
      %add3A_1291 = arith.constant 1.000000e+01 : f32
      %add3A_1292 = vector.broadcast %add3A_1291 : f32 to vector<16xf32>
      %add3A_1293 = arith.addf %max3A_1284, %add3A_1292 : vector<16xf32>
      %mul3A_1294 = arith.constant 1.000000e+00 : f32
      %mul3A_1295 = vector.broadcast %mul3A_1294 : f32 to vector<16xf32>
      %mul3A_1296 = arith.mulf %add3A_1293, %mul3A_1295 : vector<16xf32>
      %add3A_1297 = arith.constant 1.000000e+01 : f32
      %add3A_1298 = vector.broadcast %add3A_1297 : f32 to vector<16xf32>
      %add3A_1299 = arith.addf %max3A_1290, %add3A_1298 : vector<16xf32>
      %mul3A_1300 = arith.constant 2.100000e+01 : f32
      %mul3A_1301 = vector.broadcast %mul3A_1300 : f32 to vector<16xf32>
      %mul3A_1302 = arith.mulf %add3A_1299, %mul3A_1301 : vector<16xf32>
      %add3A_1303 = arith.addf %mul3A_1296, %mul3A_1302 : vector<16xf32>
      %convert_element_type3A_1304 = arith.fptosi %add3A_1303 : vector<16xf32> to vector<16xi32>
      %add3A_1305 = arith.addi %convert_element_type3A_1304, %get3A_418 : vector<16xi32>
      %swap3A_1306 = arith.constant 48 : index
      %swap3A_1307 = tpu.vector_load %arg16[%swap3A_1306] {strides = array<i32>} : memref<256xi32, #tpu.memory_space<vmem>>, vector<16xi32>,
      tpu.vector_store %arg16[%swap3A_1306], %add3A_1305 {strides = array<i32>} : memref<256xi32, #tpu.memory_space<vmem>>, vector<16xi32>,
      %get3A_1308 = arith.constant 48 : index
      %get3A_1309 = tpu.vector_load %arg14[%get3A_1308] {strides = array<i32>} : memref<256xi32, #tpu.memory_space<vmem>>, vector<16xi32>,
      %add3A_1310 = arith.addi %add3A_1305, %get3A_1309 : vector<16xi32>
      %swap3A_1311 = arith.constant 48 : index
      %swap3A_1312 = tpu.vector_load %arg17[%swap3A_1311] {strides = array<i32>} : memref<256xi32, #tpu.memory_space<vmem>>, vector<16xi32>,
      tpu.vector_store %arg17[%swap3A_1311], %add3A_1310 {strides = array<i32>} : memref<256xi32, #tpu.memory_space<vmem>>, vector<16xi32>,
      %get3A_1313 = arith.constant 64 : index
      %get3A_1314 = tpu.vector_load %arg12[%get3A_1313] {strides = array<i32>} : memref<256xf32, #tpu.memory_space<vmem>>, vector<16xf32>,
      %sub3A_1315 = arith.subf %get3A_1314, %gather3A_1151 : vector<16xf32>
      %get3A_1316 = arith.constant 64 : index
      %get3A_1317 = tpu.vector_load %arg13[%get3A_1316] {strides = array<i32>} : memref<256xf32, #tpu.memory_space<vmem>>, vector<16xf32>,
      %sub3A_1318 = arith.subf %get3A_1317, %gather3A_1152 : vector<16xf32>
      %min3A_1319 = arith.constant 1.000000e+01 : f32
      %min3A_1320 = vector.broadcast %min3A_1319 : f32 to vector<16xf32>
      %min3A_1321 = arith.minimumf %sub3A_1315, %min3A_1320 : vector<16xf32>
      %max3A_1322 = arith.constant -1.000000e+01 : f32
      %max3A_1323 = vector.broadcast %max3A_1322 : f32 to vector<16xf32>
      %max3A_1324 = arith.maximumf %min3A_1321, %max3A_1323 : vector<16xf32>
      %min3A_1325 = arith.constant 1.000000e+01 : f32
      %min3A_1326 = vector.broadcast %min3A_1325 : f32 to vector<16xf32>
      %min3A_1327 = arith.minimumf %sub3A_1318, %min3A_1326 : vector<16xf32>
      %max3A_1328 = arith.constant -1.000000e+01 : f32
      %max3A_1329 = vector.broadcast %max3A_1328 : f32 to vector<16xf32>
      %max3A_1330 = arith.maximumf %min3A_1327, %max3A_1329 : vector<16xf32>
      %add3A_1331 = arith.constant 1.000000e+01 : f32
      %add3A_1332 = vector.broadcast %add3A_1331 : f32 to vector<16xf32>
      %add3A_1333 = arith.addf %max3A_1324, %add3A_1332 : vector<16xf32>
      %mul3A_1334 = arith.constant 1.000000e+00 : f32
      %mul3A_1335 = vector.broadcast %mul3A_1334 : f32 to vector<16xf32>
      %mul3A_1336 = arith.mulf %add3A_1333, %mul3A_1335 : vector<16xf32>
      %add3A_1337 = arith.constant 1.000000e+01 : f32
      %add3A_1338 = vector.broadcast %add3A_1337 : f32 to vector<16xf32>
      %add3A_1339 = arith.addf %max3A_1330, %add3A_1338 : vector<16xf32>
      %mul3A_1340 = arith.constant 2.100000e+01 : f32
      %mul3A_1341 = vector.broadcast %mul3A_1340 : f32 to vector<16xf32>
      %mul3A_1342 = arith.mulf %add3A_1339, %mul3A_1341 : vector<16xf32>
      %add3A_1343 = arith.addf %mul3A_1336, %mul3A_1342 : vector<16xf32>
      %convert_element_type3A_1344 = arith.fptosi %add3A_1343 : vector<16xf32> to vector<16xi32>
      %add3A_1345 = arith.addi %convert_element_type3A_1344, %get3A_418 : vector<16xi32>
      %swap3A_1346 = arith.constant 64 : index
      %swap3A_1347 = tpu.vector_load %arg16[%swap3A_1346] {strides = array<i32>} : memref<256xi32, #tpu.memory_space<vmem>>, vector<16xi32>,
      tpu.vector_store %arg16[%swap3A_1346], %add3A_1345 {strides = array<i32>} : memref<256xi32, #tpu.memory_space<vmem>>, vector<16xi32>,
      %get3A_1348 = arith.constant 64 : index
      %get3A_1349 = tpu.vector_load %arg14[%get3A_1348] {strides = array<i32>} : memref<256xi32, #tpu.memory_space<vmem>>, vector<16xi32>,
      %add3A_1350 = arith.addi %add3A_1345, %get3A_1349 : vector<16xi32>
      %swap3A_1351 = arith.constant 64 : index
      %swap3A_1352 = tpu.vector_load %arg17[%swap3A_1351] {strides = array<i32>} : memref<256xi32, #tpu.memory_space<vmem>>, vector<16xi32>,
      tpu.vector_store %arg17[%swap3A_1351], %add3A_1350 {strides = array<i32>} : memref<256xi32, #tpu.memory_space<vmem>>, vector<16xi32>,
      %get3A_1353 = arith.constant 80 : index
      %get3A_1354 = tpu.vector_load %arg12[%get3A_1353] {strides = array<i32>} : memref<256xf32, #tpu.memory_space<vmem>>, vector<16xf32>,
      %sub3A_1355 = arith.subf %get3A_1354, %gather3A_1151 : vector<16xf32>
      %get3A_1356 = arith.constant 80 : index
      %get3A_1357 = tpu.vector_load %arg13[%get3A_1356] {strides = array<i32>} : memref<256xf32, #tpu.memory_space<vmem>>, vector<16xf32>,
      %sub3A_1358 = arith.subf %get3A_1357, %gather3A_1152 : vector<16xf32>
      %min3A_1359 = arith.constant 1.000000e+01 : f32
      %min3A_1360 = vector.broadcast %min3A_1359 : f32 to vector<16xf32>
      %min3A_1361 = arith.minimumf %sub3A_1355, %min3A_1360 : vector<16xf32>
      %max3A_1362 = arith.constant -1.000000e+01 : f32
      %max3A_1363 = vector.broadcast %max3A_1362 : f32 to vector<16xf32>
      %max3A_1364 = arith.maximumf %min3A_1361, %max3A_1363 : vector<16xf32>
      %min3A_1365 = arith.constant 1.000000e+01 : f32
      %min3A_1366 = vector.broadcast %min3A_1365 : f32 to vector<16xf32>
      %min3A_1367 = arith.minimumf %sub3A_1358, %min3A_1366 : vector<16xf32>
      %max3A_1368 = arith.constant -1.000000e+01 : f32
      %max3A_1369 = vector.broadcast %max3A_1368 : f32 to vector<16xf32>
      %max3A_1370 = arith.maximumf %min3A_1367, %max3A_1369 : vector<16xf32>
      %add3A_1371 = arith.constant 1.000000e+01 : f32
      %add3A_1372 = vector.broadcast %add3A_1371 : f32 to vector<16xf32>
      %add3A_1373 = arith.addf %max3A_1364, %add3A_1372 : vector<16xf32>
      %mul3A_1374 = arith.constant 1.000000e+00 : f32
      %mul3A_1375 = vector.broadcast %mul3A_1374 : f32 to vector<16xf32>
      %mul3A_1376 = arith.mulf %add3A_1373, %mul3A_1375 : vector<16xf32>
      %add3A_1377 = arith.constant 1.000000e+01 : f32
      %add3A_1378 = vector.broadcast %add3A_1377 : f32 to vector<16xf32>
      %add3A_1379 = arith.addf %max3A_1370, %add3A_1378 : vector<16xf32>
      %mul3A_1380 = arith.constant 2.100000e+01 : f32
      %mul3A_1381 = vector.broadcast %mul3A_1380 : f32 to vector<16xf32>
      %mul3A_1382 = arith.mulf %add3A_1379, %mul3A_1381 : vector<16xf32>
      %add3A_1383 = arith.addf %mul3A_1376, %mul3A_1382 : vector<16xf32>
      %convert_element_type3A_1384 = arith.fptosi %add3A_1383 : vector<16xf32> to vector<16xi32>
      %add3A_1385 = arith.addi %convert_element_type3A_1384, %get3A_418 : vector<16xi32>
      %swap3A_1386 = arith.constant 80 : index
      %swap3A_1387 = tpu.vector_load %arg16[%swap3A_1386] {strides = array<i32>} : memref<256xi32, #tpu.memory_space<vmem>>, vector<16xi32>,
      tpu.vector_store %arg16[%swap3A_1386], %add3A_1385 {strides = array<i32>} : memref<256xi32, #tpu.memory_space<vmem>>, vector<16xi32>,
      %get3A_1388 = arith.constant 80 : index
      %get3A_1389 = tpu.vector_load %arg14[%get3A_1388] {strides = array<i32>} : memref<256xi32, #tpu.memory_space<vmem>>, vector<16xi32>,
      %add3A_1390 = arith.addi %add3A_1385, %get3A_1389 : vector<16xi32>
      %swap3A_1391 = arith.constant 80 : index
      %swap3A_1392 = tpu.vector_load %arg17[%swap3A_1391] {strides = array<i32>} : memref<256xi32, #tpu.memory_space<vmem>>, vector<16xi32>,
      tpu.vector_store %arg17[%swap3A_1391], %add3A_1390 {strides = array<i32>} : memref<256xi32, #tpu.memory_space<vmem>>, vector<16xi32>,
      %get3A_1393 = arith.constant 96 : index
      %get3A_1394 = tpu.vector_load %arg12[%get3A_1393] {strides = array<i32>} : memref<256xf32, #tpu.memory_space<vmem>>, vector<16xf32>,
      %sub3A_1395 = arith.subf %get3A_1394, %gather3A_1151 : vector<16xf32>
      %get3A_1396 = arith.constant 96 : index
      %get3A_1397 = tpu.vector_load %arg13[%get3A_1396] {strides = array<i32>} : memref<256xf32, #tpu.memory_space<vmem>>, vector<16xf32>,
      %sub3A_1398 = arith.subf %get3A_1397, %gather3A_1152 : vector<16xf32>
      %min3A_1399 = arith.constant 1.000000e+01 : f32
      %min3A_1400 = vector.broadcast %min3A_1399 : f32 to vector<16xf32>
      %min3A_1401 = arith.minimumf %sub3A_1395, %min3A_1400 : vector<16xf32>
      %max3A_1402 = arith.constant -1.000000e+01 : f32
      %max3A_1403 = vector.broadcast %max3A_1402 : f32 to vector<16xf32>
      %max3A_1404 = arith.maximumf %min3A_1401, %max3A_1403 : vector<16xf32>
      %min3A_1405 = arith.constant 1.000000e+01 : f32
      %min3A_1406 = vector.broadcast %min3A_1405 : f32 to vector<16xf32>
      %min3A_1407 = arith.minimumf %sub3A_1398, %min3A_1406 : vector<16xf32>
      %max3A_1408 = arith.constant -1.000000e+01 : f32
      %max3A_1409 = vector.broadcast %max3A_1408 : f32 to vector<16xf32>
      %max3A_1410 = arith.maximumf %min3A_1407, %max3A_1409 : vector<16xf32>
      %add3A_1411 = arith.constant 1.000000e+01 : f32
      %add3A_1412 = vector.broadcast %add3A_1411 : f32 to vector<16xf32>
      %add3A_1413 = arith.addf %max3A_1404, %add3A_1412 : vector<16xf32>
      %mul3A_1414 = arith.constant 1.000000e+00 : f32
      %mul3A_1415 = vector.broadcast %mul3A_1414 : f32 to vector<16xf32>
      %mul3A_1416 = arith.mulf %add3A_1413, %mul3A_1415 : vector<16xf32>
      %add3A_1417 = arith.constant 1.000000e+01 : f32
      %add3A_1418 = vector.broadcast %add3A_1417 : f32 to vector<16xf32>
      %add3A_1419 = arith.addf %max3A_1410, %add3A_1418 : vector<16xf32>
      %mul3A_1420 = arith.constant 2.100000e+01 : f32
      %mul3A_1421 = vector.broadcast %mul3A_1420 : f32 to vector<16xf32>
      %mul3A_1422 = arith.mulf %add3A_1419, %mul3A_1421 : vector<16xf32>
      %add3A_1423 = arith.addf %mul3A_1416, %mul3A_1422 : vector<16xf32>
      %convert_element_type3A_1424 = arith.fptosi %add3A_1423 : vector<16xf32> to vector<16xi32>
      %add3A_1425 = arith.addi %convert_element_type3A_1424, %get3A_418 : vector<16xi32>
      %swap3A_1426 = arith.constant 96 : index
      %swap3A_1427 = tpu.vector_load %arg16[%swap3A_1426] {strides = array<i32>} : memref<256xi32, #tpu.memory_space<vmem>>, vector<16xi32>,
      tpu.vector_store %arg16[%swap3A_1426], %add3A_1425 {strides = array<i32>} : memref<256xi32, #tpu.memory_space<vmem>>, vector<16xi32>,
      %get3A_1428 = arith.constant 96 : index
      %get3A_1429 = tpu.vector_load %arg14[%get3A_1428] {strides = array<i32>} : memref<256xi32, #tpu.memory_space<vmem>>, vector<16xi32>,
      %add3A_1430 = arith.addi %add3A_1425, %get3A_1429 : vector<16xi32>
      %swap3A_1431 = arith.constant 96 : index
      %swap3A_1432 = tpu.vector_load %arg17[%swap3A_1431] {strides = array<i32>} : memref<256xi32, #tpu.memory_space<vmem>>, vector<16xi32>,
      tpu.vector_store %arg17[%swap3A_1431], %add3A_1430 {strides = array<i32>} : memref<256xi32, #tpu.memory_space<vmem>>, vector<16xi32>,
      %get3A_1433 = arith.constant 112 : index
      %get3A_1434 = tpu.vector_load %arg12[%get3A_1433] {strides = array<i32>} : memref<256xf32, #tpu.memory_space<vmem>>, vector<16xf32>,
      %sub3A_1435 = arith.subf %get3A_1434, %gather3A_1151 : vector<16xf32>
      %get3A_1436 = arith.constant 112 : index
      %get3A_1437 = tpu.vector_load %arg13[%get3A_1436] {strides = array<i32>} : memref<256xf32, #tpu.memory_space<vmem>>, vector<16xf32>,
      %sub3A_1438 = arith.subf %get3A_1437, %gather3A_1152 : vector<16xf32>
      %min3A_1439 = arith.constant 1.000000e+01 : f32
      %min3A_1440 = vector.broadcast %min3A_1439 : f32 to vector<16xf32>
      %min3A_1441 = arith.minimumf %sub3A_1435, %min3A_1440 : vector<16xf32>
      %max3A_1442 = arith.constant -1.000000e+01 : f32
      %max3A_1443 = vector.broadcast %max3A_1442 : f32 to vector<16xf32>
      %max3A_1444 = arith.maximumf %min3A_1441, %max3A_1443 : vector<16xf32>
      %min3A_1445 = arith.constant 1.000000e+01 : f32
      %min3A_1446 = vector.broadcast %min3A_1445 : f32 to vector<16xf32>
      %min3A_1447 = arith.minimumf %sub3A_1438, %min3A_1446 : vector<16xf32>
      %max3A_1448 = arith.constant -1.000000e+01 : f32
      %max3A_1449 = vector.broadcast %max3A_1448 : f32 to vector<16xf32>
      %max3A_1450 = arith.maximumf %min3A_1447, %max3A_1449 : vector<16xf32>
      %add3A_1451 = arith.constant 1.000000e+01 : f32
      %add3A_1452 = vector.broadcast %add3A_1451 : f32 to vector<16xf32>
      %add3A_1453 = arith.addf %max3A_1444, %add3A_1452 : vector<16xf32>
      %mul3A_1454 = arith.constant 1.000000e+00 : f32
      %mul3A_1455 = vector.broadcast %mul3A_1454 : f32 to vector<16xf32>
      %mul3A_1456 = arith.mulf %add3A_1453, %mul3A_1455 : vector<16xf32>
      %add3A_1457 = arith.constant 1.000000e+01 : f32
      %add3A_1458 = vector.broadcast %add3A_1457 : f32 to vector<16xf32>
      %add3A_1459 = arith.addf %max3A_1450, %add3A_1458 : vector<16xf32>
      %mul3A_1460 = arith.constant 2.100000e+01 : f32
      %mul3A_1461 = vector.broadcast %mul3A_1460 : f32 to vector<16xf32>
      %mul3A_1462 = arith.mulf %add3A_1459, %mul3A_1461 : vector<16xf32>
      %add3A_1463 = arith.addf %mul3A_1456, %mul3A_1462 : vector<16xf32>
      %convert_element_type3A_1464 = arith.fptosi %add3A_1463 : vector<16xf32> to vector<16xi32>
      %add3A_1465 = arith.addi %convert_element_type3A_1464, %get3A_418 : vector<16xi32>
      %swap3A_1466 = arith.constant 112 : index
      %swap3A_1467 = tpu.vector_load %arg16[%swap3A_1466] {strides = array<i32>} : memref<256xi32, #tpu.memory_space<vmem>>, vector<16xi32>,
      tpu.vector_store %arg16[%swap3A_1466], %add3A_1465 {strides = array<i32>} : memref<256xi32, #tpu.memory_space<vmem>>, vector<16xi32>,
      %get3A_1468 = arith.constant 112 : index
      %get3A_1469 = tpu.vector_load %arg14[%get3A_1468] {strides = array<i32>} : memref<256xi32, #tpu.memory_space<vmem>>, vector<16xi32>,
      %add3A_1470 = arith.addi %add3A_1465, %get3A_1469 : vector<16xi32>
      %swap3A_1471 = arith.constant 112 : index
      %swap3A_1472 = tpu.vector_load %arg17[%swap3A_1471] {strides = array<i32>} : memref<256xi32, #tpu.memory_space<vmem>>, vector<16xi32>,
      tpu.vector_store %arg17[%swap3A_1471], %add3A_1470 {strides = array<i32>} : memref<256xi32, #tpu.memory_space<vmem>>, vector<16xi32>,
      %get3A_1473 = arith.constant 128 : index
      %get3A_1474 = tpu.vector_load %arg12[%get3A_1473] {strides = array<i32>} : memref<256xf32, #tpu.memory_space<vmem>>, vector<16xf32>,
      %sub3A_1475 = arith.subf %get3A_1474, %gather3A_1151 : vector<16xf32>
      %get3A_1476 = arith.constant 128 : index
      %get3A_1477 = tpu.vector_load %arg13[%get3A_1476] {strides = array<i32>} : memref<256xf32, #tpu.memory_space<vmem>>, vector<16xf32>,
      %sub3A_1478 = arith.subf %get3A_1477, %gather3A_1152 : vector<16xf32>
      %min3A_1479 = arith.constant 1.000000e+01 : f32
      %min3A_1480 = vector.broadcast %min3A_1479 : f32 to vector<16xf32>
      %min3A_1481 = arith.minimumf %sub3A_1475, %min3A_1480 : vector<16xf32>
      %max3A_1482 = arith.constant -1.000000e+01 : f32
      %max3A_1483 = vector.broadcast %max3A_1482 : f32 to vector<16xf32>
      %max3A_1484 = arith.maximumf %min3A_1481, %max3A_1483 : vector<16xf32>
      %min3A_1485 = arith.constant 1.000000e+01 : f32
      %min3A_1486 = vector.broadcast %min3A_1485 : f32 to vector<16xf32>
      %min3A_1487 = arith.minimumf %sub3A_1478, %min3A_1486 : vector<16xf32>
      %max3A_1488 = arith.constant -1.000000e+01 : f32
      %max3A_1489 = vector.broadcast %max3A_1488 : f32 to vector<16xf32>
      %max3A_1490 = arith.maximumf %min3A_1487, %max3A_1489 : vector<16xf32>
      %add3A_1491 = arith.constant 1.000000e+01 : f32
      %add3A_1492 = vector.broadcast %add3A_1491 : f32 to vector<16xf32>
      %add3A_1493 = arith.addf %max3A_1484, %add3A_1492 : vector<16xf32>
      %mul3A_1494 = arith.constant 1.000000e+00 : f32
      %mul3A_1495 = vector.broadcast %mul3A_1494 : f32 to vector<16xf32>
      %mul3A_1496 = arith.mulf %add3A_1493, %mul3A_1495 : vector<16xf32>
      %add3A_1497 = arith.constant 1.000000e+01 : f32
      %add3A_1498 = vector.broadcast %add3A_1497 : f32 to vector<16xf32>
      %add3A_1499 = arith.addf %max3A_1490, %add3A_1498 : vector<16xf32>
      %mul3A_1500 = arith.constant 2.100000e+01 : f32
      %mul3A_1501 = vector.broadcast %mul3A_1500 : f32 to vector<16xf32>
      %mul3A_1502 = arith.mulf %add3A_1499, %mul3A_1501 : vector<16xf32>
      %add3A_1503 = arith.addf %mul3A_1496, %mul3A_1502 : vector<16xf32>
      %convert_element_type3A_1504 = arith.fptosi %add3A_1503 : vector<16xf32> to vector<16xi32>
      %add3A_1505 = arith.addi %convert_element_type3A_1504, %get3A_418 : vector<16xi32>
      %swap3A_1506 = arith.constant 128 : index
      %swap3A_1507 = tpu.vector_load %arg16[%swap3A_1506] {strides = array<i32>} : memref<256xi32, #tpu.memory_space<vmem>>, vector<16xi32>,
      tpu.vector_store %arg16[%swap3A_1506], %add3A_1505 {strides = array<i32>} : memref<256xi32, #tpu.memory_space<vmem>>, vector<16xi32>,
      %get3A_1508 = arith.constant 128 : index
      %get3A_1509 = tpu.vector_load %arg14[%get3A_1508] {strides = array<i32>} : memref<256xi32, #tpu.memory_space<vmem>>, vector<16xi32>,
      %add3A_1510 = arith.addi %add3A_1505, %get3A_1509 : vector<16xi32>
      %swap3A_1511 = arith.constant 128 : index
      %swap3A_1512 = tpu.vector_load %arg17[%swap3A_1511] {strides = array<i32>} : memref<256xi32, #tpu.memory_space<vmem>>, vector<16xi32>,
      tpu.vector_store %arg17[%swap3A_1511], %add3A_1510 {strides = array<i32>} : memref<256xi32, #tpu.memory_space<vmem>>, vector<16xi32>,
      %get3A_1513 = arith.constant 144 : index
      %get3A_1514 = tpu.vector_load %arg12[%get3A_1513] {strides = array<i32>} : memref<256xf32, #tpu.memory_space<vmem>>, vector<16xf32>,
      %sub3A_1515 = arith.subf %get3A_1514, %gather3A_1151 : vector<16xf32>
      %get3A_1516 = arith.constant 144 : index
      %get3A_1517 = tpu.vector_load %arg13[%get3A_1516] {strides = array<i32>} : memref<256xf32, #tpu.memory_space<vmem>>, vector<16xf32>,
      %sub3A_1518 = arith.subf %get3A_1517, %gather3A_1152 : vector<16xf32>
      %min3A_1519 = arith.constant 1.000000e+01 : f32
      %min3A_1520 = vector.broadcast %min3A_1519 : f32 to vector<16xf32>
      %min3A_1521 = arith.minimumf %sub3A_1515, %min3A_1520 : vector<16xf32>
      %max3A_1522 = arith.constant -1.000000e+01 : f32
      %max3A_1523 = vector.broadcast %max3A_1522 : f32 to vector<16xf32>
      %max3A_1524 = arith.maximumf %min3A_1521, %max3A_1523 : vector<16xf32>
      %min3A_1525 = arith.constant 1.000000e+01 : f32
      %min3A_1526 = vector.broadcast %min3A_1525 : f32 to vector<16xf32>
      %min3A_1527 = arith.minimumf %sub3A_1518, %min3A_1526 : vector<16xf32>
      %max3A_1528 = arith.constant -1.000000e+01 : f32
      %max3A_1529 = vector.broadcast %max3A_1528 : f32 to vector<16xf32>
      %max3A_1530 = arith.maximumf %min3A_1527, %max3A_1529 : vector<16xf32>
      %add3A_1531 = arith.constant 1.000000e+01 : f32
      %add3A_1532 = vector.broadcast %add3A_1531 : f32 to vector<16xf32>
      %add3A_1533 = arith.addf %max3A_1524, %add3A_1532 : vector<16xf32>
      %mul3A_1534 = arith.constant 1.000000e+00 : f32
      %mul3A_1535 = vector.broadcast %mul3A_1534 : f32 to vector<16xf32>
      %mul3A_1536 = arith.mulf %add3A_1533, %mul3A_1535 : vector<16xf32>
      %add3A_1537 = arith.constant 1.000000e+01 : f32
      %add3A_1538 = vector.broadcast %add3A_1537 : f32 to vector<16xf32>
      %add3A_1539 = arith.addf %max3A_1530, %add3A_1538 : vector<16xf32>
      %mul3A_1540 = arith.constant 2.100000e+01 : f32
      %mul3A_1541 = vector.broadcast %mul3A_1540 : f32 to vector<16xf32>
      %mul3A_1542 = arith.mulf %add3A_1539, %mul3A_1541 : vector<16xf32>
      %add3A_1543 = arith.addf %mul3A_1536, %mul3A_1542 : vector<16xf32>
      %convert_element_type3A_1544 = arith.fptosi %add3A_1543 : vector<16xf32> to vector<16xi32>
      %add3A_1545 = arith.addi %convert_element_type3A_1544, %get3A_418 : vector<16xi32>
      %swap3A_1546 = arith.constant 144 : index
      %swap3A_1547 = tpu.vector_load %arg16[%swap3A_1546] {strides = array<i32>} : memref<256xi32, #tpu.memory_space<vmem>>, vector<16xi32>,
      tpu.vector_store %arg16[%swap3A_1546], %add3A_1545 {strides = array<i32>} : memref<256xi32, #tpu.memory_space<vmem>>, vector<16xi32>,
      %get3A_1548 = arith.constant 144 : index
      %get3A_1549 = tpu.vector_load %arg14[%get3A_1548] {strides = array<i32>} : memref<256xi32, #tpu.memory_space<vmem>>, vector<16xi32>,
      %add3A_1550 = arith.addi %add3A_1545, %get3A_1549 : vector<16xi32>
      %swap3A_1551 = arith.constant 144 : index
      %swap3A_1552 = tpu.vector_load %arg17[%swap3A_1551] {strides = array<i32>} : memref<256xi32, #tpu.memory_space<vmem>>, vector<16xi32>,
      tpu.vector_store %arg17[%swap3A_1551], %add3A_1550 {strides = array<i32>} : memref<256xi32, #tpu.memory_space<vmem>>, vector<16xi32>,
      %get3A_1553 = arith.constant 160 : index
      %get3A_1554 = tpu.vector_load %arg12[%get3A_1553] {strides = array<i32>} : memref<256xf32, #tpu.memory_space<vmem>>, vector<16xf32>,
      %sub3A_1555 = arith.subf %get3A_1554, %gather3A_1151 : vector<16xf32>
      %get3A_1556 = arith.constant 160 : index
      %get3A_1557 = tpu.vector_load %arg13[%get3A_1556] {strides = array<i32>} : memref<256xf32, #tpu.memory_space<vmem>>, vector<16xf32>,
      %sub3A_1558 = arith.subf %get3A_1557, %gather3A_1152 : vector<16xf32>
      %min3A_1559 = arith.constant 1.000000e+01 : f32
      %min3A_1560 = vector.broadcast %min3A_1559 : f32 to vector<16xf32>
      %min3A_1561 = arith.minimumf %sub3A_1555, %min3A_1560 : vector<16xf32>
      %max3A_1562 = arith.constant -1.000000e+01 : f32
      %max3A_1563 = vector.broadcast %max3A_1562 : f32 to vector<16xf32>
      %max3A_1564 = arith.maximumf %min3A_1561, %max3A_1563 : vector<16xf32>
      %min3A_1565 = arith.constant 1.000000e+01 : f32
      %min3A_1566 = vector.broadcast %min3A_1565 : f32 to vector<16xf32>
      %min3A_1567 = arith.minimumf %sub3A_1558, %min3A_1566 : vector<16xf32>
      %max3A_1568 = arith.constant -1.000000e+01 : f32
      %max3A_1569 = vector.broadcast %max3A_1568 : f32 to vector<16xf32>
      %max3A_1570 = arith.maximumf %min3A_1567, %max3A_1569 : vector<16xf32>
      %add3A_1571 = arith.constant 1.000000e+01 : f32
      %add3A_1572 = vector.broadcast %add3A_1571 : f32 to vector<16xf32>
      %add3A_1573 = arith.addf %max3A_1564, %add3A_1572 : vector<16xf32>
      %mul3A_1574 = arith.constant 1.000000e+00 : f32
      %mul3A_1575 = vector.broadcast %mul3A_1574 : f32 to vector<16xf32>
      %mul3A_1576 = arith.mulf %add3A_1573, %mul3A_1575 : vector<16xf32>
      %add3A_1577 = arith.constant 1.000000e+01 : f32
      %add3A_1578 = vector.broadcast %add3A_1577 : f32 to vector<16xf32>
      %add3A_1579 = arith.addf %max3A_1570, %add3A_1578 : vector<16xf32>
      %mul3A_1580 = arith.constant 2.100000e+01 : f32
      %mul3A_1581 = vector.broadcast %mul3A_1580 : f32 to vector<16xf32>
      %mul3A_1582 = arith.mulf %add3A_1579, %mul3A_1581 : vector<16xf32>
      %add3A_1583 = arith.addf %mul3A_1576, %mul3A_1582 : vector<16xf32>
      %convert_element_type3A_1584 = arith.fptosi %add3A_1583 : vector<16xf32> to vector<16xi32>
      %add3A_1585 = arith.addi %convert_element_type3A_1584, %get3A_418 : vector<16xi32>
      %swap3A_1586 = arith.constant 160 : index
      %swap3A_1587 = tpu.vector_load %arg16[%swap3A_1586] {strides = array<i32>} : memref<256xi32, #tpu.memory_space<vmem>>, vector<16xi32>,
      tpu.vector_store %arg16[%swap3A_1586], %add3A_1585 {strides = array<i32>} : memref<256xi32, #tpu.memory_space<vmem>>, vector<16xi32>,
      %get3A_1588 = arith.constant 160 : index
      %get3A_1589 = tpu.vector_load %arg14[%get3A_1588] {strides = array<i32>} : memref<256xi32, #tpu.memory_space<vmem>>, vector<16xi32>,
      %add3A_1590 = arith.addi %add3A_1585, %get3A_1589 : vector<16xi32>
      %swap3A_1591 = arith.constant 160 : index
      %swap3A_1592 = tpu.vector_load %arg17[%swap3A_1591] {strides = array<i32>} : memref<256xi32, #tpu.memory_space<vmem>>, vector<16xi32>,
      tpu.vector_store %arg17[%swap3A_1591], %add3A_1590 {strides = array<i32>} : memref<256xi32, #tpu.memory_space<vmem>>, vector<16xi32>,
      %get3A_1593 = arith.constant 176 : index
      %get3A_1594 = tpu.vector_load %arg12[%get3A_1593] {strides = array<i32>} : memref<256xf32, #tpu.memory_space<vmem>>, vector<16xf32>,
      %sub3A_1595 = arith.subf %get3A_1594, %gather3A_1151 : vector<16xf32>
      %get3A_1596 = arith.constant 176 : index
      %get3A_1597 = tpu.vector_load %arg13[%get3A_1596] {strides = array<i32>} : memref<256xf32, #tpu.memory_space<vmem>>, vector<16xf32>,
      %sub3A_1598 = arith.subf %get3A_1597, %gather3A_1152 : vector<16xf32>
      %min3A_1599 = arith.constant 1.000000e+01 : f32
      %min3A_1600 = vector.broadcast %min3A_1599 : f32 to vector<16xf32>
      %min3A_1601 = arith.minimumf %sub3A_1595, %min3A_1600 : vector<16xf32>
      %max3A_1602 = arith.constant -1.000000e+01 : f32
      %max3A_1603 = vector.broadcast %max3A_1602 : f32 to vector<16xf32>
      %max3A_1604 = arith.maximumf %min3A_1601, %max3A_1603 : vector<16xf32>
      %min3A_1605 = arith.constant 1.000000e+01 : f32
      %min3A_1606 = vector.broadcast %min3A_1605 : f32 to vector<16xf32>
      %min3A_1607 = arith.minimumf %sub3A_1598, %min3A_1606 : vector<16xf32>
      %max3A_1608 = arith.constant -1.000000e+01 : f32
      %max3A_1609 = vector.broadcast %max3A_1608 : f32 to vector<16xf32>
      %max3A_1610 = arith.maximumf %min3A_1607, %max3A_1609 : vector<16xf32>
      %add3A_1611 = arith.constant 1.000000e+01 : f32
      %add3A_1612 = vector.broadcast %add3A_1611 : f32 to vector<16xf32>
      %add3A_1613 = arith.addf %max3A_1604, %add3A_1612 : vector<16xf32>
      %mul3A_1614 = arith.constant 1.000000e+00 : f32
      %mul3A_1615 = vector.broadcast %mul3A_1614 : f32 to vector<16xf32>
      %mul3A_1616 = arith.mulf %add3A_1613, %mul3A_1615 : vector<16xf32>
      %add3A_1617 = arith.constant 1.000000e+01 : f32
      %add3A_1618 = vector.broadcast %add3A_1617 : f32 to vector<16xf32>
      %add3A_1619 = arith.addf %max3A_1610, %add3A_1618 : vector<16xf32>
      %mul3A_1620 = arith.constant 2.100000e+01 : f32
      %mul3A_1621 = vector.broadcast %mul3A_1620 : f32 to vector<16xf32>
      %mul3A_1622 = arith.mulf %add3A_1619, %mul3A_1621 : vector<16xf32>
      %add3A_1623 = arith.addf %mul3A_1616, %mul3A_1622 : vector<16xf32>
      %convert_element_type3A_1624 = arith.fptosi %add3A_1623 : vector<16xf32> to vector<16xi32>
      %add3A_1625 = arith.addi %convert_element_type3A_1624, %get3A_418 : vector<16xi32>
      %swap3A_1626 = arith.constant 176 : index
      %swap3A_1627 = tpu.vector_load %arg16[%swap3A_1626] {strides = array<i32>} : memref<256xi32, #tpu.memory_space<vmem>>, vector<16xi32>,
      tpu.vector_store %arg16[%swap3A_1626], %add3A_1625 {strides = array<i32>} : memref<256xi32, #tpu.memory_space<vmem>>, vector<16xi32>,
      %get3A_1628 = arith.constant 176 : index
      %get3A_1629 = tpu.vector_load %arg14[%get3A_1628] {strides = array<i32>} : memref<256xi32, #tpu.memory_space<vmem>>, vector<16xi32>,
      %add3A_1630 = arith.addi %add3A_1625, %get3A_1629 : vector<16xi32>
      %swap3A_1631 = arith.constant 176 : index
      %swap3A_1632 = tpu.vector_load %arg17[%swap3A_1631] {strides = array<i32>} : memref<256xi32, #tpu.memory_space<vmem>>, vector<16xi32>,
      tpu.vector_store %arg17[%swap3A_1631], %add3A_1630 {strides = array<i32>} : memref<256xi32, #tpu.memory_space<vmem>>, vector<16xi32>,
      %get3A_1633 = arith.constant 192 : index
      %get3A_1634 = tpu.vector_load %arg12[%get3A_1633] {strides = array<i32>} : memref<256xf32, #tpu.memory_space<vmem>>, vector<16xf32>,
      %sub3A_1635 = arith.subf %get3A_1634, %gather3A_1151 : vector<16xf32>
      %get3A_1636 = arith.constant 192 : index
      %get3A_1637 = tpu.vector_load %arg13[%get3A_1636] {strides = array<i32>} : memref<256xf32, #tpu.memory_space<vmem>>, vector<16xf32>,
      %sub3A_1638 = arith.subf %get3A_1637, %gather3A_1152 : vector<16xf32>
      %min3A_1639 = arith.constant 1.000000e+01 : f32
      %min3A_1640 = vector.broadcast %min3A_1639 : f32 to vector<16xf32>
      %min3A_1641 = arith.minimumf %sub3A_1635, %min3A_1640 : vector<16xf32>
      %max3A_1642 = arith.constant -1.000000e+01 : f32
      %max3A_1643 = vector.broadcast %max3A_1642 : f32 to vector<16xf32>
      %max3A_1644 = arith.maximumf %min3A_1641, %max3A_1643 : vector<16xf32>
      %min3A_1645 = arith.constant 1.000000e+01 : f32
      %min3A_1646 = vector.broadcast %min3A_1645 : f32 to vector<16xf32>
      %min3A_1647 = arith.minimumf %sub3A_1638, %min3A_1646 : vector<16xf32>
      %max3A_1648 = arith.constant -1.000000e+01 : f32
      %max3A_1649 = vector.broadcast %max3A_1648 : f32 to vector<16xf32>
      %max3A_1650 = arith.maximumf %min3A_1647, %max3A_1649 : vector<16xf32>
      %add3A_1651 = arith.constant 1.000000e+01 : f32
      %add3A_1652 = vector.broadcast %add3A_1651 : f32 to vector<16xf32>
      %add3A_1653 = arith.addf %max3A_1644, %add3A_1652 : vector<16xf32>
      %mul3A_1654 = arith.constant 1.000000e+00 : f32
      %mul3A_1655 = vector.broadcast %mul3A_1654 : f32 to vector<16xf32>
      %mul3A_1656 = arith.mulf %add3A_1653, %mul3A_1655 : vector<16xf32>
      %add3A_1657 = arith.constant 1.000000e+01 : f32
      %add3A_1658 = vector.broadcast %add3A_1657 : f32 to vector<16xf32>
      %add3A_1659 = arith.addf %max3A_1650, %add3A_1658 : vector<16xf32>
      %mul3A_1660 = arith.constant 2.100000e+01 : f32
      %mul3A_1661 = vector.broadcast %mul3A_1660 : f32 to vector<16xf32>
      %mul3A_1662 = arith.mulf %add3A_1659, %mul3A_1661 : vector<16xf32>
      %add3A_1663 = arith.addf %mul3A_1656, %mul3A_1662 : vector<16xf32>
      %convert_element_type3A_1664 = arith.fptosi %add3A_1663 : vector<16xf32> to vector<16xi32>
      %add3A_1665 = arith.addi %convert_element_type3A_1664, %get3A_418 : vector<16xi32>
      %swap3A_1666 = arith.constant 192 : index
      %swap3A_1667 = tpu.vector_load %arg16[%swap3A_1666] {strides = array<i32>} : memref<256xi32, #tpu.memory_space<vmem>>, vector<16xi32>,
      tpu.vector_store %arg16[%swap3A_1666], %add3A_1665 {strides = array<i32>} : memref<256xi32, #tpu.memory_space<vmem>>, vector<16xi32>,
      %get3A_1668 = arith.constant 192 : index
      %get3A_1669 = tpu.vector_load %arg14[%get3A_1668] {strides = array<i32>} : memref<256xi32, #tpu.memory_space<vmem>>, vector<16xi32>,
      %add3A_1670 = arith.addi %add3A_1665, %get3A_1669 : vector<16xi32>
      %swap3A_1671 = arith.constant 192 : index
      %swap3A_1672 = tpu.vector_load %arg17[%swap3A_1671] {strides = array<i32>} : memref<256xi32, #tpu.memory_space<vmem>>, vector<16xi32>,
      tpu.vector_store %arg17[%swap3A_1671], %add3A_1670 {strides = array<i32>} : memref<256xi32, #tpu.memory_space<vmem>>, vector<16xi32>,
      %get3A_1673 = arith.constant 208 : index
      %get3A_1674 = tpu.vector_load %arg12[%get3A_1673] {strides = array<i32>} : memref<256xf32, #tpu.memory_space<vmem>>, vector<16xf32>,
      %sub3A_1675 = arith.subf %get3A_1674, %gather3A_1151 : vector<16xf32>
      %get3A_1676 = arith.constant 208 : index
      %get3A_1677 = tpu.vector_load %arg13[%get3A_1676] {strides = array<i32>} : memref<256xf32, #tpu.memory_space<vmem>>, vector<16xf32>,
      %sub3A_1678 = arith.subf %get3A_1677, %gather3A_1152 : vector<16xf32>
      %min3A_1679 = arith.constant 1.000000e+01 : f32
      %min3A_1680 = vector.broadcast %min3A_1679 : f32 to vector<16xf32>
      %min3A_1681 = arith.minimumf %sub3A_1675, %min3A_1680 : vector<16xf32>
      %max3A_1682 = arith.constant -1.000000e+01 : f32
      %max3A_1683 = vector.broadcast %max3A_1682 : f32 to vector<16xf32>
      %max3A_1684 = arith.maximumf %min3A_1681, %max3A_1683 : vector<16xf32>
      %min3A_1685 = arith.constant 1.000000e+01 : f32
      %min3A_1686 = vector.broadcast %min3A_1685 : f32 to vector<16xf32>
      %min3A_1687 = arith.minimumf %sub3A_1678, %min3A_1686 : vector<16xf32>
      %max3A_1688 = arith.constant -1.000000e+01 : f32
      %max3A_1689 = vector.broadcast %max3A_1688 : f32 to vector<16xf32>
      %max3A_1690 = arith.maximumf %min3A_1687, %max3A_1689 : vector<16xf32>
      %add3A_1691 = arith.constant 1.000000e+01 : f32
      %add3A_1692 = vector.broadcast %add3A_1691 : f32 to vector<16xf32>
      %add3A_1693 = arith.addf %max3A_1684, %add3A_1692 : vector<16xf32>
      %mul3A_1694 = arith.constant 1.000000e+00 : f32
      %mul3A_1695 = vector.broadcast %mul3A_1694 : f32 to vector<16xf32>
      %mul3A_1696 = arith.mulf %add3A_1693, %mul3A_1695 : vector<16xf32>
      %add3A_1697 = arith.constant 1.000000e+01 : f32
      %add3A_1698 = vector.broadcast %add3A_1697 : f32 to vector<16xf32>
      %add3A_1699 = arith.addf %max3A_1690, %add3A_1698 : vector<16xf32>
      %mul3A_1700 = arith.constant 2.100000e+01 : f32
      %mul3A_1701 = vector.broadcast %mul3A_1700 : f32 to vector<16xf32>
      %mul3A_1702 = arith.mulf %add3A_1699, %mul3A_1701 : vector<16xf32>
      %add3A_1703 = arith.addf %mul3A_1696, %mul3A_1702 : vector<16xf32>
      %convert_element_type3A_1704 = arith.fptosi %add3A_1703 : vector<16xf32> to vector<16xi32>
      %add3A_1705 = arith.addi %convert_element_type3A_1704, %get3A_418 : vector<16xi32>
      %swap3A_1706 = arith.constant 208 : index
      %swap3A_1707 = tpu.vector_load %arg16[%swap3A_1706] {strides = array<i32>} : memref<256xi32, #tpu.memory_space<vmem>>, vector<16xi32>,
      tpu.vector_store %arg16[%swap3A_1706], %add3A_1705 {strides = array<i32>} : memref<256xi32, #tpu.memory_space<vmem>>, vector<16xi32>,
      %get3A_1708 = arith.constant 208 : index
      %get3A_1709 = tpu.vector_load %arg14[%get3A_1708] {strides = array<i32>} : memref<256xi32, #tpu.memory_space<vmem>>, vector<16xi32>,
      %add3A_1710 = arith.addi %add3A_1705, %get3A_1709 : vector<16xi32>
      %swap3A_1711 = arith.constant 208 : index
      %swap3A_1712 = tpu.vector_load %arg17[%swap3A_1711] {strides = array<i32>} : memref<256xi32, #tpu.memory_space<vmem>>, vector<16xi32>,
      tpu.vector_store %arg17[%swap3A_1711], %add3A_1710 {strides = array<i32>} : memref<256xi32, #tpu.memory_space<vmem>>, vector<16xi32>,
      %get3A_1713 = arith.constant 224 : index
      %get3A_1714 = tpu.vector_load %arg12[%get3A_1713] {strides = array<i32>} : memref<256xf32, #tpu.memory_space<vmem>>, vector<16xf32>,
      %sub3A_1715 = arith.subf %get3A_1714, %gather3A_1151 : vector<16xf32>
      %get3A_1716 = arith.constant 224 : index
      %get3A_1717 = tpu.vector_load %arg13[%get3A_1716] {strides = array<i32>} : memref<256xf32, #tpu.memory_space<vmem>>, vector<16xf32>,
      %sub3A_1718 = arith.subf %get3A_1717, %gather3A_1152 : vector<16xf32>
      %min3A_1719 = arith.constant 1.000000e+01 : f32
      %min3A_1720 = vector.broadcast %min3A_1719 : f32 to vector<16xf32>
      %min3A_1721 = arith.minimumf %sub3A_1715, %min3A_1720 : vector<16xf32>
      %max3A_1722 = arith.constant -1.000000e+01 : f32
      %max3A_1723 = vector.broadcast %max3A_1722 : f32 to vector<16xf32>
      %max3A_1724 = arith.maximumf %min3A_1721, %max3A_1723 : vector<16xf32>
      %min3A_1725 = arith.constant 1.000000e+01 : f32
      %min3A_1726 = vector.broadcast %min3A_1725 : f32 to vector<16xf32>
      %min3A_1727 = arith.minimumf %sub3A_1718, %min3A_1726 : vector<16xf32>
      %max3A_1728 = arith.constant -1.000000e+01 : f32
      %max3A_1729 = vector.broadcast %max3A_1728 : f32 to vector<16xf32>
      %max3A_1730 = arith.maximumf %min3A_1727, %max3A_1729 : vector<16xf32>
      %add3A_1731 = arith.constant 1.000000e+01 : f32
      %add3A_1732 = vector.broadcast %add3A_1731 : f32 to vector<16xf32>
      %add3A_1733 = arith.addf %max3A_1724, %add3A_1732 : vector<16xf32>
      %mul3A_1734 = arith.constant 1.000000e+00 : f32
      %mul3A_1735 = vector.broadcast %mul3A_1734 : f32 to vector<16xf32>
      %mul3A_1736 = arith.mulf %add3A_1733, %mul3A_1735 : vector<16xf32>
      %add3A_1737 = arith.constant 1.000000e+01 : f32
      %add3A_1738 = vector.broadcast %add3A_1737 : f32 to vector<16xf32>
      %add3A_1739 = arith.addf %max3A_1730, %add3A_1738 : vector<16xf32>
      %mul3A_1740 = arith.constant 2.100000e+01 : f32
      %mul3A_1741 = vector.broadcast %mul3A_1740 : f32 to vector<16xf32>
      %mul3A_1742 = arith.mulf %add3A_1739, %mul3A_1741 : vector<16xf32>
      %add3A_1743 = arith.addf %mul3A_1736, %mul3A_1742 : vector<16xf32>
      %convert_element_type3A_1744 = arith.fptosi %add3A_1743 : vector<16xf32> to vector<16xi32>
      %add3A_1745 = arith.addi %convert_element_type3A_1744, %get3A_418 : vector<16xi32>
      %swap3A_1746 = arith.constant 224 : index
      %swap3A_1747 = tpu.vector_load %arg16[%swap3A_1746] {strides = array<i32>} : memref<256xi32, #tpu.memory_space<vmem>>, vector<16xi32>,
      tpu.vector_store %arg16[%swap3A_1746], %add3A_1745 {strides = array<i32>} : memref<256xi32, #tpu.memory_space<vmem>>, vector<16xi32>,
      %get3A_1748 = arith.constant 224 : index
      %get3A_1749 = tpu.vector_load %arg14[%get3A_1748] {strides = array<i32>} : memref<256xi32, #tpu.memory_space<vmem>>, vector<16xi32>,
      %add3A_1750 = arith.addi %add3A_1745, %get3A_1749 : vector<16xi32>
      %swap3A_1751 = arith.constant 224 : index
      %swap3A_1752 = tpu.vector_load %arg17[%swap3A_1751] {strides = array<i32>} : memref<256xi32, #tpu.memory_space<vmem>>, vector<16xi32>,
      tpu.vector_store %arg17[%swap3A_1751], %add3A_1750 {strides = array<i32>} : memref<256xi32, #tpu.memory_space<vmem>>, vector<16xi32>,
      %get3A_1753 = arith.constant 240 : index
      %get3A_1754 = tpu.vector_load %arg12[%get3A_1753] {strides = array<i32>} : memref<256xf32, #tpu.memory_space<vmem>>, vector<16xf32>,
      %sub3A_1755 = arith.subf %get3A_1754, %gather3A_1151 : vector<16xf32>
      %get3A_1756 = arith.constant 240 : index
      %get3A_1757 = tpu.vector_load %arg13[%get3A_1756] {strides = array<i32>} : memref<256xf32, #tpu.memory_space<vmem>>, vector<16xf32>,
      %sub3A_1758 = arith.subf %get3A_1757, %gather3A_1152 : vector<16xf32>
      %min3A_1759 = arith.constant 1.000000e+01 : f32
      %min3A_1760 = vector.broadcast %min3A_1759 : f32 to vector<16xf32>
      %min3A_1761 = arith.minimumf %sub3A_1755, %min3A_1760 : vector<16xf32>
      %max3A_1762 = arith.constant -1.000000e+01 : f32
      %max3A_1763 = vector.broadcast %max3A_1762 : f32 to vector<16xf32>
      %max3A_1764 = arith.maximumf %min3A_1761, %max3A_1763 : vector<16xf32>
      %min3A_1765 = arith.constant 1.000000e+01 : f32
      %min3A_1766 = vector.broadcast %min3A_1765 : f32 to vector<16xf32>
      %min3A_1767 = arith.minimumf %sub3A_1758, %min3A_1766 : vector<16xf32>
      %max3A_1768 = arith.constant -1.000000e+01 : f32
      %max3A_1769 = vector.broadcast %max3A_1768 : f32 to vector<16xf32>
      %max3A_1770 = arith.maximumf %min3A_1767, %max3A_1769 : vector<16xf32>
      %add3A_1771 = arith.constant 1.000000e+01 : f32
      %add3A_1772 = vector.broadcast %add3A_1771 : f32 to vector<16xf32>
      %add3A_1773 = arith.addf %max3A_1764, %add3A_1772 : vector<16xf32>
      %mul3A_1774 = arith.constant 1.000000e+00 : f32
      %mul3A_1775 = vector.broadcast %mul3A_1774 : f32 to vector<16xf32>
      %mul3A_1776 = arith.mulf %add3A_1773, %mul3A_1775 : vector<16xf32>
      %add3A_1777 = arith.constant 1.000000e+01 : f32
      %add3A_1778 = vector.broadcast %add3A_1777 : f32 to vector<16xf32>
      %add3A_1779 = arith.addf %max3A_1770, %add3A_1778 : vector<16xf32>
      %mul3A_1780 = arith.constant 2.100000e+01 : f32
      %mul3A_1781 = vector.broadcast %mul3A_1780 : f32 to vector<16xf32>
      %mul3A_1782 = arith.mulf %add3A_1779, %mul3A_1781 : vector<16xf32>
      %add3A_1783 = arith.addf %mul3A_1776, %mul3A_1782 : vector<16xf32>
      %convert_element_type3A_1784 = arith.fptosi %add3A_1783 : vector<16xf32> to vector<16xi32>
      %add3A_1785 = arith.addi %convert_element_type3A_1784, %get3A_418 : vector<16xi32>
      %swap3A_1786 = arith.constant 240 : index
      %swap3A_1787 = tpu.vector_load %arg16[%swap3A_1786] {strides = array<i32>} : memref<256xi32, #tpu.memory_space<vmem>>, vector<16xi32>,
      tpu.vector_store %arg16[%swap3A_1786], %add3A_1785 {strides = array<i32>} : memref<256xi32, #tpu.memory_space<vmem>>, vector<16xi32>,
      %get3A_1788 = arith.constant 240 : index
      %get3A_1789 = tpu.vector_load %arg14[%get3A_1788] {strides = array<i32>} : memref<256xi32, #tpu.memory_space<vmem>>, vector<16xi32>,
      %add3A_1790 = arith.addi %add3A_1785, %get3A_1789 : vector<16xi32>
      %swap3A_1791 = arith.constant 240 : index
      %swap3A_1792 = tpu.vector_load %arg17[%swap3A_1791] {strides = array<i32>} : memref<256xi32, #tpu.memory_space<vmem>>, vector<16xi32>,
      tpu.vector_store %arg17[%swap3A_1791], %add3A_1790 {strides = array<i32>} : memref<256xi32, #tpu.memory_space<vmem>>, vector<16xi32>,
      %parallel_loop3A_1793 = arith.constant 0 : i32
      %parallel_loop3A_1794 = arith.constant 256 : i32
      %parallel_loop3A_1795 = arith.constant 16 : i32
      scf.for %parallel_loop3A_1820 = %parallel_loop3A_1793 to %parallel_loop3A_1794 step %parallel_loop3A_1795  : i32 {
        %parallel_loop3A_1821 = arith.index_cast %parallel_loop3A_1820 : i32 to index
        %parallel_loop3A_1822 = tpu.vector_load %arg16[%parallel_loop3A_1821] {strides = array<i32>} : memref<256xi32, #tpu.memory_space<vmem>>, vector<16xi32>,
        %parallel_loop3A_1823 = arith.index_cast %parallel_loop3A_1820 : i32 to index
        %parallel_loop3A_1824 = tpu.vector_load %arg17[%parallel_loop3A_1823] {strides = array<i32>} : memref<256xi32, #tpu.memory_space<vmem>>, vector<16xi32>,
        %parallel_loop3A_1825 = arith.constant 128 : i64
        %parallel_loop3A_1826 = arith.trunci %parallel_loop3A_1825 : i64 to i32
        %parallel_loop3A_1827 = arith.divsi %parallel_loop3A_1820, %parallel_loop3A_1826 : i32
        %parallel_loop3A_1828 = arith.constant 0 : i32
        %parallel_loop3A_1829 = arith.cmpi sgt, %parallel_loop3A_1820, %parallel_loop3A_1828 : i32
        %parallel_loop3A_1830 = arith.extui %parallel_loop3A_1829 : i1 to i32
        %parallel_loop3A_1831 = arith.constant 0 : i32
        %parallel_loop3A_1832 = arith.cmpi slt, %parallel_loop3A_1820, %parallel_loop3A_1831 : i32
        %parallel_loop3A_1833 = arith.extui %parallel_loop3A_1832 : i1 to i32
        %parallel_loop3A_1834 = arith.subi %parallel_loop3A_1830, %parallel_loop3A_1833 : i32
        %parallel_loop3A_1835 = arith.constant 0 : i32
        %parallel_loop3A_1836 = arith.cmpi sgt, %parallel_loop3A_1826, %parallel_loop3A_1835 : i32
        %parallel_loop3A_1837 = arith.extui %parallel_loop3A_1836 : i1 to i32
        %parallel_loop3A_1838 = arith.constant 0 : i32
        %parallel_loop3A_1839 = arith.cmpi slt, %parallel_loop3A_1826, %parallel_loop3A_1838 : i32
        %parallel_loop3A_1840 = arith.extui %parallel_loop3A_1839 : i1 to i32
        %parallel_loop3A_1841 = arith.subi %parallel_loop3A_1837, %parallel_loop3A_1840 : i32
        %parallel_loop3A_1842 = arith.cmpi ne, %parallel_loop3A_1834, %parallel_loop3A_1841 : i32
        %parallel_loop3A_1843 = arith.remsi %parallel_loop3A_1820, %parallel_loop3A_1826 : i32
        %parallel_loop3A_1844 = arith.constant 0 : i32
        %parallel_loop3A_1845 = arith.cmpi ne, %parallel_loop3A_1843, %parallel_loop3A_1844 : i32
        %parallel_loop3A_1846 = arith.andi %parallel_loop3A_1842, %parallel_loop3A_1845 : i1
        %parallel_loop3A_1847 = arith.constant 1 : i32
        %parallel_loop3A_1848 = arith.subi %parallel_loop3A_1827, %parallel_loop3A_1847 : i32
        %parallel_loop3A_1849 = arith.select %parallel_loop3A_1846, %parallel_loop3A_1848, %parallel_loop3A_1827 : i32
        %parallel_loop3A_1850 = arith.constant 128 : i32
        %parallel_loop3A_1851 = arith.muli %parallel_loop3A_1849, %parallel_loop3A_1850 : i32
        %parallel_loop3A_1852 = arith.subi %parallel_loop3A_1820, %parallel_loop3A_1851 : i32
        %parallel_loop3A_1853 = arith.constant 0 : i32
        %parallel_loop3A_1854 = vector.broadcast %parallel_loop3A_1853 : i32 to vector<16xi32>
        %parallel_loop3A_1855 = arith.addi %parallel_loop3A_1822, %parallel_loop3A_1854 : vector<16xi32>
        %parallel_loop3A_1856 = tpu.vector_load_idx %arg18[%parallel_loop3A_1855] : memref<14112xf32, #tpu.memory_space<vmem>>[vector<16xi32>], vector<16xf32>,
        %parallel_loop3A_1857 = arith.constant 0 : i64
        %parallel_loop3A_1858 = arith.constant 0 : i64
        %parallel_loop3A_1859 = arith.index_cast %parallel_loop3A_1857 : i64 to index
        %parallel_loop3A_1860 = arith.index_cast %parallel_loop3A_1849 : i32 to index
        %parallel_loop3A_1861 = arith.index_cast %parallel_loop3A_1858 : i64 to index
        %parallel_loop3A_1862 = arith.index_cast %parallel_loop3A_1852 : i32 to index
        %parallel_loop3A_1863 = tpu.vector_load %arg22[%parallel_loop3A_1859, %parallel_loop3A_1860, %parallel_loop3A_1861, %parallel_loop3A_1862] {strides = array<i32>} : memref<4x2x8x128xf32, #tpu.memory_space<vmem>>, vector<16xf32>,
        tpu.vector_store %arg22[%parallel_loop3A_1859, %parallel_loop3A_1860, %parallel_loop3A_1861, %parallel_loop3A_1862], %parallel_loop3A_1856 {strides = array<i32>} : memref<4x2x8x128xf32, #tpu.memory_space<vmem>>, vector<16xf32>,
        %parallel_loop3A_1864 = arith.constant 0 : i32
        %parallel_loop3A_1865 = vector.broadcast %parallel_loop3A_1864 : i32 to vector<16xi32>
        %parallel_loop3A_1866 = arith.addi %parallel_loop3A_1824, %parallel_loop3A_1865 : vector<16xi32>
        %parallel_loop3A_1867 = tpu.vector_load_idx %arg19[%parallel_loop3A_1866] : memref<56448xf32, #tpu.memory_space<vmem>>[vector<16xi32>], vector<16xf32>,
        %parallel_loop3A_1868 = arith.constant 0 : i64
        %parallel_loop3A_1869 = arith.constant 0 : i64
        %parallel_loop3A_1870 = arith.index_cast %parallel_loop3A_1868 : i64 to index
        %parallel_loop3A_1871 = arith.index_cast %parallel_loop3A_1849 : i32 to index
        %parallel_loop3A_1872 = arith.index_cast %parallel_loop3A_1869 : i64 to index
        %parallel_loop3A_1873 = arith.index_cast %parallel_loop3A_1852 : i32 to index
        %parallel_loop3A_1874 = tpu.vector_load %arg23[%parallel_loop3A_1870, %parallel_loop3A_1871, %parallel_loop3A_1872, %parallel_loop3A_1873] {strides = array<i32>} : memref<4x2x8x128xf32, #tpu.memory_space<vmem>>, vector<16xf32>,
        tpu.vector_store %arg23[%parallel_loop3A_1870, %parallel_loop3A_1871, %parallel_loop3A_1872, %parallel_loop3A_1873], %parallel_loop3A_1867 {strides = array<i32>} : memref<4x2x8x128xf32, #tpu.memory_space<vmem>>, vector<16xf32>,
        %parallel_loop3A_1875 = arith.constant 441 : i32
        %parallel_loop3A_1876 = vector.broadcast %parallel_loop3A_1875 : i32 to vector<16xi32>
        %parallel_loop3A_1877 = arith.addi %parallel_loop3A_1822, %parallel_loop3A_1876 : vector<16xi32>
        %parallel_loop3A_1878 = tpu.vector_load_idx %arg18[%parallel_loop3A_1877] : memref<14112xf32, #tpu.memory_space<vmem>>[vector<16xi32>], vector<16xf32>,
        %parallel_loop3A_1879 = arith.constant 0 : i64
        %parallel_loop3A_1880 = arith.constant 1 : i64
        %parallel_loop3A_1881 = arith.index_cast %parallel_loop3A_1879 : i64 to index
        %parallel_loop3A_1882 = arith.index_cast %parallel_loop3A_1849 : i32 to index
        %parallel_loop3A_1883 = arith.index_cast %parallel_loop3A_1880 : i64 to index
        %parallel_loop3A_1884 = arith.index_cast %parallel_loop3A_1852 : i32 to index
        %parallel_loop3A_1885 = tpu.vector_load %arg22[%parallel_loop3A_1881, %parallel_loop3A_1882, %parallel_loop3A_1883, %parallel_loop3A_1884] {strides = array<i32>} : memref<4x2x8x128xf32, #tpu.memory_space<vmem>>, vector<16xf32>,
        tpu.vector_store %arg22[%parallel_loop3A_1881, %parallel_loop3A_1882, %parallel_loop3A_1883, %parallel_loop3A_1884], %parallel_loop3A_1878 {strides = array<i32>} : memref<4x2x8x128xf32, #tpu.memory_space<vmem>>, vector<16xf32>,
        %parallel_loop3A_1886 = arith.constant 1764 : i32
        %parallel_loop3A_1887 = vector.broadcast %parallel_loop3A_1886 : i32 to vector<16xi32>
        %parallel_loop3A_1888 = arith.addi %parallel_loop3A_1824, %parallel_loop3A_1887 : vector<16xi32>
        %parallel_loop3A_1889 = tpu.vector_load_idx %arg19[%parallel_loop3A_1888] : memref<56448xf32, #tpu.memory_space<vmem>>[vector<16xi32>], vector<16xf32>,
        %parallel_loop3A_1890 = arith.constant 0 : i64
        %parallel_loop3A_1891 = arith.constant 1 : i64
        %parallel_loop3A_1892 = arith.index_cast %parallel_loop3A_1890 : i64 to index
        %parallel_loop3A_1893 = arith.index_cast %parallel_loop3A_1849 : i32 to index
        %parallel_loop3A_1894 = arith.index_cast %parallel_loop3A_1891 : i64 to index
        %parallel_loop3A_1895 = arith.index_cast %parallel_loop3A_1852 : i32 to index
        %parallel_loop3A_1896 = tpu.vector_load %arg23[%parallel_loop3A_1892, %parallel_loop3A_1893, %parallel_loop3A_1894, %parallel_loop3A_1895] {strides = array<i32>} : memref<4x2x8x128xf32, #tpu.memory_space<vmem>>, vector<16xf32>,
        tpu.vector_store %arg23[%parallel_loop3A_1892, %parallel_loop3A_1893, %parallel_loop3A_1894, %parallel_loop3A_1895], %parallel_loop3A_1889 {strides = array<i32>} : memref<4x2x8x128xf32, #tpu.memory_space<vmem>>, vector<16xf32>,
        %parallel_loop3A_1897 = arith.constant 882 : i32
        %parallel_loop3A_1898 = vector.broadcast %parallel_loop3A_1897 : i32 to vector<16xi32>
        %parallel_loop3A_1899 = arith.addi %parallel_loop3A_1822, %parallel_loop3A_1898 : vector<16xi32>
        %parallel_loop3A_1900 = tpu.vector_load_idx %arg18[%parallel_loop3A_1899] : memref<14112xf32, #tpu.memory_space<vmem>>[vector<16xi32>], vector<16xf32>,
        %parallel_loop3A_1901 = arith.constant 0 : i64
        %parallel_loop3A_1902 = arith.constant 2 : i64
        %parallel_loop3A_1903 = arith.index_cast %parallel_loop3A_1901 : i64 to index
        %parallel_loop3A_1904 = arith.index_cast %parallel_loop3A_1849 : i32 to index
        %parallel_loop3A_1905 = arith.index_cast %parallel_loop3A_1902 : i64 to index
        %parallel_loop3A_1906 = arith.index_cast %parallel_loop3A_1852 : i32 to index
        %parallel_loop3A_1907 = tpu.vector_load %arg22[%parallel_loop3A_1903, %parallel_loop3A_1904, %parallel_loop3A_1905, %parallel_loop3A_1906] {strides = array<i32>} : memref<4x2x8x128xf32, #tpu.memory_space<vmem>>, vector<16xf32>,
        tpu.vector_store %arg22[%parallel_loop3A_1903, %parallel_loop3A_1904, %parallel_loop3A_1905, %parallel_loop3A_1906], %parallel_loop3A_1900 {strides = array<i32>} : memref<4x2x8x128xf32, #tpu.memory_space<vmem>>, vector<16xf32>,
        %parallel_loop3A_1908 = arith.constant 3528 : i32
        %parallel_loop3A_1909 = vector.broadcast %parallel_loop3A_1908 : i32 to vector<16xi32>
        %parallel_loop3A_1910 = arith.addi %parallel_loop3A_1824, %parallel_loop3A_1909 : vector<16xi32>
        %parallel_loop3A_1911 = tpu.vector_load_idx %arg19[%parallel_loop3A_1910] : memref<56448xf32, #tpu.memory_space<vmem>>[vector<16xi32>], vector<16xf32>,
        %parallel_loop3A_1912 = arith.constant 0 : i64
        %parallel_loop3A_1913 = arith.constant 2 : i64
        %parallel_loop3A_1914 = arith.index_cast %parallel_loop3A_1912 : i64 to index
        %parallel_loop3A_1915 = arith.index_cast %parallel_loop3A_1849 : i32 to index
        %parallel_loop3A_1916 = arith.index_cast %parallel_loop3A_1913 : i64 to index
        %parallel_loop3A_1917 = arith.index_cast %parallel_loop3A_1852 : i32 to index
        %parallel_loop3A_1918 = tpu.vector_load %arg23[%parallel_loop3A_1914, %parallel_loop3A_1915, %parallel_loop3A_1916, %parallel_loop3A_1917] {strides = array<i32>} : memref<4x2x8x128xf32, #tpu.memory_space<vmem>>, vector<16xf32>,
        tpu.vector_store %arg23[%parallel_loop3A_1914, %parallel_loop3A_1915, %parallel_loop3A_1916, %parallel_loop3A_1917], %parallel_loop3A_1911 {strides = array<i32>} : memref<4x2x8x128xf32, #tpu.memory_space<vmem>>, vector<16xf32>,
        %parallel_loop3A_1919 = arith.constant 1323 : i32
        %parallel_loop3A_1920 = vector.broadcast %parallel_loop3A_1919 : i32 to vector<16xi32>
        %parallel_loop3A_1921 = arith.addi %parallel_loop3A_1822, %parallel_loop3A_1920 : vector<16xi32>
        %parallel_loop3A_1922 = tpu.vector_load_idx %arg18[%parallel_loop3A_1921] : memref<14112xf32, #tpu.memory_space<vmem>>[vector<16xi32>], vector<16xf32>,
        %parallel_loop3A_1923 = arith.constant 0 : i64
        %parallel_loop3A_1924 = arith.constant 3 : i64
        %parallel_loop3A_1925 = arith.index_cast %parallel_loop3A_1923 : i64 to index
        %parallel_loop3A_1926 = arith.index_cast %parallel_loop3A_1849 : i32 to index
        %parallel_loop3A_1927 = arith.index_cast %parallel_loop3A_1924 : i64 to index
        %parallel_loop3A_1928 = arith.index_cast %parallel_loop3A_1852 : i32 to index
        %parallel_loop3A_1929 = tpu.vector_load %arg22[%parallel_loop3A_1925, %parallel_loop3A_1926, %parallel_loop3A_1927, %parallel_loop3A_1928] {strides = array<i32>} : memref<4x2x8x128xf32, #tpu.memory_space<vmem>>, vector<16xf32>,
        tpu.vector_store %arg22[%parallel_loop3A_1925, %parallel_loop3A_1926, %parallel_loop3A_1927, %parallel_loop3A_1928], %parallel_loop3A_1922 {strides = array<i32>} : memref<4x2x8x128xf32, #tpu.memory_space<vmem>>, vector<16xf32>,
        %parallel_loop3A_1930 = arith.constant 5292 : i32
        %parallel_loop3A_1931 = vector.broadcast %parallel_loop3A_1930 : i32 to vector<16xi32>
        %parallel_loop3A_1932 = arith.addi %parallel_loop3A_1824, %parallel_loop3A_1931 : vector<16xi32>
        %parallel_loop3A_1933 = tpu.vector_load_idx %arg19[%parallel_loop3A_1932] : memref<56448xf32, #tpu.memory_space<vmem>>[vector<16xi32>], vector<16xf32>,
        %parallel_loop3A_1934 = arith.constant 0 : i64
        %parallel_loop3A_1935 = arith.constant 3 : i64
        %parallel_loop3A_1936 = arith.index_cast %parallel_loop3A_1934 : i64 to index
        %parallel_loop3A_1937 = arith.index_cast %parallel_loop3A_1849 : i32 to index
        %parallel_loop3A_1938 = arith.index_cast %parallel_loop3A_1935 : i64 to index
        %parallel_loop3A_1939 = arith.index_cast %parallel_loop3A_1852 : i32 to index
        %parallel_loop3A_1940 = tpu.vector_load %arg23[%parallel_loop3A_1936, %parallel_loop3A_1937, %parallel_loop3A_1938, %parallel_loop3A_1939] {strides = array<i32>} : memref<4x2x8x128xf32, #tpu.memory_space<vmem>>, vector<16xf32>,
        tpu.vector_store %arg23[%parallel_loop3A_1936, %parallel_loop3A_1937, %parallel_loop3A_1938, %parallel_loop3A_1939], %parallel_loop3A_1933 {strides = array<i32>} : memref<4x2x8x128xf32, #tpu.memory_space<vmem>>, vector<16xf32>,
        %parallel_loop3A_1941 = arith.constant 1764 : i32
        %parallel_loop3A_1942 = vector.broadcast %parallel_loop3A_1941 : i32 to vector<16xi32>
        %parallel_loop3A_1943 = arith.addi %parallel_loop3A_1822, %parallel_loop3A_1942 : vector<16xi32>
        %parallel_loop3A_1944 = tpu.vector_load_idx %arg18[%parallel_loop3A_1943] : memref<14112xf32, #tpu.memory_space<vmem>>[vector<16xi32>], vector<16xf32>,
        %parallel_loop3A_1945 = arith.constant 0 : i64
        %parallel_loop3A_1946 = arith.constant 4 : i64
        %parallel_loop3A_1947 = arith.index_cast %parallel_loop3A_1945 : i64 to index
        %parallel_loop3A_1948 = arith.index_cast %parallel_loop3A_1849 : i32 to index
        %parallel_loop3A_1949 = arith.index_cast %parallel_loop3A_1946 : i64 to index
        %parallel_loop3A_1950 = arith.index_cast %parallel_loop3A_1852 : i32 to index
        %parallel_loop3A_1951 = tpu.vector_load %arg22[%parallel_loop3A_1947, %parallel_loop3A_1948, %parallel_loop3A_1949, %parallel_loop3A_1950] {strides = array<i32>} : memref<4x2x8x128xf32, #tpu.memory_space<vmem>>, vector<16xf32>,
        tpu.vector_store %arg22[%parallel_loop3A_1947, %parallel_loop3A_1948, %parallel_loop3A_1949, %parallel_loop3A_1950], %parallel_loop3A_1944 {strides = array<i32>} : memref<4x2x8x128xf32, #tpu.memory_space<vmem>>, vector<16xf32>,
        %parallel_loop3A_1952 = arith.constant 7056 : i32
        %parallel_loop3A_1953 = vector.broadcast %parallel_loop3A_1952 : i32 to vector<16xi32>
        %parallel_loop3A_1954 = arith.addi %parallel_loop3A_1824, %parallel_loop3A_1953 : vector<16xi32>
        %parallel_loop3A_1955 = tpu.vector_load_idx %arg19[%parallel_loop3A_1954] : memref<56448xf32, #tpu.memory_space<vmem>>[vector<16xi32>], vector<16xf32>,
        %parallel_loop3A_1956 = arith.constant 0 : i64
        %parallel_loop3A_1957 = arith.constant 4 : i64
        %parallel_loop3A_1958 = arith.index_cast %parallel_loop3A_1956 : i64 to index
        %parallel_loop3A_1959 = arith.index_cast %parallel_loop3A_1849 : i32 to index
        %parallel_loop3A_1960 = arith.index_cast %parallel_loop3A_1957 : i64 to index
        %parallel_loop3A_1961 = arith.index_cast %parallel_loop3A_1852 : i32 to index
        %parallel_loop3A_1962 = tpu.vector_load %arg23[%parallel_loop3A_1958, %parallel_loop3A_1959, %parallel_loop3A_1960, %parallel_loop3A_1961] {strides = array<i32>} : memref<4x2x8x128xf32, #tpu.memory_space<vmem>>, vector<16xf32>,
        tpu.vector_store %arg23[%parallel_loop3A_1958, %parallel_loop3A_1959, %parallel_loop3A_1960, %parallel_loop3A_1961], %parallel_loop3A_1955 {strides = array<i32>} : memref<4x2x8x128xf32, #tpu.memory_space<vmem>>, vector<16xf32>,
        %parallel_loop3A_1963 = arith.constant 2205 : i32
        %parallel_loop3A_1964 = vector.broadcast %parallel_loop3A_1963 : i32 to vector<16xi32>
        %parallel_loop3A_1965 = arith.addi %parallel_loop3A_1822, %parallel_loop3A_1964 : vector<16xi32>
        %parallel_loop3A_1966 = tpu.vector_load_idx %arg18[%parallel_loop3A_1965] : memref<14112xf32, #tpu.memory_space<vmem>>[vector<16xi32>], vector<16xf32>,
        %parallel_loop3A_1967 = arith.constant 0 : i64
        %parallel_loop3A_1968 = arith.constant 5 : i64
        %parallel_loop3A_1969 = arith.index_cast %parallel_loop3A_1967 : i64 to index
        %parallel_loop3A_1970 = arith.index_cast %parallel_loop3A_1849 : i32 to index
        %parallel_loop3A_1971 = arith.index_cast %parallel_loop3A_1968 : i64 to index
        %parallel_loop3A_1972 = arith.index_cast %parallel_loop3A_1852 : i32 to index
        %parallel_loop3A_1973 = tpu.vector_load %arg22[%parallel_loop3A_1969, %parallel_loop3A_1970, %parallel_loop3A_1971, %parallel_loop3A_1972] {strides = array<i32>} : memref<4x2x8x128xf32, #tpu.memory_space<vmem>>, vector<16xf32>,
        tpu.vector_store %arg22[%parallel_loop3A_1969, %parallel_loop3A_1970, %parallel_loop3A_1971, %parallel_loop3A_1972], %parallel_loop3A_1966 {strides = array<i32>} : memref<4x2x8x128xf32, #tpu.memory_space<vmem>>, vector<16xf32>,
        %parallel_loop3A_1974 = arith.constant 8820 : i32
        %parallel_loop3A_1975 = vector.broadcast %parallel_loop3A_1974 : i32 to vector<16xi32>
        %parallel_loop3A_1976 = arith.addi %parallel_loop3A_1824, %parallel_loop3A_1975 : vector<16xi32>
        %parallel_loop3A_1977 = tpu.vector_load_idx %arg19[%parallel_loop3A_1976] : memref<56448xf32, #tpu.memory_space<vmem>>[vector<16xi32>], vector<16xf32>,
        %parallel_loop3A_1978 = arith.constant 0 : i64
        %parallel_loop3A_1979 = arith.constant 5 : i64
        %parallel_loop3A_1980 = arith.index_cast %parallel_loop3A_1978 : i64 to index
        %parallel_loop3A_1981 = arith.index_cast %parallel_loop3A_1849 : i32 to index
        %parallel_loop3A_1982 = arith.index_cast %parallel_loop3A_1979 : i64 to index
        %parallel_loop3A_1983 = arith.index_cast %parallel_loop3A_1852 : i32 to index
        %parallel_loop3A_1984 = tpu.vector_load %arg23[%parallel_loop3A_1980, %parallel_loop3A_1981, %parallel_loop3A_1982, %parallel_loop3A_1983] {strides = array<i32>} : memref<4x2x8x128xf32, #tpu.memory_space<vmem>>, vector<16xf32>,
        tpu.vector_store %arg23[%parallel_loop3A_1980, %parallel_loop3A_1981, %parallel_loop3A_1982, %parallel_loop3A_1983], %parallel_loop3A_1977 {strides = array<i32>} : memref<4x2x8x128xf32, #tpu.memory_space<vmem>>, vector<16xf32>,
        %parallel_loop3A_1985 = arith.constant 2646 : i32
        %parallel_loop3A_1986 = vector.broadcast %parallel_loop3A_1985 : i32 to vector<16xi32>
        %parallel_loop3A_1987 = arith.addi %parallel_loop3A_1822, %parallel_loop3A_1986 : vector<16xi32>
        %parallel_loop3A_1988 = tpu.vector_load_idx %arg18[%parallel_loop3A_1987] : memref<14112xf32, #tpu.memory_space<vmem>>[vector<16xi32>], vector<16xf32>,
        %parallel_loop3A_1989 = arith.constant 0 : i64
        %parallel_loop3A_1990 = arith.constant 6 : i64
        %parallel_loop3A_1991 = arith.index_cast %parallel_loop3A_1989 : i64 to index
        %parallel_loop3A_1992 = arith.index_cast %parallel_loop3A_1849 : i32 to index
        %parallel_loop3A_1993 = arith.index_cast %parallel_loop3A_1990 : i64 to index
        %parallel_loop3A_1994 = arith.index_cast %parallel_loop3A_1852 : i32 to index
        %parallel_loop3A_1995 = tpu.vector_load %arg22[%parallel_loop3A_1991, %parallel_loop3A_1992, %parallel_loop3A_1993, %parallel_loop3A_1994] {strides = array<i32>} : memref<4x2x8x128xf32, #tpu.memory_space<vmem>>, vector<16xf32>,
        tpu.vector_store %arg22[%parallel_loop3A_1991, %parallel_loop3A_1992, %parallel_loop3A_1993, %parallel_loop3A_1994], %parallel_loop3A_1988 {strides = array<i32>} : memref<4x2x8x128xf32, #tpu.memory_space<vmem>>, vector<16xf32>,
        %parallel_loop3A_1996 = arith.constant 10584 : i32
        %parallel_loop3A_1997 = vector.broadcast %parallel_loop3A_1996 : i32 to vector<16xi32>
        %parallel_loop3A_1998 = arith.addi %parallel_loop3A_1824, %parallel_loop3A_1997 : vector<16xi32>
        %parallel_loop3A_1999 = tpu.vector_load_idx %arg19[%parallel_loop3A_1998] : memref<56448xf32, #tpu.memory_space<vmem>>[vector<16xi32>], vector<16xf32>,
        %parallel_loop3A_2000 = arith.constant 0 : i64
        %parallel_loop3A_2001 = arith.constant 6 : i64
        %parallel_loop3A_2002 = arith.index_cast %parallel_loop3A_2000 : i64 to index
        %parallel_loop3A_2003 = arith.index_cast %parallel_loop3A_1849 : i32 to index
        %parallel_loop3A_2004 = arith.index_cast %parallel_loop3A_2001 : i64 to index
        %parallel_loop3A_2005 = arith.index_cast %parallel_loop3A_1852 : i32 to index
        %parallel_loop3A_2006 = tpu.vector_load %arg23[%parallel_loop3A_2002, %parallel_loop3A_2003, %parallel_loop3A_2004, %parallel_loop3A_2005] {strides = array<i32>} : memref<4x2x8x128xf32, #tpu.memory_space<vmem>>, vector<16xf32>,
        tpu.vector_store %arg23[%parallel_loop3A_2002, %parallel_loop3A_2003, %parallel_loop3A_2004, %parallel_loop3A_2005], %parallel_loop3A_1999 {strides = array<i32>} : memref<4x2x8x128xf32, #tpu.memory_space<vmem>>, vector<16xf32>,
        %parallel_loop3A_2007 = arith.constant 3087 : i32
        %parallel_loop3A_2008 = vector.broadcast %parallel_loop3A_2007 : i32 to vector<16xi32>
        %parallel_loop3A_2009 = arith.addi %parallel_loop3A_1822, %parallel_loop3A_2008 : vector<16xi32>
        %parallel_loop3A_2010 = tpu.vector_load_idx %arg18[%parallel_loop3A_2009] : memref<14112xf32, #tpu.memory_space<vmem>>[vector<16xi32>], vector<16xf32>,
        %parallel_loop3A_2011 = arith.constant 0 : i64
        %parallel_loop3A_2012 = arith.constant 7 : i64
        %parallel_loop3A_2013 = arith.index_cast %parallel_loop3A_2011 : i64 to index
        %parallel_loop3A_2014 = arith.index_cast %parallel_loop3A_1849 : i32 to index
        %parallel_loop3A_2015 = arith.index_cast %parallel_loop3A_2012 : i64 to index
        %parallel_loop3A_2016 = arith.index_cast %parallel_loop3A_1852 : i32 to index
        %parallel_loop3A_2017 = tpu.vector_load %arg22[%parallel_loop3A_2013, %parallel_loop3A_2014, %parallel_loop3A_2015, %parallel_loop3A_2016] {strides = array<i32>} : memref<4x2x8x128xf32, #tpu.memory_space<vmem>>, vector<16xf32>,
        tpu.vector_store %arg22[%parallel_loop3A_2013, %parallel_loop3A_2014, %parallel_loop3A_2015, %parallel_loop3A_2016], %parallel_loop3A_2010 {strides = array<i32>} : memref<4x2x8x128xf32, #tpu.memory_space<vmem>>, vector<16xf32>,
        %parallel_loop3A_2018 = arith.constant 12348 : i32
        %parallel_loop3A_2019 = vector.broadcast %parallel_loop3A_2018 : i32 to vector<16xi32>
        %parallel_loop3A_2020 = arith.addi %parallel_loop3A_1824, %parallel_loop3A_2019 : vector<16xi32>
        %parallel_loop3A_2021 = tpu.vector_load_idx %arg19[%parallel_loop3A_2020] : memref<56448xf32, #tpu.memory_space<vmem>>[vector<16xi32>], vector<16xf32>,
        %parallel_loop3A_2022 = arith.constant 0 : i64
        %parallel_loop3A_2023 = arith.constant 7 : i64
        %parallel_loop3A_2024 = arith.index_cast %parallel_loop3A_2022 : i64 to index
        %parallel_loop3A_2025 = arith.index_cast %parallel_loop3A_1849 : i32 to index
        %parallel_loop3A_2026 = arith.index_cast %parallel_loop3A_2023 : i64 to index
        %parallel_loop3A_2027 = arith.index_cast %parallel_loop3A_1852 : i32 to index
        %parallel_loop3A_2028 = tpu.vector_load %arg23[%parallel_loop3A_2024, %parallel_loop3A_2025, %parallel_loop3A_2026, %parallel_loop3A_2027] {strides = array<i32>} : memref<4x2x8x128xf32, #tpu.memory_space<vmem>>, vector<16xf32>,
        tpu.vector_store %arg23[%parallel_loop3A_2024, %parallel_loop3A_2025, %parallel_loop3A_2026, %parallel_loop3A_2027], %parallel_loop3A_2021 {strides = array<i32>} : memref<4x2x8x128xf32, #tpu.memory_space<vmem>>, vector<16xf32>,
        %parallel_loop3A_2029 = arith.constant 3528 : i32
        %parallel_loop3A_2030 = vector.broadcast %parallel_loop3A_2029 : i32 to vector<16xi32>
        %parallel_loop3A_2031 = arith.addi %parallel_loop3A_1822, %parallel_loop3A_2030 : vector<16xi32>
        %parallel_loop3A_2032 = tpu.vector_load_idx %arg18[%parallel_loop3A_2031] : memref<14112xf32, #tpu.memory_space<vmem>>[vector<16xi32>], vector<16xf32>,
        %parallel_loop3A_2033 = arith.constant 1 : i64
        %parallel_loop3A_2034 = arith.constant 0 : i64
        %parallel_loop3A_2035 = arith.index_cast %parallel_loop3A_2033 : i64 to index
        %parallel_loop3A_2036 = arith.index_cast %parallel_loop3A_1849 : i32 to index
        %parallel_loop3A_2037 = arith.index_cast %parallel_loop3A_2034 : i64 to index
        %parallel_loop3A_2038 = arith.index_cast %parallel_loop3A_1852 : i32 to index
        %parallel_loop3A_2039 = tpu.vector_load %arg22[%parallel_loop3A_2035, %parallel_loop3A_2036, %parallel_loop3A_2037, %parallel_loop3A_2038] {strides = array<i32>} : memref<4x2x8x128xf32, #tpu.memory_space<vmem>>, vector<16xf32>,
        tpu.vector_store %arg22[%parallel_loop3A_2035, %parallel_loop3A_2036, %parallel_loop3A_2037, %parallel_loop3A_2038], %parallel_loop3A_2032 {strides = array<i32>} : memref<4x2x8x128xf32, #tpu.memory_space<vmem>>, vector<16xf32>,
        %parallel_loop3A_2040 = arith.constant 14112 : i32
        %parallel_loop3A_2041 = vector.broadcast %parallel_loop3A_2040 : i32 to vector<16xi32>
        %parallel_loop3A_2042 = arith.addi %parallel_loop3A_1824, %parallel_loop3A_2041 : vector<16xi32>
        %parallel_loop3A_2043 = tpu.vector_load_idx %arg19[%parallel_loop3A_2042] : memref<56448xf32, #tpu.memory_space<vmem>>[vector<16xi32>], vector<16xf32>,
        %parallel_loop3A_2044 = arith.constant 1 : i64
        %parallel_loop3A_2045 = arith.constant 0 : i64
        %parallel_loop3A_2046 = arith.index_cast %parallel_loop3A_2044 : i64 to index
        %parallel_loop3A_2047 = arith.index_cast %parallel_loop3A_1849 : i32 to index
        %parallel_loop3A_2048 = arith.index_cast %parallel_loop3A_2045 : i64 to index
        %parallel_loop3A_2049 = arith.index_cast %parallel_loop3A_1852 : i32 to index
        %parallel_loop3A_2050 = tpu.vector_load %arg23[%parallel_loop3A_2046, %parallel_loop3A_2047, %parallel_loop3A_2048, %parallel_loop3A_2049] {strides = array<i32>} : memref<4x2x8x128xf32, #tpu.memory_space<vmem>>, vector<16xf32>,
        tpu.vector_store %arg23[%parallel_loop3A_2046, %parallel_loop3A_2047, %parallel_loop3A_2048, %parallel_loop3A_2049], %parallel_loop3A_2043 {strides = array<i32>} : memref<4x2x8x128xf32, #tpu.memory_space<vmem>>, vector<16xf32>,
        %parallel_loop3A_2051 = arith.constant 3969 : i32
        %parallel_loop3A_2052 = vector.broadcast %parallel_loop3A_2051 : i32 to vector<16xi32>
        %parallel_loop3A_2053 = arith.addi %parallel_loop3A_1822, %parallel_loop3A_2052 : vector<16xi32>
        %parallel_loop3A_2054 = tpu.vector_load_idx %arg18[%parallel_loop3A_2053] : memref<14112xf32, #tpu.memory_space<vmem>>[vector<16xi32>], vector<16xf32>,
        %parallel_loop3A_2055 = arith.constant 1 : i64
        %parallel_loop3A_2056 = arith.constant 1 : i64
        %parallel_loop3A_2057 = arith.index_cast %parallel_loop3A_2055 : i64 to index
        %parallel_loop3A_2058 = arith.index_cast %parallel_loop3A_1849 : i32 to index
        %parallel_loop3A_2059 = arith.index_cast %parallel_loop3A_2056 : i64 to index
        %parallel_loop3A_2060 = arith.index_cast %parallel_loop3A_1852 : i32 to index
        %parallel_loop3A_2061 = tpu.vector_load %arg22[%parallel_loop3A_2057, %parallel_loop3A_2058, %parallel_loop3A_2059, %parallel_loop3A_2060] {strides = array<i32>} : memref<4x2x8x128xf32, #tpu.memory_space<vmem>>, vector<16xf32>,
        tpu.vector_store %arg22[%parallel_loop3A_2057, %parallel_loop3A_2058, %parallel_loop3A_2059, %parallel_loop3A_2060], %parallel_loop3A_2054 {strides = array<i32>} : memref<4x2x8x128xf32, #tpu.memory_space<vmem>>, vector<16xf32>,
        %parallel_loop3A_2062 = arith.constant 15876 : i32
        %parallel_loop3A_2063 = vector.broadcast %parallel_loop3A_2062 : i32 to vector<16xi32>
        %parallel_loop3A_2064 = arith.addi %parallel_loop3A_1824, %parallel_loop3A_2063 : vector<16xi32>
        %parallel_loop3A_2065 = tpu.vector_load_idx %arg19[%parallel_loop3A_2064] : memref<56448xf32, #tpu.memory_space<vmem>>[vector<16xi32>], vector<16xf32>,
        %parallel_loop3A_2066 = arith.constant 1 : i64
        %parallel_loop3A_2067 = arith.constant 1 : i64
        %parallel_loop3A_2068 = arith.index_cast %parallel_loop3A_2066 : i64 to index
        %parallel_loop3A_2069 = arith.index_cast %parallel_loop3A_1849 : i32 to index
        %parallel_loop3A_2070 = arith.index_cast %parallel_loop3A_2067 : i64 to index
        %parallel_loop3A_2071 = arith.index_cast %parallel_loop3A_1852 : i32 to index
        %parallel_loop3A_2072 = tpu.vector_load %arg23[%parallel_loop3A_2068, %parallel_loop3A_2069, %parallel_loop3A_2070, %parallel_loop3A_2071] {strides = array<i32>} : memref<4x2x8x128xf32, #tpu.memory_space<vmem>>, vector<16xf32>,
        tpu.vector_store %arg23[%parallel_loop3A_2068, %parallel_loop3A_2069, %parallel_loop3A_2070, %parallel_loop3A_2071], %parallel_loop3A_2065 {strides = array<i32>} : memref<4x2x8x128xf32, #tpu.memory_space<vmem>>, vector<16xf32>,
        %parallel_loop3A_2073 = arith.constant 4410 : i32
        %parallel_loop3A_2074 = vector.broadcast %parallel_loop3A_2073 : i32 to vector<16xi32>
        %parallel_loop3A_2075 = arith.addi %parallel_loop3A_1822, %parallel_loop3A_2074 : vector<16xi32>
        %parallel_loop3A_2076 = tpu.vector_load_idx %arg18[%parallel_loop3A_2075] : memref<14112xf32, #tpu.memory_space<vmem>>[vector<16xi32>], vector<16xf32>,
        %parallel_loop3A_2077 = arith.constant 1 : i64
        %parallel_loop3A_2078 = arith.constant 2 : i64
        %parallel_loop3A_2079 = arith.index_cast %parallel_loop3A_2077 : i64 to index
        %parallel_loop3A_2080 = arith.index_cast %parallel_loop3A_1849 : i32 to index
        %parallel_loop3A_2081 = arith.index_cast %parallel_loop3A_2078 : i64 to index
        %parallel_loop3A_2082 = arith.index_cast %parallel_loop3A_1852 : i32 to index
        %parallel_loop3A_2083 = tpu.vector_load %arg22[%parallel_loop3A_2079, %parallel_loop3A_2080, %parallel_loop3A_2081, %parallel_loop3A_2082] {strides = array<i32>} : memref<4x2x8x128xf32, #tpu.memory_space<vmem>>, vector<16xf32>,
        tpu.vector_store %arg22[%parallel_loop3A_2079, %parallel_loop3A_2080, %parallel_loop3A_2081, %parallel_loop3A_2082], %parallel_loop3A_2076 {strides = array<i32>} : memref<4x2x8x128xf32, #tpu.memory_space<vmem>>, vector<16xf32>,
        %parallel_loop3A_2084 = arith.constant 17640 : i32
        %parallel_loop3A_2085 = vector.broadcast %parallel_loop3A_2084 : i32 to vector<16xi32>
        %parallel_loop3A_2086 = arith.addi %parallel_loop3A_1824, %parallel_loop3A_2085 : vector<16xi32>
        %parallel_loop3A_2087 = tpu.vector_load_idx %arg19[%parallel_loop3A_2086] : memref<56448xf32, #tpu.memory_space<vmem>>[vector<16xi32>], vector<16xf32>,
        %parallel_loop3A_2088 = arith.constant 1 : i64
        %parallel_loop3A_2089 = arith.constant 2 : i64
        %parallel_loop3A_2090 = arith.index_cast %parallel_loop3A_2088 : i64 to index
        %parallel_loop3A_2091 = arith.index_cast %parallel_loop3A_1849 : i32 to index
        %parallel_loop3A_2092 = arith.index_cast %parallel_loop3A_2089 : i64 to index
        %parallel_loop3A_2093 = arith.index_cast %parallel_loop3A_1852 : i32 to index
        %parallel_loop3A_2094 = tpu.vector_load %arg23[%parallel_loop3A_2090, %parallel_loop3A_2091, %parallel_loop3A_2092, %parallel_loop3A_2093] {strides = array<i32>} : memref<4x2x8x128xf32, #tpu.memory_space<vmem>>, vector<16xf32>,
        tpu.vector_store %arg23[%parallel_loop3A_2090, %parallel_loop3A_2091, %parallel_loop3A_2092, %parallel_loop3A_2093], %parallel_loop3A_2087 {strides = array<i32>} : memref<4x2x8x128xf32, #tpu.memory_space<vmem>>, vector<16xf32>,
        %parallel_loop3A_2095 = arith.constant 4851 : i32
        %parallel_loop3A_2096 = vector.broadcast %parallel_loop3A_2095 : i32 to vector<16xi32>
        %parallel_loop3A_2097 = arith.addi %parallel_loop3A_1822, %parallel_loop3A_2096 : vector<16xi32>
        %parallel_loop3A_2098 = tpu.vector_load_idx %arg18[%parallel_loop3A_2097] : memref<14112xf32, #tpu.memory_space<vmem>>[vector<16xi32>], vector<16xf32>,
        %parallel_loop3A_2099 = arith.constant 1 : i64
        %parallel_loop3A_2100 = arith.constant 3 : i64
        %parallel_loop3A_2101 = arith.index_cast %parallel_loop3A_2099 : i64 to index
        %parallel_loop3A_2102 = arith.index_cast %parallel_loop3A_1849 : i32 to index
        %parallel_loop3A_2103 = arith.index_cast %parallel_loop3A_2100 : i64 to index
        %parallel_loop3A_2104 = arith.index_cast %parallel_loop3A_1852 : i32 to index
        %parallel_loop3A_2105 = tpu.vector_load %arg22[%parallel_loop3A_2101, %parallel_loop3A_2102, %parallel_loop3A_2103, %parallel_loop3A_2104] {strides = array<i32>} : memref<4x2x8x128xf32, #tpu.memory_space<vmem>>, vector<16xf32>,
        tpu.vector_store %arg22[%parallel_loop3A_2101, %parallel_loop3A_2102, %parallel_loop3A_2103, %parallel_loop3A_2104], %parallel_loop3A_2098 {strides = array<i32>} : memref<4x2x8x128xf32, #tpu.memory_space<vmem>>, vector<16xf32>,
        %parallel_loop3A_2106 = arith.constant 19404 : i32
        %parallel_loop3A_2107 = vector.broadcast %parallel_loop3A_2106 : i32 to vector<16xi32>
        %parallel_loop3A_2108 = arith.addi %parallel_loop3A_1824, %parallel_loop3A_2107 : vector<16xi32>
        %parallel_loop3A_2109 = tpu.vector_load_idx %arg19[%parallel_loop3A_2108] : memref<56448xf32, #tpu.memory_space<vmem>>[vector<16xi32>], vector<16xf32>,
        %parallel_loop3A_2110 = arith.constant 1 : i64
        %parallel_loop3A_2111 = arith.constant 3 : i64
        %parallel_loop3A_2112 = arith.index_cast %parallel_loop3A_2110 : i64 to index
        %parallel_loop3A_2113 = arith.index_cast %parallel_loop3A_1849 : i32 to index
        %parallel_loop3A_2114 = arith.index_cast %parallel_loop3A_2111 : i64 to index
        %parallel_loop3A_2115 = arith.index_cast %parallel_loop3A_1852 : i32 to index
        %parallel_loop3A_2116 = tpu.vector_load %arg23[%parallel_loop3A_2112, %parallel_loop3A_2113, %parallel_loop3A_2114, %parallel_loop3A_2115] {strides = array<i32>} : memref<4x2x8x128xf32, #tpu.memory_space<vmem>>, vector<16xf32>,
        tpu.vector_store %arg23[%parallel_loop3A_2112, %parallel_loop3A_2113, %parallel_loop3A_2114, %parallel_loop3A_2115], %parallel_loop3A_2109 {strides = array<i32>} : memref<4x2x8x128xf32, #tpu.memory_space<vmem>>, vector<16xf32>,
        %parallel_loop3A_2117 = arith.constant 5292 : i32
        %parallel_loop3A_2118 = vector.broadcast %parallel_loop3A_2117 : i32 to vector<16xi32>
        %parallel_loop3A_2119 = arith.addi %parallel_loop3A_1822, %parallel_loop3A_2118 : vector<16xi32>
        %parallel_loop3A_2120 = tpu.vector_load_idx %arg18[%parallel_loop3A_2119] : memref<14112xf32, #tpu.memory_space<vmem>>[vector<16xi32>], vector<16xf32>,
        %parallel_loop3A_2121 = arith.constant 1 : i64
        %parallel_loop3A_2122 = arith.constant 4 : i64
        %parallel_loop3A_2123 = arith.index_cast %parallel_loop3A_2121 : i64 to index
        %parallel_loop3A_2124 = arith.index_cast %parallel_loop3A_1849 : i32 to index
        %parallel_loop3A_2125 = arith.index_cast %parallel_loop3A_2122 : i64 to index
        %parallel_loop3A_2126 = arith.index_cast %parallel_loop3A_1852 : i32 to index
        %parallel_loop3A_2127 = tpu.vector_load %arg22[%parallel_loop3A_2123, %parallel_loop3A_2124, %parallel_loop3A_2125, %parallel_loop3A_2126] {strides = array<i32>} : memref<4x2x8x128xf32, #tpu.memory_space<vmem>>, vector<16xf32>,
        tpu.vector_store %arg22[%parallel_loop3A_2123, %parallel_loop3A_2124, %parallel_loop3A_2125, %parallel_loop3A_2126], %parallel_loop3A_2120 {strides = array<i32>} : memref<4x2x8x128xf32, #tpu.memory_space<vmem>>, vector<16xf32>,
        %parallel_loop3A_2128 = arith.constant 21168 : i32
        %parallel_loop3A_2129 = vector.broadcast %parallel_loop3A_2128 : i32 to vector<16xi32>
        %parallel_loop3A_2130 = arith.addi %parallel_loop3A_1824, %parallel_loop3A_2129 : vector<16xi32>
        %parallel_loop3A_2131 = tpu.vector_load_idx %arg19[%parallel_loop3A_2130] : memref<56448xf32, #tpu.memory_space<vmem>>[vector<16xi32>], vector<16xf32>,
        %parallel_loop3A_2132 = arith.constant 1 : i64
        %parallel_loop3A_2133 = arith.constant 4 : i64
        %parallel_loop3A_2134 = arith.index_cast %parallel_loop3A_2132 : i64 to index
        %parallel_loop3A_2135 = arith.index_cast %parallel_loop3A_1849 : i32 to index
        %parallel_loop3A_2136 = arith.index_cast %parallel_loop3A_2133 : i64 to index
        %parallel_loop3A_2137 = arith.index_cast %parallel_loop3A_1852 : i32 to index
        %parallel_loop3A_2138 = tpu.vector_load %arg23[%parallel_loop3A_2134, %parallel_loop3A_2135, %parallel_loop3A_2136, %parallel_loop3A_2137] {strides = array<i32>} : memref<4x2x8x128xf32, #tpu.memory_space<vmem>>, vector<16xf32>,
        tpu.vector_store %arg23[%parallel_loop3A_2134, %parallel_loop3A_2135, %parallel_loop3A_2136, %parallel_loop3A_2137], %parallel_loop3A_2131 {strides = array<i32>} : memref<4x2x8x128xf32, #tpu.memory_space<vmem>>, vector<16xf32>,
        %parallel_loop3A_2139 = arith.constant 5733 : i32
        %parallel_loop3A_2140 = vector.broadcast %parallel_loop3A_2139 : i32 to vector<16xi32>
        %parallel_loop3A_2141 = arith.addi %parallel_loop3A_1822, %parallel_loop3A_2140 : vector<16xi32>
        %parallel_loop3A_2142 = tpu.vector_load_idx %arg18[%parallel_loop3A_2141] : memref<14112xf32, #tpu.memory_space<vmem>>[vector<16xi32>], vector<16xf32>,
        %parallel_loop3A_2143 = arith.constant 1 : i64
        %parallel_loop3A_2144 = arith.constant 5 : i64
        %parallel_loop3A_2145 = arith.index_cast %parallel_loop3A_2143 : i64 to index
        %parallel_loop3A_2146 = arith.index_cast %parallel_loop3A_1849 : i32 to index
        %parallel_loop3A_2147 = arith.index_cast %parallel_loop3A_2144 : i64 to index
        %parallel_loop3A_2148 = arith.index_cast %parallel_loop3A_1852 : i32 to index
        %parallel_loop3A_2149 = tpu.vector_load %arg22[%parallel_loop3A_2145, %parallel_loop3A_2146, %parallel_loop3A_2147, %parallel_loop3A_2148] {strides = array<i32>} : memref<4x2x8x128xf32, #tpu.memory_space<vmem>>, vector<16xf32>,
        tpu.vector_store %arg22[%parallel_loop3A_2145, %parallel_loop3A_2146, %parallel_loop3A_2147, %parallel_loop3A_2148], %parallel_loop3A_2142 {strides = array<i32>} : memref<4x2x8x128xf32, #tpu.memory_space<vmem>>, vector<16xf32>,
        %parallel_loop3A_2150 = arith.constant 22932 : i32
        %parallel_loop3A_2151 = vector.broadcast %parallel_loop3A_2150 : i32 to vector<16xi32>
        %parallel_loop3A_2152 = arith.addi %parallel_loop3A_1824, %parallel_loop3A_2151 : vector<16xi32>
        %parallel_loop3A_2153 = tpu.vector_load_idx %arg19[%parallel_loop3A_2152] : memref<56448xf32, #tpu.memory_space<vmem>>[vector<16xi32>], vector<16xf32>,
        %parallel_loop3A_2154 = arith.constant 1 : i64
        %parallel_loop3A_2155 = arith.constant 5 : i64
        %parallel_loop3A_2156 = arith.index_cast %parallel_loop3A_2154 : i64 to index
        %parallel_loop3A_2157 = arith.index_cast %parallel_loop3A_1849 : i32 to index
        %parallel_loop3A_2158 = arith.index_cast %parallel_loop3A_2155 : i64 to index
        %parallel_loop3A_2159 = arith.index_cast %parallel_loop3A_1852 : i32 to index
        %parallel_loop3A_2160 = tpu.vector_load %arg23[%parallel_loop3A_2156, %parallel_loop3A_2157, %parallel_loop3A_2158, %parallel_loop3A_2159] {strides = array<i32>} : memref<4x2x8x128xf32, #tpu.memory_space<vmem>>, vector<16xf32>,
        tpu.vector_store %arg23[%parallel_loop3A_2156, %parallel_loop3A_2157, %parallel_loop3A_2158, %parallel_loop3A_2159], %parallel_loop3A_2153 {strides = array<i32>} : memref<4x2x8x128xf32, #tpu.memory_space<vmem>>, vector<16xf32>,
        %parallel_loop3A_2161 = arith.constant 6174 : i32
        %parallel_loop3A_2162 = vector.broadcast %parallel_loop3A_2161 : i32 to vector<16xi32>
        %parallel_loop3A_2163 = arith.addi %parallel_loop3A_1822, %parallel_loop3A_2162 : vector<16xi32>
        %parallel_loop3A_2164 = tpu.vector_load_idx %arg18[%parallel_loop3A_2163] : memref<14112xf32, #tpu.memory_space<vmem>>[vector<16xi32>], vector<16xf32>,
        %parallel_loop3A_2165 = arith.constant 1 : i64
        %parallel_loop3A_2166 = arith.constant 6 : i64
        %parallel_loop3A_2167 = arith.index_cast %parallel_loop3A_2165 : i64 to index
        %parallel_loop3A_2168 = arith.index_cast %parallel_loop3A_1849 : i32 to index
        %parallel_loop3A_2169 = arith.index_cast %parallel_loop3A_2166 : i64 to index
        %parallel_loop3A_2170 = arith.index_cast %parallel_loop3A_1852 : i32 to index
        %parallel_loop3A_2171 = tpu.vector_load %arg22[%parallel_loop3A_2167, %parallel_loop3A_2168, %parallel_loop3A_2169, %parallel_loop3A_2170] {strides = array<i32>} : memref<4x2x8x128xf32, #tpu.memory_space<vmem>>, vector<16xf32>,
        tpu.vector_store %arg22[%parallel_loop3A_2167, %parallel_loop3A_2168, %parallel_loop3A_2169, %parallel_loop3A_2170], %parallel_loop3A_2164 {strides = array<i32>} : memref<4x2x8x128xf32, #tpu.memory_space<vmem>>, vector<16xf32>,
        %parallel_loop3A_2172 = arith.constant 24696 : i32
        %parallel_loop3A_2173 = vector.broadcast %parallel_loop3A_2172 : i32 to vector<16xi32>
        %parallel_loop3A_2174 = arith.addi %parallel_loop3A_1824, %parallel_loop3A_2173 : vector<16xi32>
        %parallel_loop3A_2175 = tpu.vector_load_idx %arg19[%parallel_loop3A_2174] : memref<56448xf32, #tpu.memory_space<vmem>>[vector<16xi32>], vector<16xf32>,
        %parallel_loop3A_2176 = arith.constant 1 : i64
        %parallel_loop3A_2177 = arith.constant 6 : i64
        %parallel_loop3A_2178 = arith.index_cast %parallel_loop3A_2176 : i64 to index
        %parallel_loop3A_2179 = arith.index_cast %parallel_loop3A_1849 : i32 to index
        %parallel_loop3A_2180 = arith.index_cast %parallel_loop3A_2177 : i64 to index
        %parallel_loop3A_2181 = arith.index_cast %parallel_loop3A_1852 : i32 to index
        %parallel_loop3A_2182 = tpu.vector_load %arg23[%parallel_loop3A_2178, %parallel_loop3A_2179, %parallel_loop3A_2180, %parallel_loop3A_2181] {strides = array<i32>} : memref<4x2x8x128xf32, #tpu.memory_space<vmem>>, vector<16xf32>,
        tpu.vector_store %arg23[%parallel_loop3A_2178, %parallel_loop3A_2179, %parallel_loop3A_2180, %parallel_loop3A_2181], %parallel_loop3A_2175 {strides = array<i32>} : memref<4x2x8x128xf32, #tpu.memory_space<vmem>>, vector<16xf32>,
        %parallel_loop3A_2183 = arith.constant 6615 : i32
        %parallel_loop3A_2184 = vector.broadcast %parallel_loop3A_2183 : i32 to vector<16xi32>
        %parallel_loop3A_2185 = arith.addi %parallel_loop3A_1822, %parallel_loop3A_2184 : vector<16xi32>
        %parallel_loop3A_2186 = tpu.vector_load_idx %arg18[%parallel_loop3A_2185] : memref<14112xf32, #tpu.memory_space<vmem>>[vector<16xi32>], vector<16xf32>,
        %parallel_loop3A_2187 = arith.constant 1 : i64
        %parallel_loop3A_2188 = arith.constant 7 : i64
        %parallel_loop3A_2189 = arith.index_cast %parallel_loop3A_2187 : i64 to index
        %parallel_loop3A_2190 = arith.index_cast %parallel_loop3A_1849 : i32 to index
        %parallel_loop3A_2191 = arith.index_cast %parallel_loop3A_2188 : i64 to index
        %parallel_loop3A_2192 = arith.index_cast %parallel_loop3A_1852 : i32 to index
        %parallel_loop3A_2193 = tpu.vector_load %arg22[%parallel_loop3A_2189, %parallel_loop3A_2190, %parallel_loop3A_2191, %parallel_loop3A_2192] {strides = array<i32>} : memref<4x2x8x128xf32, #tpu.memory_space<vmem>>, vector<16xf32>,
        tpu.vector_store %arg22[%parallel_loop3A_2189, %parallel_loop3A_2190, %parallel_loop3A_2191, %parallel_loop3A_2192], %parallel_loop3A_2186 {strides = array<i32>} : memref<4x2x8x128xf32, #tpu.memory_space<vmem>>, vector<16xf32>,
        %parallel_loop3A_2194 = arith.constant 26460 : i32
        %parallel_loop3A_2195 = vector.broadcast %parallel_loop3A_2194 : i32 to vector<16xi32>
        %parallel_loop3A_2196 = arith.addi %parallel_loop3A_1824, %parallel_loop3A_2195 : vector<16xi32>
        %parallel_loop3A_2197 = tpu.vector_load_idx %arg19[%parallel_loop3A_2196] : memref<56448xf32, #tpu.memory_space<vmem>>[vector<16xi32>], vector<16xf32>,
        %parallel_loop3A_2198 = arith.constant 1 : i64
        %parallel_loop3A_2199 = arith.constant 7 : i64
        %parallel_loop3A_2200 = arith.index_cast %parallel_loop3A_2198 : i64 to index
        %parallel_loop3A_2201 = arith.index_cast %parallel_loop3A_1849 : i32 to index
        %parallel_loop3A_2202 = arith.index_cast %parallel_loop3A_2199 : i64 to index
        %parallel_loop3A_2203 = arith.index_cast %parallel_loop3A_1852 : i32 to index
        %parallel_loop3A_2204 = tpu.vector_load %arg23[%parallel_loop3A_2200, %parallel_loop3A_2201, %parallel_loop3A_2202, %parallel_loop3A_2203] {strides = array<i32>} : memref<4x2x8x128xf32, #tpu.memory_space<vmem>>, vector<16xf32>,
        tpu.vector_store %arg23[%parallel_loop3A_2200, %parallel_loop3A_2201, %parallel_loop3A_2202, %parallel_loop3A_2203], %parallel_loop3A_2197 {strides = array<i32>} : memref<4x2x8x128xf32, #tpu.memory_space<vmem>>, vector<16xf32>,
        %parallel_loop3A_2205 = arith.constant 7056 : i32
        %parallel_loop3A_2206 = vector.broadcast %parallel_loop3A_2205 : i32 to vector<16xi32>
        %parallel_loop3A_2207 = arith.addi %parallel_loop3A_1822, %parallel_loop3A_2206 : vector<16xi32>
        %parallel_loop3A_2208 = tpu.vector_load_idx %arg18[%parallel_loop3A_2207] : memref<14112xf32, #tpu.memory_space<vmem>>[vector<16xi32>], vector<16xf32>,
        %parallel_loop3A_2209 = arith.constant 2 : i64
        %parallel_loop3A_2210 = arith.constant 0 : i64
        %parallel_loop3A_2211 = arith.index_cast %parallel_loop3A_2209 : i64 to index
        %parallel_loop3A_2212 = arith.index_cast %parallel_loop3A_1849 : i32 to index
        %parallel_loop3A_2213 = arith.index_cast %parallel_loop3A_2210 : i64 to index
        %parallel_loop3A_2214 = arith.index_cast %parallel_loop3A_1852 : i32 to index
        %parallel_loop3A_2215 = tpu.vector_load %arg22[%parallel_loop3A_2211, %parallel_loop3A_2212, %parallel_loop3A_2213, %parallel_loop3A_2214] {strides = array<i32>} : memref<4x2x8x128xf32, #tpu.memory_space<vmem>>, vector<16xf32>,
        tpu.vector_store %arg22[%parallel_loop3A_2211, %parallel_loop3A_2212, %parallel_loop3A_2213, %parallel_loop3A_2214], %parallel_loop3A_2208 {strides = array<i32>} : memref<4x2x8x128xf32, #tpu.memory_space<vmem>>, vector<16xf32>,
        %parallel_loop3A_2216 = arith.constant 28224 : i32
        %parallel_loop3A_2217 = vector.broadcast %parallel_loop3A_2216 : i32 to vector<16xi32>
        %parallel_loop3A_2218 = arith.addi %parallel_loop3A_1824, %parallel_loop3A_2217 : vector<16xi32>
        %parallel_loop3A_2219 = tpu.vector_load_idx %arg19[%parallel_loop3A_2218] : memref<56448xf32, #tpu.memory_space<vmem>>[vector<16xi32>], vector<16xf32>,
        %parallel_loop3A_2220 = arith.constant 2 : i64
        %parallel_loop3A_2221 = arith.constant 0 : i64
        %parallel_loop3A_2222 = arith.index_cast %parallel_loop3A_2220 : i64 to index
        %parallel_loop3A_2223 = arith.index_cast %parallel_loop3A_1849 : i32 to index
        %parallel_loop3A_2224 = arith.index_cast %parallel_loop3A_2221 : i64 to index
        %parallel_loop3A_2225 = arith.index_cast %parallel_loop3A_1852 : i32 to index
        %parallel_loop3A_2226 = tpu.vector_load %arg23[%parallel_loop3A_2222, %parallel_loop3A_2223, %parallel_loop3A_2224, %parallel_loop3A_2225] {strides = array<i32>} : memref<4x2x8x128xf32, #tpu.memory_space<vmem>>, vector<16xf32>,
        tpu.vector_store %arg23[%parallel_loop3A_2222, %parallel_loop3A_2223, %parallel_loop3A_2224, %parallel_loop3A_2225], %parallel_loop3A_2219 {strides = array<i32>} : memref<4x2x8x128xf32, #tpu.memory_space<vmem>>, vector<16xf32>,
        %parallel_loop3A_2227 = arith.constant 7497 : i32
        %parallel_loop3A_2228 = vector.broadcast %parallel_loop3A_2227 : i32 to vector<16xi32>
        %parallel_loop3A_2229 = arith.addi %parallel_loop3A_1822, %parallel_loop3A_2228 : vector<16xi32>
        %parallel_loop3A_2230 = tpu.vector_load_idx %arg18[%parallel_loop3A_2229] : memref<14112xf32, #tpu.memory_space<vmem>>[vector<16xi32>], vector<16xf32>,
        %parallel_loop3A_2231 = arith.constant 2 : i64
        %parallel_loop3A_2232 = arith.constant 1 : i64
        %parallel_loop3A_2233 = arith.index_cast %parallel_loop3A_2231 : i64 to index
        %parallel_loop3A_2234 = arith.index_cast %parallel_loop3A_1849 : i32 to index
        %parallel_loop3A_2235 = arith.index_cast %parallel_loop3A_2232 : i64 to index
        %parallel_loop3A_2236 = arith.index_cast %parallel_loop3A_1852 : i32 to index
        %parallel_loop3A_2237 = tpu.vector_load %arg22[%parallel_loop3A_2233, %parallel_loop3A_2234, %parallel_loop3A_2235, %parallel_loop3A_2236] {strides = array<i32>} : memref<4x2x8x128xf32, #tpu.memory_space<vmem>>, vector<16xf32>,
        tpu.vector_store %arg22[%parallel_loop3A_2233, %parallel_loop3A_2234, %parallel_loop3A_2235, %parallel_loop3A_2236], %parallel_loop3A_2230 {strides = array<i32>} : memref<4x2x8x128xf32, #tpu.memory_space<vmem>>, vector<16xf32>,
        %parallel_loop3A_2238 = arith.constant 29988 : i32
        %parallel_loop3A_2239 = vector.broadcast %parallel_loop3A_2238 : i32 to vector<16xi32>
        %parallel_loop3A_2240 = arith.addi %parallel_loop3A_1824, %parallel_loop3A_2239 : vector<16xi32>
        %parallel_loop3A_2241 = tpu.vector_load_idx %arg19[%parallel_loop3A_2240] : memref<56448xf32, #tpu.memory_space<vmem>>[vector<16xi32>], vector<16xf32>,
        %parallel_loop3A_2242 = arith.constant 2 : i64
        %parallel_loop3A_2243 = arith.constant 1 : i64
        %parallel_loop3A_2244 = arith.index_cast %parallel_loop3A_2242 : i64 to index
        %parallel_loop3A_2245 = arith.index_cast %parallel_loop3A_1849 : i32 to index
        %parallel_loop3A_2246 = arith.index_cast %parallel_loop3A_2243 : i64 to index
        %parallel_loop3A_2247 = arith.index_cast %parallel_loop3A_1852 : i32 to index
        %parallel_loop3A_2248 = tpu.vector_load %arg23[%parallel_loop3A_2244, %parallel_loop3A_2245, %parallel_loop3A_2246, %parallel_loop3A_2247] {strides = array<i32>} : memref<4x2x8x128xf32, #tpu.memory_space<vmem>>, vector<16xf32>,
        tpu.vector_store %arg23[%parallel_loop3A_2244, %parallel_loop3A_2245, %parallel_loop3A_2246, %parallel_loop3A_2247], %parallel_loop3A_2241 {strides = array<i32>} : memref<4x2x8x128xf32, #tpu.memory_space<vmem>>, vector<16xf32>,
        %parallel_loop3A_2249 = arith.constant 7938 : i32
        %parallel_loop3A_2250 = vector.broadcast %parallel_loop3A_2249 : i32 to vector<16xi32>
        %parallel_loop3A_2251 = arith.addi %parallel_loop3A_1822, %parallel_loop3A_2250 : vector<16xi32>
        %parallel_loop3A_2252 = tpu.vector_load_idx %arg18[%parallel_loop3A_2251] : memref<14112xf32, #tpu.memory_space<vmem>>[vector<16xi32>], vector<16xf32>,
        %parallel_loop3A_2253 = arith.constant 2 : i64
        %parallel_loop3A_2254 = arith.constant 2 : i64
        %parallel_loop3A_2255 = arith.index_cast %parallel_loop3A_2253 : i64 to index
        %parallel_loop3A_2256 = arith.index_cast %parallel_loop3A_1849 : i32 to index
        %parallel_loop3A_2257 = arith.index_cast %parallel_loop3A_2254 : i64 to index
        %parallel_loop3A_2258 = arith.index_cast %parallel_loop3A_1852 : i32 to index
        %parallel_loop3A_2259 = tpu.vector_load %arg22[%parallel_loop3A_2255, %parallel_loop3A_2256, %parallel_loop3A_2257, %parallel_loop3A_2258] {strides = array<i32>} : memref<4x2x8x128xf32, #tpu.memory_space<vmem>>, vector<16xf32>,
        tpu.vector_store %arg22[%parallel_loop3A_2255, %parallel_loop3A_2256, %parallel_loop3A_2257, %parallel_loop3A_2258], %parallel_loop3A_2252 {strides = array<i32>} : memref<4x2x8x128xf32, #tpu.memory_space<vmem>>, vector<16xf32>,
        %parallel_loop3A_2260 = arith.constant 31752 : i32
        %parallel_loop3A_2261 = vector.broadcast %parallel_loop3A_2260 : i32 to vector<16xi32>
        %parallel_loop3A_2262 = arith.addi %parallel_loop3A_1824, %parallel_loop3A_2261 : vector<16xi32>
        %parallel_loop3A_2263 = tpu.vector_load_idx %arg19[%parallel_loop3A_2262] : memref<56448xf32, #tpu.memory_space<vmem>>[vector<16xi32>], vector<16xf32>,
        %parallel_loop3A_2264 = arith.constant 2 : i64
        %parallel_loop3A_2265 = arith.constant 2 : i64
        %parallel_loop3A_2266 = arith.index_cast %parallel_loop3A_2264 : i64 to index
        %parallel_loop3A_2267 = arith.index_cast %parallel_loop3A_1849 : i32 to index
        %parallel_loop3A_2268 = arith.index_cast %parallel_loop3A_2265 : i64 to index
        %parallel_loop3A_2269 = arith.index_cast %parallel_loop3A_1852 : i32 to index
        %parallel_loop3A_2270 = tpu.vector_load %arg23[%parallel_loop3A_2266, %parallel_loop3A_2267, %parallel_loop3A_2268, %parallel_loop3A_2269] {strides = array<i32>} : memref<4x2x8x128xf32, #tpu.memory_space<vmem>>, vector<16xf32>,
        tpu.vector_store %arg23[%parallel_loop3A_2266, %parallel_loop3A_2267, %parallel_loop3A_2268, %parallel_loop3A_2269], %parallel_loop3A_2263 {strides = array<i32>} : memref<4x2x8x128xf32, #tpu.memory_space<vmem>>, vector<16xf32>,
        %parallel_loop3A_2271 = arith.constant 8379 : i32
        %parallel_loop3A_2272 = vector.broadcast %parallel_loop3A_2271 : i32 to vector<16xi32>
        %parallel_loop3A_2273 = arith.addi %parallel_loop3A_1822, %parallel_loop3A_2272 : vector<16xi32>
        %parallel_loop3A_2274 = tpu.vector_load_idx %arg18[%parallel_loop3A_2273] : memref<14112xf32, #tpu.memory_space<vmem>>[vector<16xi32>], vector<16xf32>,
        %parallel_loop3A_2275 = arith.constant 2 : i64
        %parallel_loop3A_2276 = arith.constant 3 : i64
        %parallel_loop3A_2277 = arith.index_cast %parallel_loop3A_2275 : i64 to index
        %parallel_loop3A_2278 = arith.index_cast %parallel_loop3A_1849 : i32 to index
        %parallel_loop3A_2279 = arith.index_cast %parallel_loop3A_2276 : i64 to index
        %parallel_loop3A_2280 = arith.index_cast %parallel_loop3A_1852 : i32 to index
        %parallel_loop3A_2281 = tpu.vector_load %arg22[%parallel_loop3A_2277, %parallel_loop3A_2278, %parallel_loop3A_2279, %parallel_loop3A_2280] {strides = array<i32>} : memref<4x2x8x128xf32, #tpu.memory_space<vmem>>, vector<16xf32>,
        tpu.vector_store %arg22[%parallel_loop3A_2277, %parallel_loop3A_2278, %parallel_loop3A_2279, %parallel_loop3A_2280], %parallel_loop3A_2274 {strides = array<i32>} : memref<4x2x8x128xf32, #tpu.memory_space<vmem>>, vector<16xf32>,
        %parallel_loop3A_2282 = arith.constant 33516 : i32
        %parallel_loop3A_2283 = vector.broadcast %parallel_loop3A_2282 : i32 to vector<16xi32>
        %parallel_loop3A_2284 = arith.addi %parallel_loop3A_1824, %parallel_loop3A_2283 : vector<16xi32>
        %parallel_loop3A_2285 = tpu.vector_load_idx %arg19[%parallel_loop3A_2284] : memref<56448xf32, #tpu.memory_space<vmem>>[vector<16xi32>], vector<16xf32>,
        %parallel_loop3A_2286 = arith.constant 2 : i64
        %parallel_loop3A_2287 = arith.constant 3 : i64
        %parallel_loop3A_2288 = arith.index_cast %parallel_loop3A_2286 : i64 to index
        %parallel_loop3A_2289 = arith.index_cast %parallel_loop3A_1849 : i32 to index
        %parallel_loop3A_2290 = arith.index_cast %parallel_loop3A_2287 : i64 to index
        %parallel_loop3A_2291 = arith.index_cast %parallel_loop3A_1852 : i32 to index
        %parallel_loop3A_2292 = tpu.vector_load %arg23[%parallel_loop3A_2288, %parallel_loop3A_2289, %parallel_loop3A_2290, %parallel_loop3A_2291] {strides = array<i32>} : memref<4x2x8x128xf32, #tpu.memory_space<vmem>>, vector<16xf32>,
        tpu.vector_store %arg23[%parallel_loop3A_2288, %parallel_loop3A_2289, %parallel_loop3A_2290, %parallel_loop3A_2291], %parallel_loop3A_2285 {strides = array<i32>} : memref<4x2x8x128xf32, #tpu.memory_space<vmem>>, vector<16xf32>,
        %parallel_loop3A_2293 = arith.constant 8820 : i32
        %parallel_loop3A_2294 = vector.broadcast %parallel_loop3A_2293 : i32 to vector<16xi32>
        %parallel_loop3A_2295 = arith.addi %parallel_loop3A_1822, %parallel_loop3A_2294 : vector<16xi32>
        %parallel_loop3A_2296 = tpu.vector_load_idx %arg18[%parallel_loop3A_2295] : memref<14112xf32, #tpu.memory_space<vmem>>[vector<16xi32>], vector<16xf32>,
        %parallel_loop3A_2297 = arith.constant 2 : i64
        %parallel_loop3A_2298 = arith.constant 4 : i64
        %parallel_loop3A_2299 = arith.index_cast %parallel_loop3A_2297 : i64 to index
        %parallel_loop3A_2300 = arith.index_cast %parallel_loop3A_1849 : i32 to index
        %parallel_loop3A_2301 = arith.index_cast %parallel_loop3A_2298 : i64 to index
        %parallel_loop3A_2302 = arith.index_cast %parallel_loop3A_1852 : i32 to index
        %parallel_loop3A_2303 = tpu.vector_load %arg22[%parallel_loop3A_2299, %parallel_loop3A_2300, %parallel_loop3A_2301, %parallel_loop3A_2302] {strides = array<i32>} : memref<4x2x8x128xf32, #tpu.memory_space<vmem>>, vector<16xf32>,
        tpu.vector_store %arg22[%parallel_loop3A_2299, %parallel_loop3A_2300, %parallel_loop3A_2301, %parallel_loop3A_2302], %parallel_loop3A_2296 {strides = array<i32>} : memref<4x2x8x128xf32, #tpu.memory_space<vmem>>, vector<16xf32>,
        %parallel_loop3A_2304 = arith.constant 35280 : i32
        %parallel_loop3A_2305 = vector.broadcast %parallel_loop3A_2304 : i32 to vector<16xi32>
        %parallel_loop3A_2306 = arith.addi %parallel_loop3A_1824, %parallel_loop3A_2305 : vector<16xi32>
        %parallel_loop3A_2307 = tpu.vector_load_idx %arg19[%parallel_loop3A_2306] : memref<56448xf32, #tpu.memory_space<vmem>>[vector<16xi32>], vector<16xf32>,
        %parallel_loop3A_2308 = arith.constant 2 : i64
        %parallel_loop3A_2309 = arith.constant 4 : i64
        %parallel_loop3A_2310 = arith.index_cast %parallel_loop3A_2308 : i64 to index
        %parallel_loop3A_2311 = arith.index_cast %parallel_loop3A_1849 : i32 to index
        %parallel_loop3A_2312 = arith.index_cast %parallel_loop3A_2309 : i64 to index
        %parallel_loop3A_2313 = arith.index_cast %parallel_loop3A_1852 : i32 to index
        %parallel_loop3A_2314 = tpu.vector_load %arg23[%parallel_loop3A_2310, %parallel_loop3A_2311, %parallel_loop3A_2312, %parallel_loop3A_2313] {strides = array<i32>} : memref<4x2x8x128xf32, #tpu.memory_space<vmem>>, vector<16xf32>,
        tpu.vector_store %arg23[%parallel_loop3A_2310, %parallel_loop3A_2311, %parallel_loop3A_2312, %parallel_loop3A_2313], %parallel_loop3A_2307 {strides = array<i32>} : memref<4x2x8x128xf32, #tpu.memory_space<vmem>>, vector<16xf32>,
        %parallel_loop3A_2315 = arith.constant 9261 : i32
        %parallel_loop3A_2316 = vector.broadcast %parallel_loop3A_2315 : i32 to vector<16xi32>
        %parallel_loop3A_2317 = arith.addi %parallel_loop3A_1822, %parallel_loop3A_2316 : vector<16xi32>
        %parallel_loop3A_2318 = tpu.vector_load_idx %arg18[%parallel_loop3A_2317] : memref<14112xf32, #tpu.memory_space<vmem>>[vector<16xi32>], vector<16xf32>,
        %parallel_loop3A_2319 = arith.constant 2 : i64
        %parallel_loop3A_2320 = arith.constant 5 : i64
        %parallel_loop3A_2321 = arith.index_cast %parallel_loop3A_2319 : i64 to index
        %parallel_loop3A_2322 = arith.index_cast %parallel_loop3A_1849 : i32 to index
        %parallel_loop3A_2323 = arith.index_cast %parallel_loop3A_2320 : i64 to index
        %parallel_loop3A_2324 = arith.index_cast %parallel_loop3A_1852 : i32 to index
        %parallel_loop3A_2325 = tpu.vector_load %arg22[%parallel_loop3A_2321, %parallel_loop3A_2322, %parallel_loop3A_2323, %parallel_loop3A_2324] {strides = array<i32>} : memref<4x2x8x128xf32, #tpu.memory_space<vmem>>, vector<16xf32>,
        tpu.vector_store %arg22[%parallel_loop3A_2321, %parallel_loop3A_2322, %parallel_loop3A_2323, %parallel_loop3A_2324], %parallel_loop3A_2318 {strides = array<i32>} : memref<4x2x8x128xf32, #tpu.memory_space<vmem>>, vector<16xf32>,
        %parallel_loop3A_2326 = arith.constant 37044 : i32
        %parallel_loop3A_2327 = vector.broadcast %parallel_loop3A_2326 : i32 to vector<16xi32>
        %parallel_loop3A_2328 = arith.addi %parallel_loop3A_1824, %parallel_loop3A_2327 : vector<16xi32>
        %parallel_loop3A_2329 = tpu.vector_load_idx %arg19[%parallel_loop3A_2328] : memref<56448xf32, #tpu.memory_space<vmem>>[vector<16xi32>], vector<16xf32>,
        %parallel_loop3A_2330 = arith.constant 2 : i64
        %parallel_loop3A_2331 = arith.constant 5 : i64
        %parallel_loop3A_2332 = arith.index_cast %parallel_loop3A_2330 : i64 to index
        %parallel_loop3A_2333 = arith.index_cast %parallel_loop3A_1849 : i32 to index
        %parallel_loop3A_2334 = arith.index_cast %parallel_loop3A_2331 : i64 to index
        %parallel_loop3A_2335 = arith.index_cast %parallel_loop3A_1852 : i32 to index
        %parallel_loop3A_2336 = tpu.vector_load %arg23[%parallel_loop3A_2332, %parallel_loop3A_2333, %parallel_loop3A_2334, %parallel_loop3A_2335] {strides = array<i32>} : memref<4x2x8x128xf32, #tpu.memory_space<vmem>>, vector<16xf32>,
        tpu.vector_store %arg23[%parallel_loop3A_2332, %parallel_loop3A_2333, %parallel_loop3A_2334, %parallel_loop3A_2335], %parallel_loop3A_2329 {strides = array<i32>} : memref<4x2x8x128xf32, #tpu.memory_space<vmem>>, vector<16xf32>,
        %parallel_loop3A_2337 = arith.constant 9702 : i32
        %parallel_loop3A_2338 = vector.broadcast %parallel_loop3A_2337 : i32 to vector<16xi32>
        %parallel_loop3A_2339 = arith.addi %parallel_loop3A_1822, %parallel_loop3A_2338 : vector<16xi32>
        %parallel_loop3A_2340 = tpu.vector_load_idx %arg18[%parallel_loop3A_2339] : memref<14112xf32, #tpu.memory_space<vmem>>[vector<16xi32>], vector<16xf32>,
        %parallel_loop3A_2341 = arith.constant 2 : i64
        %parallel_loop3A_2342 = arith.constant 6 : i64
        %parallel_loop3A_2343 = arith.index_cast %parallel_loop3A_2341 : i64 to index
        %parallel_loop3A_2344 = arith.index_cast %parallel_loop3A_1849 : i32 to index
        %parallel_loop3A_2345 = arith.index_cast %parallel_loop3A_2342 : i64 to index
        %parallel_loop3A_2346 = arith.index_cast %parallel_loop3A_1852 : i32 to index
        %parallel_loop3A_2347 = tpu.vector_load %arg22[%parallel_loop3A_2343, %parallel_loop3A_2344, %parallel_loop3A_2345, %parallel_loop3A_2346] {strides = array<i32>} : memref<4x2x8x128xf32, #tpu.memory_space<vmem>>, vector<16xf32>,
        tpu.vector_store %arg22[%parallel_loop3A_2343, %parallel_loop3A_2344, %parallel_loop3A_2345, %parallel_loop3A_2346], %parallel_loop3A_2340 {strides = array<i32>} : memref<4x2x8x128xf32, #tpu.memory_space<vmem>>, vector<16xf32>,
        %parallel_loop3A_2348 = arith.constant 38808 : i32
        %parallel_loop3A_2349 = vector.broadcast %parallel_loop3A_2348 : i32 to vector<16xi32>
        %parallel_loop3A_2350 = arith.addi %parallel_loop3A_1824, %parallel_loop3A_2349 : vector<16xi32>
        %parallel_loop3A_2351 = tpu.vector_load_idx %arg19[%parallel_loop3A_2350] : memref<56448xf32, #tpu.memory_space<vmem>>[vector<16xi32>], vector<16xf32>,
        %parallel_loop3A_2352 = arith.constant 2 : i64
        %parallel_loop3A_2353 = arith.constant 6 : i64
        %parallel_loop3A_2354 = arith.index_cast %parallel_loop3A_2352 : i64 to index
        %parallel_loop3A_2355 = arith.index_cast %parallel_loop3A_1849 : i32 to index
        %parallel_loop3A_2356 = arith.index_cast %parallel_loop3A_2353 : i64 to index
        %parallel_loop3A_2357 = arith.index_cast %parallel_loop3A_1852 : i32 to index
        %parallel_loop3A_2358 = tpu.vector_load %arg23[%parallel_loop3A_2354, %parallel_loop3A_2355, %parallel_loop3A_2356, %parallel_loop3A_2357] {strides = array<i32>} : memref<4x2x8x128xf32, #tpu.memory_space<vmem>>, vector<16xf32>,
        tpu.vector_store %arg23[%parallel_loop3A_2354, %parallel_loop3A_2355, %parallel_loop3A_2356, %parallel_loop3A_2357], %parallel_loop3A_2351 {strides = array<i32>} : memref<4x2x8x128xf32, #tpu.memory_space<vmem>>, vector<16xf32>,
        %parallel_loop3A_2359 = arith.constant 10143 : i32
        %parallel_loop3A_2360 = vector.broadcast %parallel_loop3A_2359 : i32 to vector<16xi32>
        %parallel_loop3A_2361 = arith.addi %parallel_loop3A_1822, %parallel_loop3A_2360 : vector<16xi32>
        %parallel_loop3A_2362 = tpu.vector_load_idx %arg18[%parallel_loop3A_2361] : memref<14112xf32, #tpu.memory_space<vmem>>[vector<16xi32>], vector<16xf32>,
        %parallel_loop3A_2363 = arith.constant 2 : i64
        %parallel_loop3A_2364 = arith.constant 7 : i64
        %parallel_loop3A_2365 = arith.index_cast %parallel_loop3A_2363 : i64 to index
        %parallel_loop3A_2366 = arith.index_cast %parallel_loop3A_1849 : i32 to index
        %parallel_loop3A_2367 = arith.index_cast %parallel_loop3A_2364 : i64 to index
        %parallel_loop3A_2368 = arith.index_cast %parallel_loop3A_1852 : i32 to index
        %parallel_loop3A_2369 = tpu.vector_load %arg22[%parallel_loop3A_2365, %parallel_loop3A_2366, %parallel_loop3A_2367, %parallel_loop3A_2368] {strides = array<i32>} : memref<4x2x8x128xf32, #tpu.memory_space<vmem>>, vector<16xf32>,
        tpu.vector_store %arg22[%parallel_loop3A_2365, %parallel_loop3A_2366, %parallel_loop3A_2367, %parallel_loop3A_2368], %parallel_loop3A_2362 {strides = array<i32>} : memref<4x2x8x128xf32, #tpu.memory_space<vmem>>, vector<16xf32>,
        %parallel_loop3A_2370 = arith.constant 40572 : i32
        %parallel_loop3A_2371 = vector.broadcast %parallel_loop3A_2370 : i32 to vector<16xi32>
        %parallel_loop3A_2372 = arith.addi %parallel_loop3A_1824, %parallel_loop3A_2371 : vector<16xi32>
        %parallel_loop3A_2373 = tpu.vector_load_idx %arg19[%parallel_loop3A_2372] : memref<56448xf32, #tpu.memory_space<vmem>>[vector<16xi32>], vector<16xf32>,
        %parallel_loop3A_2374 = arith.constant 2 : i64
        %parallel_loop3A_2375 = arith.constant 7 : i64
        %parallel_loop3A_2376 = arith.index_cast %parallel_loop3A_2374 : i64 to index
        %parallel_loop3A_2377 = arith.index_cast %parallel_loop3A_1849 : i32 to index
        %parallel_loop3A_2378 = arith.index_cast %parallel_loop3A_2375 : i64 to index
        %parallel_loop3A_2379 = arith.index_cast %parallel_loop3A_1852 : i32 to index
        %parallel_loop3A_2380 = tpu.vector_load %arg23[%parallel_loop3A_2376, %parallel_loop3A_2377, %parallel_loop3A_2378, %parallel_loop3A_2379] {strides = array<i32>} : memref<4x2x8x128xf32, #tpu.memory_space<vmem>>, vector<16xf32>,
        tpu.vector_store %arg23[%parallel_loop3A_2376, %parallel_loop3A_2377, %parallel_loop3A_2378, %parallel_loop3A_2379], %parallel_loop3A_2373 {strides = array<i32>} : memref<4x2x8x128xf32, #tpu.memory_space<vmem>>, vector<16xf32>,
        %parallel_loop3A_2381 = arith.constant 10584 : i32
        %parallel_loop3A_2382 = vector.broadcast %parallel_loop3A_2381 : i32 to vector<16xi32>
        %parallel_loop3A_2383 = arith.addi %parallel_loop3A_1822, %parallel_loop3A_2382 : vector<16xi32>
        %parallel_loop3A_2384 = tpu.vector_load_idx %arg18[%parallel_loop3A_2383] : memref<14112xf32, #tpu.memory_space<vmem>>[vector<16xi32>], vector<16xf32>,
        %parallel_loop3A_2385 = arith.constant 3 : i64
        %parallel_loop3A_2386 = arith.constant 0 : i64
        %parallel_loop3A_2387 = arith.index_cast %parallel_loop3A_2385 : i64 to index
        %parallel_loop3A_2388 = arith.index_cast %parallel_loop3A_1849 : i32 to index
        %parallel_loop3A_2389 = arith.index_cast %parallel_loop3A_2386 : i64 to index
        %parallel_loop3A_2390 = arith.index_cast %parallel_loop3A_1852 : i32 to index
        %parallel_loop3A_2391 = tpu.vector_load %arg22[%parallel_loop3A_2387, %parallel_loop3A_2388, %parallel_loop3A_2389, %parallel_loop3A_2390] {strides = array<i32>} : memref<4x2x8x128xf32, #tpu.memory_space<vmem>>, vector<16xf32>,
        tpu.vector_store %arg22[%parallel_loop3A_2387, %parallel_loop3A_2388, %parallel_loop3A_2389, %parallel_loop3A_2390], %parallel_loop3A_2384 {strides = array<i32>} : memref<4x2x8x128xf32, #tpu.memory_space<vmem>>, vector<16xf32>,
        %parallel_loop3A_2392 = arith.constant 42336 : i32
        %parallel_loop3A_2393 = vector.broadcast %parallel_loop3A_2392 : i32 to vector<16xi32>
        %parallel_loop3A_2394 = arith.addi %parallel_loop3A_1824, %parallel_loop3A_2393 : vector<16xi32>
        %parallel_loop3A_2395 = tpu.vector_load_idx %arg19[%parallel_loop3A_2394] : memref<56448xf32, #tpu.memory_space<vmem>>[vector<16xi32>], vector<16xf32>,
        %parallel_loop3A_2396 = arith.constant 3 : i64
        %parallel_loop3A_2397 = arith.constant 0 : i64
        %parallel_loop3A_2398 = arith.index_cast %parallel_loop3A_2396 : i64 to index
        %parallel_loop3A_2399 = arith.index_cast %parallel_loop3A_1849 : i32 to index
        %parallel_loop3A_2400 = arith.index_cast %parallel_loop3A_2397 : i64 to index
        %parallel_loop3A_2401 = arith.index_cast %parallel_loop3A_1852 : i32 to index
        %parallel_loop3A_2402 = tpu.vector_load %arg23[%parallel_loop3A_2398, %parallel_loop3A_2399, %parallel_loop3A_2400, %parallel_loop3A_2401] {strides = array<i32>} : memref<4x2x8x128xf32, #tpu.memory_space<vmem>>, vector<16xf32>,
        tpu.vector_store %arg23[%parallel_loop3A_2398, %parallel_loop3A_2399, %parallel_loop3A_2400, %parallel_loop3A_2401], %parallel_loop3A_2395 {strides = array<i32>} : memref<4x2x8x128xf32, #tpu.memory_space<vmem>>, vector<16xf32>,
        %parallel_loop3A_2403 = arith.constant 11025 : i32
        %parallel_loop3A_2404 = vector.broadcast %parallel_loop3A_2403 : i32 to vector<16xi32>
        %parallel_loop3A_2405 = arith.addi %parallel_loop3A_1822, %parallel_loop3A_2404 : vector<16xi32>
        %parallel_loop3A_2406 = tpu.vector_load_idx %arg18[%parallel_loop3A_2405] : memref<14112xf32, #tpu.memory_space<vmem>>[vector<16xi32>], vector<16xf32>,
        %parallel_loop3A_2407 = arith.constant 3 : i64
        %parallel_loop3A_2408 = arith.constant 1 : i64
        %parallel_loop3A_2409 = arith.index_cast %parallel_loop3A_2407 : i64 to index
        %parallel_loop3A_2410 = arith.index_cast %parallel_loop3A_1849 : i32 to index
        %parallel_loop3A_2411 = arith.index_cast %parallel_loop3A_2408 : i64 to index
        %parallel_loop3A_2412 = arith.index_cast %parallel_loop3A_1852 : i32 to index
        %parallel_loop3A_2413 = tpu.vector_load %arg22[%parallel_loop3A_2409, %parallel_loop3A_2410, %parallel_loop3A_2411, %parallel_loop3A_2412] {strides = array<i32>} : memref<4x2x8x128xf32, #tpu.memory_space<vmem>>, vector<16xf32>,
        tpu.vector_store %arg22[%parallel_loop3A_2409, %parallel_loop3A_2410, %parallel_loop3A_2411, %parallel_loop3A_2412], %parallel_loop3A_2406 {strides = array<i32>} : memref<4x2x8x128xf32, #tpu.memory_space<vmem>>, vector<16xf32>,
        %parallel_loop3A_2414 = arith.constant 44100 : i32
        %parallel_loop3A_2415 = vector.broadcast %parallel_loop3A_2414 : i32 to vector<16xi32>
        %parallel_loop3A_2416 = arith.addi %parallel_loop3A_1824, %parallel_loop3A_2415 : vector<16xi32>
        %parallel_loop3A_2417 = tpu.vector_load_idx %arg19[%parallel_loop3A_2416] : memref<56448xf32, #tpu.memory_space<vmem>>[vector<16xi32>], vector<16xf32>,
        %parallel_loop3A_2418 = arith.constant 3 : i64
        %parallel_loop3A_2419 = arith.constant 1 : i64
        %parallel_loop3A_2420 = arith.index_cast %parallel_loop3A_2418 : i64 to index
        %parallel_loop3A_2421 = arith.index_cast %parallel_loop3A_1849 : i32 to index
        %parallel_loop3A_2422 = arith.index_cast %parallel_loop3A_2419 : i64 to index
        %parallel_loop3A_2423 = arith.index_cast %parallel_loop3A_1852 : i32 to index
        %parallel_loop3A_2424 = tpu.vector_load %arg23[%parallel_loop3A_2420, %parallel_loop3A_2421, %parallel_loop3A_2422, %parallel_loop3A_2423] {strides = array<i32>} : memref<4x2x8x128xf32, #tpu.memory_space<vmem>>, vector<16xf32>,
        tpu.vector_store %arg23[%parallel_loop3A_2420, %parallel_loop3A_2421, %parallel_loop3A_2422, %parallel_loop3A_2423], %parallel_loop3A_2417 {strides = array<i32>} : memref<4x2x8x128xf32, #tpu.memory_space<vmem>>, vector<16xf32>,
        %parallel_loop3A_2425 = arith.constant 11466 : i32
        %parallel_loop3A_2426 = vector.broadcast %parallel_loop3A_2425 : i32 to vector<16xi32>
        %parallel_loop3A_2427 = arith.addi %parallel_loop3A_1822, %parallel_loop3A_2426 : vector<16xi32>
        %parallel_loop3A_2428 = tpu.vector_load_idx %arg18[%parallel_loop3A_2427] : memref<14112xf32, #tpu.memory_space<vmem>>[vector<16xi32>], vector<16xf32>,
        %parallel_loop3A_2429 = arith.constant 3 : i64
        %parallel_loop3A_2430 = arith.constant 2 : i64
        %parallel_loop3A_2431 = arith.index_cast %parallel_loop3A_2429 : i64 to index
        %parallel_loop3A_2432 = arith.index_cast %parallel_loop3A_1849 : i32 to index
        %parallel_loop3A_2433 = arith.index_cast %parallel_loop3A_2430 : i64 to index
        %parallel_loop3A_2434 = arith.index_cast %parallel_loop3A_1852 : i32 to index
        %parallel_loop3A_2435 = tpu.vector_load %arg22[%parallel_loop3A_2431, %parallel_loop3A_2432, %parallel_loop3A_2433, %parallel_loop3A_2434] {strides = array<i32>} : memref<4x2x8x128xf32, #tpu.memory_space<vmem>>, vector<16xf32>,
        tpu.vector_store %arg22[%parallel_loop3A_2431, %parallel_loop3A_2432, %parallel_loop3A_2433, %parallel_loop3A_2434], %parallel_loop3A_2428 {strides = array<i32>} : memref<4x2x8x128xf32, #tpu.memory_space<vmem>>, vector<16xf32>,
        %parallel_loop3A_2436 = arith.constant 45864 : i32
        %parallel_loop3A_2437 = vector.broadcast %parallel_loop3A_2436 : i32 to vector<16xi32>
        %parallel_loop3A_2438 = arith.addi %parallel_loop3A_1824, %parallel_loop3A_2437 : vector<16xi32>
        %parallel_loop3A_2439 = tpu.vector_load_idx %arg19[%parallel_loop3A_2438] : memref<56448xf32, #tpu.memory_space<vmem>>[vector<16xi32>], vector<16xf32>,
        %parallel_loop3A_2440 = arith.constant 3 : i64
        %parallel_loop3A_2441 = arith.constant 2 : i64
        %parallel_loop3A_2442 = arith.index_cast %parallel_loop3A_2440 : i64 to index
        %parallel_loop3A_2443 = arith.index_cast %parallel_loop3A_1849 : i32 to index
        %parallel_loop3A_2444 = arith.index_cast %parallel_loop3A_2441 : i64 to index
        %parallel_loop3A_2445 = arith.index_cast %parallel_loop3A_1852 : i32 to index
        %parallel_loop3A_2446 = tpu.vector_load %arg23[%parallel_loop3A_2442, %parallel_loop3A_2443, %parallel_loop3A_2444, %parallel_loop3A_2445] {strides = array<i32>} : memref<4x2x8x128xf32, #tpu.memory_space<vmem>>, vector<16xf32>,
        tpu.vector_store %arg23[%parallel_loop3A_2442, %parallel_loop3A_2443, %parallel_loop3A_2444, %parallel_loop3A_2445], %parallel_loop3A_2439 {strides = array<i32>} : memref<4x2x8x128xf32, #tpu.memory_space<vmem>>, vector<16xf32>,
        %parallel_loop3A_2447 = arith.constant 11907 : i32
        %parallel_loop3A_2448 = vector.broadcast %parallel_loop3A_2447 : i32 to vector<16xi32>
        %parallel_loop3A_2449 = arith.addi %parallel_loop3A_1822, %parallel_loop3A_2448 : vector<16xi32>
        %parallel_loop3A_2450 = tpu.vector_load_idx %arg18[%parallel_loop3A_2449] : memref<14112xf32, #tpu.memory_space<vmem>>[vector<16xi32>], vector<16xf32>,
        %parallel_loop3A_2451 = arith.constant 3 : i64
        %parallel_loop3A_2452 = arith.constant 3 : i64
        %parallel_loop3A_2453 = arith.index_cast %parallel_loop3A_2451 : i64 to index
        %parallel_loop3A_2454 = arith.index_cast %parallel_loop3A_1849 : i32 to index
        %parallel_loop3A_2455 = arith.index_cast %parallel_loop3A_2452 : i64 to index
        %parallel_loop3A_2456 = arith.index_cast %parallel_loop3A_1852 : i32 to index
        %parallel_loop3A_2457 = tpu.vector_load %arg22[%parallel_loop3A_2453, %parallel_loop3A_2454, %parallel_loop3A_2455, %parallel_loop3A_2456] {strides = array<i32>} : memref<4x2x8x128xf32, #tpu.memory_space<vmem>>, vector<16xf32>,
        tpu.vector_store %arg22[%parallel_loop3A_2453, %parallel_loop3A_2454, %parallel_loop3A_2455, %parallel_loop3A_2456], %parallel_loop3A_2450 {strides = array<i32>} : memref<4x2x8x128xf32, #tpu.memory_space<vmem>>, vector<16xf32>,
        %parallel_loop3A_2458 = arith.constant 47628 : i32
        %parallel_loop3A_2459 = vector.broadcast %parallel_loop3A_2458 : i32 to vector<16xi32>
        %parallel_loop3A_2460 = arith.addi %parallel_loop3A_1824, %parallel_loop3A_2459 : vector<16xi32>
        %parallel_loop3A_2461 = tpu.vector_load_idx %arg19[%parallel_loop3A_2460] : memref<56448xf32, #tpu.memory_space<vmem>>[vector<16xi32>], vector<16xf32>,
        %parallel_loop3A_2462 = arith.constant 3 : i64
        %parallel_loop3A_2463 = arith.constant 3 : i64
        %parallel_loop3A_2464 = arith.index_cast %parallel_loop3A_2462 : i64 to index
        %parallel_loop3A_2465 = arith.index_cast %parallel_loop3A_1849 : i32 to index
        %parallel_loop3A_2466 = arith.index_cast %parallel_loop3A_2463 : i64 to index
        %parallel_loop3A_2467 = arith.index_cast %parallel_loop3A_1852 : i32 to index
        %parallel_loop3A_2468 = tpu.vector_load %arg23[%parallel_loop3A_2464, %parallel_loop3A_2465, %parallel_loop3A_2466, %parallel_loop3A_2467] {strides = array<i32>} : memref<4x2x8x128xf32, #tpu.memory_space<vmem>>, vector<16xf32>,
        tpu.vector_store %arg23[%parallel_loop3A_2464, %parallel_loop3A_2465, %parallel_loop3A_2466, %parallel_loop3A_2467], %parallel_loop3A_2461 {strides = array<i32>} : memref<4x2x8x128xf32, #tpu.memory_space<vmem>>, vector<16xf32>,
        %parallel_loop3A_2469 = arith.constant 12348 : i32
        %parallel_loop3A_2470 = vector.broadcast %parallel_loop3A_2469 : i32 to vector<16xi32>
        %parallel_loop3A_2471 = arith.addi %parallel_loop3A_1822, %parallel_loop3A_2470 : vector<16xi32>
        %parallel_loop3A_2472 = tpu.vector_load_idx %arg18[%parallel_loop3A_2471] : memref<14112xf32, #tpu.memory_space<vmem>>[vector<16xi32>], vector<16xf32>,
        %parallel_loop3A_2473 = arith.constant 3 : i64
        %parallel_loop3A_2474 = arith.constant 4 : i64
        %parallel_loop3A_2475 = arith.index_cast %parallel_loop3A_2473 : i64 to index
        %parallel_loop3A_2476 = arith.index_cast %parallel_loop3A_1849 : i32 to index
        %parallel_loop3A_2477 = arith.index_cast %parallel_loop3A_2474 : i64 to index
        %parallel_loop3A_2478 = arith.index_cast %parallel_loop3A_1852 : i32 to index
        %parallel_loop3A_2479 = tpu.vector_load %arg22[%parallel_loop3A_2475, %parallel_loop3A_2476, %parallel_loop3A_2477, %parallel_loop3A_2478] {strides = array<i32>} : memref<4x2x8x128xf32, #tpu.memory_space<vmem>>, vector<16xf32>,
        tpu.vector_store %arg22[%parallel_loop3A_2475, %parallel_loop3A_2476, %parallel_loop3A_2477, %parallel_loop3A_2478], %parallel_loop3A_2472 {strides = array<i32>} : memref<4x2x8x128xf32, #tpu.memory_space<vmem>>, vector<16xf32>,
        %parallel_loop3A_2480 = arith.constant 49392 : i32
        %parallel_loop3A_2481 = vector.broadcast %parallel_loop3A_2480 : i32 to vector<16xi32>
        %parallel_loop3A_2482 = arith.addi %parallel_loop3A_1824, %parallel_loop3A_2481 : vector<16xi32>
        %parallel_loop3A_2483 = tpu.vector_load_idx %arg19[%parallel_loop3A_2482] : memref<56448xf32, #tpu.memory_space<vmem>>[vector<16xi32>], vector<16xf32>,
        %parallel_loop3A_2484 = arith.constant 3 : i64
        %parallel_loop3A_2485 = arith.constant 4 : i64
        %parallel_loop3A_2486 = arith.index_cast %parallel_loop3A_2484 : i64 to index
        %parallel_loop3A_2487 = arith.index_cast %parallel_loop3A_1849 : i32 to index
        %parallel_loop3A_2488 = arith.index_cast %parallel_loop3A_2485 : i64 to index
        %parallel_loop3A_2489 = arith.index_cast %parallel_loop3A_1852 : i32 to index
        %parallel_loop3A_2490 = tpu.vector_load %arg23[%parallel_loop3A_2486, %parallel_loop3A_2487, %parallel_loop3A_2488, %parallel_loop3A_2489] {strides = array<i32>} : memref<4x2x8x128xf32, #tpu.memory_space<vmem>>, vector<16xf32>,
        tpu.vector_store %arg23[%parallel_loop3A_2486, %parallel_loop3A_2487, %parallel_loop3A_2488, %parallel_loop3A_2489], %parallel_loop3A_2483 {strides = array<i32>} : memref<4x2x8x128xf32, #tpu.memory_space<vmem>>, vector<16xf32>,
        %parallel_loop3A_2491 = arith.constant 12789 : i32
        %parallel_loop3A_2492 = vector.broadcast %parallel_loop3A_2491 : i32 to vector<16xi32>
        %parallel_loop3A_2493 = arith.addi %parallel_loop3A_1822, %parallel_loop3A_2492 : vector<16xi32>
        %parallel_loop3A_2494 = tpu.vector_load_idx %arg18[%parallel_loop3A_2493] : memref<14112xf32, #tpu.memory_space<vmem>>[vector<16xi32>], vector<16xf32>,
        %parallel_loop3A_2495 = arith.constant 3 : i64
        %parallel_loop3A_2496 = arith.constant 5 : i64
        %parallel_loop3A_2497 = arith.index_cast %parallel_loop3A_2495 : i64 to index
        %parallel_loop3A_2498 = arith.index_cast %parallel_loop3A_1849 : i32 to index
        %parallel_loop3A_2499 = arith.index_cast %parallel_loop3A_2496 : i64 to index
        %parallel_loop3A_2500 = arith.index_cast %parallel_loop3A_1852 : i32 to index
        %parallel_loop3A_2501 = tpu.vector_load %arg22[%parallel_loop3A_2497, %parallel_loop3A_2498, %parallel_loop3A_2499, %parallel_loop3A_2500] {strides = array<i32>} : memref<4x2x8x128xf32, #tpu.memory_space<vmem>>, vector<16xf32>,
        tpu.vector_store %arg22[%parallel_loop3A_2497, %parallel_loop3A_2498, %parallel_loop3A_2499, %parallel_loop3A_2500], %parallel_loop3A_2494 {strides = array<i32>} : memref<4x2x8x128xf32, #tpu.memory_space<vmem>>, vector<16xf32>,
        %parallel_loop3A_2502 = arith.constant 51156 : i32
        %parallel_loop3A_2503 = vector.broadcast %parallel_loop3A_2502 : i32 to vector<16xi32>
        %parallel_loop3A_2504 = arith.addi %parallel_loop3A_1824, %parallel_loop3A_2503 : vector<16xi32>
        %parallel_loop3A_2505 = tpu.vector_load_idx %arg19[%parallel_loop3A_2504] : memref<56448xf32, #tpu.memory_space<vmem>>[vector<16xi32>], vector<16xf32>,
        %parallel_loop3A_2506 = arith.constant 3 : i64
        %parallel_loop3A_2507 = arith.constant 5 : i64
        %parallel_loop3A_2508 = arith.index_cast %parallel_loop3A_2506 : i64 to index
        %parallel_loop3A_2509 = arith.index_cast %parallel_loop3A_1849 : i32 to index
        %parallel_loop3A_2510 = arith.index_cast %parallel_loop3A_2507 : i64 to index
        %parallel_loop3A_2511 = arith.index_cast %parallel_loop3A_1852 : i32 to index
        %parallel_loop3A_2512 = tpu.vector_load %arg23[%parallel_loop3A_2508, %parallel_loop3A_2509, %parallel_loop3A_2510, %parallel_loop3A_2511] {strides = array<i32>} : memref<4x2x8x128xf32, #tpu.memory_space<vmem>>, vector<16xf32>,
        tpu.vector_store %arg23[%parallel_loop3A_2508, %parallel_loop3A_2509, %parallel_loop3A_2510, %parallel_loop3A_2511], %parallel_loop3A_2505 {strides = array<i32>} : memref<4x2x8x128xf32, #tpu.memory_space<vmem>>, vector<16xf32>,
        %parallel_loop3A_2513 = arith.constant 13230 : i32
        %parallel_loop3A_2514 = vector.broadcast %parallel_loop3A_2513 : i32 to vector<16xi32>
        %parallel_loop3A_2515 = arith.addi %parallel_loop3A_1822, %parallel_loop3A_2514 : vector<16xi32>
        %parallel_loop3A_2516 = tpu.vector_load_idx %arg18[%parallel_loop3A_2515] : memref<14112xf32, #tpu.memory_space<vmem>>[vector<16xi32>], vector<16xf32>,
        %parallel_loop3A_2517 = arith.constant 3 : i64
        %parallel_loop3A_2518 = arith.constant 6 : i64
        %parallel_loop3A_2519 = arith.index_cast %parallel_loop3A_2517 : i64 to index
        %parallel_loop3A_2520 = arith.index_cast %parallel_loop3A_1849 : i32 to index
        %parallel_loop3A_2521 = arith.index_cast %parallel_loop3A_2518 : i64 to index
        %parallel_loop3A_2522 = arith.index_cast %parallel_loop3A_1852 : i32 to index
        %parallel_loop3A_2523 = tpu.vector_load %arg22[%parallel_loop3A_2519, %parallel_loop3A_2520, %parallel_loop3A_2521, %parallel_loop3A_2522] {strides = array<i32>} : memref<4x2x8x128xf32, #tpu.memory_space<vmem>>, vector<16xf32>,
        tpu.vector_store %arg22[%parallel_loop3A_2519, %parallel_loop3A_2520, %parallel_loop3A_2521, %parallel_loop3A_2522], %parallel_loop3A_2516 {strides = array<i32>} : memref<4x2x8x128xf32, #tpu.memory_space<vmem>>, vector<16xf32>,
        %parallel_loop3A_2524 = arith.constant 52920 : i32
        %parallel_loop3A_2525 = vector.broadcast %parallel_loop3A_2524 : i32 to vector<16xi32>
        %parallel_loop3A_2526 = arith.addi %parallel_loop3A_1824, %parallel_loop3A_2525 : vector<16xi32>
        %parallel_loop3A_2527 = tpu.vector_load_idx %arg19[%parallel_loop3A_2526] : memref<56448xf32, #tpu.memory_space<vmem>>[vector<16xi32>], vector<16xf32>,
        %parallel_loop3A_2528 = arith.constant 3 : i64
        %parallel_loop3A_2529 = arith.constant 6 : i64
        %parallel_loop3A_2530 = arith.index_cast %parallel_loop3A_2528 : i64 to index
        %parallel_loop3A_2531 = arith.index_cast %parallel_loop3A_1849 : i32 to index
        %parallel_loop3A_2532 = arith.index_cast %parallel_loop3A_2529 : i64 to index
        %parallel_loop3A_2533 = arith.index_cast %parallel_loop3A_1852 : i32 to index
        %parallel_loop3A_2534 = tpu.vector_load %arg23[%parallel_loop3A_2530, %parallel_loop3A_2531, %parallel_loop3A_2532, %parallel_loop3A_2533] {strides = array<i32>} : memref<4x2x8x128xf32, #tpu.memory_space<vmem>>, vector<16xf32>,
        tpu.vector_store %arg23[%parallel_loop3A_2530, %parallel_loop3A_2531, %parallel_loop3A_2532, %parallel_loop3A_2533], %parallel_loop3A_2527 {strides = array<i32>} : memref<4x2x8x128xf32, #tpu.memory_space<vmem>>, vector<16xf32>,
        %parallel_loop3A_2535 = arith.constant 13671 : i32
        %parallel_loop3A_2536 = vector.broadcast %parallel_loop3A_2535 : i32 to vector<16xi32>
        %parallel_loop3A_2537 = arith.addi %parallel_loop3A_1822, %parallel_loop3A_2536 : vector<16xi32>
        %parallel_loop3A_2538 = tpu.vector_load_idx %arg18[%parallel_loop3A_2537] : memref<14112xf32, #tpu.memory_space<vmem>>[vector<16xi32>], vector<16xf32>,
        %parallel_loop3A_2539 = arith.constant 3 : i64
        %parallel_loop3A_2540 = arith.constant 7 : i64
        %parallel_loop3A_2541 = arith.index_cast %parallel_loop3A_2539 : i64 to index
        %parallel_loop3A_2542 = arith.index_cast %parallel_loop3A_1849 : i32 to index
        %parallel_loop3A_2543 = arith.index_cast %parallel_loop3A_2540 : i64 to index
        %parallel_loop3A_2544 = arith.index_cast %parallel_loop3A_1852 : i32 to index
        %parallel_loop3A_2545 = tpu.vector_load %arg22[%parallel_loop3A_2541, %parallel_loop3A_2542, %parallel_loop3A_2543, %parallel_loop3A_2544] {strides = array<i32>} : memref<4x2x8x128xf32, #tpu.memory_space<vmem>>, vector<16xf32>,
        tpu.vector_store %arg22[%parallel_loop3A_2541, %parallel_loop3A_2542, %parallel_loop3A_2543, %parallel_loop3A_2544], %parallel_loop3A_2538 {strides = array<i32>} : memref<4x2x8x128xf32, #tpu.memory_space<vmem>>, vector<16xf32>,
        %parallel_loop3A_2546 = arith.constant 54684 : i32
        %parallel_loop3A_2547 = vector.broadcast %parallel_loop3A_2546 : i32 to vector<16xi32>
        %parallel_loop3A_2548 = arith.addi %parallel_loop3A_1824, %parallel_loop3A_2547 : vector<16xi32>
        %parallel_loop3A_2549 = tpu.vector_load_idx %arg19[%parallel_loop3A_2548] : memref<56448xf32, #tpu.memory_space<vmem>>[vector<16xi32>], vector<16xf32>,
        %parallel_loop3A_2550 = arith.constant 3 : i64
        %parallel_loop3A_2551 = arith.constant 7 : i64
        %parallel_loop3A_2552 = arith.index_cast %parallel_loop3A_2550 : i64 to index
        %parallel_loop3A_2553 = arith.index_cast %parallel_loop3A_1849 : i32 to index
        %parallel_loop3A_2554 = arith.index_cast %parallel_loop3A_2551 : i64 to index
        %parallel_loop3A_2555 = arith.index_cast %parallel_loop3A_1852 : i32 to index
        %parallel_loop3A_2556 = tpu.vector_load %arg23[%parallel_loop3A_2552, %parallel_loop3A_2553, %parallel_loop3A_2554, %parallel_loop3A_2555] {strides = array<i32>} : memref<4x2x8x128xf32, #tpu.memory_space<vmem>>, vector<16xf32>,
        tpu.vector_store %arg23[%parallel_loop3A_2552, %parallel_loop3A_2553, %parallel_loop3A_2554, %parallel_loop3A_2555], %parallel_loop3A_2549 {strides = array<i32>} : memref<4x2x8x128xf32, #tpu.memory_space<vmem>>, vector<16xf32>,
      } {sc.loop_unroll_factor = 4 : i64, sc.parallel_access}
      %add3A_1796 = arith.constant 1 : i32
      %add3A_1797 = arith.addi %scan3A_480, %add3A_1796 : i32
      %dma_start3A_1798 = arith.constant 0 : i32
      %dma_start3A_1799 = arith.constant 0 : i32
      %dma_start3A_1800 = arith.constant 0 : i32
      %dma_start3A_1801 = tpu.memref_slice %arg8[%select_n3A_56, %add3A_1797, %mul3A_79, %dma_start3A_1798, %dma_start3A_1799, %dma_start3A_1800] : memref<4x256x8x2x8x128xf32, #tpu.memory_space<hbm>> -> memref<1x1x4x2x8x128xf32, #tpu.memory_space<hbm>>
      %dma_start3A_1802 = tpu.memref_squeeze %dma_start3A_1801 : memref<1x1x4x2x8x128xf32, #tpu.memory_space<hbm>> -> memref<4x2x8x128xf32, #tpu.memory_space<hbm>>
      %dma_start3A_1803 = arith.constant 0 : i32
      %dma_start3A_1804 = arith.constant 0 : i32
      %dma_start3A_1805 = arith.constant 0 : i32
      %dma_start3A_1806 = tpu.memref_slice %arg8[%select_n3A_56, %add3A_1797, %mul3A_79, %dma_start3A_1803, %dma_start3A_1804, %dma_start3A_1805] : memref<4x256x8x2x8x128xf32, #tpu.memory_space<hbm>> -> memref<1x1x4x2x8x128xf32, #tpu.memory_space<hbm>>
      %dma_start3A_1807 = tpu.memref_squeeze %dma_start3A_1806 : memref<1x1x4x2x8x128xf32, #tpu.memory_space<hbm>> -> memref<4x2x8x128xf32, #tpu.memory_space<hbm>>
      tpu.enqueue_dma source(%arg22 : memref<4x2x8x128xf32, #tpu.memory_space<vmem>>) target(%dma_start3A_1807 : memref<4x2x8x128xf32, #tpu.memory_space<hbm>>) target_semaphore(%arg25 : memref<!tpu.dma_semaphore, #tpu.memory_space<semaphore_mem>>)
      %dma_start3A_1808 = arith.constant 0 : i32
      %dma_start3A_1809 = arith.constant 0 : i32
      %dma_start3A_1810 = arith.constant 0 : i32
      %dma_start3A_1811 = tpu.memref_slice %arg9[%select_n3A_56, %add3A_1797, %mul3A_79, %dma_start3A_1808, %dma_start3A_1809, %dma_start3A_1810] : memref<4x256x8x2x8x128xf32, #tpu.memory_space<hbm>> -> memref<1x1x4x2x8x128xf32, #tpu.memory_space<hbm>>
      %dma_start3A_1812 = tpu.memref_squeeze %dma_start3A_1811 : memref<1x1x4x2x8x128xf32, #tpu.memory_space<hbm>> -> memref<4x2x8x128xf32, #tpu.memory_space<hbm>>
      %dma_start3A_1813 = arith.constant 0 : i32
      %dma_start3A_1814 = arith.constant 0 : i32
      %dma_start3A_1815 = arith.constant 0 : i32
      %dma_start3A_1816 = tpu.memref_slice %arg9[%select_n3A_56, %add3A_1797, %mul3A_79, %dma_start3A_1813, %dma_start3A_1814, %dma_start3A_1815] : memref<4x256x8x2x8x128xf32, #tpu.memory_space<hbm>> -> memref<1x1x4x2x8x128xf32, #tpu.memory_space<hbm>>
      %dma_start3A_1817 = tpu.memref_squeeze %dma_start3A_1816 : memref<1x1x4x2x8x128xf32, #tpu.memory_space<hbm>> -> memref<4x2x8x128xf32, #tpu.memory_space<hbm>>
      tpu.enqueue_dma source(%arg23 : memref<4x2x8x128xf32, #tpu.memory_space<vmem>>) target(%dma_start3A_1817 : memref<4x2x8x128xf32, #tpu.memory_space<hbm>>) target_semaphore(%arg25 : memref<!tpu.dma_semaphore, #tpu.memory_space<semaphore_mem>>)
      %add3A_1818 = arith.constant 2 : i32
      %add3A_1819 = arith.addi %scan3A_480, %add3A_1818 : i32
      scf.yield %add3A_1819 : i32
    }
    %scan3A_423 = arith.constant 32 : i32
    %dma_wait3A = arith.constant 0 : i32
    %dma_wait3A_424 = arith.constant 0 : i32
    %dma_wait3A_425 = arith.constant 0 : i32
    %dma_wait3A_426 = arith.constant 0 : i32
    %dma_wait3A_427 = arith.constant 0 : i32
    %dma_wait3A_428 = arith.constant 0 : i32
    %dma_wait3A_429 = tpu.memref_slice %arg8[%dma_wait3A, %dma_wait3A_424, %dma_wait3A_425, %dma_wait3A_426, %dma_wait3A_427, %dma_wait3A_428] : memref<4x256x8x2x8x128xf32, #tpu.memory_space<hbm>> -> memref<1x1x4x2x8x128xf32, #tpu.memory_space<hbm>>
    %dma_wait3A_430 = tpu.memref_squeeze %dma_wait3A_429 : memref<1x1x4x2x8x128xf32, #tpu.memory_space<hbm>> -> memref<4x2x8x128xf32, #tpu.memory_space<hbm>>
    %dma_wait3A_431 = arith.constant 0 : i32
    %dma_wait3A_432 = arith.constant 0 : i32
    %dma_wait3A_433 = arith.constant 0 : i32
    %dma_wait3A_434 = arith.constant 0 : i32
    %dma_wait3A_435 = tpu.memref_slice %arg8[%dma_wait3A, %dma_wait3A_424, %dma_wait3A_431, %dma_wait3A_432, %dma_wait3A_433, %dma_wait3A_434] : memref<4x256x8x2x8x128xf32, #tpu.memory_space<hbm>> -> memref<1x1x4x2x8x128xf32, #tpu.memory_space<hbm>>
    %dma_wait3A_436 = tpu.memref_squeeze %dma_wait3A_435 : memref<1x1x4x2x8x128xf32, #tpu.memory_space<hbm>> -> memref<4x2x8x128xf32, #tpu.memory_space<hbm>>
    tpu.wait_dma2 semaphore(%arg24 : memref<!tpu.dma_semaphore, #tpu.memory_space<semaphore_mem>>) src(%arg20 : memref<4x2x8x128xf32, #tpu.memory_space<vmem>>) dst(%dma_wait3A_436 : memref<4x2x8x128xf32, #tpu.memory_space<hbm>>)
    %dma_wait3A_437 = arith.constant 0 : i32
    %dma_wait3A_438 = arith.constant 0 : i32
    %dma_wait3A_439 = arith.constant 0 : i32
    %dma_wait3A_440 = arith.constant 0 : i32
    %dma_wait3A_441 = arith.constant 0 : i32
    %dma_wait3A_442 = arith.constant 0 : i32
    %dma_wait3A_443 = tpu.memref_slice %arg9[%dma_wait3A_437, %dma_wait3A_438, %dma_wait3A_439, %dma_wait3A_440, %dma_wait3A_441, %dma_wait3A_442] : memref<4x256x8x2x8x128xf32, #tpu.memory_space<hbm>> -> memref<1x1x4x2x8x128xf32, #tpu.memory_space<hbm>>
    %dma_wait3A_444 = tpu.memref_squeeze %dma_wait3A_443 : memref<1x1x4x2x8x128xf32, #tpu.memory_space<hbm>> -> memref<4x2x8x128xf32, #tpu.memory_space<hbm>>
    %dma_wait3A_445 = arith.constant 0 : i32
    %dma_wait3A_446 = arith.constant 0 : i32
    %dma_wait3A_447 = arith.constant 0 : i32
    %dma_wait3A_448 = arith.constant 0 : i32
    %dma_wait3A_449 = tpu.memref_slice %arg9[%dma_wait3A_437, %dma_wait3A_438, %dma_wait3A_445, %dma_wait3A_446, %dma_wait3A_447, %dma_wait3A_448] : memref<4x256x8x2x8x128xf32, #tpu.memory_space<hbm>> -> memref<1x1x4x2x8x128xf32, #tpu.memory_space<hbm>>
    %dma_wait3A_450 = tpu.memref_squeeze %dma_wait3A_449 : memref<1x1x4x2x8x128xf32, #tpu.memory_space<hbm>> -> memref<4x2x8x128xf32, #tpu.memory_space<hbm>>
    tpu.wait_dma2 semaphore(%arg24 : memref<!tpu.dma_semaphore, #tpu.memory_space<semaphore_mem>>) src(%arg21 : memref<4x2x8x128xf32, #tpu.memory_space<vmem>>) dst(%dma_wait3A_450 : memref<4x2x8x128xf32, #tpu.memory_space<hbm>>)
    %dma_wait3A_451 = arith.constant 0 : i32
    %dma_wait3A_452 = arith.constant 0 : i32
    %dma_wait3A_453 = arith.constant 0 : i32
    %dma_wait3A_454 = arith.constant 0 : i32
    %dma_wait3A_455 = arith.constant 0 : i32
    %dma_wait3A_456 = arith.constant 0 : i32
    %dma_wait3A_457 = tpu.memref_slice %arg8[%dma_wait3A_451, %dma_wait3A_452, %dma_wait3A_453, %dma_wait3A_454, %dma_wait3A_455, %dma_wait3A_456] : memref<4x256x8x2x8x128xf32, #tpu.memory_space<hbm>> -> memref<1x1x4x2x8x128xf32, #tpu.memory_space<hbm>>
    %dma_wait3A_458 = tpu.memref_squeeze %dma_wait3A_457 : memref<1x1x4x2x8x128xf32, #tpu.memory_space<hbm>> -> memref<4x2x8x128xf32, #tpu.memory_space<hbm>>
    %dma_wait3A_459 = arith.constant 0 : i32
    %dma_wait3A_460 = arith.constant 0 : i32
    %dma_wait3A_461 = arith.constant 0 : i32
    %dma_wait3A_462 = arith.constant 0 : i32
    %dma_wait3A_463 = tpu.memref_slice %arg8[%dma_wait3A_451, %dma_wait3A_452, %dma_wait3A_459, %dma_wait3A_460, %dma_wait3A_461, %dma_wait3A_462] : memref<4x256x8x2x8x128xf32, #tpu.memory_space<hbm>> -> memref<1x1x4x2x8x128xf32, #tpu.memory_space<hbm>>
    %dma_wait3A_464 = tpu.memref_squeeze %dma_wait3A_463 : memref<1x1x4x2x8x128xf32, #tpu.memory_space<hbm>> -> memref<4x2x8x128xf32, #tpu.memory_space<hbm>>
    tpu.wait_dma2 semaphore(%arg25 : memref<!tpu.dma_semaphore, #tpu.memory_space<semaphore_mem>>) src(%arg22 : memref<4x2x8x128xf32, #tpu.memory_space<vmem>>) dst(%dma_wait3A_464 : memref<4x2x8x128xf32, #tpu.memory_space<hbm>>)
    %dma_wait3A_465 = arith.constant 0 : i32
    %dma_wait3A_466 = arith.constant 0 : i32
    %dma_wait3A_467 = arith.constant 0 : i32
    %dma_wait3A_468 = arith.constant 0 : i32
    %dma_wait3A_469 = arith.constant 0 : i32
    %dma_wait3A_470 = arith.constant 0 : i32
    %dma_wait3A_471 = tpu.memref_slice %arg9[%dma_wait3A_465, %dma_wait3A_466, %dma_wait3A_467, %dma_wait3A_468, %dma_wait3A_469, %dma_wait3A_470] : memref<4x256x8x2x8x128xf32, #tpu.memory_space<hbm>> -> memref<1x1x4x2x8x128xf32, #tpu.memory_space<hbm>>
    %dma_wait3A_472 = tpu.memref_squeeze %dma_wait3A_471 : memref<1x1x4x2x8x128xf32, #tpu.memory_space<hbm>> -> memref<4x2x8x128xf32, #tpu.memory_space<hbm>>
    %dma_wait3A_473 = arith.constant 0 : i32
    %dma_wait3A_474 = arith.constant 0 : i32
    %dma_wait3A_475 = arith.constant 0 : i32
    %dma_wait3A_476 = arith.constant 0 : i32
    %dma_wait3A_477 = tpu.memref_slice %arg9[%dma_wait3A_465, %dma_wait3A_466, %dma_wait3A_473, %dma_wait3A_474, %dma_wait3A_475, %dma_wait3A_476] : memref<4x256x8x2x8x128xf32, #tpu.memory_space<hbm>> -> memref<1x1x4x2x8x128xf32, #tpu.memory_space<hbm>>
    %dma_wait3A_478 = tpu.memref_squeeze %dma_wait3A_477 : memref<1x1x4x2x8x128xf32, #tpu.memory_space<hbm>> -> memref<4x2x8x128xf32, #tpu.memory_space<hbm>>
    tpu.wait_dma2 semaphore(%arg25 : memref<!tpu.dma_semaphore, #tpu.memory_space<semaphore_mem>>) src(%arg23 : memref<4x2x8x128xf32, #tpu.memory_space<vmem>>) dst(%dma_wait3A_478 : memref<4x2x8x128xf32, #tpu.memory_space<hbm>>)
    return
  }
}

</mosaic_0001>

<sc_bundles>
// kernel: kernel.3.cloned.1.call-start
scs
__scs_entry_jumppad:
0x0: {  	(pc) =	sbr.rel $0x88, $3  }
0x1: {  	(tag) =	ssettag $0x0;
	lr =	simm.s32 $0x1  }
0x2: {  	[smem:$0x3F9A] =	sst lr;
	_ =	strace $0xD0000000  }
0x3: {  	_ = 	snop  }
0x4: {  	_ = 	snop  }
0x5: {  	_ = 	snop  }
0x6: {  	_ = 	snop  }
0x7: {  	_ = 	snop  }
__scs_overlays_trampoline_lowered:
0x8: {  	[smem:$0x3FA9] =	sst s0  }
0x9: {  	[smem:$0x3FAA] =	sst s1  }
0xa: {  	[smem:$0x3FAB] =	sst s2  }
0xb: {  	[smem:$0x3FAC] =	sst s3  }
0xc: {  	[smem:$0x3FAD] =	sst s4  }
0xd: {  	[smem:$0x3FAE] =	sst s5  }
0xe: {  	[smem:$0x3FAF] =	sst s6  }
0xf: {  	[smem:$0x3FB0] =	sst s7  }
0x10: {  	[smem:$0x3FB1] =	sst s8  }
0x11: {  	[smem:$0x3FB2] =	sst s9;
	s0 =	simm.s32 @!p0 $0x0  }
0x12: {  	s1 =	sld [smem:$0x3F98];
	s0 =	simm.s32 @p0 $0x1  }
0x13: {  	[smem:$0x3FB3] =	sst s0;
	s0 =	simm.s32 @!p1 $0x0  }
0x14: {  	s2 =	sld [smem:$0x3F97];
	s0 =	simm.s32 @p1 $0x1  }
0x15: {  	[smem:$0x3FB4] =	sst s0;
	s0 =	simm.s32 @!p2 $0x0  }
0x16: {  	s3 =	sld [smem:$0x3FDB];
	s0 =	simm.s32 @p2 $0x1  }
0x17: {  	s4 =	simm.s32 $0x1BF5;
	[smem:$0x3FB6] =	sst s0  }
0x18: {  	s0 =	sld [smem:$0x3F99];
	_ =	swait.ge [sflag:s4], $0x0  }
0x19: {  	s7 =	sld [smem:$0x3F9A]  }
0x1a: {  	s8 =	sadd.s32 $0xFFFFE003, lr  }
0x1b: {  	s9 =	sadd.s32 $0xFFFFFEF7, lr;
	s5 =	simm.s32 $0xFFFFFFFF;
	p2 =	slt.u32 s8, $0xFFFFF086  }
0x1c: {  	p1 =	slt.u32 s9, $0xF7A;
	s5 =	simm.s32 @!p2 $0x0  }
0x1d: {  	s5 =	simm.s32 @p1 $0x1;
	p0 =	seq.s32 s7, s2  }
0x1e: {  	s7 =	smul.u32 @!p0 $0xF7A, s2;
	p2 =	seq.s32 @!p0 s5, $0x0  }
0x1f: {  	s9 =	smul.u32 $0xF7A, s1;
	s8 =	simm.s32 @!p0 $0x1BF5;
	p2 =	por !p2, p0  }
0x20: {  	[sflag:s8] =	ssyncset.s32 @!p0 $0xFFFFF086;
	s6 =	sadd.s32 @!p0 s3, s7;
	s7 =	simm.s32 @!p0 $0x108  }
0x21: {  	s3 =	sadd.s32 s3, s9;
	s6 =	sadd.s32 @!p0 $0x88, s6;
	s7 =	simm.s32 @p2 $0x1082  }
0x22: {  	[simem:s7], [sflag:s8] =	dma.local @!p0 [hbm:s6], $0xF7A  }
0x23: {  	s9 =	sor.u32 $0xD0000000, s2;
	s6 =	simm.s32 $0x108;
	_ =	swait.ge @!p0 [sflag:s8], $0x0  }
0x24: {  	s3 =	sadd.s32 $0x88, s3;
	s6 =	simm.s32 @!p1 $0x1082;
	[sflag:s4] =	ssyncset.s32 $0xFFFFF086  }
0x25: {  	[simem:s6], [sflag:s4] =	dma.local [hbm:s3], $0xF7A  }
0x26: {  	[smem:$0x3F9A] =	sst s1;
	(tag) =	ssettag s2;
	_ =	strace s9  }
0x27: {  	s1 =	sld [smem:$0x3FAA]  }
0x28: {  	s2 =	sld [smem:$0x3FAB]  }
0x29: {  	s4 =	sld [smem:$0x3FAD]  }
0x2a: {  	p0 =	seq.s32 s5, $0x0;
	s5 =	sld [smem:$0x3FAE]  }
0x2b: {  	s6 =	sld [smem:$0x3FAF]  }
0x2c: {  	s7 =	sld [smem:$0x3FB0]  }
0x2d: {  	s3 =	simm.s32 $0x108;
	s8 =	sld [smem:$0x3FB1]  }
0x2e: {  	s3 =	simm.s32 @!p0 $0x1082;
	s9 =	sld [smem:$0x3FB2]  }
0x2f: {  	lr =	sadd.s32 s0, s3;
	s0 =	sld [smem:$0x3FA9]  }
0x30: {  	s3 =	sld [smem:$0x3FAC]  }
0x31: {  	[smem:$0x3FB5] =	sst s10  }
0x32: {  	s10 =	sld [smem:$0x3FB3];
	_ =	sdelay $0x3  }
0x33: {  	p0 =	seq.s32 s10, $0x1;
	s10 =	sld [smem:$0x3FB5];
	_ =	sdelay $0x3  }
0x34: {  	[smem:$0x3FB5] =	sst s10  }
0x35: {  	s10 =	sld [smem:$0x3FB4];
	_ =	sdelay $0x3  }
0x36: {  	p1 =	seq.s32 s10, $0x1;
	s10 =	sld [smem:$0x3FB5];
	_ =	sdelay $0x3  }
0x37: {  	[smem:$0x3FB5] =	sst s10  }
0x38: {  	s10 =	sld [smem:$0x3FB6]  }
0x39: {  	_ = 	snop;
	(pc) =	sbr.ind lr, $3  }
0x3a: {  	_ = 	snop  }
0x3b: {  	_ = 	snop  }
0x3c: {  	p2 =	seq.s32 s10, $0x1;
	s10 =	sld [smem:$0x3FB5]  }
0x3d: {  	_ =	shalt  }
0x3e: {  	_ =	shalt  }
0x3f: {  	_ =	shalt  }
0x40: {  	_ =	shalt  }
0x41: {  	_ =	shalt  }
0x42: {  	_ =	shalt  }
0x43: {  	_ =	shalt  }
0x44: {  	_ =	shalt  }
0x45: {  	_ =	shalt  }
0x46: {  	_ =	shalt  }
0x47: {  	_ =	shalt  }
0x48: {  	_ =	shalt  }
0x49: {  	_ =	shalt  }
0x4a: {  	_ =	shalt  }
0x4b: {  	_ =	shalt  }
0x4c: {  	_ =	shalt  }
0x4d: {  	_ =	shalt  }
0x4e: {  	_ =	shalt  }
0x4f: {  	_ =	shalt  }
0x50: {  	_ =	shalt  }
0x51: {  	_ =	shalt  }
0x52: {  	_ =	shalt  }
0x53: {  	_ =	shalt  }
0x54: {  	_ =	shalt  }
0x55: {  	_ =	shalt  }
0x56: {  	_ =	shalt  }
0x57: {  	_ =	shalt  }
0x58: {  	_ =	shalt  }
0x59: {  	_ =	shalt  }
0x5a: {  	_ =	shalt  }
0x5b: {  	_ =	shalt  }
0x5c: {  	_ =	shalt  }
0x5d: {  	_ =	shalt  }
0x5e: {  	_ =	shalt  }
0x5f: {  	_ =	shalt  }
0x60: {  	_ =	shalt  }
0x61: {  	_ =	shalt  }
0x62: {  	_ =	shalt  }
0x63: {  	_ =	shalt  }
0x64: {  	_ =	shalt  }
0x65: {  	_ =	shalt  }
0x66: {  	_ =	shalt  }
0x67: {  	_ =	shalt  }
0x68: {  	_ =	shalt  }
0x69: {  	_ =	shalt  }
0x6a: {  	_ =	shalt  }
0x6b: {  	_ =	shalt  }
0x6c: {  	_ =	shalt  }
0x6d: {  	_ =	shalt  }
0x6e: {  	_ =	shalt  }
0x6f: {  	_ =	shalt  }
0x70: {  	_ =	shalt  }
0x71: {  	_ =	shalt  }
0x72: {  	_ =	shalt  }
0x73: {  	_ =	shalt  }
0x74: {  	_ =	shalt  }
0x75: {  	_ =	shalt  }
0x76: {  	_ =	shalt  }
0x77: {  	_ =	shalt  }
0x78: {  	_ =	shalt  }
0x79: {  	_ =	shalt  }
0x7a: {  	_ =	shalt  }
0x7b: {  	_ =	shalt  }
0x7c: {  	_ =	shalt  }
0x7d: {  	_ =	shalt  }
0x7e: {  	_ =	shalt  }
0x7f: {  	_ =	shalt  }
0x80: {  	_ =	shalt  }
0x81: {  	_ =	shalt  }
0x82: {  	_ =	shalt  }
0x83: {  	_ =	shalt  }
0x84: {  	_ =	shalt  }
0x85: {  	_ =	shalt  }
0x86: {  	_ =	shalt  }
0x87: {  	_ =	shalt  }
.Lfunc_end0:
.L_simem_size_0:
called_computation_lowered:
.L_overlay_start_0:
0x88: {  	s2 =	sld [smem:$0x3FD9]  }
0x89: {  	s3 =	sld [smem:$0x3FFE];
	_ =	sdelay $0x1  }
0x8a: {  	s1 =	srdreg.scid  }
0x8b: {  	s0 =	sand.u32 $0x1, s1  }
0x8c: {  	s14 =	sshll.u32 s0, $0xA;
	s2 =	sadd.s32 s3, s2  }
0x8d: {  	s2 =	sadd.s32 s2, s14  }
0x8e: {  	[smem:$0x3FC1] =	sst s2  }
0x8f: {  	_ = 	snop  }
0x90: {  	s2 =	sld [smem:$0x3FD0];
	_ =	sdelay $0x2  }
0x91: {  	s15 =	simm.s32 $0xA;
	s4 =	simm.s32 $0x10  }
0x92: {  	[smem:s4], [sflag:s15] =	dma.local [hbm:s2], $0x1  }
0x93: {  	_ =	swait.eq [sflag:s15], $0x1  }
0x94: {  	[sflag:s15] =	ssyncset.done $0x0  }
0x95: {  	s16 =	sld [smem:$0x10];
	[sflag:s15] =	ssyncadd.s32 $0xFFFFFFFF  }
0x96: {  	s17 =	sld [smem:$0x11];
	(tm) =	ssettm $0x1  }
0x97: {  	s18 =	sld [smem:$0x3FFB];
	_ =	sdelay $0x3  }
0x98: {  	_ =	strace s18  }
0x99: {  	s4 =	sld [smem:$0x3FFC];
	_ =	sdelay $0x3  }
0x9a: {  	_ =	strace s4  }
0x9b: {  	s4 =	sld [smem:$0x3FFD];
	_ =	sdelay $0x3  }
0x9c: {  	_ =	strace s4  }
0x9d: {  	_ =	strace $0x8FFFFFFF  }
0x9e: {  	s19 =	sld [smem:$0x3FDB];
	_ =	sdelay $0x1  }
0x9f: {  	s5 =	simm.s32 $_scs_section_size  }
0xa0: {  	s6 =	simm.s32 $_size__tile_overlayer_lowered;
	s7 =	simm.s32 $_tile_overlayer_lowered  }
0xa1: {  	s22 =	simm.s32 $0x1BFF;
	s21 =	sshll.u32 s7, $0x1;
	s4 =	sadd.s32 s5, s19  }
0xa2: {  	s8 =	simm.s32 $0x0;
	s20 =	sshll.u32 s6, $0x1;
	s6 =	sadd.s32 s21, s4  }
0xa3: {  	[timem:s8], [sflag:s22] =	dma.local [hbm:s6], s20  }
0xa4: {  	_ =	swait.ge [sflag:s22], s20  }
0xa5: {  	s5 =	ssub.s32 $0x0, s20;
	[sflag:s22] =	ssyncset.done $0x0  }
0xa6: {  	[sflag:s22] =	ssyncadd.s32 s5;
	_ =	sdelay $0x1  }
0xa7: {  	s23 =	simm.s32 $0x1B8B  }
0xa8: {  	_ =	swait.ge [sflag:s23], $0x1  }
0xa9: {  	[sflag:s23] =	ssyncset.done $0x0  }
0xaa: {  	s25 =	simm.s32 $0x1B8E;
	s24 =	sld [smem:$0x3FFE];
	[sflag:s23] =	ssyncadd.s32 $0xFFFFFFFF  }
0xab: {  	s26 =	simm.s32 $execute0_lowered;
	[smem:$0x3FD2] =	sst s25  }
0xac: {  	s6 =	sshll.u32 s26, $0x1;
	_ =	strace $0x80000046;
	[dreg:$0x1] =	wrdreg $0xFFFFFFFF  }
0xad: {  	s28 =	simm.s32 $_size_execute0_lowered;
	s4 =	sadd.s32 s4, s6;
	[dreg:$0x0] =	wrdreg $0x0  }
0xae: {  	s6 =	sshll.u32 s28, $0x1;
	[dreg:$0x2] =	wrdreg s4  }
0xaf: {  	[dreg:$0x3] =	wrdreg s6  }
0xb0: {  	[dreg:$0x4] =	wrdreg $0xC0  }
0xb1: {  	_ =	task [dreg:s8], $0x5FFFF  }
0xb2: {  	[dreg:$0x1] =	wrdreg $0xFFFFFFFF  }
0xb3: {  	[dreg:$0x0] =	wrdreg $0x60  }
0xb4: {  	[dreg:$0x2] =	wrdreg s24  }
0xb5: {  	[dreg:$0x3] =	wrdreg s16  }
0xb6: {  	[dreg:$0x4] =	wrdreg s17  }
0xb7: {  	[dreg:$0x5] =	wrdreg $0x9  }
0xb8: {  	_ =	task.clear_ibuf [dreg:s8], $0x6FFFF;
	_ =	strace $0x90000046  }
0xb9: {  	s29 =	simm.s32 $0x9;
	_ =	strace $0x80000048  }
0xba: {  	_ =	swait.ge [sflag:s29], $0x1  }
0xbb: {  	[sflag:s29] =	ssyncadd.s32 $0xFFFFFFFF  }
0xbc: {  	_ =	strace $0x90000048  }
0xbd: {  	_ =	sfence  }
0xbe: {  	s30 =	sld [smem:$0x0];
	_ =	sdelay $0x2  }
0xbf: {  	s31 =	sshll.u32 s1, $0xD;
	s1 =	sshrl.u32 s1, $0x2  }
0xc0: {  	s3 =	sand.u32 $0x4000, s31;
	s1 =	sadd.s32 s1, s30  }
0xc1: {  	s0 =	sor.u32 s3, s0;
	s1 =	sshll.u32 s1, $0x11  }
0xc2: {  	s0 =	sor.u32 s1, s0  }
0xc3: {  	s0 =	sadd.s32 $0x8F2B, s0  }
0xc4: {  	[sflag:s0] =	ssyncadd.remote.s32 $0x1  }
0xc5: {  	_ =	sfence.sel $0xFFFF  }
0xc6: {  	[dreg:$0x0] =	wrdreg $0xFFFFFFFF;
	(pc) =	sbr.abs _section_cstart, $3  }
0xc7: {  	[dreg:$0x1] =	wrdreg $0xFFFFFFFF  }
0xc8: {  	_ =	task.clear_ibuf [dreg:s8], $0x2FFFF;
	_ =	strace $0x9FFFFFFF  }
0xc9: {  	(tm) =	ssettm $0x7FFFFFFF  }
tec
execute0_lowered:
.L_overlay_start_1:
0x0: {  	(tag) =	ssettag $0x1  }
0x1: {  	s0 =	srdreg.scid  }
0x2: {  	s2 =	stileid.u32;
	s0 =	sand.u32 $0x1, s0  }
0x3: {  	s1 =	sor.u32 s0, s2  }
0x4: {  	p1 =	seq.s32 s0, $0x1;
	p0 =	seq.s32 s1, $0x0  }
0x5: {  	p0 =	por !p0, !p1  }
0x6: {  	s7 =	rddreg [dreg:$0x0];
	s1 =	simm.s32 $0x1;
	p0 =	por !p0, !p0  }
0x7: {  	s3 =	rddreg [dreg:$0x2];
	s1 =	simm.s32 @!p0 $0x0  }
0x8: {  	s4 =	simm.s32 $0x0;
	s15 =	simm.s32 $0x2610;
	s1 =	ssub.s32 s2, s1  }
0x9: {  	s16 =	simm.s32 $0x3;
	s17 =	simm.s32 $0x5D30;
	s2 =	sand.u32 $0xC0, s1  }
0xa: {  	s21 =	simm.s32 $0x2100;
	s22 =	simm.s32 $0x2200;
	s2 =	sshrl.u32 s2, $0x6  }
0xb: {  	s23 =	simm.s32 $0x139B0;
	s24 =	simm.s32 $0x159B0;
	s5 =	sadd.s32 s2, s1  }
0xc: {  	[smem:$0x7FF] =	sst s4;
	s6 =	sadd.s32 $0x5200, s7;
	s2 =	sand.u32 $0xFFFFFFFC, s5  }
0xd: {  	s25 =	sadd.s32 $0x5600, s7;
	s9 =	smul.u32 $0x6E4, s0;
	s8 =	ssub.s32 s1, s2  }
0xe: {  	s10 =	smul.u32 $0x1B90, s0;
	p5 =	slt.s32 s1, $0x1;
	p6 =	sne.s32 s8, $0x0  }
0xf: {  	s11 =	ssub.s32 $0x2, s0;
	s0 =	sshll.u32 s0, $0xD;
	p0 =	por !p5, !p6  }
0x10: {  	s9 =	sadd.s32 s9, s7;
	s1 =	simm.s32 $0x1;
	p0 =	por !p0, !p0  }
0x11: {  	s5 =	sshra.s32 s5, $0x2;
	s2 =	rddreg [dreg:$0x1];
	s1 =	simm.s32 @!p0 $0x0  }
0x12: {  	_ =	strace $0x80000047;
	[dreg:$0x4] =	wrdreg s6;
	s1 =	ssub.s32 s5, s1  }
0x13: {  	s28 =	sadd.s32 $0xC00, s9;
	[dreg:$0x5] =	wrdreg s25;
	s5 =	sshll.u32 s1, $0x5  }
0x14: {  	s26 =	sshrl.u32 s11, $0x1;
	[dreg:$0x6] =	wrdreg s28;
	s5 =	sand.u32 $0x1FFFFFE0, s5  }
0x15: {  	s8 =	sshll.u32 s8, $0x6;
	s5 =	sadd.s32 s5, s7;
	s7 =	sadd.s32 s10, s7  }
0x16: {  	s25 =	simm.s32 $0x179B0;
	s8 =	sand.u32 $0xC0, s8;
	s29 =	sadd.s32 $0x1A00, s7  }
0x17: {  	s1 =	sshll.u32 s1, $0x16;
	s30 =	sadd.s32 $0x800, s5;
	[dreg:$0x7] =	wrdreg s29  }
0x18: {  	s10 =	ssub.s32 s11, s26;
	s5 =	sadd.s32 $0xA00, s5;
	[dreg:$0x8] =	wrdreg s30  }
0x19: {  	s13 =	sor.u32 s0, s1;
	s31 =	smax.u32 s10, $0x1;
	[dreg:$0x9] =	wrdreg s5  }
0x1a: {  	s26 =	simm.s32 $0x199B0;
	[dreg:$0xa] =	wrdreg s31;
	s5 =	simm.s32 $0x0  }
.LBB2_1:
0x1b: {  	[dreg:$0xb] =	wrdreg s5  }
0x1c: {  	s0 =	rddreg [dreg:$0x6]  }
0x1d: {  	[tilespmem:s15], [sflag:$0x3] =	stream.linear.gather [hbm4b:s0+s4], $0x3720, $0x38;
	[tilespmem:$0x1B9B0] =	vst v63  }
0x1e: {  	_ =	swait.ge [sflag:s16], $0x3720  }
0x1f: {  	[sflag:s16] =	ssyncset.done $0x0  }
0x20: {  	s12 =	rddreg [dreg:$0x7];
	[sflag:s16] =	ssyncadd.s32 $0xFFFFC8E0  }
0x21: {  	[tilespmem:s17], [sflag:$0x3] =	stream.linear.gather [hbm4b:s12+s4], $0xDC80, $0x38;
	[tilespmem:$0x1B9B0] =	vst v63  }
0x22: {  	_ =	swait.ge [sflag:s16], $0xDC80  }
0x23: {  	[sflag:s16] =	ssyncset.done $0x0  }
0x24: {  	s14 =	rddreg [dreg:$0x4];
	[sflag:s16] =	ssyncadd.s32 $0xFFFF2380  }
0x25: {  	[tilespmem:s4], [sflag:$0x3] =	stream.linear.gather [hbm4b:s14+s4], $0x2000, $0x38;
	[tilespmem:$0x1B9B0] =	vst v63  }
0x26: {  	_ =	swait.ge [sflag:s16], $0x2000  }
0x27: {  	[sflag:s16] =	ssyncset.done $0x0  }
0x28: {  	s1 =	simm.s32 $0x2000;
	s18 =	rddreg [dreg:$0x8];
	[sflag:s16] =	ssyncadd.s32 $0xFFFFE000  }
0x29: {  	[tilespmem:s1], [sflag:$0x3] =	stream.linear.gather [hbm4b:s18+s4], $0x100, $0x38;
	[tilespmem:$0x1B9B0] =	vst v63  }
0x2a: {  	_ =	swait.ge [sflag:s16], $0x100  }
0x2b: {  	[sflag:s16] =	ssyncset.done $0x0  }
0x2c: {  	s20 =	simm.s32 $0x2300;
	s19 =	rddreg [dreg:$0x9];
	[sflag:s16] =	ssyncadd.s32 $0xFFFFFF00  }
0x2d: {  	[tilespmem:s20], [sflag:$0x3] =	stream.linear.gather [hbm4b:s19+s4], $0x100, $0x38;
	[tilespmem:$0x1B9B0] =	vst v63  }
0x2e: {  	_ =	swait.ge [sflag:s16], $0x100  }
0x2f: {  	[sflag:s16] =	ssyncset.done $0x0  }
0x30: {  	s29 =	simm.s32 $0x2400;
	s28 =	rddreg [dreg:$0x5];
	[sflag:s16] =	ssyncadd.s32 $0xFFFFFF00  }
0x31: {  	[tilespmem:s29], [sflag:$0x3] =	stream.linear.gather [hbm4b:s28+s4], $0x10, $0x38;
	[tilespmem:$0x1B9B0] =	vst v63  }
0x32: {  	_ =	swait.ge [sflag:s16], $0x10  }
0x33: {  	[sflag:s16] =	ssyncset.done $0x0  }
0x34: {  	[sflag:s16] =	ssyncadd.s32 $0xFFFFFFF0  }
0x35: {  	v0 =	vld [tilespmem:$0x2000];
	_ =	sdelay $0x4  }
0x36: {  	v0 =	vshll.u32 v0, $0x3;
	_ =	sdelay $0x4  }
0x37: {  	v1 =	vld.idx.msk [tilespmem:v0+s4+$0x0], $0xffff  }
0x38: {  	v0 =	vor.u32 $0x1, v0;
	_ =	sdelay $0x1  }
0x39: {  	v2 =	vld [tilespmem:$0x2010];
	_ =	sdelay $0x1  }
0x3a: {  	[tilespmem:$0x2100] =	vst v1;
	v1 =	vld [tilespmem:$0x2300]  }
0x3b: {  	v0 =	vld.idx.msk [tilespmem:v0+s4+$0x0], $0xffff;
	_ =	sdelay $0x1  }
0x3c: {  	v2 =	vshll.u32 v2, $0x3;
	_ =	sdelay $0x1  }
0x3d: {  	v1 =	vmul.u32 $0x1B9, v1  }
0x3e: {  	[tilespmem:$0x2200] =	vst v0  }
0x3f: {  	[tilespmem:$0x2300] =	vst v1  }
0x40: {  	v0 =	vld.idx.msk [tilespmem:v2+s4+$0x0], $0xffff  }
0x41: {  	v1 =	vor.u32 $0x1, v2;
	_ =	sdelay $0x1  }
0x42: {  	v2 =	vld [tilespmem:$0x2020];
	_ =	sdelay $0x1  }
0x43: {  	[tilespmem:$0x2110] =	vst v0;
	v0 =	vld [tilespmem:$0x2310]  }
0x44: {  	v1 =	vld.idx.msk [tilespmem:v1+s4+$0x0], $0xffff;
	_ =	sdelay $0x1  }
0x45: {  	v2 =	vshll.u32 v2, $0x3;
	_ =	sdelay $0x1  }
0x46: {  	v0 =	vmul.u32 $0x1B9, v0  }
0x47: {  	[tilespmem:$0x2210] =	vst v1  }
0x48: {  	[tilespmem:$0x2310] =	vst v0  }
0x49: {  	v0 =	vld.idx.msk [tilespmem:v2+s4+$0x0], $0xffff  }
0x4a: {  	v1 =	vor.u32 $0x1, v2;
	_ =	sdelay $0x1  }
0x4b: {  	v2 =	vld [tilespmem:$0x2030];
	_ =	sdelay $0x1  }
0x4c: {  	[tilespmem:$0x2120] =	vst v0;
	v0 =	vld [tilespmem:$0x2320]  }
0x4d: {  	v1 =	vld.idx.msk [tilespmem:v1+s4+$0x0], $0xffff;
	_ =	sdelay $0x1  }
0x4e: {  	v2 =	vshll.u32 v2, $0x3;
	_ =	sdelay $0x1  }
0x4f: {  	v0 =	vmul.u32 $0x1B9, v0  }
0x50: {  	[tilespmem:$0x2220] =	vst v1  }
0x51: {  	[tilespmem:$0x2320] =	vst v0  }
0x52: {  	v0 =	vld.idx.msk [tilespmem:v2+s4+$0x0], $0xffff  }
0x53: {  	v1 =	vor.u32 $0x1, v2;
	_ =	sdelay $0x1  }
0x54: {  	v2 =	vld [tilespmem:$0x2040];
	_ =	sdelay $0x1  }
0x55: {  	[tilespmem:$0x2130] =	vst v0;
	v0 =	vld [tilespmem:$0x2330]  }
0x56: {  	v1 =	vld.idx.msk [tilespmem:v1+s4+$0x0], $0xffff;
	_ =	sdelay $0x1  }
0x57: {  	v2 =	vshll.u32 v2, $0x3;
	_ =	sdelay $0x1  }
0x58: {  	v0 =	vmul.u32 $0x1B9, v0  }
0x59: {  	[tilespmem:$0x2230] =	vst v1  }
0x5a: {  	[tilespmem:$0x2330] =	vst v0  }
0x5b: {  	v0 =	vld.idx.msk [tilespmem:v2+s4+$0x0], $0xffff  }
0x5c: {  	v1 =	vor.u32 $0x1, v2;
	_ =	sdelay $0x1  }
0x5d: {  	v2 =	vld [tilespmem:$0x2050];
	_ =	sdelay $0x1  }
0x5e: {  	[tilespmem:$0x2140] =	vst v0;
	v0 =	vld [tilespmem:$0x2340]  }
0x5f: {  	v1 =	vld.idx.msk [tilespmem:v1+s4+$0x0], $0xffff;
	_ =	sdelay $0x1  }
0x60: {  	v2 =	vshll.u32 v2, $0x3;
	_ =	sdelay $0x1  }
0x61: {  	v0 =	vmul.u32 $0x1B9, v0  }
0x62: {  	[tilespmem:$0x2240] =	vst v1  }
0x63: {  	[tilespmem:$0x2340] =	vst v0  }
0x64: {  	v0 =	vld.idx.msk [tilespmem:v2+s4+$0x0], $0xffff  }
0x65: {  	v1 =	vor.u32 $0x1, v2;
	_ =	sdelay $0x1  }
0x66: {  	v2 =	vld [tilespmem:$0x2060];
	_ =	sdelay $0x1  }
0x67: {  	[tilespmem:$0x2150] =	vst v0;
	v0 =	vld [tilespmem:$0x2350]  }
0x68: {  	v1 =	vld.idx.msk [tilespmem:v1+s4+$0x0], $0xffff;
	_ =	sdelay $0x1  }
0x69: {  	v2 =	vshll.u32 v2, $0x3;
	_ =	sdelay $0x1  }
0x6a: {  	v0 =	vmul.u32 $0x1B9, v0  }
0x6b: {  	[tilespmem:$0x2250] =	vst v1  }
0x6c: {  	[tilespmem:$0x2350] =	vst v0  }
0x6d: {  	v0 =	vld.idx.msk [tilespmem:v2+s4+$0x0], $0xffff  }
0x6e: {  	v1 =	vor.u32 $0x1, v2;
	_ =	sdelay $0x1  }
0x6f: {  	v2 =	vld [tilespmem:$0x2070];
	_ =	sdelay $0x1  }
0x70: {  	[tilespmem:$0x2160] =	vst v0;
	v0 =	vld [tilespmem:$0x2360]  }
0x71: {  	v1 =	vld.idx.msk [tilespmem:v1+s4+$0x0], $0xffff;
	_ =	sdelay $0x1  }
0x72: {  	v2 =	vshll.u32 v2, $0x3;
	_ =	sdelay $0x1  }
0x73: {  	v0 =	vmul.u32 $0x1B9, v0  }
0x74: {  	[tilespmem:$0x2260] =	vst v1  }
0x75: {  	[tilespmem:$0x2360] =	vst v0  }
0x76: {  	v0 =	vld.idx.msk [tilespmem:v2+s4+$0x0], $0xffff  }
0x77: {  	v1 =	vor.u32 $0x1, v2;
	_ =	sdelay $0x1  }
0x78: {  	v2 =	vld [tilespmem:$0x2080];
	_ =	sdelay $0x1  }
0x79: {  	[tilespmem:$0x2170] =	vst v0;
	v0 =	vld [tilespmem:$0x2370]  }
0x7a: {  	v1 =	vld.idx.msk [tilespmem:v1+s4+$0x0], $0xffff;
	_ =	sdelay $0x1  }
0x7b: {  	v2 =	vshll.u32 v2, $0x3;
	_ =	sdelay $0x1  }
0x7c: {  	v0 =	vmul.u32 $0x1B9, v0  }
0x7d: {  	[tilespmem:$0x2270] =	vst v1  }
0x7e: {  	[tilespmem:$0x2370] =	vst v0  }
0x7f: {  	v0 =	vld.idx.msk [tilespmem:v2+s4+$0x0], $0xffff  }
0x80: {  	v1 =	vor.u32 $0x1, v2;
	_ =	sdelay $0x1  }
0x81: {  	v2 =	vld [tilespmem:$0x2090];
	_ =	sdelay $0x1  }
0x82: {  	[tilespmem:$0x2180] =	vst v0;
	v0 =	vld [tilespmem:$0x2380]  }
0x83: {  	v1 =	vld.idx.msk [tilespmem:v1+s4+$0x0], $0xffff;
	_ =	sdelay $0x1  }
0x84: {  	v2 =	vshll.u32 v2, $0x3;
	_ =	sdelay $0x1  }
0x85: {  	v0 =	vmul.u32 $0x1B9, v0  }
0x86: {  	[tilespmem:$0x2280] =	vst v1  }
0x87: {  	[tilespmem:$0x2380] =	vst v0  }
0x88: {  	v0 =	vld.idx.msk [tilespmem:v2+s4+$0x0], $0xffff  }
0x89: {  	v1 =	vor.u32 $0x1, v2;
	_ =	sdelay $0x1  }
0x8a: {  	v2 =	vld [tilespmem:$0x20A0];
	_ =	sdelay $0x1  }
0x8b: {  	[tilespmem:$0x2190] =	vst v0;
	v0 =	vld [tilespmem:$0x2390]  }
0x8c: {  	v1 =	vld.idx.msk [tilespmem:v1+s4+$0x0], $0xffff;
	_ =	sdelay $0x1  }
0x8d: {  	v2 =	vshll.u32 v2, $0x3;
	_ =	sdelay $0x1  }
0x8e: {  	v0 =	vmul.u32 $0x1B9, v0  }
0x8f: {  	[tilespmem:$0x2290] =	vst v1  }
0x90: {  	[tilespmem:$0x2390] =	vst v0  }
0x91: {  	v0 =	vld.idx.msk [tilespmem:v2+s4+$0x0], $0xffff  }
0x92: {  	v1 =	vor.u32 $0x1, v2;
	_ =	sdelay $0x1  }
0x93: {  	v2 =	vld [tilespmem:$0x20B0];
	_ =	sdelay $0x1  }
0x94: {  	[tilespmem:$0x21A0] =	vst v0;
	v0 =	vld [tilespmem:$0x23A0]  }
0x95: {  	v1 =	vld.idx.msk [tilespmem:v1+s4+$0x0], $0xffff;
	_ =	sdelay $0x1  }
0x96: {  	v2 =	vshll.u32 v2, $0x3;
	_ =	sdelay $0x1  }
0x97: {  	v0 =	vmul.u32 $0x1B9, v0  }
0x98: {  	[tilespmem:$0x22A0] =	vst v1  }
0x99: {  	[tilespmem:$0x23A0] =	vst v0  }
0x9a: {  	v0 =	vld.idx.msk [tilespmem:v2+s4+$0x0], $0xffff  }
0x9b: {  	v1 =	vor.u32 $0x1, v2;
	_ =	sdelay $0x1  }
0x9c: {  	v2 =	vld [tilespmem:$0x20C0];
	_ =	sdelay $0x1  }
0x9d: {  	[tilespmem:$0x21B0] =	vst v0;
	v0 =	vld [tilespmem:$0x23B0]  }
0x9e: {  	v1 =	vld.idx.msk [tilespmem:v1+s4+$0x0], $0xffff;
	_ =	sdelay $0x1  }
0x9f: {  	v2 =	vshll.u32 v2, $0x3;
	_ =	sdelay $0x1  }
0xa0: {  	v0 =	vmul.u32 $0x1B9, v0  }
0xa1: {  	[tilespmem:$0x22B0] =	vst v1  }
0xa2: {  	[tilespmem:$0x23B0] =	vst v0  }
0xa3: {  	v0 =	vld.idx.msk [tilespmem:v2+s4+$0x0], $0xffff  }
0xa4: {  	v1 =	vor.u32 $0x1, v2;
	_ =	sdelay $0x1  }
0xa5: {  	v2 =	vld [tilespmem:$0x20D0];
	_ =	sdelay $0x1  }
0xa6: {  	[tilespmem:$0x21C0] =	vst v0;
	v0 =	vld [tilespmem:$0x23C0]  }
0xa7: {  	v1 =	vld.idx.msk [tilespmem:v1+s4+$0x0], $0xffff;
	_ =	sdelay $0x1  }
0xa8: {  	v2 =	vshll.u32 v2, $0x3;
	_ =	sdelay $0x1  }
0xa9: {  	v0 =	vmul.u32 $0x1B9, v0  }
0xaa: {  	[tilespmem:$0x22C0] =	vst v1  }
0xab: {  	[tilespmem:$0x23C0] =	vst v0  }
0xac: {  	v0 =	vld.idx.msk [tilespmem:v2+s4+$0x0], $0xffff  }
0xad: {  	v1 =	vor.u32 $0x1, v2;
	_ =	sdelay $0x1  }
0xae: {  	v2 =	vld [tilespmem:$0x20E0];
	_ =	sdelay $0x1  }
0xaf: {  	[tilespmem:$0x21D0] =	vst v0;
	v0 =	vld [tilespmem:$0x23D0]  }
0xb0: {  	v1 =	vld.idx.msk [tilespmem:v1+s4+$0x0], $0xffff;
	_ =	sdelay $0x1  }
0xb1: {  	v2 =	vshll.u32 v2, $0x3;
	_ =	sdelay $0x1  }
0xb2: {  	v0 =	vmul.u32 $0x1B9, v0  }
0xb3: {  	[tilespmem:$0x22D0] =	vst v1  }
0xb4: {  	[tilespmem:$0x23D0] =	vst v0  }
0xb5: {  	v0 =	vld.idx.msk [tilespmem:v2+s4+$0x0], $0xffff  }
0xb6: {  	v1 =	vor.u32 $0x1, v2;
	_ =	sdelay $0x1  }
0xb7: {  	v2 =	vld [tilespmem:$0x20F0];
	_ =	sdelay $0x1  }
0xb8: {  	[tilespmem:$0x21E0] =	vst v0;
	v0 =	vld [tilespmem:$0x23E0]  }
0xb9: {  	v1 =	vld.idx.msk [tilespmem:v1+s4+$0x0], $0xffff;
	_ =	sdelay $0x1  }
0xba: {  	v2 =	vshll.u32 v2, $0x3;
	_ =	sdelay $0x1  }
0xbb: {  	v0 =	vmul.u32 $0x1B9, v0  }
0xbc: {  	[tilespmem:$0x22E0] =	vst v1  }
0xbd: {  	[tilespmem:$0x23E0] =	vst v0  }
0xbe: {  	v0 =	vld.idx.msk [tilespmem:v2+s4+$0x0], $0xffff  }
0xbf: {  	v1 =	vor.u32 $0x1, v2;
	_ =	sdelay $0x3  }
0xc0: {  	[tilespmem:$0x21F0] =	vst v0;
	v0 =	vld [tilespmem:$0x23F0]  }
0xc1: {  	v1 =	vld.idx.msk [tilespmem:v1+s4+$0x0], $0xffff;
	_ =	sdelay $0x3  }
0xc2: {  	v0 =	vmul.u32 $0x1B9, v0  }
0xc3: {  	[tilespmem:$0x22F0] =	vst v1  }
0xc4: {  	s30 =	smov.u32 s8;
	s31 =	simm.s32 $0x0;
	[tilespmem:$0x23F0] =	vst v0;
	v0 =	vld [tilespmem:$0x2400]  }
.LBB2_2:
0xc5: {  	p0 =	sle.u32 s30, s8;
	v1 =	vmov s30  }
0xc6: {  	s0 =	simm.s32 @!p0 $0x1;
	v1 =	vand.u32 $0xFFFFFFFE, v1  }
0xc7: {  	_ =	swait.ge @!p0 [sflag:s0], $0x2000;
	v2 =	vbroadcast v1, $0x0  }
0xc8: {  	[sflag:s0] =	ssyncset.done @!p0 $0x0  }
0xc9: {  	[sflag:s0] =	ssyncadd.s32 @!p0 $0xFFFFE000  }
0xca: {  	_ =	swait.ge @!p0 [sflag:s0], $0x2000  }
0xcb: {  	[sflag:s0] =	ssyncset.done @!p0 $0x0  }
0xcc: {  	[sflag:s0] =	ssyncadd.s32 @!p0 $0xFFFFE000  }
0xcd: {  	v1 =	vld.idx.msk [tilespmem:v2+s22+$0x0], $0xffff  }
0xce: {  	v3 =	vld [tilespmem:$0x2200]  }
0xcf: {  	v2 =	vld.idx.msk [tilespmem:v2+s21+$0x0], $0xffff  }
0xd0: {  	v4 =	vld [tilespmem:$0x2100]  }
0xd1: {  	v5 =	vld [tilespmem:$0x2110]  }
0xd2: {  	v6 =	vld [tilespmem:$0x2210]  }
0xd3: {  	v7 =	vld [tilespmem:$0x2220]  }
0xd4: {  	v8 =	vld [tilespmem:$0x2120]  }
0xd5: {  	v9 =	vld [tilespmem:$0x2230]  }
0xd6: {  	v41 =	vld [tilespmem:$0x2130]  }
0xd7: {  	v12 =	vld [tilespmem:$0x2140]  }
0xd8: {  	v13 =	vld [tilespmem:$0x2150]  }
0xd9: {  	v47 =	vld [tilespmem:$0x2260]  }
0xda: {  	v14 =	vld [tilespmem:$0x2160]  }
0xdb: {  	v18 =	vld [tilespmem:$0x2280]  }
0xdc: {  	v19 =	vld [tilespmem:$0x2170]  }
0xdd: {  	v20 =	vld [tilespmem:$0x2180]  }
0xde: {  	v53 =	vld [tilespmem:$0x2290]  }
0xdf: {  	v21 =	vld [tilespmem:$0x22A0]  }
0xe0: {  	v22 =	vld [tilespmem:$0x2190];
	v3 =	vsub.f32 v3, v1;
	v4 =	vsub.f32 v4, v2  }
0xe1: {  	v23 =	vld [tilespmem:$0x21A0];
	v5 =	vsub.f32 v5, v2;
	v6 =	vsub.f32 v6, v1  }
0xe2: {  	v56 =	vld [tilespmem:$0x22B0];
	v40 =	vsub.f32 v7, v1;
	v8 =	vsub.f32 v8, v2  }
0xe3: {  	v58 =	vld [tilespmem:$0x21B0];
	v9 =	vsub.f32 v9, v1;
	v7 =	vsub.f32 v41, v2  }
0xe4: {  	v25 =	vld [tilespmem:$0x22C0];
	v46 =	vsub.f32 v12, v2;
	v13 =	vsub.f32 v13, v2  }
0xe5: {  	v26 =	vld [tilespmem:$0x22D0];
	v12 =	vsub.f32 v47, v1;
	v14 =	vsub.f32 v14, v2  }
0xe6: {  	v60 =	vld [tilespmem:$0x21C0];
	v51 =	vsub.f32 v18, v1;
	v52 =	vsub.f32 v19, v2  }
0xe7: {  	v61 =	vld [tilespmem:$0x21D0];
	v20 =	vsub.f32 v20, v2;
	v19 =	vsub.f32 v53, v1  }
0xe8: {  	v54 =	vsub.f32 v21, v1;
	v55 =	vsub.f32 v22, v2  }
0xe9: {  	v57 =	vsub.f32 v23, v2;
	v21 =	vsub.f32 v56, v1  }
0xea: {  	v59 =	vsub.f32 v58, v2;
	v29 =	vsub.f32 v25, v1  }
0xeb: {  	v31 =	vsub.f32 v26, v1;
	v33 =	vsub.f32 v60, v2  }
0xec: {  	v35 =	vsub.f32 v61, v2;
	v3 =	vmin.f32 v3, $1.000000000e+01;
	v4 =	vmin.f32 v4, $1.000000000e+01  }
0xed: {  	v38 =	vmin.f32 v5, $1.000000000e+01;
	v39 =	vmin.f32 v6, $1.000000000e+01;
	v6 =	vmin.f32 v40, $1.000000000e+01  }
0xee: {  	v8 =	vmin.f32 v8, $1.000000000e+01;
	v9 =	vmin.f32 v9, $1.000000000e+01;
	v42 =	vmin.f32 v7, $1.000000000e+01  }
0xef: {  	v13 =	vmin.f32 v13, $1.000000000e+01;
	v12 =	vmin.f32 v12, $1.000000000e+01;
	v14 =	vmin.f32 v14, $1.000000000e+01  }
0xf0: {  	v18 =	vmin.f32 v52, $1.000000000e+01;
	v20 =	vmin.f32 v20, $1.000000000e+01;
	v19 =	vmin.f32 v19, $1.000000000e+01  }
0xf1: {  	v22 =	vmin.f32 v57, $1.000000000e+01;
	v21 =	vmin.f32 v21, $1.000000000e+01;
	v62 =	vmin.f32 v59, $1.000000000e+01  }
0xf2: {  	v3 =	vmax.f32 v3, $-1.000000000e+01;
	v4 =	vmax.f32 v4, $-1.000000000e+01;
	v5 =	vmax.f32 v39, $-1.000000000e+01  }
0xf3: {  	v44 =	vld [tilespmem:$0x2240];
	v6 =	vmax.f32 v6, $-1.000000000e+01;
	v8 =	vmax.f32 v8, $-1.000000000e+01;
	v9 =	vmax.f32 v9, $-1.000000000e+01  }
0xf4: {  	v13 =	vmax.f32 v13, $-1.000000000e+01;
	v12 =	vmax.f32 v12, $-1.000000000e+01;
	v14 =	vmax.f32 v14, $-1.000000000e+01  }
0xf5: {  	v18 =	vmax.f32 v18, $-1.000000000e+01;
	v3 =	vadd.f32 $1.000000000e+01, v3;
	v4 =	vadd.f32 $1.000000000e+01, v4  }
0xf6: {  	v20 =	vmax.f32 v20, $-1.000000000e+01;
	v5 =	vadd.f32 $1.000000000e+01, v5;
	v6 =	vadd.f32 $1.000000000e+01, v6  }
0xf7: {  	v19 =	vmax.f32 v19, $-1.000000000e+01;
	v8 =	vadd.f32 $1.000000000e+01, v8;
	v43 =	vadd.f32 $1.000000000e+01, v9  }
0xf8: {  	v22 =	vmax.f32 v22, $-1.000000000e+01;
	v9 =	vsub.f32 v44, v1;
	v13 =	vadd.f32 $1.000000000e+01, v13  }
0xf9: {  	v63 =	vmax.f32 v21, $-1.000000000e+01;
	v12 =	vadd.f32 $1.000000000e+01, v12;
	v14 =	vadd.f32 $1.000000000e+01, v14  }
0xfa: {  	v27 =	vmax.f32 v62, $-1.000000000e+01;
	v18 =	vadd.f32 $1.000000000e+01, v18;
	v20 =	vadd.f32 $1.000000000e+01, v20  }
0xfb: {  	v45 =	vld [tilespmem:$0x2250];
	v39 =	vmin.f32 v35, $1.000000000e+01;
	v19 =	vadd.f32 $1.000000000e+01, v19;
	v22 =	vadd.f32 $1.000000000e+01, v22  }
0xfc: {  	v28 =	vadd.f32 $1.000000000e+01, v63;
	v3 =	vmul.f32 $2.100000000e+01, v3;
	v5 =	vmul.f32 $2.100000000e+01, v5  }
0xfd: {  	v30 =	vadd.f32 $1.000000000e+01, v27;
	v6 =	vmul.f32 $2.100000000e+01, v6;
	v7 =	vmul.f32 $2.100000000e+01, v43  }
0xfe: {  	v9 =	vmin.f32 v9, $1.000000000e+01;
	v12 =	vmul.f32 $2.100000000e+01, v12;
	v19 =	vmul.f32 $2.100000000e+01, v19  }
0xff: {  	v9 =	vmax.f32 v9, $-1.000000000e+01;
	v3 =	vadd.f32 v3, v4;
	v6 =	vadd.f32 v6, v8  }
0x100: {  	v4 =	vmax.f32 v38, $-1.000000000e+01;
	v8 =	vsub.f32 v45, v1;
	v9 =	vadd.f32 $1.000000000e+01, v9  }
0x101: {  	v32 =	vmul.f32 $2.100000000e+01, v28;
	v12 =	vadd.f32 v12, v14;
	v4 =	vadd.f32 $1.000000000e+01, v4  }
0x102: {  	v10 =	vld [tilespmem:$0x2300];
	v3 =	vtrunc.f32 v3;
	v6 =	vtrunc.f32 v6;
	v8 =	vmin.f32 v8, $1.000000000e+01  }
0x103: {  	v15 =	vld [tilespmem:$0x2320];
	v9 =	vmul.f32 $2.100000000e+01, v9;
	v12 =	vtrunc.f32 v12;
	v4 =	vadd.f32 v5, v4  }
0x104: {  	v24 =	vld [tilespmem:$0x2360];
	v3 =	vcvt.f32.s32 v3;
	v5 =	vmax.f32 v42, $-1.000000000e+01;
	v6 =	vcvt.f32.s32 v6  }
0x105: {  	v11 =	vld [tilespmem:$0x2310];
	v8 =	vmax.f32 v8, $-1.000000000e+01;
	v12 =	vcvt.f32.s32 v12;
	v5 =	vadd.f32 $1.000000000e+01, v5  }
0x106: {  	v49 =	vld [tilespmem:$0x2270];
	v8 =	vadd.f32 $1.000000000e+01, v8;
	v4 =	vtrunc.f32 v4;
	v3 =	vadd.s32 v3, v0  }
0x107: {  	v37 =	vld [tilespmem:$0x21E0];
	v6 =	vadd.s32 v6, v0;
	v12 =	vadd.s32 v12, v0;
	v4 =	vcvt.f32.s32 v4  }
0x108: {  	v40 =	vld [tilespmem:$0x21F0];
	v10 =	vadd.s32 v10, v3;
	v5 =	vadd.f32 v7, v5;
	v7 =	vmin.f32 v46, $1.000000000e+01  }
0x109: {  	v8 =	vmul.f32 $2.100000000e+01, v8;
	v15 =	vadd.s32 v15, v6;
	v24 =	vadd.s32 v24, v12  }
0x10a: {  	v7 =	vmax.f32 v7, $-1.000000000e+01;
	[tilespmem:$0x2510] =	vst v10;
	v10 =	vmin.f32 v31, $1.000000000e+01;
	v4 =	vadd.s32 v4, v0  }
0x10b: {  	v5 =	vtrunc.f32 v5;
	v7 =	vadd.f32 $1.000000000e+01, v7;
	v8 =	vadd.f32 v8, v13  }
0x10c: {  	v13 =	vsub.f32 v49, v1;
	v10 =	vmax.f32 v10, $-1.000000000e+01;
	v49 =	vsub.f32 v37, v2  }
0x10d: {  	v16 =	vld [tilespmem:$0x2330];
	v2 =	vsub.f32 v40, v2;
	v11 =	vadd.s32 v11, v4;
	v10 =	vadd.f32 $1.000000000e+01, v10  }
0x10e: {  	v41 =	vld [tilespmem:$0x22E0];
	v5 =	vcvt.f32.s32 v5;
	[tilespmem:$0x2420] =	vst v4;
	v4 =	vadd.f32 v32, v30;
	v7 =	vadd.f32 v9, v7  }
0x10f: {  	v43 =	vld [tilespmem:$0x22F0];
	v8 =	vtrunc.f32 v8;
	v13 =	vmin.f32 v13, $1.000000000e+01;
	v57 =	vmin.f32 v49, $1.000000000e+01  }
0x110: {  	v17 =	vld [tilespmem:$0x2340];
	v2 =	vmin.f32 v2, $1.000000000e+01;
	v5 =	vadd.s32 v5, v0;
	v8 =	vcvt.f32.s32 v8  }
0x111: {  	v48 =	vld [tilespmem:$0x2350];
	v13 =	vmax.f32 v13, $-1.000000000e+01;
	v10 =	vmul.f32 $2.100000000e+01, v10;
	v4 =	vtrunc.f32 v4  }
0x112: {  	v2 =	vmax.f32 v2, $-1.000000000e+01;
	v7 =	vtrunc.f32 v7;
	v16 =	vadd.s32 v16, v5  }
0x113: {  	v13 =	vadd.f32 $1.000000000e+01, v13;
	v2 =	vadd.f32 $1.000000000e+01, v2;
	v7 =	vcvt.f32.s32 v7  }
0x114: {  	v4 =	vcvt.f32.s32 v4;
	[tilespmem:$0x2540] =	vst v16;
	v16 =	vsub.f32 v41, v1;
	v1 =	vsub.f32 v43, v1  }
0x115: {  	v8 =	vadd.s32 v8, v0;
	v13 =	vmul.f32 $2.100000000e+01, v13;
	v7 =	vadd.s32 v7, v0  }
0x116: {  	[tilespmem:$0x2410] =	vst v3;
	v9 =	vadd.s32 v48, v8;
	v1 =	vmin.f32 v1, $1.000000000e+01;
	v50 =	vadd.s32 v17, v7  }
0x117: {  	[tilespmem:$0x2430] =	vst v6;
	v17 =	vmin.f32 v51, $1.000000000e+01;
	v13 =	vadd.f32 v13, v18;
	v18 =	vmin.f32 v54, $1.000000000e+01  }
0x118: {  	[tilespmem:$0x2470] =	vst v12;
	v54 =	vmin.f32 v16, $1.000000000e+01;
	v1 =	vmax.f32 v1, $-1.000000000e+01;
	v17 =	vmax.f32 v17, $-1.000000000e+01  }
0x119: {  	[tilespmem:$0x2530] =	vst v15;
	v18 =	vmax.f32 v18, $-1.000000000e+01;
	v1 =	vadd.f32 $1.000000000e+01, v1;
	v17 =	vadd.f32 $1.000000000e+01, v17  }
0x11a: {  	v34 =	vld [tilespmem:$0x2370];
	[tilespmem:$0x2570] =	vst v24;
	v18 =	vadd.f32 $1.000000000e+01, v18;
	v3 =	vtrunc.f32 v13;
	v13 =	vmin.f32 v33, $1.000000000e+01  }
0x11b: {  	[tilespmem:$0x2520] =	vst v11;
	v3 =	vcvt.f32.s32 v3;
	v38 =	vmax.f32 v13, $-1.000000000e+01;
	v1 =	vmul.f32 $2.100000000e+01, v1  }
0x11c: {  	[tilespmem:$0x2440] =	vst v5;
	v13 =	vmax.f32 v39, $-1.000000000e+01;
	v17 =	vmul.f32 $2.100000000e+01, v17;
	v5 =	vadd.f32 $1.000000000e+01, v38  }
0x11d: {  	[tilespmem:$0x2460] =	vst v8;
	v18 =	vmul.f32 $2.100000000e+01, v18;
	v42 =	vadd.f32 $1.000000000e+01, v13;
	v1 =	vadd.f32 v1, v2  }
0x11e: {  	[tilespmem:$0x2560] =	vst v9;
	v3 =	vadd.s32 v3, v0;
	v17 =	vadd.f32 v17, v20;
	v20 =	vmin.f32 v55, $1.000000000e+01  }
0x11f: {  	v63 =	vld [tilespmem:$0x23F0];
	[tilespmem:$0x2450] =	vst v7;
	v18 =	vadd.f32 v18, v22;
	v6 =	vadd.s32 v34, v3;
	v1 =	vtrunc.f32 v1  }
0x120: {  	v45 =	vld [tilespmem:$0x2380];
	[tilespmem:$0x2550] =	vst v50;
	v20 =	vmax.f32 v20, $-1.000000000e+01;
	v44 =	vtrunc.f32 v17;
	v1 =	vcvt.f32.s32 v1  }
0x121: {  	v50 =	vld [tilespmem:$0x23A0];
	[tilespmem:$0x2480] =	vst v3;
	v20 =	vadd.f32 $1.000000000e+01, v20;
	v51 =	vtrunc.f32 v18;
	v46 =	vcvt.f32.s32 v44  }
0x122: {  	v7 =	vadd.f32 v10, v42;
	[tilespmem:$0x2580] =	vst v6;
	v12 =	vcvt.f32.s32 v51;
	v1 =	vadd.s32 v1, v0  }
0x123: {  	v19 =	vadd.f32 v19, v20;
	v20 =	vmin.f32 v29, $1.000000000e+01;
	v8 =	vadd.s32 v46, v0;
	[tilespmem:$0x2500] =	vst v1  }
0x124: {  	v52 =	vld [tilespmem:$0x23B0];
	v20 =	vmax.f32 v20, $-1.000000000e+01;
	v53 =	vadd.s32 v12, v0;
	v12 =	vmax.f32 v54, $-1.000000000e+01;
	[tilespmem:$0x2490] =	vst v8  }
0x125: {  	v1 =	vadd.s32 v63, v1;
	v36 =	vadd.f32 $1.000000000e+01, v20;
	v48 =	vtrunc.f32 v19;
	[tilespmem:$0x24B0] =	vst v53  }
0x126: {  	v47 =	vld [tilespmem:$0x2390];
	v3 =	vadd.s32 v45, v8;
	v56 =	vadd.s32 v50, v53;
	v12 =	vadd.f32 $1.000000000e+01, v12;
	[tilespmem:$0x2600] =	vst v1  }
0x127: {  	[tilespmem:$0x2590] =	vst v3;
	v3 =	vadd.s32 v4, v0;
	v4 =	vmax.f32 v57, $-1.000000000e+01;
	v15 =	vmul.f32 $2.100000000e+01, v36  }
0x128: {  	v61 =	vld [tilespmem:$0x23D0];
	v9 =	vcvt.f32.s32 v48;
	[tilespmem:$0x25B0] =	vst v56;
	v4 =	vadd.f32 $1.000000000e+01, v4;
	v60 =	vmul.f32 $2.100000000e+01, v12  }
0x129: {  	v58 =	vadd.s32 v52, v3;
	[tilespmem:$0x24C0] =	vst v3;
	v3 =	vtrunc.f32 v7;
	v5 =	vadd.f32 v15, v5  }
0x12a: {  	v9 =	vadd.s32 v9, v0;
	[tilespmem:$0x25C0] =	vst v58;
	v3 =	vcvt.f32.s32 v3;
	v4 =	vadd.f32 v60, v4  }
0x12b: {  	v59 =	vld [tilespmem:$0x23C0];
	v55 =	vadd.s32 v47, v9;
	[tilespmem:$0x24A0] =	vst v9;
	v5 =	vtrunc.f32 v5  }
0x12c: {  	v62 =	vld [tilespmem:$0x23E0];
	[tilespmem:$0x25A0] =	vst v55;
	v3 =	vadd.s32 v3, v0;
	v2 =	vtrunc.f32 v4;
	v5 =	vcvt.f32.s32 v5  }
0x12d: {  	[tilespmem:$0x24E0] =	vst v3;
	v3 =	vadd.s32 v61, v3;
	v2 =	vcvt.f32.s32 v2  }
0x12e: {  	[tilespmem:$0x25E0] =	vst v3;
	v5 =	vadd.s32 v5, v0  }
0x12f: {  	v2 =	vadd.s32 v2, v0;
	[tilespmem:$0x24D0] =	vst v5  }
0x130: {  	v5 =	vadd.s32 v59, v5;
	[tilespmem:$0x24F0] =	vst v2  }
0x131: {  	v2 =	vadd.s32 v62, v2;
	[tilespmem:$0x25D0] =	vst v5  }
0x132: {  	s1 =	simm.s32 $0x0;
	[tilespmem:$0x25F0] =	vst v2  }
.LBB2_3:
0x133: {  	v2 =	vld [tilespmem:s1+$0x2410];
	_ =	sdelay $0x5  }
0x134: {  	v1 =	vld [tilespmem:s1+$0x2510];
	_ =	sdelay $0x1  }
0x135: {  	v3 =	vld.idx.msk [tilespmem:v2+s15+$0x0], $0xffff;
	_ =	sdelay $0x1  }
0x136: {  	s0 =	sshll.u32 s1, $0x3  }
0x137: {  	s5 =	sand.u32 $0x40, s1;
	s7 =	sand.u32 $0x400, s0  }
0x138: {  	s10 =	sor.u32 s5, s7  }
0x139: {  	[tilespmem:s10+$0x139B0] =	vst v3  }
0x13a: {  	v3 =	vld.idx.msk [tilespmem:v1+s17+$0x0], $0xffff  }
0x13b: {  	v4 =	vadd.s32 $0x1B9, v2;
	_ =	sdelay $0x3  }
0x13c: {  	[tilespmem:s10+$0x159B0] =	vst v3  }
0x13d: {  	v3 =	vld.idx.msk [tilespmem:v4+s15+$0x0], $0xffff  }
0x13e: {  	v45 =	vadd.s32 $0x6E4, v1;
	_ =	sdelay $0x1  }
0x13f: {  	s9 =	sor.u32 s1, s7  }
0x140: {  	s11 =	sor.u32 $0x80, s9  }
0x141: {  	[tilespmem:s11+$0x139B0] =	vst v3  }
0x142: {  	v3 =	vld.idx.msk [tilespmem:v45+s17+$0x0], $0xffff  }
0x143: {  	v46 =	vadd.s32 $0x372, v2;
	_ =	sdelay $0x3  }
0x144: {  	[tilespmem:s11+$0x159B0] =	vst v3  }
0x145: {  	v3 =	vld.idx.msk [tilespmem:v46+s15+$0x0], $0xffff  }
0x146: {  	v47 =	vadd.s32 $0xDC8, v1;
	_ =	sdelay $0x3  }
0x147: {  	[tilespmem:s10+$0x13AB0] =	vst v3  }
0x148: {  	v3 =	vld.idx.msk [tilespmem:v47+s17+$0x0], $0xffff  }
0x149: {  	v48 =	vadd.s32 $0x52B, v2;
	_ =	sdelay $0x3  }
0x14a: {  	[tilespmem:s10+$0x15AB0] =	vst v3  }
0x14b: {  	v3 =	vld.idx.msk [tilespmem:v48+s15+$0x0], $0xffff  }
0x14c: {  	v49 =	vadd.s32 $0x14AC, v1;
	_ =	sdelay $0x2  }
0x14d: {  	s20 =	sor.u32 $0x180, s9  }
0x14e: {  	[tilespmem:s20+$0x139B0] =	vst v3  }
0x14f: {  	v3 =	vld.idx.msk [tilespmem:v49+s17+$0x0], $0xffff  }
0x150: {  	v50 =	vadd.s32 $0x6E4, v2;
	_ =	sdelay $0x3  }
0x151: {  	[tilespmem:s20+$0x159B0] =	vst v3  }
0x152: {  	v3 =	vld.idx.msk [tilespmem:v50+s15+$0x0], $0xffff  }
0x153: {  	v51 =	vadd.s32 $0x1B90, v1;
	_ =	sdelay $0x1  }
0x154: {  	s5 =	sor.u32 s5, s0  }
0x155: {  	s11 =	sor.u32 $0x200, s5  }
0x156: {  	[tilespmem:s11+$0x139B0] =	vst v3  }
0x157: {  	v9 =	vld.idx.msk [tilespmem:v51+s17+$0x0], $0xffff  }
0x158: {  	v8 =	vld [tilespmem:s1+$0x2420]  }
0x159: {  	v7 =	vld [tilespmem:s1+$0x2430]  }
0x15a: {  	v6 =	vld [tilespmem:s1+$0x2440];
	_ =	sdelay $0x2  }
0x15b: {  	v4 =	vld [tilespmem:s1+$0x2520]  }
0x15c: {  	v5 =	vld [tilespmem:s1+$0x2530]  }
0x15d: {  	v3 =	vld [tilespmem:s1+$0x2540]  }
0x15e: {  	v10 =	vld.idx.msk [tilespmem:v8+s15+$0x0], $0xffff  }
0x15f: {  	v11 =	vld.idx.msk [tilespmem:v7+s15+$0x0], $0xffff  }
0x160: {  	s12 =	sor.u32 $0x10, s1;
	s20 =	sand.u32 $0x80, s1;
	v12 =	vld.idx.msk [tilespmem:v6+s15+$0x0], $0xffff  }
0x161: {  	s28 =	sor.u32 $0x20, s1;
	s18 =	ssub.s32 s12, s20  }
0x162: {  	s29 =	sor.u32 $0x30, s1;
	s19 =	ssub.s32 s28, s20;
	s14 =	sadd.s32 s18, s7  }
0x163: {  	s20 =	ssub.s32 s29, s20;
	s6 =	sadd.s32 s19, s7;
	[tilespmem:s14+$0x139B0] =	vst v10  }
0x164: {  	s12 =	sadd.s32 s20, s7;
	[tilespmem:s6+$0x139B0] =	vst v11;
	v10 =	vld.idx.msk [tilespmem:v4+s17+$0x0], $0xffff  }
0x165: {  	v52 =	vadd.s32 $0x1B9, v8;
	[tilespmem:s12+$0x139B0] =	vst v12;
	v13 =	vld.idx.msk [tilespmem:v5+s17+$0x0], $0xffff  }
0x166: {  	v53 =	vadd.s32 $0x1B9, v7;
	v14 =	vld.idx.msk [tilespmem:v3+s17+$0x0], $0xffff  }
0x167: {  	v15 =	vadd.s32 $0x1B9, v6;
	_ =	sdelay $0x1  }
0x168: {  	[tilespmem:s14+$0x159B0] =	vst v10  }
0x169: {  	[tilespmem:s6+$0x159B0] =	vst v13;
	v10 =	vld.idx.msk [tilespmem:v52+s15+$0x0], $0xffff  }
0x16a: {  	v54 =	vadd.s32 $0x6E4, v4;
	[tilespmem:s12+$0x159B0] =	vst v14;
	v12 =	vld.idx.msk [tilespmem:v53+s15+$0x0], $0xffff  }
0x16b: {  	v55 =	vadd.s32 $0x6E4, v5;
	v14 =	vld.idx.msk [tilespmem:v15+s15+$0x0], $0xffff  }
0x16c: {  	v56 =	vadd.s32 $0x6E4, v3;
	s14 =	sor.u32 $0x80, s7  }
0x16d: {  	s28 =	sadd.s32 s18, s14  }
0x16e: {  	s29 =	sadd.s32 s19, s14;
	[tilespmem:s28+$0x139B0] =	vst v10  }
0x16f: {  	s6 =	sadd.s32 s20, s14;
	[tilespmem:s29+$0x139B0] =	vst v12;
	v10 =	vld.idx.msk [tilespmem:v54+s17+$0x0], $0xffff  }
0x170: {  	v57 =	vadd.s32 $0x372, v8;
	[tilespmem:s6+$0x139B0] =	vst v14;
	v12 =	vld.idx.msk [tilespmem:v55+s17+$0x0], $0xffff  }
0x171: {  	v58 =	vadd.s32 $0x372, v7;
	v14 =	vld.idx.msk [tilespmem:v56+s17+$0x0], $0xffff  }
0x172: {  	v59 =	vadd.s32 $0x372, v6;
	_ =	sdelay $0x1  }
0x173: {  	[tilespmem:s28+$0x159B0] =	vst v10  }
0x174: {  	[tilespmem:s29+$0x159B0] =	vst v12;
	v10 =	vld.idx.msk [tilespmem:v57+s15+$0x0], $0xffff  }
0x175: {  	v60 =	vadd.s32 $0xDC8, v4;
	[tilespmem:s6+$0x159B0] =	vst v14;
	v12 =	vld.idx.msk [tilespmem:v58+s15+$0x0], $0xffff  }
0x176: {  	v61 =	vadd.s32 $0xDC8, v5;
	v14 =	vld.idx.msk [tilespmem:v59+s15+$0x0], $0xffff  }
0x177: {  	v62 =	vadd.s32 $0xDC8, v3;
	s14 =	sor.u32 $0x100, s7  }
0x178: {  	s28 =	sadd.s32 s18, s14  }
0x179: {  	s29 =	sadd.s32 s19, s14;
	[tilespmem:s28+$0x139B0] =	vst v10  }
0x17a: {  	s6 =	sadd.s32 s20, s14;
	[tilespmem:s29+$0x139B0] =	vst v12;
	v10 =	vld.idx.msk [tilespmem:v60+s17+$0x0], $0xffff  }
0x17b: {  	v63 =	vadd.s32 $0x52B, v8;
	[tilespmem:s6+$0x139B0] =	vst v14;
	v12 =	vld.idx.msk [tilespmem:v61+s17+$0x0], $0xffff  }
0x17c: {  	v18 =	vadd.s32 $0x52B, v7;
	v14 =	vld.idx.msk [tilespmem:v62+s17+$0x0], $0xffff  }
0x17d: {  	v19 =	vadd.s32 $0x52B, v6;
	_ =	sdelay $0x1  }
0x17e: {  	[tilespmem:s28+$0x159B0] =	vst v10  }
0x17f: {  	[tilespmem:s29+$0x159B0] =	vst v12;
	v10 =	vld.idx.msk [tilespmem:v63+s15+$0x0], $0xffff  }
0x180: {  	v20 =	vadd.s32 $0x14AC, v4;
	[tilespmem:s6+$0x159B0] =	vst v14;
	v12 =	vld.idx.msk [tilespmem:v18+s15+$0x0], $0xffff  }
0x181: {  	v21 =	vadd.s32 $0x14AC, v5;
	v14 =	vld.idx.msk [tilespmem:v19+s15+$0x0], $0xffff  }
0x182: {  	v22 =	vadd.s32 $0x14AC, v3;
	s14 =	sor.u32 $0x180, s7  }
0x183: {  	s28 =	sadd.s32 s18, s14  }
0x184: {  	s29 =	sadd.s32 s19, s14;
	[tilespmem:s28+$0x139B0] =	vst v10  }
0x185: {  	s6 =	sadd.s32 s20, s14;
	[tilespmem:s29+$0x139B0] =	vst v12;
	v10 =	vld.idx.msk [tilespmem:v20+s17+$0x0], $0xffff  }
0x186: {  	v23 =	vadd.s32 $0x6E4, v8;
	[tilespmem:s6+$0x139B0] =	vst v14;
	v12 =	vld.idx.msk [tilespmem:v21+s17+$0x0], $0xffff  }
0x187: {  	v24 =	vadd.s32 $0x6E4, v7;
	v14 =	vld.idx.msk [tilespmem:v22+s17+$0x0], $0xffff  }
0x188: {  	v25 =	vadd.s32 $0x6E4, v6;
	_ =	sdelay $0x1  }
0x189: {  	[tilespmem:s28+$0x159B0] =	vst v10  }
0x18a: {  	[tilespmem:s29+$0x159B0] =	vst v12;
	v10 =	vld.idx.msk [tilespmem:v23+s15+$0x0], $0xffff  }
0x18b: {  	v26 =	vadd.s32 $0x1B90, v4;
	[tilespmem:s6+$0x159B0] =	vst v14;
	v12 =	vld.idx.msk [tilespmem:v24+s15+$0x0], $0xffff  }
0x18c: {  	v27 =	vadd.s32 $0x1B90, v5;
	v14 =	vld.idx.msk [tilespmem:v25+s15+$0x0], $0xffff  }
0x18d: {  	v28 =	vadd.s32 $0x1B90, v3;
	s14 =	sor.u32 $0x200, s0  }
0x18e: {  	s28 =	sadd.s32 s18, s14  }
0x18f: {  	s29 =	sadd.s32 s19, s14;
	[tilespmem:s28+$0x139B0] =	vst v10  }
0x190: {  	v29 =	vadd.s32 $0x89D, v2;
	s6 =	sadd.s32 s20, s14;
	[tilespmem:s29+$0x139B0] =	vst v12;
	v11 =	vld.idx.msk [tilespmem:v26+s17+$0x0], $0xffff  }
0x191: {  	v30 =	vadd.s32 $0x89D, v8;
	[tilespmem:s6+$0x139B0] =	vst v14;
	v13 =	vld.idx.msk [tilespmem:v27+s17+$0x0], $0xffff  }
0x192: {  	v31 =	vadd.s32 $0x89D, v7;
	v15 =	vld.idx.msk [tilespmem:v28+s17+$0x0], $0xffff  }
0x193: {  	v16 =	vadd.s32 $0x89D, v6  }
0x194: {  	[tilespmem:s11+$0x159B0] =	vst v9  }
0x195: {  	v9 =	vld.idx.msk [tilespmem:v29+s15+$0x0], $0xffff;
	[tilespmem:s28+$0x159B0] =	vst v11  }
0x196: {  	v32 =	vadd.s32 $0x2274, v1;
	[tilespmem:s29+$0x159B0] =	vst v13;
	v11 =	vld.idx.msk [tilespmem:v30+s15+$0x0], $0xffff  }
0x197: {  	v33 =	vadd.s32 $0x2274, v4;
	[tilespmem:s6+$0x159B0] =	vst v15;
	v13 =	vld.idx.msk [tilespmem:v31+s15+$0x0], $0xffff  }
0x198: {  	s11 =	sor.u32 s1, s0;
	v34 =	vadd.s32 $0x2274, v5;
	v15 =	vld.idx.msk [tilespmem:v16+s15+$0x0], $0xffff  }
0x199: {  	v35 =	vadd.s32 $0x2274, v3;
	s14 =	sor.u32 $0x280, s0;
	s6 =	sor.u32 $0x280, s11  }
0x19a: {  	s29 =	sadd.s32 s18, s14;
	[tilespmem:s6+$0x139B0] =	vst v9  }
0x19b: {  	s28 =	sadd.s32 s19, s14;
	v9 =	vld.idx.msk [tilespmem:v32+s17+$0x0], $0xffff;
	[tilespmem:s29+$0x139B0] =	vst v11  }
0x19c: {  	v36 =	vadd.s32 $0xA56, v2;
	s12 =	sadd.s32 s20, s14;
	[tilespmem:s28+$0x139B0] =	vst v13;
	v11 =	vld.idx.msk [tilespmem:v33+s17+$0x0], $0xffff  }
0x19d: {  	v37 =	vadd.s32 $0xA56, v8;
	[tilespmem:s12+$0x139B0] =	vst v15;
	v13 =	vld.idx.msk [tilespmem:v34+s17+$0x0], $0xffff  }
0x19e: {  	v38 =	vadd.s32 $0xA56, v7;
	v15 =	vld.idx.msk [tilespmem:v35+s17+$0x0], $0xffff  }
0x19f: {  	v39 =	vadd.s32 $0xA56, v6  }
0x1a0: {  	[tilespmem:s6+$0x159B0] =	vst v9  }
0x1a1: {  	v9 =	vld.idx.msk [tilespmem:v36+s15+$0x0], $0xffff;
	[tilespmem:s29+$0x159B0] =	vst v11  }
0x1a2: {  	v40 =	vadd.s32 $0x2958, v1;
	[tilespmem:s28+$0x159B0] =	vst v13;
	v11 =	vld.idx.msk [tilespmem:v37+s15+$0x0], $0xffff  }
0x1a3: {  	v41 =	vadd.s32 $0x2958, v4;
	[tilespmem:s12+$0x159B0] =	vst v15;
	v13 =	vld.idx.msk [tilespmem:v38+s15+$0x0], $0xffff  }
0x1a4: {  	v42 =	vadd.s32 $0x2958, v5;
	v15 =	vld.idx.msk [tilespmem:v39+s15+$0x0], $0xffff  }
0x1a5: {  	v43 =	vadd.s32 $0x2958, v3;
	s6 =	sor.u32 $0x300, s5;
	s12 =	sor.u32 $0x300, s0  }
0x1a6: {  	[tilespmem:s6+$0x139B0] =	vst v9;
	s14 =	sadd.s32 s18, s12  }
0x1a7: {  	s29 =	sadd.s32 s19, s12;
	v9 =	vld.idx.msk [tilespmem:v40+s17+$0x0], $0xffff;
	[tilespmem:s14+$0x139B0] =	vst v11  }
0x1a8: {  	v44 =	vadd.s32 $0xC0F, v2;
	s12 =	sadd.s32 s20, s12;
	[tilespmem:s29+$0x139B0] =	vst v13;
	v11 =	vld.idx.msk [tilespmem:v41+s17+$0x0], $0xffff  }
0x1a9: {  	v45 =	vadd.s32 $0xC0F, v8;
	[tilespmem:s12+$0x139B0] =	vst v15;
	v13 =	vld.idx.msk [tilespmem:v42+s17+$0x0], $0xffff  }
0x1aa: {  	v46 =	vadd.s32 $0xC0F, v7;
	v15 =	vld.idx.msk [tilespmem:v43+s17+$0x0], $0xffff  }
0x1ab: {  	v47 =	vadd.s32 $0xC0F, v6  }
0x1ac: {  	[tilespmem:s6+$0x159B0] =	vst v9  }
0x1ad: {  	v9 =	vld.idx.msk [tilespmem:v44+s15+$0x0], $0xffff;
	[tilespmem:s14+$0x159B0] =	vst v11  }
0x1ae: {  	v48 =	vadd.s32 $0x303C, v1;
	[tilespmem:s29+$0x159B0] =	vst v13;
	v11 =	vld.idx.msk [tilespmem:v45+s15+$0x0], $0xffff  }
0x1af: {  	v49 =	vadd.s32 $0x303C, v4;
	[tilespmem:s12+$0x159B0] =	vst v15;
	v13 =	vld.idx.msk [tilespmem:v46+s15+$0x0], $0xffff  }
0x1b0: {  	v50 =	vadd.s32 $0x303C, v5;
	v15 =	vld.idx.msk [tilespmem:v47+s15+$0x0], $0xffff  }
0x1b1: {  	v51 =	vadd.s32 $0x303C, v3;
	s6 =	sor.u32 $0x380, s11;
	s12 =	sor.u32 $0x380, s0  }
0x1b2: {  	[tilespmem:s6+$0x139B0] =	vst v9;
	s14 =	sadd.s32 s18, s12  }
0x1b3: {  	s29 =	sadd.s32 s19, s12;
	v9 =	vld.idx.msk [tilespmem:v48+s17+$0x0], $0xffff;
	[tilespmem:s14+$0x139B0] =	vst v11  }
0x1b4: {  	v52 =	vadd.s32 $0xDC8, v2;
	s12 =	sadd.s32 s20, s12;
	[tilespmem:s29+$0x139B0] =	vst v13;
	v11 =	vld.idx.msk [tilespmem:v49+s17+$0x0], $0xffff  }
0x1b5: {  	v53 =	vadd.s32 $0xDC8, v8;
	[tilespmem:s12+$0x139B0] =	vst v15;
	v13 =	vld.idx.msk [tilespmem:v50+s17+$0x0], $0xffff  }
0x1b6: {  	v54 =	vadd.s32 $0xDC8, v7;
	v15 =	vld.idx.msk [tilespmem:v51+s17+$0x0], $0xffff  }
0x1b7: {  	v55 =	vadd.s32 $0xDC8, v6  }
0x1b8: {  	[tilespmem:s6+$0x159B0] =	vst v9  }
0x1b9: {  	v9 =	vld.idx.msk [tilespmem:v52+s15+$0x0], $0xffff;
	[tilespmem:s14+$0x159B0] =	vst v11  }
0x1ba: {  	v56 =	vadd.s32 $0x3720, v1;
	[tilespmem:s29+$0x159B0] =	vst v13;
	v11 =	vld.idx.msk [tilespmem:v53+s15+$0x0], $0xffff  }
0x1bb: {  	v57 =	vadd.s32 $0x3720, v4;
	[tilespmem:s12+$0x159B0] =	vst v15;
	v13 =	vld.idx.msk [tilespmem:v54+s15+$0x0], $0xffff  }
0x1bc: {  	v58 =	vadd.s32 $0x3720, v5;
	v15 =	vld.idx.msk [tilespmem:v55+s15+$0x0], $0xffff  }
0x1bd: {  	v59 =	vadd.s32 $0x3720, v3;
	s12 =	sor.u32 $0x800, s7  }
0x1be: {  	[tilespmem:s10+$0x141B0] =	vst v9;
	s14 =	sadd.s32 s18, s12  }
0x1bf: {  	s28 =	sadd.s32 s19, s12;
	v9 =	vld.idx.msk [tilespmem:v56+s17+$0x0], $0xffff;
	[tilespmem:s14+$0x139B0] =	vst v11  }
0x1c0: {  	v60 =	vadd.s32 $0xF81, v2;
	s6 =	sadd.s32 s20, s12;
	[tilespmem:s28+$0x139B0] =	vst v13;
	v11 =	vld.idx.msk [tilespmem:v57+s17+$0x0], $0xffff  }
0x1c1: {  	v61 =	vadd.s32 $0xF81, v8;
	[tilespmem:s6+$0x139B0] =	vst v15;
	v13 =	vld.idx.msk [tilespmem:v58+s17+$0x0], $0xffff  }
0x1c2: {  	v62 =	vadd.s32 $0xF81, v7;
	v15 =	vld.idx.msk [tilespmem:v59+s17+$0x0], $0xffff  }
0x1c3: {  	v63 =	vadd.s32 $0xF81, v6  }
0x1c4: {  	[tilespmem:s10+$0x161B0] =	vst v9  }
0x1c5: {  	v9 =	vld.idx.msk [tilespmem:v60+s15+$0x0], $0xffff;
	[tilespmem:s14+$0x159B0] =	vst v11  }
0x1c6: {  	v20 =	vadd.s32 $0x3E04, v1;
	[tilespmem:s28+$0x159B0] =	vst v13;
	v11 =	vld.idx.msk [tilespmem:v61+s15+$0x0], $0xffff  }
0x1c7: {  	v21 =	vadd.s32 $0x3E04, v4;
	[tilespmem:s6+$0x159B0] =	vst v15;
	v13 =	vld.idx.msk [tilespmem:v62+s15+$0x0], $0xffff  }
0x1c8: {  	v22 =	vadd.s32 $0x3E04, v5;
	v15 =	vld.idx.msk [tilespmem:v63+s15+$0x0], $0xffff  }
0x1c9: {  	v23 =	vadd.s32 $0x3E04, v3;
	s12 =	sor.u32 $0x880, s7;
	s6 =	sor.u32 $0x880, s9  }
0x1ca: {  	s14 =	sadd.s32 s18, s12;
	[tilespmem:s6+$0x139B0] =	vst v9  }
0x1cb: {  	s29 =	sadd.s32 s19, s12;
	v9 =	vld.idx.msk [tilespmem:v20+s17+$0x0], $0xffff;
	[tilespmem:s14+$0x139B0] =	vst v11  }
0x1cc: {  	v24 =	vadd.s32 $0x113A, v2;
	s12 =	sadd.s32 s20, s12;
	[tilespmem:s29+$0x139B0] =	vst v13;
	v11 =	vld.idx.msk [tilespmem:v21+s17+$0x0], $0xffff  }
0x1cd: {  	v25 =	vadd.s32 $0x113A, v8;
	[tilespmem:s12+$0x139B0] =	vst v15;
	v13 =	vld.idx.msk [tilespmem:v22+s17+$0x0], $0xffff  }
0x1ce: {  	v26 =	vadd.s32 $0x113A, v7;
	v15 =	vld.idx.msk [tilespmem:v23+s17+$0x0], $0xffff  }
0x1cf: {  	v27 =	vadd.s32 $0x113A, v6  }
0x1d0: {  	[tilespmem:s6+$0x159B0] =	vst v9  }
0x1d1: {  	v9 =	vld.idx.msk [tilespmem:v24+s15+$0x0], $0xffff;
	[tilespmem:s14+$0x159B0] =	vst v11  }
0x1d2: {  	v28 =	vadd.s32 $0x44E8, v1;
	[tilespmem:s29+$0x159B0] =	vst v13;
	v11 =	vld.idx.msk [tilespmem:v25+s15+$0x0], $0xffff  }
0x1d3: {  	v29 =	vadd.s32 $0x44E8, v4;
	[tilespmem:s12+$0x159B0] =	vst v15;
	v13 =	vld.idx.msk [tilespmem:v26+s15+$0x0], $0xffff  }
0x1d4: {  	v30 =	vadd.s32 $0x44E8, v5;
	v15 =	vld.idx.msk [tilespmem:v27+s15+$0x0], $0xffff  }
0x1d5: {  	v31 =	vadd.s32 $0x44E8, v3;
	s12 =	sor.u32 $0x900, s7  }
0x1d6: {  	[tilespmem:s10+$0x142B0] =	vst v9;
	s14 =	sadd.s32 s18, s12  }
0x1d7: {  	s28 =	sadd.s32 s19, s12;
	v9 =	vld.idx.msk [tilespmem:v28+s17+$0x0], $0xffff;
	[tilespmem:s14+$0x139B0] =	vst v11  }
0x1d8: {  	v32 =	vadd.s32 $0x12F3, v2;
	s6 =	sadd.s32 s20, s12;
	[tilespmem:s28+$0x139B0] =	vst v13;
	v11 =	vld.idx.msk [tilespmem:v29+s17+$0x0], $0xffff  }
0x1d9: {  	v33 =	vadd.s32 $0x12F3, v8;
	[tilespmem:s6+$0x139B0] =	vst v15;
	v13 =	vld.idx.msk [tilespmem:v30+s17+$0x0], $0xffff  }
0x1da: {  	v34 =	vadd.s32 $0x12F3, v7;
	v15 =	vld.idx.msk [tilespmem:v31+s17+$0x0], $0xffff  }
0x1db: {  	v35 =	vadd.s32 $0x12F3, v6  }
0x1dc: {  	[tilespmem:s10+$0x162B0] =	vst v9  }
0x1dd: {  	v9 =	vld.idx.msk [tilespmem:v32+s15+$0x0], $0xffff;
	[tilespmem:s14+$0x159B0] =	vst v11  }
0x1de: {  	v36 =	vadd.s32 $0x4BCC, v1;
	[tilespmem:s28+$0x159B0] =	vst v13;
	v11 =	vld.idx.msk [tilespmem:v33+s15+$0x0], $0xffff  }
0x1df: {  	v37 =	vadd.s32 $0x4BCC, v4;
	[tilespmem:s6+$0x159B0] =	vst v15;
	v13 =	vld.idx.msk [tilespmem:v34+s15+$0x0], $0xffff  }
0x1e0: {  	v38 =	vadd.s32 $0x4BCC, v5;
	v15 =	vld.idx.msk [tilespmem:v35+s15+$0x0], $0xffff  }
0x1e1: {  	v39 =	vadd.s32 $0x4BCC, v3;
	s12 =	sor.u32 $0x980, s7;
	s6 =	sor.u32 $0x980, s9  }
0x1e2: {  	s14 =	sadd.s32 s18, s12;
	[tilespmem:s6+$0x139B0] =	vst v9  }
0x1e3: {  	s29 =	sadd.s32 s19, s12;
	v9 =	vld.idx.msk [tilespmem:v36+s17+$0x0], $0xffff;
	[tilespmem:s14+$0x139B0] =	vst v11  }
0x1e4: {  	v40 =	vadd.s32 $0x14AC, v2;
	s12 =	sadd.s32 s20, s12;
	[tilespmem:s29+$0x139B0] =	vst v13;
	v11 =	vld.idx.msk [tilespmem:v37+s17+$0x0], $0xffff  }
0x1e5: {  	v41 =	vadd.s32 $0x14AC, v8;
	[tilespmem:s12+$0x139B0] =	vst v15;
	v13 =	vld.idx.msk [tilespmem:v38+s17+$0x0], $0xffff  }
0x1e6: {  	v42 =	vadd.s32 $0x14AC, v7;
	v15 =	vld.idx.msk [tilespmem:v39+s17+$0x0], $0xffff  }
0x1e7: {  	v43 =	vadd.s32 $0x14AC, v6  }
0x1e8: {  	[tilespmem:s6+$0x159B0] =	vst v9  }
0x1e9: {  	v9 =	vld.idx.msk [tilespmem:v40+s15+$0x0], $0xffff;
	[tilespmem:s14+$0x159B0] =	vst v11  }
0x1ea: {  	v44 =	vadd.s32 $0x52B0, v1;
	[tilespmem:s29+$0x159B0] =	vst v13;
	v11 =	vld.idx.msk [tilespmem:v41+s15+$0x0], $0xffff  }
0x1eb: {  	v45 =	vadd.s32 $0x52B0, v4;
	[tilespmem:s12+$0x159B0] =	vst v15;
	v13 =	vld.idx.msk [tilespmem:v42+s15+$0x0], $0xffff  }
0x1ec: {  	v46 =	vadd.s32 $0x52B0, v5;
	v15 =	vld.idx.msk [tilespmem:v43+s15+$0x0], $0xffff  }
0x1ed: {  	v47 =	vadd.s32 $0x52B0, v3;
	s6 =	sor.u32 $0xA00, s5;
	s12 =	sor.u32 $0xA00, s0  }
0x1ee: {  	[tilespmem:s6+$0x139B0] =	vst v9;
	s14 =	sadd.s32 s18, s12  }
0x1ef: {  	s29 =	sadd.s32 s19, s12;
	v9 =	vld.idx.msk [tilespmem:v44+s17+$0x0], $0xffff;
	[tilespmem:s14+$0x139B0] =	vst v11  }
0x1f0: {  	v48 =	vadd.s32 $0x1665, v2;
	s12 =	sadd.s32 s20, s12;
	[tilespmem:s29+$0x139B0] =	vst v13;
	v11 =	vld.idx.msk [tilespmem:v45+s17+$0x0], $0xffff  }
0x1f1: {  	v49 =	vadd.s32 $0x1665, v8;
	[tilespmem:s12+$0x139B0] =	vst v15;
	v13 =	vld.idx.msk [tilespmem:v46+s17+$0x0], $0xffff  }
0x1f2: {  	v50 =	vadd.s32 $0x1665, v7;
	v15 =	vld.idx.msk [tilespmem:v47+s17+$0x0], $0xffff  }
0x1f3: {  	v51 =	vadd.s32 $0x1665, v6  }
0x1f4: {  	[tilespmem:s6+$0x159B0] =	vst v9  }
0x1f5: {  	v9 =	vld.idx.msk [tilespmem:v48+s15+$0x0], $0xffff;
	[tilespmem:s14+$0x159B0] =	vst v11  }
0x1f6: {  	v52 =	vadd.s32 $0x5994, v1;
	[tilespmem:s29+$0x159B0] =	vst v13;
	v11 =	vld.idx.msk [tilespmem:v49+s15+$0x0], $0xffff  }
0x1f7: {  	v53 =	vadd.s32 $0x5994, v4;
	[tilespmem:s12+$0x159B0] =	vst v15;
	v13 =	vld.idx.msk [tilespmem:v50+s15+$0x0], $0xffff  }
0x1f8: {  	v54 =	vadd.s32 $0x5994, v5;
	v15 =	vld.idx.msk [tilespmem:v51+s15+$0x0], $0xffff  }
0x1f9: {  	v55 =	vadd.s32 $0x5994, v3;
	s6 =	sor.u32 $0xA80, s11;
	s12 =	sor.u32 $0xA80, s0  }
0x1fa: {  	[tilespmem:s6+$0x139B0] =	vst v9;
	s14 =	sadd.s32 s18, s12  }
0x1fb: {  	s29 =	sadd.s32 s19, s12;
	v9 =	vld.idx.msk [tilespmem:v52+s17+$0x0], $0xffff;
	[tilespmem:s14+$0x139B0] =	vst v11  }
0x1fc: {  	v56 =	vadd.s32 $0x181E, v2;
	s12 =	sadd.s32 s20, s12;
	[tilespmem:s29+$0x139B0] =	vst v13;
	v11 =	vld.idx.msk [tilespmem:v53+s17+$0x0], $0xffff  }
0x1fd: {  	v57 =	vadd.s32 $0x181E, v8;
	[tilespmem:s12+$0x139B0] =	vst v15;
	v13 =	vld.idx.msk [tilespmem:v54+s17+$0x0], $0xffff  }
0x1fe: {  	v58 =	vadd.s32 $0x181E, v7;
	v15 =	vld.idx.msk [tilespmem:v55+s17+$0x0], $0xffff  }
0x1ff: {  	v59 =	vadd.s32 $0x181E, v6  }
0x200: {  	[tilespmem:s6+$0x159B0] =	vst v9  }
0x201: {  	v9 =	vld.idx.msk [tilespmem:v56+s15+$0x0], $0xffff;
	[tilespmem:s14+$0x159B0] =	vst v11  }
0x202: {  	v60 =	vadd.s32 $0x6078, v1;
	[tilespmem:s29+$0x159B0] =	vst v13;
	v11 =	vld.idx.msk [tilespmem:v57+s15+$0x0], $0xffff  }
0x203: {  	v61 =	vadd.s32 $0x6078, v4;
	[tilespmem:s12+$0x159B0] =	vst v15;
	v13 =	vld.idx.msk [tilespmem:v58+s15+$0x0], $0xffff  }
0x204: {  	v62 =	vadd.s32 $0x6078, v5;
	v15 =	vld.idx.msk [tilespmem:v59+s15+$0x0], $0xffff  }
0x205: {  	v63 =	vadd.s32 $0x6078, v3;
	s6 =	sor.u32 $0xB00, s5;
	s12 =	sor.u32 $0xB00, s0  }
0x206: {  	[tilespmem:s6+$0x139B0] =	vst v9;
	s14 =	sadd.s32 s18, s12  }
0x207: {  	s29 =	sadd.s32 s19, s12;
	v9 =	vld.idx.msk [tilespmem:v60+s17+$0x0], $0xffff;
	[tilespmem:s14+$0x139B0] =	vst v11  }
0x208: {  	v20 =	vadd.s32 $0x19D7, v2;
	s12 =	sadd.s32 s20, s12;
	[tilespmem:s29+$0x139B0] =	vst v13;
	v11 =	vld.idx.msk [tilespmem:v61+s17+$0x0], $0xffff  }
0x209: {  	v21 =	vadd.s32 $0x19D7, v8;
	[tilespmem:s12+$0x139B0] =	vst v15;
	v13 =	vld.idx.msk [tilespmem:v62+s17+$0x0], $0xffff  }
0x20a: {  	v22 =	vadd.s32 $0x19D7, v7;
	v15 =	vld.idx.msk [tilespmem:v63+s17+$0x0], $0xffff  }
0x20b: {  	v23 =	vadd.s32 $0x19D7, v6  }
0x20c: {  	[tilespmem:s6+$0x159B0] =	vst v9  }
0x20d: {  	v9 =	vld.idx.msk [tilespmem:v20+s15+$0x0], $0xffff;
	[tilespmem:s14+$0x159B0] =	vst v11  }
0x20e: {  	v24 =	vadd.s32 $0x675C, v1;
	[tilespmem:s29+$0x159B0] =	vst v13;
	v11 =	vld.idx.msk [tilespmem:v21+s15+$0x0], $0xffff  }
0x20f: {  	v25 =	vadd.s32 $0x675C, v4;
	[tilespmem:s12+$0x159B0] =	vst v15;
	v13 =	vld.idx.msk [tilespmem:v22+s15+$0x0], $0xffff  }
0x210: {  	v26 =	vadd.s32 $0x675C, v5;
	v15 =	vld.idx.msk [tilespmem:v23+s15+$0x0], $0xffff  }
0x211: {  	v27 =	vadd.s32 $0x675C, v3;
	s6 =	sor.u32 $0xB80, s11;
	s12 =	sor.u32 $0xB80, s0  }
0x212: {  	[tilespmem:s6+$0x139B0] =	vst v9;
	s14 =	sadd.s32 s18, s12  }
0x213: {  	s29 =	sadd.s32 s19, s12;
	v9 =	vld.idx.msk [tilespmem:v24+s17+$0x0], $0xffff;
	[tilespmem:s14+$0x139B0] =	vst v11  }
0x214: {  	v28 =	vadd.s32 $0x1B90, v2;
	s12 =	sadd.s32 s20, s12;
	[tilespmem:s29+$0x139B0] =	vst v13;
	v11 =	vld.idx.msk [tilespmem:v25+s17+$0x0], $0xffff  }
0x215: {  	v29 =	vadd.s32 $0x1B90, v8;
	[tilespmem:s12+$0x139B0] =	vst v15;
	v13 =	vld.idx.msk [tilespmem:v26+s17+$0x0], $0xffff  }
0x216: {  	v30 =	vadd.s32 $0x1B90, v7;
	v15 =	vld.idx.msk [tilespmem:v27+s17+$0x0], $0xffff  }
0x217: {  	v31 =	vadd.s32 $0x1B90, v6  }
0x218: {  	[tilespmem:s6+$0x159B0] =	vst v9  }
0x219: {  	v9 =	vld.idx.msk [tilespmem:v28+s15+$0x0], $0xffff;
	[tilespmem:s14+$0x159B0] =	vst v11  }
0x21a: {  	v32 =	vadd.s32 $0x6E40, v1;
	[tilespmem:s29+$0x159B0] =	vst v13;
	v11 =	vld.idx.msk [tilespmem:v29+s15+$0x0], $0xffff  }
0x21b: {  	v33 =	vadd.s32 $0x6E40, v4;
	[tilespmem:s12+$0x159B0] =	vst v15;
	v13 =	vld.idx.msk [tilespmem:v30+s15+$0x0], $0xffff  }
0x21c: {  	v34 =	vadd.s32 $0x6E40, v5;
	v15 =	vld.idx.msk [tilespmem:v31+s15+$0x0], $0xffff  }
0x21d: {  	v35 =	vadd.s32 $0x6E40, v3;
	s12 =	sor.u32 $0x1000, s7  }
0x21e: {  	[tilespmem:s10+$0x149B0] =	vst v9;
	s14 =	sadd.s32 s18, s12  }
0x21f: {  	s28 =	sadd.s32 s19, s12;
	v9 =	vld.idx.msk [tilespmem:v32+s17+$0x0], $0xffff;
	[tilespmem:s14+$0x139B0] =	vst v11  }
0x220: {  	v36 =	vadd.s32 $0x1D49, v2;
	s6 =	sadd.s32 s20, s12;
	[tilespmem:s28+$0x139B0] =	vst v13;
	v11 =	vld.idx.msk [tilespmem:v33+s17+$0x0], $0xffff  }
0x221: {  	v37 =	vadd.s32 $0x1D49, v8;
	[tilespmem:s6+$0x139B0] =	vst v15;
	v13 =	vld.idx.msk [tilespmem:v34+s17+$0x0], $0xffff  }
0x222: {  	v38 =	vadd.s32 $0x1D49, v7;
	v15 =	vld.idx.msk [tilespmem:v35+s17+$0x0], $0xffff  }
0x223: {  	v39 =	vadd.s32 $0x1D49, v6  }
0x224: {  	[tilespmem:s10+$0x169B0] =	vst v9  }
0x225: {  	v9 =	vld.idx.msk [tilespmem:v36+s15+$0x0], $0xffff;
	[tilespmem:s14+$0x159B0] =	vst v11  }
0x226: {  	v40 =	vadd.s32 $0x7524, v1;
	[tilespmem:s28+$0x159B0] =	vst v13;
	v11 =	vld.idx.msk [tilespmem:v37+s15+$0x0], $0xffff  }
0x227: {  	v41 =	vadd.s32 $0x7524, v4;
	[tilespmem:s6+$0x159B0] =	vst v15;
	v13 =	vld.idx.msk [tilespmem:v38+s15+$0x0], $0xffff  }
0x228: {  	v42 =	vadd.s32 $0x7524, v5;
	v15 =	vld.idx.msk [tilespmem:v39+s15+$0x0], $0xffff  }
0x229: {  	v43 =	vadd.s32 $0x7524, v3;
	s12 =	sor.u32 $0x1080, s7;
	s6 =	sor.u32 $0x1080, s9  }
0x22a: {  	s14 =	sadd.s32 s18, s12;
	[tilespmem:s6+$0x139B0] =	vst v9  }
0x22b: {  	s29 =	sadd.s32 s19, s12;
	v9 =	vld.idx.msk [tilespmem:v40+s17+$0x0], $0xffff;
	[tilespmem:s14+$0x139B0] =	vst v11  }
0x22c: {  	v44 =	vadd.s32 $0x1F02, v2;
	s12 =	sadd.s32 s20, s12;
	[tilespmem:s29+$0x139B0] =	vst v13;
	v11 =	vld.idx.msk [tilespmem:v41+s17+$0x0], $0xffff  }
0x22d: {  	v45 =	vadd.s32 $0x1F02, v8;
	[tilespmem:s12+$0x139B0] =	vst v15;
	v13 =	vld.idx.msk [tilespmem:v42+s17+$0x0], $0xffff  }
0x22e: {  	v46 =	vadd.s32 $0x1F02, v7;
	v15 =	vld.idx.msk [tilespmem:v43+s17+$0x0], $0xffff  }
0x22f: {  	v47 =	vadd.s32 $0x1F02, v6  }
0x230: {  	[tilespmem:s6+$0x159B0] =	vst v9  }
0x231: {  	v9 =	vld.idx.msk [tilespmem:v44+s15+$0x0], $0xffff;
	[tilespmem:s14+$0x159B0] =	vst v11  }
0x232: {  	v48 =	vadd.s32 $0x7C08, v1;
	[tilespmem:s29+$0x159B0] =	vst v13;
	v11 =	vld.idx.msk [tilespmem:v45+s15+$0x0], $0xffff  }
0x233: {  	v49 =	vadd.s32 $0x7C08, v4;
	[tilespmem:s12+$0x159B0] =	vst v15;
	v13 =	vld.idx.msk [tilespmem:v46+s15+$0x0], $0xffff  }
0x234: {  	v50 =	vadd.s32 $0x7C08, v5;
	v15 =	vld.idx.msk [tilespmem:v47+s15+$0x0], $0xffff  }
0x235: {  	v51 =	vadd.s32 $0x7C08, v3;
	s12 =	sor.u32 $0x1100, s7  }
0x236: {  	[tilespmem:s10+$0x14AB0] =	vst v9;
	s14 =	sadd.s32 s18, s12  }
0x237: {  	s28 =	sadd.s32 s19, s12;
	v9 =	vld.idx.msk [tilespmem:v48+s17+$0x0], $0xffff;
	[tilespmem:s14+$0x139B0] =	vst v11  }
0x238: {  	v52 =	vadd.s32 $0x20BB, v2;
	s6 =	sadd.s32 s20, s12;
	[tilespmem:s28+$0x139B0] =	vst v13;
	v11 =	vld.idx.msk [tilespmem:v49+s17+$0x0], $0xffff  }
0x239: {  	v53 =	vadd.s32 $0x20BB, v8;
	[tilespmem:s6+$0x139B0] =	vst v15;
	v13 =	vld.idx.msk [tilespmem:v50+s17+$0x0], $0xffff  }
0x23a: {  	v54 =	vadd.s32 $0x20BB, v7;
	v15 =	vld.idx.msk [tilespmem:v51+s17+$0x0], $0xffff  }
0x23b: {  	v55 =	vadd.s32 $0x20BB, v6  }
0x23c: {  	[tilespmem:s10+$0x16AB0] =	vst v9  }
0x23d: {  	v9 =	vld.idx.msk [tilespmem:v52+s15+$0x0], $0xffff;
	[tilespmem:s14+$0x159B0] =	vst v11  }
0x23e: {  	v56 =	vadd.s32 $0x82EC, v1;
	[tilespmem:s28+$0x159B0] =	vst v13;
	v11 =	vld.idx.msk [tilespmem:v53+s15+$0x0], $0xffff  }
0x23f: {  	v57 =	vadd.s32 $0x82EC, v4;
	[tilespmem:s6+$0x159B0] =	vst v15;
	v13 =	vld.idx.msk [tilespmem:v54+s15+$0x0], $0xffff  }
0x240: {  	v58 =	vadd.s32 $0x82EC, v5;
	v15 =	vld.idx.msk [tilespmem:v55+s15+$0x0], $0xffff  }
0x241: {  	v59 =	vadd.s32 $0x82EC, v3;
	s12 =	sor.u32 $0x1180, s7;
	s6 =	sor.u32 $0x1180, s9  }
0x242: {  	s14 =	sadd.s32 s18, s12;
	[tilespmem:s6+$0x139B0] =	vst v9  }
0x243: {  	s29 =	sadd.s32 s19, s12;
	v9 =	vld.idx.msk [tilespmem:v56+s17+$0x0], $0xffff;
	[tilespmem:s14+$0x139B0] =	vst v11  }
0x244: {  	v60 =	vadd.s32 $0x2274, v2;
	s12 =	sadd.s32 s20, s12;
	[tilespmem:s29+$0x139B0] =	vst v13;
	v11 =	vld.idx.msk [tilespmem:v57+s17+$0x0], $0xffff  }
0x245: {  	v61 =	vadd.s32 $0x2274, v8;
	[tilespmem:s12+$0x139B0] =	vst v15;
	v13 =	vld.idx.msk [tilespmem:v58+s17+$0x0], $0xffff  }
0x246: {  	v62 =	vadd.s32 $0x2274, v7;
	v15 =	vld.idx.msk [tilespmem:v59+s17+$0x0], $0xffff  }
0x247: {  	v63 =	vadd.s32 $0x2274, v6  }
0x248: {  	[tilespmem:s6+$0x159B0] =	vst v9  }
0x249: {  	v9 =	vld.idx.msk [tilespmem:v60+s15+$0x0], $0xffff;
	[tilespmem:s14+$0x159B0] =	vst v11  }
0x24a: {  	v20 =	vadd.s32 $0x89D0, v1;
	[tilespmem:s29+$0x159B0] =	vst v13;
	v11 =	vld.idx.msk [tilespmem:v61+s15+$0x0], $0xffff  }
0x24b: {  	v21 =	vadd.s32 $0x89D0, v4;
	[tilespmem:s12+$0x159B0] =	vst v15;
	v13 =	vld.idx.msk [tilespmem:v62+s15+$0x0], $0xffff  }
0x24c: {  	v22 =	vadd.s32 $0x89D0, v5;
	v15 =	vld.idx.msk [tilespmem:v63+s15+$0x0], $0xffff  }
0x24d: {  	v23 =	vadd.s32 $0x89D0, v3;
	s6 =	sor.u32 $0x1200, s5;
	s12 =	sor.u32 $0x1200, s0  }
0x24e: {  	[tilespmem:s6+$0x139B0] =	vst v9;
	s14 =	sadd.s32 s18, s12  }
0x24f: {  	s29 =	sadd.s32 s19, s12;
	v9 =	vld.idx.msk [tilespmem:v20+s17+$0x0], $0xffff;
	[tilespmem:s14+$0x139B0] =	vst v11  }
0x250: {  	v24 =	vadd.s32 $0x242D, v2;
	s12 =	sadd.s32 s20, s12;
	[tilespmem:s29+$0x139B0] =	vst v13;
	v11 =	vld.idx.msk [tilespmem:v21+s17+$0x0], $0xffff  }
0x251: {  	v25 =	vadd.s32 $0x242D, v8;
	[tilespmem:s12+$0x139B0] =	vst v15;
	v13 =	vld.idx.msk [tilespmem:v22+s17+$0x0], $0xffff  }
0x252: {  	v26 =	vadd.s32 $0x242D, v7;
	v15 =	vld.idx.msk [tilespmem:v23+s17+$0x0], $0xffff  }
0x253: {  	v27 =	vadd.s32 $0x242D, v6  }
0x254: {  	[tilespmem:s6+$0x159B0] =	vst v9  }
0x255: {  	v9 =	vld.idx.msk [tilespmem:v24+s15+$0x0], $0xffff;
	[tilespmem:s14+$0x159B0] =	vst v11  }
0x256: {  	v28 =	vadd.s32 $0x90B4, v1;
	[tilespmem:s29+$0x159B0] =	vst v13;
	v11 =	vld.idx.msk [tilespmem:v25+s15+$0x0], $0xffff  }
0x257: {  	v29 =	vadd.s32 $0x90B4, v4;
	[tilespmem:s12+$0x159B0] =	vst v15;
	v13 =	vld.idx.msk [tilespmem:v26+s15+$0x0], $0xffff  }
0x258: {  	v30 =	vadd.s32 $0x90B4, v5;
	v15 =	vld.idx.msk [tilespmem:v27+s15+$0x0], $0xffff  }
0x259: {  	v31 =	vadd.s32 $0x90B4, v3;
	s6 =	sor.u32 $0x1280, s11;
	s12 =	sor.u32 $0x1280, s0  }
0x25a: {  	[tilespmem:s6+$0x139B0] =	vst v9;
	s14 =	sadd.s32 s18, s12  }
0x25b: {  	s29 =	sadd.s32 s19, s12;
	v9 =	vld.idx.msk [tilespmem:v28+s17+$0x0], $0xffff;
	[tilespmem:s14+$0x139B0] =	vst v11  }
0x25c: {  	v32 =	vadd.s32 $0x25E6, v2;
	s12 =	sadd.s32 s20, s12;
	[tilespmem:s29+$0x139B0] =	vst v13;
	v11 =	vld.idx.msk [tilespmem:v29+s17+$0x0], $0xffff  }
0x25d: {  	v33 =	vadd.s32 $0x25E6, v8;
	[tilespmem:s12+$0x139B0] =	vst v15;
	v13 =	vld.idx.msk [tilespmem:v30+s17+$0x0], $0xffff  }
0x25e: {  	v34 =	vadd.s32 $0x25E6, v7;
	v15 =	vld.idx.msk [tilespmem:v31+s17+$0x0], $0xffff  }
0x25f: {  	v35 =	vadd.s32 $0x25E6, v6  }
0x260: {  	[tilespmem:s6+$0x159B0] =	vst v9  }
0x261: {  	v9 =	vld.idx.msk [tilespmem:v32+s15+$0x0], $0xffff;
	[tilespmem:s14+$0x159B0] =	vst v11  }
0x262: {  	v36 =	vadd.s32 $0x9798, v1;
	[tilespmem:s29+$0x159B0] =	vst v13;
	v11 =	vld.idx.msk [tilespmem:v33+s15+$0x0], $0xffff  }
0x263: {  	v37 =	vadd.s32 $0x9798, v4;
	[tilespmem:s12+$0x159B0] =	vst v15;
	v13 =	vld.idx.msk [tilespmem:v34+s15+$0x0], $0xffff  }
0x264: {  	v38 =	vadd.s32 $0x9798, v5;
	v15 =	vld.idx.msk [tilespmem:v35+s15+$0x0], $0xffff  }
0x265: {  	v39 =	vadd.s32 $0x9798, v3;
	s6 =	sor.u32 $0x1300, s5;
	s12 =	sor.u32 $0x1300, s0  }
0x266: {  	[tilespmem:s6+$0x139B0] =	vst v9;
	s14 =	sadd.s32 s18, s12  }
0x267: {  	s29 =	sadd.s32 s19, s12;
	v9 =	vld.idx.msk [tilespmem:v36+s17+$0x0], $0xffff;
	[tilespmem:s14+$0x139B0] =	vst v11  }
0x268: {  	v40 =	vadd.s32 $0x279F, v2;
	s12 =	sadd.s32 s20, s12;
	[tilespmem:s29+$0x139B0] =	vst v13;
	v11 =	vld.idx.msk [tilespmem:v37+s17+$0x0], $0xffff  }
0x269: {  	v41 =	vadd.s32 $0x279F, v8;
	[tilespmem:s12+$0x139B0] =	vst v15;
	v13 =	vld.idx.msk [tilespmem:v38+s17+$0x0], $0xffff  }
0x26a: {  	v42 =	vadd.s32 $0x279F, v7;
	v15 =	vld.idx.msk [tilespmem:v39+s17+$0x0], $0xffff  }
0x26b: {  	v43 =	vadd.s32 $0x279F, v6  }
0x26c: {  	[tilespmem:s6+$0x159B0] =	vst v9  }
0x26d: {  	v9 =	vld.idx.msk [tilespmem:v40+s15+$0x0], $0xffff;
	[tilespmem:s14+$0x159B0] =	vst v11  }
0x26e: {  	v44 =	vadd.s32 $0x9E7C, v1;
	[tilespmem:s29+$0x159B0] =	vst v13;
	v11 =	vld.idx.msk [tilespmem:v41+s15+$0x0], $0xffff  }
0x26f: {  	v45 =	vadd.s32 $0x9E7C, v4;
	[tilespmem:s12+$0x159B0] =	vst v15;
	v13 =	vld.idx.msk [tilespmem:v42+s15+$0x0], $0xffff  }
0x270: {  	v46 =	vadd.s32 $0x9E7C, v5;
	v15 =	vld.idx.msk [tilespmem:v43+s15+$0x0], $0xffff  }
0x271: {  	v47 =	vadd.s32 $0x9E7C, v3;
	s6 =	sor.u32 $0x1380, s11;
	s12 =	sor.u32 $0x1380, s0  }
0x272: {  	[tilespmem:s6+$0x139B0] =	vst v9;
	s14 =	sadd.s32 s18, s12  }
0x273: {  	s29 =	sadd.s32 s19, s12;
	v9 =	vld.idx.msk [tilespmem:v44+s17+$0x0], $0xffff;
	[tilespmem:s14+$0x139B0] =	vst v11  }
0x274: {  	v48 =	vadd.s32 $0x2958, v2;
	s12 =	sadd.s32 s20, s12;
	[tilespmem:s29+$0x139B0] =	vst v13;
	v11 =	vld.idx.msk [tilespmem:v45+s17+$0x0], $0xffff  }
0x275: {  	v49 =	vadd.s32 $0x2958, v8;
	[tilespmem:s12+$0x139B0] =	vst v15;
	v13 =	vld.idx.msk [tilespmem:v46+s17+$0x0], $0xffff  }
0x276: {  	v50 =	vadd.s32 $0x2958, v7;
	v15 =	vld.idx.msk [tilespmem:v47+s17+$0x0], $0xffff  }
0x277: {  	v51 =	vadd.s32 $0x2958, v6  }
0x278: {  	[tilespmem:s6+$0x159B0] =	vst v9  }
0x279: {  	v9 =	vld.idx.msk [tilespmem:v48+s15+$0x0], $0xffff;
	[tilespmem:s14+$0x159B0] =	vst v11  }
0x27a: {  	v52 =	vadd.s32 $0xA560, v1;
	[tilespmem:s29+$0x159B0] =	vst v13;
	v11 =	vld.idx.msk [tilespmem:v49+s15+$0x0], $0xffff  }
0x27b: {  	v53 =	vadd.s32 $0xA560, v4;
	[tilespmem:s12+$0x159B0] =	vst v15;
	v13 =	vld.idx.msk [tilespmem:v50+s15+$0x0], $0xffff  }
0x27c: {  	v54 =	vadd.s32 $0xA560, v5;
	v15 =	vld.idx.msk [tilespmem:v51+s15+$0x0], $0xffff  }
0x27d: {  	v55 =	vadd.s32 $0xA560, v3;
	s12 =	sor.u32 $0x1800, s7  }
0x27e: {  	[tilespmem:s10+$0x151B0] =	vst v9;
	s14 =	sadd.s32 s18, s12  }
0x27f: {  	s28 =	sadd.s32 s19, s12;
	v9 =	vld.idx.msk [tilespmem:v52+s17+$0x0], $0xffff;
	[tilespmem:s14+$0x139B0] =	vst v11  }
0x280: {  	v56 =	vadd.s32 $0x2B11, v2;
	s6 =	sadd.s32 s20, s12;
	[tilespmem:s28+$0x139B0] =	vst v13;
	v11 =	vld.idx.msk [tilespmem:v53+s17+$0x0], $0xffff  }
0x281: {  	v57 =	vadd.s32 $0x2B11, v8;
	[tilespmem:s6+$0x139B0] =	vst v15;
	v13 =	vld.idx.msk [tilespmem:v54+s17+$0x0], $0xffff  }
0x282: {  	v58 =	vadd.s32 $0x2B11, v7;
	v15 =	vld.idx.msk [tilespmem:v55+s17+$0x0], $0xffff  }
0x283: {  	v59 =	vadd.s32 $0x2B11, v6  }
0x284: {  	[tilespmem:s10+$0x171B0] =	vst v9  }
0x285: {  	v9 =	vld.idx.msk [tilespmem:v56+s15+$0x0], $0xffff;
	[tilespmem:s14+$0x159B0] =	vst v11  }
0x286: {  	v60 =	vadd.s32 $0xAC44, v1;
	[tilespmem:s28+$0x159B0] =	vst v13;
	v11 =	vld.idx.msk [tilespmem:v57+s15+$0x0], $0xffff  }
0x287: {  	v61 =	vadd.s32 $0xAC44, v4;
	[tilespmem:s6+$0x159B0] =	vst v15;
	v13 =	vld.idx.msk [tilespmem:v58+s15+$0x0], $0xffff  }
0x288: {  	v62 =	vadd.s32 $0xAC44, v5;
	v15 =	vld.idx.msk [tilespmem:v59+s15+$0x0], $0xffff  }
0x289: {  	v63 =	vadd.s32 $0xAC44, v3;
	s12 =	sor.u32 $0x1880, s7;
	s6 =	sor.u32 $0x1880, s9  }
0x28a: {  	s14 =	sadd.s32 s18, s12;
	[tilespmem:s6+$0x139B0] =	vst v9  }
0x28b: {  	s29 =	sadd.s32 s19, s12;
	v9 =	vld.idx.msk [tilespmem:v60+s17+$0x0], $0xffff;
	[tilespmem:s14+$0x139B0] =	vst v11  }
0x28c: {  	v20 =	vadd.s32 $0x2CCA, v2;
	s12 =	sadd.s32 s20, s12;
	[tilespmem:s29+$0x139B0] =	vst v13;
	v11 =	vld.idx.msk [tilespmem:v61+s17+$0x0], $0xffff  }
0x28d: {  	v21 =	vadd.s32 $0x2CCA, v8;
	[tilespmem:s12+$0x139B0] =	vst v15;
	v13 =	vld.idx.msk [tilespmem:v62+s17+$0x0], $0xffff  }
0x28e: {  	v22 =	vadd.s32 $0x2CCA, v7;
	v15 =	vld.idx.msk [tilespmem:v63+s17+$0x0], $0xffff  }
0x28f: {  	v23 =	vadd.s32 $0x2CCA, v6  }
0x290: {  	[tilespmem:s6+$0x159B0] =	vst v9  }
0x291: {  	v9 =	vld.idx.msk [tilespmem:v20+s15+$0x0], $0xffff;
	[tilespmem:s14+$0x159B0] =	vst v11  }
0x292: {  	v24 =	vadd.s32 $0xB328, v1;
	[tilespmem:s29+$0x159B0] =	vst v13;
	v11 =	vld.idx.msk [tilespmem:v21+s15+$0x0], $0xffff  }
0x293: {  	v25 =	vadd.s32 $0xB328, v4;
	[tilespmem:s12+$0x159B0] =	vst v15;
	v13 =	vld.idx.msk [tilespmem:v22+s15+$0x0], $0xffff  }
0x294: {  	v26 =	vadd.s32 $0xB328, v5;
	v15 =	vld.idx.msk [tilespmem:v23+s15+$0x0], $0xffff  }
0x295: {  	v27 =	vadd.s32 $0xB328, v3;
	s14 =	sor.u32 $0x1900, s7  }
0x296: {  	[tilespmem:s10+$0x152B0] =	vst v9;
	s28 =	sadd.s32 s18, s14  }
0x297: {  	s29 =	sadd.s32 s19, s14;
	v9 =	vld.idx.msk [tilespmem:v24+s17+$0x0], $0xffff;
	[tilespmem:s28+$0x139B0] =	vst v11  }
0x298: {  	v28 =	vadd.s32 $0x2E83, v2;
	s6 =	sadd.s32 s20, s14;
	[tilespmem:s29+$0x139B0] =	vst v13;
	v11 =	vld.idx.msk [tilespmem:v25+s17+$0x0], $0xffff  }
0x299: {  	v29 =	vadd.s32 $0x2E83, v8;
	[tilespmem:s6+$0x139B0] =	vst v15;
	v13 =	vld.idx.msk [tilespmem:v26+s17+$0x0], $0xffff  }
0x29a: {  	v30 =	vadd.s32 $0x2E83, v7;
	v15 =	vld.idx.msk [tilespmem:v27+s17+$0x0], $0xffff  }
0x29b: {  	v31 =	vadd.s32 $0x2E83, v6  }
0x29c: {  	[tilespmem:s10+$0x172B0] =	vst v9  }
0x29d: {  	v9 =	vld.idx.msk [tilespmem:v28+s15+$0x0], $0xffff;
	[tilespmem:s28+$0x159B0] =	vst v11  }
0x29e: {  	v32 =	vadd.s32 $0xBA0C, v1;
	[tilespmem:s29+$0x159B0] =	vst v13;
	v11 =	vld.idx.msk [tilespmem:v29+s15+$0x0], $0xffff  }
0x29f: {  	v33 =	vadd.s32 $0xBA0C, v4;
	[tilespmem:s6+$0x159B0] =	vst v15;
	v13 =	vld.idx.msk [tilespmem:v30+s15+$0x0], $0xffff  }
0x2a0: {  	v34 =	vadd.s32 $0xBA0C, v5;
	v15 =	vld.idx.msk [tilespmem:v31+s15+$0x0], $0xffff  }
0x2a1: {  	v35 =	vadd.s32 $0xBA0C, v3;
	s7 =	sor.u32 $0x1980, s7;
	s14 =	sor.u32 $0x1980, s9  }
0x2a2: {  	s28 =	sadd.s32 s18, s7;
	[tilespmem:s14+$0x139B0] =	vst v9  }
0x2a3: {  	s29 =	sadd.s32 s19, s7;
	v9 =	vld.idx.msk [tilespmem:v32+s17+$0x0], $0xffff;
	[tilespmem:s28+$0x139B0] =	vst v11  }
0x2a4: {  	v36 =	vadd.s32 $0x303C, v2;
	s7 =	sadd.s32 s20, s7;
	[tilespmem:s29+$0x139B0] =	vst v13;
	v11 =	vld.idx.msk [tilespmem:v33+s17+$0x0], $0xffff  }
0x2a5: {  	v37 =	vadd.s32 $0x303C, v8;
	[tilespmem:s7+$0x139B0] =	vst v15;
	v13 =	vld.idx.msk [tilespmem:v34+s17+$0x0], $0xffff  }
0x2a6: {  	v38 =	vadd.s32 $0x303C, v7;
	v15 =	vld.idx.msk [tilespmem:v35+s17+$0x0], $0xffff  }
0x2a7: {  	v39 =	vadd.s32 $0x303C, v6  }
0x2a8: {  	[tilespmem:s14+$0x159B0] =	vst v9  }
0x2a9: {  	v9 =	vld.idx.msk [tilespmem:v36+s15+$0x0], $0xffff;
	[tilespmem:s28+$0x159B0] =	vst v11  }
0x2aa: {  	v40 =	vadd.s32 $0xC0F0, v1;
	[tilespmem:s29+$0x159B0] =	vst v13;
	v11 =	vld.idx.msk [tilespmem:v37+s15+$0x0], $0xffff  }
0x2ab: {  	v41 =	vadd.s32 $0xC0F0, v4;
	[tilespmem:s7+$0x159B0] =	vst v15;
	v13 =	vld.idx.msk [tilespmem:v38+s15+$0x0], $0xffff  }
0x2ac: {  	v42 =	vadd.s32 $0xC0F0, v5;
	v15 =	vld.idx.msk [tilespmem:v39+s15+$0x0], $0xffff  }
0x2ad: {  	v43 =	vadd.s32 $0xC0F0, v3;
	s12 =	sor.u32 $0x1A00, s5;
	s14 =	sor.u32 $0x1A00, s0  }
0x2ae: {  	s28 =	sadd.s32 s18, s14;
	[tilespmem:s12+$0x139B0] =	vst v9  }
0x2af: {  	s29 =	sadd.s32 s19, s14;
	v9 =	vld.idx.msk [tilespmem:v40+s17+$0x0], $0xffff;
	[tilespmem:s28+$0x139B0] =	vst v11  }
0x2b0: {  	v44 =	vadd.s32 $0x31F5, v2;
	s7 =	sadd.s32 s20, s14;
	[tilespmem:s29+$0x139B0] =	vst v13;
	v11 =	vld.idx.msk [tilespmem:v41+s17+$0x0], $0xffff  }
0x2b1: {  	v45 =	vadd.s32 $0x31F5, v8;
	[tilespmem:s7+$0x139B0] =	vst v15;
	v13 =	vld.idx.msk [tilespmem:v42+s17+$0x0], $0xffff  }
0x2b2: {  	v46 =	vadd.s32 $0x31F5, v7;
	v15 =	vld.idx.msk [tilespmem:v43+s17+$0x0], $0xffff  }
0x2b3: {  	v47 =	vadd.s32 $0x31F5, v6  }
0x2b4: {  	[tilespmem:s12+$0x159B0] =	vst v9  }
0x2b5: {  	v9 =	vld.idx.msk [tilespmem:v44+s15+$0x0], $0xffff;
	[tilespmem:s28+$0x159B0] =	vst v11  }
0x2b6: {  	v48 =	vadd.s32 $0xC7D4, v1;
	[tilespmem:s29+$0x159B0] =	vst v13;
	v11 =	vld.idx.msk [tilespmem:v45+s15+$0x0], $0xffff  }
0x2b7: {  	v49 =	vadd.s32 $0xC7D4, v4;
	[tilespmem:s7+$0x159B0] =	vst v15;
	v13 =	vld.idx.msk [tilespmem:v46+s15+$0x0], $0xffff  }
0x2b8: {  	v50 =	vadd.s32 $0xC7D4, v5;
	v15 =	vld.idx.msk [tilespmem:v47+s15+$0x0], $0xffff  }
0x2b9: {  	v51 =	vadd.s32 $0xC7D4, v3;
	s14 =	sor.u32 $0x1A80, s0;
	s12 =	sor.u32 $0x1A80, s11  }
0x2ba: {  	s28 =	sadd.s32 s18, s14;
	[tilespmem:s12+$0x139B0] =	vst v9  }
0x2bb: {  	s29 =	sadd.s32 s19, s14;
	v9 =	vld.idx.msk [tilespmem:v48+s17+$0x0], $0xffff;
	[tilespmem:s28+$0x139B0] =	vst v11  }
0x2bc: {  	v52 =	vadd.s32 $0x33AE, v2;
	s7 =	sadd.s32 s20, s14;
	[tilespmem:s29+$0x139B0] =	vst v13;
	v11 =	vld.idx.msk [tilespmem:v49+s17+$0x0], $0xffff  }
0x2bd: {  	v53 =	vadd.s32 $0x33AE, v8;
	[tilespmem:s7+$0x139B0] =	vst v15;
	v13 =	vld.idx.msk [tilespmem:v50+s17+$0x0], $0xffff  }
0x2be: {  	v54 =	vadd.s32 $0x33AE, v7;
	v15 =	vld.idx.msk [tilespmem:v51+s17+$0x0], $0xffff  }
0x2bf: {  	v55 =	vadd.s32 $0x33AE, v6  }
0x2c0: {  	[tilespmem:s12+$0x159B0] =	vst v9  }
0x2c1: {  	v9 =	vld.idx.msk [tilespmem:v52+s15+$0x0], $0xffff;
	[tilespmem:s28+$0x159B0] =	vst v11  }
0x2c2: {  	v56 =	vadd.s32 $0xCEB8, v1;
	[tilespmem:s29+$0x159B0] =	vst v13;
	v11 =	vld.idx.msk [tilespmem:v53+s15+$0x0], $0xffff  }
0x2c3: {  	v57 =	vadd.s32 $0xCEB8, v4;
	[tilespmem:s7+$0x159B0] =	vst v15;
	v13 =	vld.idx.msk [tilespmem:v54+s15+$0x0], $0xffff  }
0x2c4: {  	v58 =	vadd.s32 $0xCEB8, v5;
	v15 =	vld.idx.msk [tilespmem:v55+s15+$0x0], $0xffff  }
0x2c5: {  	v59 =	vadd.s32 $0xCEB8, v3;
	s5 =	sor.u32 $0x1B00, s5;
	s9 =	sor.u32 $0x1B00, s0  }
0x2c6: {  	s10 =	sadd.s32 s18, s9;
	[tilespmem:s5+$0x139B0] =	vst v9  }
0x2c7: {  	s12 =	sadd.s32 s19, s9;
	v9 =	vld.idx.msk [tilespmem:v56+s17+$0x0], $0xffff;
	[tilespmem:s10+$0x139B0] =	vst v11  }
0x2c8: {  	v2 =	vadd.s32 $0x3567, v2;
	s6 =	sadd.s32 s20, s9;
	[tilespmem:s12+$0x139B0] =	vst v13;
	v60 =	vld.idx.msk [tilespmem:v57+s17+$0x0], $0xffff  }
0x2c9: {  	v8 =	vadd.s32 $0x3567, v8;
	[tilespmem:s6+$0x139B0] =	vst v15;
	v61 =	vld.idx.msk [tilespmem:v58+s17+$0x0], $0xffff  }
0x2ca: {  	v7 =	vadd.s32 $0x3567, v7;
	v62 =	vld.idx.msk [tilespmem:v59+s17+$0x0], $0xffff  }
0x2cb: {  	v6 =	vadd.s32 $0x3567, v6  }
0x2cc: {  	[tilespmem:s5+$0x159B0] =	vst v9  }
0x2cd: {  	v2 =	vld.idx.msk [tilespmem:v2+s15+$0x0], $0xffff;
	[tilespmem:s10+$0x159B0] =	vst v60  }
0x2ce: {  	v1 =	vadd.s32 $0xD59C, v1;
	[tilespmem:s12+$0x159B0] =	vst v61;
	v8 =	vld.idx.msk [tilespmem:v8+s15+$0x0], $0xffff  }
0x2cf: {  	v4 =	vadd.s32 $0xD59C, v4;
	[tilespmem:s6+$0x159B0] =	vst v62;
	v7 =	vld.idx.msk [tilespmem:v7+s15+$0x0], $0xffff  }
0x2d0: {  	v5 =	vadd.s32 $0xD59C, v5;
	v6 =	vld.idx.msk [tilespmem:v6+s15+$0x0], $0xffff  }
0x2d1: {  	v3 =	vadd.s32 $0xD59C, v3;
	s0 =	sor.u32 $0x1B80, s0;
	s14 =	sor.u32 $0x1B80, s11  }
0x2d2: {  	s28 =	sadd.s32 s18, s0;
	[tilespmem:s14+$0x139B0] =	vst v2  }
0x2d3: {  	s29 =	sadd.s32 s19, s0;
	v1 =	vld.idx.msk [tilespmem:v1+s17+$0x0], $0xffff;
	[tilespmem:s28+$0x139B0] =	vst v8  }
0x2d4: {  	s0 =	sadd.s32 s20, s0;
	[tilespmem:s29+$0x139B0] =	vst v7;
	v2 =	vld.idx.msk [tilespmem:v4+s17+$0x0], $0xffff  }
0x2d5: {  	[tilespmem:s0+$0x139B0] =	vst v6;
	v63 =	vld.idx.msk [tilespmem:v5+s17+$0x0], $0xffff  }
0x2d6: {  	p1 =	slt.u32 s1, $0xC0;
	v3 =	vld.idx.msk [tilespmem:v3+s17+$0x0], $0xffff  }
.Ltmp0:
0x2d7: {  	_ = 	snop;
	(pc) =	sbr.rel @p1 .LBB2_3-.Ltmp0, $4  }
0x2d8: {  	[tilespmem:s14+$0x159B0] =	vst v1  }
0x2d9: {  	[tilespmem:s28+$0x159B0] =	vst v2  }
0x2da: {  	[tilespmem:s29+$0x159B0] =	vst v63  }
0x2db: {  	s1 =	sadd.s32 $0x40, s1;
	[tilespmem:s0+$0x159B0] =	vst v3  }
0x2dc: {  	s0 =	sshll.u32 s30, $0xE  }
0x2dd: {  	s0 =	sadd.s32 s13, s0  }
0x2de: {  	s0 =	sshrl.u32 s0, $0x3  }
0x2df: {  	s1 =	sadd.s32 s2, s0  }
0x2e0: {  	[hbm4b:s1+s4] =	stream.linear.scatter [tilespmem:s23], [sflag:$0x1], $0x2000, $0x38;
	[tilespmem:$0x1B9B0] =	vst v63  }
0x2e1: {  	s0 =	sadd.s32 s3, s0  }
0x2e2: {  	[hbm4b:s0+s4] =	stream.linear.scatter [tilespmem:s24], [sflag:$0x1], $0x2000, $0x38;
	[tilespmem:$0x1B9B0] =	vst v63  }
0x2e3: {  	s0 =	simm.s32 @!p0 $0x2  }
0x2e4: {  	s1 =	sor.u32 $0x1, s30;
	_ =	swait.ge @!p0 [sflag:s0], $0x2000  }
0x2e5: {  	v2 =	vmov s1;
	[sflag:s0] =	ssyncset.done @!p0 $0x0  }
0x2e6: {  	[sflag:s0] =	ssyncadd.s32 @!p0 $0xFFFFE000  }
0x2e7: {  	_ =	swait.ge @!p0 [sflag:s0], $0x2000  }
0x2e8: {  	[sflag:s0] =	ssyncset.done @!p0 $0x0  }
0x2e9: {  	[sflag:s0] =	ssyncadd.s32 @!p0 $0xFFFFE000  }
0x2ea: {  	v1 =	vld.idx.msk [tilespmem:v2+s22+$0x0], $0xffff  }
0x2eb: {  	v3 =	vld [tilespmem:$0x2200]  }
0x2ec: {  	v2 =	vld.idx.msk [tilespmem:v2+s21+$0x0], $0xffff  }
0x2ed: {  	v4 =	vld [tilespmem:$0x2100]  }
0x2ee: {  	v5 =	vld [tilespmem:$0x2110]  }
0x2ef: {  	v6 =	vld [tilespmem:$0x2210]  }
0x2f0: {  	v7 =	vld [tilespmem:$0x2220]  }
0x2f1: {  	v8 =	vld [tilespmem:$0x2120]  }
0x2f2: {  	v9 =	vld [tilespmem:$0x2230]  }
0x2f3: {  	v41 =	vld [tilespmem:$0x2130]  }
0x2f4: {  	v12 =	vld [tilespmem:$0x2140]  }
0x2f5: {  	v13 =	vld [tilespmem:$0x2150]  }
0x2f6: {  	v47 =	vld [tilespmem:$0x2260]  }
0x2f7: {  	v14 =	vld [tilespmem:$0x2160]  }
0x2f8: {  	v18 =	vld [tilespmem:$0x2280]  }
0x2f9: {  	v19 =	vld [tilespmem:$0x2170]  }
0x2fa: {  	v20 =	vld [tilespmem:$0x2180]  }
0x2fb: {  	v53 =	vld [tilespmem:$0x2290]  }
0x2fc: {  	v21 =	vld [tilespmem:$0x22A0]  }
0x2fd: {  	v22 =	vld [tilespmem:$0x2190];
	v3 =	vsub.f32 v3, v1;
	v4 =	vsub.f32 v4, v2  }
0x2fe: {  	v23 =	vld [tilespmem:$0x21A0];
	v5 =	vsub.f32 v5, v2;
	v6 =	vsub.f32 v6, v1  }
0x2ff: {  	v56 =	vld [tilespmem:$0x22B0];
	v40 =	vsub.f32 v7, v1;
	v8 =	vsub.f32 v8, v2  }
0x300: {  	v58 =	vld [tilespmem:$0x21B0];
	v9 =	vsub.f32 v9, v1;
	v7 =	vsub.f32 v41, v2  }
0x301: {  	v25 =	vld [tilespmem:$0x22C0];
	v46 =	vsub.f32 v12, v2;
	v13 =	vsub.f32 v13, v2  }
0x302: {  	v26 =	vld [tilespmem:$0x22D0];
	v12 =	vsub.f32 v47, v1;
	v14 =	vsub.f32 v14, v2  }
0x303: {  	v60 =	vld [tilespmem:$0x21C0];
	v51 =	vsub.f32 v18, v1;
	v52 =	vsub.f32 v19, v2  }
0x304: {  	v61 =	vld [tilespmem:$0x21D0];
	v20 =	vsub.f32 v20, v2;
	v19 =	vsub.f32 v53, v1  }
0x305: {  	v54 =	vsub.f32 v21, v1;
	v55 =	vsub.f32 v22, v2  }
0x306: {  	v57 =	vsub.f32 v23, v2;
	v21 =	vsub.f32 v56, v1  }
0x307: {  	v59 =	vsub.f32 v58, v2;
	v29 =	vsub.f32 v25, v1  }
0x308: {  	v31 =	vsub.f32 v26, v1;
	v33 =	vsub.f32 v60, v2  }
0x309: {  	v35 =	vsub.f32 v61, v2;
	v3 =	vmin.f32 v3, $1.000000000e+01;
	v4 =	vmin.f32 v4, $1.000000000e+01  }
0x30a: {  	v38 =	vmin.f32 v5, $1.000000000e+01;
	v39 =	vmin.f32 v6, $1.000000000e+01;
	v6 =	vmin.f32 v40, $1.000000000e+01  }
0x30b: {  	v8 =	vmin.f32 v8, $1.000000000e+01;
	v9 =	vmin.f32 v9, $1.000000000e+01;
	v42 =	vmin.f32 v7, $1.000000000e+01  }
0x30c: {  	v13 =	vmin.f32 v13, $1.000000000e+01;
	v12 =	vmin.f32 v12, $1.000000000e+01;
	v14 =	vmin.f32 v14, $1.000000000e+01  }
0x30d: {  	v18 =	vmin.f32 v52, $1.000000000e+01;
	v20 =	vmin.f32 v20, $1.000000000e+01;
	v19 =	vmin.f32 v19, $1.000000000e+01  }
0x30e: {  	v22 =	vmin.f32 v57, $1.000000000e+01;
	v21 =	vmin.f32 v21, $1.000000000e+01;
	v62 =	vmin.f32 v59, $1.000000000e+01  }
0x30f: {  	v3 =	vmax.f32 v3, $-1.000000000e+01;
	v4 =	vmax.f32 v4, $-1.000000000e+01;
	v5 =	vmax.f32 v39, $-1.000000000e+01  }
0x310: {  	v44 =	vld [tilespmem:$0x2240];
	v6 =	vmax.f32 v6, $-1.000000000e+01;
	v8 =	vmax.f32 v8, $-1.000000000e+01;
	v9 =	vmax.f32 v9, $-1.000000000e+01  }
0x311: {  	v13 =	vmax.f32 v13, $-1.000000000e+01;
	v12 =	vmax.f32 v12, $-1.000000000e+01;
	v14 =	vmax.f32 v14, $-1.000000000e+01  }
0x312: {  	v18 =	vmax.f32 v18, $-1.000000000e+01;
	v3 =	vadd.f32 $1.000000000e+01, v3;
	v4 =	vadd.f32 $1.000000000e+01, v4  }
0x313: {  	v20 =	vmax.f32 v20, $-1.000000000e+01;
	v5 =	vadd.f32 $1.000000000e+01, v5;
	v6 =	vadd.f32 $1.000000000e+01, v6  }
0x314: {  	v19 =	vmax.f32 v19, $-1.000000000e+01;
	v8 =	vadd.f32 $1.000000000e+01, v8;
	v43 =	vadd.f32 $1.000000000e+01, v9  }
0x315: {  	v22 =	vmax.f32 v22, $-1.000000000e+01;
	v9 =	vsub.f32 v44, v1;
	v13 =	vadd.f32 $1.000000000e+01, v13  }
0x316: {  	v63 =	vmax.f32 v21, $-1.000000000e+01;
	v12 =	vadd.f32 $1.000000000e+01, v12;
	v14 =	vadd.f32 $1.000000000e+01, v14  }
0x317: {  	v27 =	vmax.f32 v62, $-1.000000000e+01;
	v18 =	vadd.f32 $1.000000000e+01, v18;
	v20 =	vadd.f32 $1.000000000e+01, v20  }
0x318: {  	v45 =	vld [tilespmem:$0x2250];
	v39 =	vmin.f32 v35, $1.000000000e+01;
	v19 =	vadd.f32 $1.000000000e+01, v19;
	v22 =	vadd.f32 $1.000000000e+01, v22  }
0x319: {  	v28 =	vadd.f32 $1.000000000e+01, v63;
	v3 =	vmul.f32 $2.100000000e+01, v3;
	v5 =	vmul.f32 $2.100000000e+01, v5  }
0x31a: {  	v30 =	vadd.f32 $1.000000000e+01, v27;
	v6 =	vmul.f32 $2.100000000e+01, v6;
	v7 =	vmul.f32 $2.100000000e+01, v43  }
0x31b: {  	v9 =	vmin.f32 v9, $1.000000000e+01;
	v12 =	vmul.f32 $2.100000000e+01, v12;
	v19 =	vmul.f32 $2.100000000e+01, v19  }
0x31c: {  	v9 =	vmax.f32 v9, $-1.000000000e+01;
	v3 =	vadd.f32 v3, v4;
	v6 =	vadd.f32 v6, v8  }
0x31d: {  	v4 =	vmax.f32 v38, $-1.000000000e+01;
	v8 =	vsub.f32 v45, v1;
	v9 =	vadd.f32 $1.000000000e+01, v9  }
0x31e: {  	v32 =	vmul.f32 $2.100000000e+01, v28;
	v12 =	vadd.f32 v12, v14;
	v4 =	vadd.f32 $1.000000000e+01, v4  }
0x31f: {  	v10 =	vld [tilespmem:$0x2300];
	v3 =	vtrunc.f32 v3;
	v6 =	vtrunc.f32 v6;
	v8 =	vmin.f32 v8, $1.000000000e+01  }
0x320: {  	v15 =	vld [tilespmem:$0x2320];
	v9 =	vmul.f32 $2.100000000e+01, v9;
	v12 =	vtrunc.f32 v12;
	v4 =	vadd.f32 v5, v4  }
0x321: {  	v24 =	vld [tilespmem:$0x2360];
	v3 =	vcvt.f32.s32 v3;
	v5 =	vmax.f32 v42, $-1.000000000e+01;
	v6 =	vcvt.f32.s32 v6  }
0x322: {  	v11 =	vld [tilespmem:$0x2310];
	v8 =	vmax.f32 v8, $-1.000000000e+01;
	v12 =	vcvt.f32.s32 v12;
	v5 =	vadd.f32 $1.000000000e+01, v5  }
0x323: {  	v49 =	vld [tilespmem:$0x2270];
	v8 =	vadd.f32 $1.000000000e+01, v8;
	v4 =	vtrunc.f32 v4;
	v3 =	vadd.s32 v3, v0  }
0x324: {  	v37 =	vld [tilespmem:$0x21E0];
	v6 =	vadd.s32 v6, v0;
	v12 =	vadd.s32 v12, v0;
	v4 =	vcvt.f32.s32 v4  }
0x325: {  	v40 =	vld [tilespmem:$0x21F0];
	v10 =	vadd.s32 v10, v3;
	v5 =	vadd.f32 v7, v5;
	v7 =	vmin.f32 v46, $1.000000000e+01  }
0x326: {  	v8 =	vmul.f32 $2.100000000e+01, v8;
	v15 =	vadd.s32 v15, v6;
	v24 =	vadd.s32 v24, v12  }
0x327: {  	v7 =	vmax.f32 v7, $-1.000000000e+01;
	[tilespmem:$0x2510] =	vst v10;
	v10 =	vmin.f32 v31, $1.000000000e+01;
	v4 =	vadd.s32 v4, v0  }
0x328: {  	v5 =	vtrunc.f32 v5;
	v7 =	vadd.f32 $1.000000000e+01, v7;
	v8 =	vadd.f32 v8, v13  }
0x329: {  	v13 =	vsub.f32 v49, v1;
	v10 =	vmax.f32 v10, $-1.000000000e+01;
	v49 =	vsub.f32 v37, v2  }
0x32a: {  	v16 =	vld [tilespmem:$0x2330];
	v2 =	vsub.f32 v40, v2;
	v11 =	vadd.s32 v11, v4;
	v10 =	vadd.f32 $1.000000000e+01, v10  }
0x32b: {  	v41 =	vld [tilespmem:$0x22E0];
	v5 =	vcvt.f32.s32 v5;
	[tilespmem:$0x2420] =	vst v4;
	v4 =	vadd.f32 v32, v30;
	v7 =	vadd.f32 v9, v7  }
0x32c: {  	v43 =	vld [tilespmem:$0x22F0];
	v8 =	vtrunc.f32 v8;
	v13 =	vmin.f32 v13, $1.000000000e+01;
	v57 =	vmin.f32 v49, $1.000000000e+01  }
0x32d: {  	v17 =	vld [tilespmem:$0x2340];
	v2 =	vmin.f32 v2, $1.000000000e+01;
	v5 =	vadd.s32 v5, v0;
	v8 =	vcvt.f32.s32 v8  }
0x32e: {  	v48 =	vld [tilespmem:$0x2350];
	v13 =	vmax.f32 v13, $-1.000000000e+01;
	v10 =	vmul.f32 $2.100000000e+01, v10;
	v4 =	vtrunc.f32 v4  }
0x32f: {  	v2 =	vmax.f32 v2, $-1.000000000e+01;
	v7 =	vtrunc.f32 v7;
	v16 =	vadd.s32 v16, v5  }
0x330: {  	v13 =	vadd.f32 $1.000000000e+01, v13;
	v2 =	vadd.f32 $1.000000000e+01, v2;
	v7 =	vcvt.f32.s32 v7  }
0x331: {  	v4 =	vcvt.f32.s32 v4;
	[tilespmem:$0x2540] =	vst v16;
	v16 =	vsub.f32 v41, v1;
	v1 =	vsub.f32 v43, v1  }
0x332: {  	v8 =	vadd.s32 v8, v0;
	v13 =	vmul.f32 $2.100000000e+01, v13;
	v7 =	vadd.s32 v7, v0  }
0x333: {  	[tilespmem:$0x2410] =	vst v3;
	v9 =	vadd.s32 v48, v8;
	v1 =	vmin.f32 v1, $1.000000000e+01;
	v50 =	vadd.s32 v17, v7  }
0x334: {  	[tilespmem:$0x2430] =	vst v6;
	v17 =	vmin.f32 v51, $1.000000000e+01;
	v13 =	vadd.f32 v13, v18;
	v18 =	vmin.f32 v54, $1.000000000e+01  }
0x335: {  	[tilespmem:$0x2470] =	vst v12;
	v54 =	vmin.f32 v16, $1.000000000e+01;
	v1 =	vmax.f32 v1, $-1.000000000e+01;
	v17 =	vmax.f32 v17, $-1.000000000e+01  }
0x336: {  	[tilespmem:$0x2530] =	vst v15;
	v18 =	vmax.f32 v18, $-1.000000000e+01;
	v1 =	vadd.f32 $1.000000000e+01, v1;
	v17 =	vadd.f32 $1.000000000e+01, v17  }
0x337: {  	v34 =	vld [tilespmem:$0x2370];
	[tilespmem:$0x2570] =	vst v24;
	v18 =	vadd.f32 $1.000000000e+01, v18;
	v3 =	vtrunc.f32 v13;
	v13 =	vmin.f32 v33, $1.000000000e+01  }
0x338: {  	[tilespmem:$0x2520] =	vst v11;
	v3 =	vcvt.f32.s32 v3;
	v38 =	vmax.f32 v13, $-1.000000000e+01;
	v1 =	vmul.f32 $2.100000000e+01, v1  }
0x339: {  	[tilespmem:$0x2440] =	vst v5;
	v13 =	vmax.f32 v39, $-1.000000000e+01;
	v17 =	vmul.f32 $2.100000000e+01, v17;
	v5 =	vadd.f32 $1.000000000e+01, v38  }
0x33a: {  	[tilespmem:$0x2460] =	vst v8;
	v18 =	vmul.f32 $2.100000000e+01, v18;
	v42 =	vadd.f32 $1.000000000e+01, v13;
	v1 =	vadd.f32 v1, v2  }
0x33b: {  	[tilespmem:$0x2560] =	vst v9;
	v3 =	vadd.s32 v3, v0;
	v17 =	vadd.f32 v17, v20;
	v20 =	vmin.f32 v55, $1.000000000e+01  }
0x33c: {  	v63 =	vld [tilespmem:$0x23F0];
	[tilespmem:$0x2450] =	vst v7;
	v18 =	vadd.f32 v18, v22;
	v6 =	vadd.s32 v34, v3;
	v1 =	vtrunc.f32 v1  }
0x33d: {  	v45 =	vld [tilespmem:$0x2380];
	[tilespmem:$0x2550] =	vst v50;
	v20 =	vmax.f32 v20, $-1.000000000e+01;
	v44 =	vtrunc.f32 v17;
	v1 =	vcvt.f32.s32 v1  }
0x33e: {  	v50 =	vld [tilespmem:$0x23A0];
	[tilespmem:$0x2480] =	vst v3;
	v20 =	vadd.f32 $1.000000000e+01, v20;
	v51 =	vtrunc.f32 v18;
	v46 =	vcvt.f32.s32 v44  }
0x33f: {  	v7 =	vadd.f32 v10, v42;
	[tilespmem:$0x2580] =	vst v6;
	v12 =	vcvt.f32.s32 v51;
	v1 =	vadd.s32 v1, v0  }
0x340: {  	v19 =	vadd.f32 v19, v20;
	v20 =	vmin.f32 v29, $1.000000000e+01;
	v8 =	vadd.s32 v46, v0;
	[tilespmem:$0x2500] =	vst v1  }
0x341: {  	v52 =	vld [tilespmem:$0x23B0];
	v20 =	vmax.f32 v20, $-1.000000000e+01;
	v53 =	vadd.s32 v12, v0;
	v12 =	vmax.f32 v54, $-1.000000000e+01;
	[tilespmem:$0x2490] =	vst v8  }
0x342: {  	v1 =	vadd.s32 v63, v1;
	v36 =	vadd.f32 $1.000000000e+01, v20;
	v48 =	vtrunc.f32 v19;
	[tilespmem:$0x24B0] =	vst v53  }
0x343: {  	v47 =	vld [tilespmem:$0x2390];
	v3 =	vadd.s32 v45, v8;
	v56 =	vadd.s32 v50, v53;
	v12 =	vadd.f32 $1.000000000e+01, v12;
	[tilespmem:$0x2600] =	vst v1  }
0x344: {  	[tilespmem:$0x2590] =	vst v3;
	v3 =	vadd.s32 v4, v0;
	v4 =	vmax.f32 v57, $-1.000000000e+01;
	v15 =	vmul.f32 $2.100000000e+01, v36  }
0x345: {  	v61 =	vld [tilespmem:$0x23D0];
	v9 =	vcvt.f32.s32 v48;
	[tilespmem:$0x25B0] =	vst v56;
	v4 =	vadd.f32 $1.000000000e+01, v4;
	v60 =	vmul.f32 $2.100000000e+01, v12  }
0x346: {  	v58 =	vadd.s32 v52, v3;
	[tilespmem:$0x24C0] =	vst v3;
	v3 =	vtrunc.f32 v7;
	v5 =	vadd.f32 v15, v5  }
0x347: {  	v9 =	vadd.s32 v9, v0;
	[tilespmem:$0x25C0] =	vst v58;
	v3 =	vcvt.f32.s32 v3;
	v4 =	vadd.f32 v60, v4  }
0x348: {  	v59 =	vld [tilespmem:$0x23C0];
	v55 =	vadd.s32 v47, v9;
	[tilespmem:$0x24A0] =	vst v9;
	v5 =	vtrunc.f32 v5  }
0x349: {  	v62 =	vld [tilespmem:$0x23E0];
	[tilespmem:$0x25A0] =	vst v55;
	v3 =	vadd.s32 v3, v0;
	v2 =	vtrunc.f32 v4;
	v5 =	vcvt.f32.s32 v5  }
0x34a: {  	[tilespmem:$0x24E0] =	vst v3;
	v3 =	vadd.s32 v61, v3;
	v2 =	vcvt.f32.s32 v2  }
0x34b: {  	[tilespmem:$0x25E0] =	vst v3;
	v5 =	vadd.s32 v5, v0  }
0x34c: {  	v2 =	vadd.s32 v2, v0;
	[tilespmem:$0x24D0] =	vst v5  }
0x34d: {  	v5 =	vadd.s32 v59, v5;
	[tilespmem:$0x24F0] =	vst v2  }
0x34e: {  	v2 =	vadd.s32 v62, v2;
	[tilespmem:$0x25D0] =	vst v5  }
0x34f: {  	s0 =	simm.s32 $0x0;
	[tilespmem:$0x25F0] =	vst v2  }
.LBB2_5:
0x350: {  	v2 =	vld [tilespmem:s0+$0x2410];
	_ =	sdelay $0x5  }
0x351: {  	v1 =	vld [tilespmem:s0+$0x2510];
	_ =	sdelay $0x1  }
0x352: {  	v3 =	vld.idx.msk [tilespmem:v2+s15+$0x0], $0xffff;
	_ =	sdelay $0x1  }
0x353: {  	s18 =	sshll.u32 s0, $0x3  }
0x354: {  	s5 =	sand.u32 $0x40, s0;
	s9 =	sand.u32 $0x400, s18  }
0x355: {  	s11 =	sor.u32 s5, s9  }
0x356: {  	[tilespmem:s11+$0x179B0] =	vst v3  }
0x357: {  	v3 =	vld.idx.msk [tilespmem:v1+s17+$0x0], $0xffff  }
0x358: {  	v4 =	vadd.s32 $0x1B9, v2;
	_ =	sdelay $0x3  }
0x359: {  	[tilespmem:s11+$0x199B0] =	vst v3  }
0x35a: {  	v3 =	vld.idx.msk [tilespmem:v4+s15+$0x0], $0xffff  }
0x35b: {  	v45 =	vadd.s32 $0x6E4, v1;
	_ =	sdelay $0x1  }
0x35c: {  	s10 =	sor.u32 s0, s9  }
0x35d: {  	s6 =	sor.u32 $0x80, s10  }
0x35e: {  	[tilespmem:s6+$0x179B0] =	vst v3  }
0x35f: {  	v3 =	vld.idx.msk [tilespmem:v45+s17+$0x0], $0xffff  }
0x360: {  	v46 =	vadd.s32 $0x372, v2;
	_ =	sdelay $0x3  }
0x361: {  	[tilespmem:s6+$0x199B0] =	vst v3  }
0x362: {  	v3 =	vld.idx.msk [tilespmem:v46+s15+$0x0], $0xffff  }
0x363: {  	v47 =	vadd.s32 $0xDC8, v1;
	_ =	sdelay $0x3  }
0x364: {  	[tilespmem:s11+$0x17AB0] =	vst v3  }
0x365: {  	v3 =	vld.idx.msk [tilespmem:v47+s17+$0x0], $0xffff  }
0x366: {  	v48 =	vadd.s32 $0x52B, v2;
	_ =	sdelay $0x3  }
0x367: {  	[tilespmem:s11+$0x19AB0] =	vst v3  }
0x368: {  	v3 =	vld.idx.msk [tilespmem:v48+s15+$0x0], $0xffff  }
0x369: {  	v49 =	vadd.s32 $0x14AC, v1;
	_ =	sdelay $0x2  }
0x36a: {  	s19 =	sor.u32 $0x180, s10  }
0x36b: {  	[tilespmem:s19+$0x179B0] =	vst v3  }
0x36c: {  	v3 =	vld.idx.msk [tilespmem:v49+s17+$0x0], $0xffff  }
0x36d: {  	v50 =	vadd.s32 $0x6E4, v2;
	_ =	sdelay $0x3  }
0x36e: {  	[tilespmem:s19+$0x199B0] =	vst v3  }
0x36f: {  	v3 =	vld.idx.msk [tilespmem:v50+s15+$0x0], $0xffff  }
0x370: {  	v51 =	vadd.s32 $0x1B90, v1;
	_ =	sdelay $0x1  }
0x371: {  	s7 =	sor.u32 s5, s18  }
0x372: {  	s12 =	sor.u32 $0x200, s7  }
0x373: {  	[tilespmem:s12+$0x179B0] =	vst v3  }
0x374: {  	v9 =	vld.idx.msk [tilespmem:v51+s17+$0x0], $0xffff  }
0x375: {  	v8 =	vld [tilespmem:s0+$0x2420]  }
0x376: {  	v7 =	vld [tilespmem:s0+$0x2430]  }
0x377: {  	v6 =	vld [tilespmem:s0+$0x2440];
	_ =	sdelay $0x2  }
0x378: {  	v4 =	vld [tilespmem:s0+$0x2520]  }
0x379: {  	v5 =	vld [tilespmem:s0+$0x2530]  }
0x37a: {  	v3 =	vld [tilespmem:s0+$0x2540]  }
0x37b: {  	v10 =	vld.idx.msk [tilespmem:v8+s15+$0x0], $0xffff  }
0x37c: {  	v11 =	vld.idx.msk [tilespmem:v7+s15+$0x0], $0xffff  }
0x37d: {  	s20 =	sor.u32 $0x10, s0;
	s6 =	sand.u32 $0x80, s0;
	v12 =	vld.idx.msk [tilespmem:v6+s15+$0x0], $0xffff  }
0x37e: {  	s28 =	sor.u32 $0x20, s0;
	s19 =	ssub.s32 s20, s6  }
0x37f: {  	s29 =	sor.u32 $0x30, s0;
	s20 =	ssub.s32 s28, s6;
	s14 =	sadd.s32 s19, s9  }
0x380: {  	s5 =	ssub.s32 s29, s6;
	s28 =	sadd.s32 s20, s9;
	[tilespmem:s14+$0x179B0] =	vst v10  }
0x381: {  	s6 =	sadd.s32 s5, s9;
	[tilespmem:s28+$0x179B0] =	vst v11;
	v10 =	vld.idx.msk [tilespmem:v4+s17+$0x0], $0xffff  }
0x382: {  	v52 =	vadd.s32 $0x1B9, v8;
	[tilespmem:s6+$0x179B0] =	vst v12;
	v13 =	vld.idx.msk [tilespmem:v5+s17+$0x0], $0xffff  }
0x383: {  	v53 =	vadd.s32 $0x1B9, v7;
	v14 =	vld.idx.msk [tilespmem:v3+s17+$0x0], $0xffff  }
0x384: {  	v15 =	vadd.s32 $0x1B9, v6;
	_ =	sdelay $0x1  }
0x385: {  	[tilespmem:s14+$0x199B0] =	vst v10  }
0x386: {  	[tilespmem:s28+$0x199B0] =	vst v13;
	v10 =	vld.idx.msk [tilespmem:v52+s15+$0x0], $0xffff  }
0x387: {  	v54 =	vadd.s32 $0x6E4, v4;
	[tilespmem:s6+$0x199B0] =	vst v14;
	v12 =	vld.idx.msk [tilespmem:v53+s15+$0x0], $0xffff  }
0x388: {  	v55 =	vadd.s32 $0x6E4, v5;
	v14 =	vld.idx.msk [tilespmem:v15+s15+$0x0], $0xffff  }
0x389: {  	v56 =	vadd.s32 $0x6E4, v3;
	s6 =	sor.u32 $0x80, s9  }
0x38a: {  	s14 =	sadd.s32 s19, s6  }
0x38b: {  	s29 =	sadd.s32 s20, s6;
	[tilespmem:s14+$0x179B0] =	vst v10  }
0x38c: {  	s6 =	sadd.s32 s5, s6;
	[tilespmem:s29+$0x179B0] =	vst v12;
	v10 =	vld.idx.msk [tilespmem:v54+s17+$0x0], $0xffff  }
0x38d: {  	v57 =	vadd.s32 $0x372, v8;
	[tilespmem:s6+$0x179B0] =	vst v14;
	v12 =	vld.idx.msk [tilespmem:v55+s17+$0x0], $0xffff  }
0x38e: {  	v58 =	vadd.s32 $0x372, v7;
	v14 =	vld.idx.msk [tilespmem:v56+s17+$0x0], $0xffff  }
0x38f: {  	v59 =	vadd.s32 $0x372, v6;
	_ =	sdelay $0x1  }
0x390: {  	[tilespmem:s14+$0x199B0] =	vst v10  }
0x391: {  	[tilespmem:s29+$0x199B0] =	vst v12;
	v10 =	vld.idx.msk [tilespmem:v57+s15+$0x0], $0xffff  }
0x392: {  	v60 =	vadd.s32 $0xDC8, v4;
	[tilespmem:s6+$0x199B0] =	vst v14;
	v12 =	vld.idx.msk [tilespmem:v58+s15+$0x0], $0xffff  }
0x393: {  	v61 =	vadd.s32 $0xDC8, v5;
	v14 =	vld.idx.msk [tilespmem:v59+s15+$0x0], $0xffff  }
0x394: {  	v62 =	vadd.s32 $0xDC8, v3;
	s6 =	sor.u32 $0x100, s9  }
0x395: {  	s14 =	sadd.s32 s19, s6  }
0x396: {  	s29 =	sadd.s32 s20, s6;
	[tilespmem:s14+$0x179B0] =	vst v10  }
0x397: {  	s6 =	sadd.s32 s5, s6;
	[tilespmem:s29+$0x179B0] =	vst v12;
	v10 =	vld.idx.msk [tilespmem:v60+s17+$0x0], $0xffff  }
0x398: {  	v63 =	vadd.s32 $0x52B, v8;
	[tilespmem:s6+$0x179B0] =	vst v14;
	v12 =	vld.idx.msk [tilespmem:v61+s17+$0x0], $0xffff  }
0x399: {  	v18 =	vadd.s32 $0x52B, v7;
	v14 =	vld.idx.msk [tilespmem:v62+s17+$0x0], $0xffff  }
0x39a: {  	v19 =	vadd.s32 $0x52B, v6;
	_ =	sdelay $0x1  }
0x39b: {  	[tilespmem:s14+$0x199B0] =	vst v10  }
0x39c: {  	[tilespmem:s29+$0x199B0] =	vst v12;
	v10 =	vld.idx.msk [tilespmem:v63+s15+$0x0], $0xffff  }
0x39d: {  	v20 =	vadd.s32 $0x14AC, v4;
	[tilespmem:s6+$0x199B0] =	vst v14;
	v12 =	vld.idx.msk [tilespmem:v18+s15+$0x0], $0xffff  }
0x39e: {  	v21 =	vadd.s32 $0x14AC, v5;
	v14 =	vld.idx.msk [tilespmem:v19+s15+$0x0], $0xffff  }
0x39f: {  	v22 =	vadd.s32 $0x14AC, v3;
	s6 =	sor.u32 $0x180, s9  }
0x3a0: {  	s14 =	sadd.s32 s19, s6  }
0x3a1: {  	s29 =	sadd.s32 s20, s6;
	[tilespmem:s14+$0x179B0] =	vst v10  }
0x3a2: {  	s6 =	sadd.s32 s5, s6;
	[tilespmem:s29+$0x179B0] =	vst v12;
	v10 =	vld.idx.msk [tilespmem:v20+s17+$0x0], $0xffff  }
0x3a3: {  	v23 =	vadd.s32 $0x6E4, v8;
	[tilespmem:s6+$0x179B0] =	vst v14;
	v12 =	vld.idx.msk [tilespmem:v21+s17+$0x0], $0xffff  }
0x3a4: {  	v24 =	vadd.s32 $0x6E4, v7;
	v14 =	vld.idx.msk [tilespmem:v22+s17+$0x0], $0xffff  }
0x3a5: {  	v25 =	vadd.s32 $0x6E4, v6;
	_ =	sdelay $0x1  }
0x3a6: {  	[tilespmem:s14+$0x199B0] =	vst v10  }
0x3a7: {  	[tilespmem:s29+$0x199B0] =	vst v12;
	v10 =	vld.idx.msk [tilespmem:v23+s15+$0x0], $0xffff  }
0x3a8: {  	v26 =	vadd.s32 $0x1B90, v4;
	[tilespmem:s6+$0x199B0] =	vst v14;
	v12 =	vld.idx.msk [tilespmem:v24+s15+$0x0], $0xffff  }
0x3a9: {  	v27 =	vadd.s32 $0x1B90, v5;
	v14 =	vld.idx.msk [tilespmem:v25+s15+$0x0], $0xffff  }
0x3aa: {  	v28 =	vadd.s32 $0x1B90, v3;
	s6 =	sor.u32 $0x200, s18  }
0x3ab: {  	s14 =	sadd.s32 s19, s6  }
0x3ac: {  	s29 =	sadd.s32 s20, s6;
	[tilespmem:s14+$0x179B0] =	vst v10  }
0x3ad: {  	v29 =	vadd.s32 $0x89D, v2;
	s6 =	sadd.s32 s5, s6;
	[tilespmem:s29+$0x179B0] =	vst v12;
	v11 =	vld.idx.msk [tilespmem:v26+s17+$0x0], $0xffff  }
0x3ae: {  	v30 =	vadd.s32 $0x89D, v8;
	[tilespmem:s6+$0x179B0] =	vst v14;
	v13 =	vld.idx.msk [tilespmem:v27+s17+$0x0], $0xffff  }
0x3af: {  	v31 =	vadd.s32 $0x89D, v7;
	v15 =	vld.idx.msk [tilespmem:v28+s17+$0x0], $0xffff  }
0x3b0: {  	v16 =	vadd.s32 $0x89D, v6  }
0x3b1: {  	[tilespmem:s12+$0x199B0] =	vst v9  }
0x3b2: {  	v9 =	vld.idx.msk [tilespmem:v29+s15+$0x0], $0xffff;
	[tilespmem:s14+$0x199B0] =	vst v11  }
0x3b3: {  	v32 =	vadd.s32 $0x2274, v1;
	[tilespmem:s29+$0x199B0] =	vst v13;
	v11 =	vld.idx.msk [tilespmem:v30+s15+$0x0], $0xffff  }
0x3b4: {  	v33 =	vadd.s32 $0x2274, v4;
	[tilespmem:s6+$0x199B0] =	vst v15;
	v13 =	vld.idx.msk [tilespmem:v31+s15+$0x0], $0xffff  }
0x3b5: {  	s12 =	sor.u32 s0, s18;
	v34 =	vadd.s32 $0x2274, v5;
	v15 =	vld.idx.msk [tilespmem:v16+s15+$0x0], $0xffff  }
0x3b6: {  	v35 =	vadd.s32 $0x2274, v3;
	s6 =	sor.u32 $0x280, s12;
	s14 =	sor.u32 $0x280, s18  }
0x3b7: {  	[tilespmem:s6+$0x179B0] =	vst v9;
	s28 =	sadd.s32 s19, s14  }
0x3b8: {  	s29 =	sadd.s32 s20, s14;
	v9 =	vld.idx.msk [tilespmem:v32+s17+$0x0], $0xffff;
	[tilespmem:s28+$0x179B0] =	vst v11  }
0x3b9: {  	v36 =	vadd.s32 $0xA56, v2;
	s14 =	sadd.s32 s5, s14;
	[tilespmem:s29+$0x179B0] =	vst v13;
	v11 =	vld.idx.msk [tilespmem:v33+s17+$0x0], $0xffff  }
0x3ba: {  	v37 =	vadd.s32 $0xA56, v8;
	[tilespmem:s14+$0x179B0] =	vst v15;
	v13 =	vld.idx.msk [tilespmem:v34+s17+$0x0], $0xffff  }
0x3bb: {  	v38 =	vadd.s32 $0xA56, v7;
	v15 =	vld.idx.msk [tilespmem:v35+s17+$0x0], $0xffff  }
0x3bc: {  	v39 =	vadd.s32 $0xA56, v6  }
0x3bd: {  	[tilespmem:s6+$0x199B0] =	vst v9  }
0x3be: {  	v9 =	vld.idx.msk [tilespmem:v36+s15+$0x0], $0xffff;
	[tilespmem:s28+$0x199B0] =	vst v11  }
0x3bf: {  	v40 =	vadd.s32 $0x2958, v1;
	[tilespmem:s29+$0x199B0] =	vst v13;
	v11 =	vld.idx.msk [tilespmem:v37+s15+$0x0], $0xffff  }
0x3c0: {  	v41 =	vadd.s32 $0x2958, v4;
	[tilespmem:s14+$0x199B0] =	vst v15;
	v13 =	vld.idx.msk [tilespmem:v38+s15+$0x0], $0xffff  }
0x3c1: {  	v42 =	vadd.s32 $0x2958, v5;
	v15 =	vld.idx.msk [tilespmem:v39+s15+$0x0], $0xffff  }
0x3c2: {  	v43 =	vadd.s32 $0x2958, v3;
	s6 =	sor.u32 $0x300, s7;
	s14 =	sor.u32 $0x300, s18  }
0x3c3: {  	[tilespmem:s6+$0x179B0] =	vst v9;
	s28 =	sadd.s32 s19, s14  }
0x3c4: {  	s29 =	sadd.s32 s20, s14;
	v9 =	vld.idx.msk [tilespmem:v40+s17+$0x0], $0xffff;
	[tilespmem:s28+$0x179B0] =	vst v11  }
0x3c5: {  	v44 =	vadd.s32 $0xC0F, v2;
	s14 =	sadd.s32 s5, s14;
	[tilespmem:s29+$0x179B0] =	vst v13;
	v11 =	vld.idx.msk [tilespmem:v41+s17+$0x0], $0xffff  }
0x3c6: {  	v45 =	vadd.s32 $0xC0F, v8;
	[tilespmem:s14+$0x179B0] =	vst v15;
	v13 =	vld.idx.msk [tilespmem:v42+s17+$0x0], $0xffff  }
0x3c7: {  	v46 =	vadd.s32 $0xC0F, v7;
	v15 =	vld.idx.msk [tilespmem:v43+s17+$0x0], $0xffff  }
0x3c8: {  	v47 =	vadd.s32 $0xC0F, v6  }
0x3c9: {  	[tilespmem:s6+$0x199B0] =	vst v9  }
0x3ca: {  	v9 =	vld.idx.msk [tilespmem:v44+s15+$0x0], $0xffff;
	[tilespmem:s28+$0x199B0] =	vst v11  }
0x3cb: {  	v48 =	vadd.s32 $0x303C, v1;
	[tilespmem:s29+$0x199B0] =	vst v13;
	v11 =	vld.idx.msk [tilespmem:v45+s15+$0x0], $0xffff  }
0x3cc: {  	v49 =	vadd.s32 $0x303C, v4;
	[tilespmem:s14+$0x199B0] =	vst v15;
	v13 =	vld.idx.msk [tilespmem:v46+s15+$0x0], $0xffff  }
0x3cd: {  	v50 =	vadd.s32 $0x303C, v5;
	v15 =	vld.idx.msk [tilespmem:v47+s15+$0x0], $0xffff  }
0x3ce: {  	v51 =	vadd.s32 $0x303C, v3;
	s6 =	sor.u32 $0x380, s12;
	s14 =	sor.u32 $0x380, s18  }
0x3cf: {  	[tilespmem:s6+$0x179B0] =	vst v9;
	s28 =	sadd.s32 s19, s14  }
0x3d0: {  	s29 =	sadd.s32 s20, s14;
	v9 =	vld.idx.msk [tilespmem:v48+s17+$0x0], $0xffff;
	[tilespmem:s28+$0x179B0] =	vst v11  }
0x3d1: {  	v52 =	vadd.s32 $0xDC8, v2;
	s14 =	sadd.s32 s5, s14;
	[tilespmem:s29+$0x179B0] =	vst v13;
	v11 =	vld.idx.msk [tilespmem:v49+s17+$0x0], $0xffff  }
0x3d2: {  	v53 =	vadd.s32 $0xDC8, v8;
	[tilespmem:s14+$0x179B0] =	vst v15;
	v13 =	vld.idx.msk [tilespmem:v50+s17+$0x0], $0xffff  }
0x3d3: {  	v54 =	vadd.s32 $0xDC8, v7;
	v15 =	vld.idx.msk [tilespmem:v51+s17+$0x0], $0xffff  }
0x3d4: {  	v55 =	vadd.s32 $0xDC8, v6  }
0x3d5: {  	[tilespmem:s6+$0x199B0] =	vst v9  }
0x3d6: {  	v9 =	vld.idx.msk [tilespmem:v52+s15+$0x0], $0xffff;
	[tilespmem:s28+$0x199B0] =	vst v11  }
0x3d7: {  	v56 =	vadd.s32 $0x3720, v1;
	[tilespmem:s29+$0x199B0] =	vst v13;
	v11 =	vld.idx.msk [tilespmem:v53+s15+$0x0], $0xffff  }
0x3d8: {  	v57 =	vadd.s32 $0x3720, v4;
	[tilespmem:s14+$0x199B0] =	vst v15;
	v13 =	vld.idx.msk [tilespmem:v54+s15+$0x0], $0xffff  }
0x3d9: {  	v58 =	vadd.s32 $0x3720, v5;
	v15 =	vld.idx.msk [tilespmem:v55+s15+$0x0], $0xffff  }
0x3da: {  	v59 =	vadd.s32 $0x3720, v3;
	s6 =	sor.u32 $0x800, s9  }
0x3db: {  	s14 =	sadd.s32 s19, s6;
	[tilespmem:s11+$0x181B0] =	vst v9  }
0x3dc: {  	s29 =	sadd.s32 s20, s6;
	v9 =	vld.idx.msk [tilespmem:v56+s17+$0x0], $0xffff;
	[tilespmem:s14+$0x179B0] =	vst v11  }
0x3dd: {  	v60 =	vadd.s32 $0xF81, v2;
	s6 =	sadd.s32 s5, s6;
	[tilespmem:s29+$0x179B0] =	vst v13;
	v11 =	vld.idx.msk [tilespmem:v57+s17+$0x0], $0xffff  }
0x3de: {  	v61 =	vadd.s32 $0xF81, v8;
	[tilespmem:s6+$0x179B0] =	vst v15;
	v13 =	vld.idx.msk [tilespmem:v58+s17+$0x0], $0xffff  }
0x3df: {  	v62 =	vadd.s32 $0xF81, v7;
	v15 =	vld.idx.msk [tilespmem:v59+s17+$0x0], $0xffff  }
0x3e0: {  	v63 =	vadd.s32 $0xF81, v6  }
0x3e1: {  	[tilespmem:s11+$0x1A1B0] =	vst v9  }
0x3e2: {  	v9 =	vld.idx.msk [tilespmem:v60+s15+$0x0], $0xffff;
	[tilespmem:s14+$0x199B0] =	vst v11  }
0x3e3: {  	v20 =	vadd.s32 $0x3E04, v1;
	[tilespmem:s29+$0x199B0] =	vst v13;
	v11 =	vld.idx.msk [tilespmem:v61+s15+$0x0], $0xffff  }
0x3e4: {  	v21 =	vadd.s32 $0x3E04, v4;
	[tilespmem:s6+$0x199B0] =	vst v15;
	v13 =	vld.idx.msk [tilespmem:v62+s15+$0x0], $0xffff  }
0x3e5: {  	v22 =	vadd.s32 $0x3E04, v5;
	v15 =	vld.idx.msk [tilespmem:v63+s15+$0x0], $0xffff  }
0x3e6: {  	v23 =	vadd.s32 $0x3E04, v3;
	s6 =	sor.u32 $0x880, s10;
	s14 =	sor.u32 $0x880, s9  }
0x3e7: {  	[tilespmem:s6+$0x179B0] =	vst v9;
	s28 =	sadd.s32 s19, s14  }
0x3e8: {  	s29 =	sadd.s32 s20, s14;
	v9 =	vld.idx.msk [tilespmem:v20+s17+$0x0], $0xffff;
	[tilespmem:s28+$0x179B0] =	vst v11  }
0x3e9: {  	v24 =	vadd.s32 $0x113A, v2;
	s14 =	sadd.s32 s5, s14;
	[tilespmem:s29+$0x179B0] =	vst v13;
	v11 =	vld.idx.msk [tilespmem:v21+s17+$0x0], $0xffff  }
0x3ea: {  	v25 =	vadd.s32 $0x113A, v8;
	[tilespmem:s14+$0x179B0] =	vst v15;
	v13 =	vld.idx.msk [tilespmem:v22+s17+$0x0], $0xffff  }
0x3eb: {  	v26 =	vadd.s32 $0x113A, v7;
	v15 =	vld.idx.msk [tilespmem:v23+s17+$0x0], $0xffff  }
0x3ec: {  	v27 =	vadd.s32 $0x113A, v6  }
0x3ed: {  	[tilespmem:s6+$0x199B0] =	vst v9  }
0x3ee: {  	v9 =	vld.idx.msk [tilespmem:v24+s15+$0x0], $0xffff;
	[tilespmem:s28+$0x199B0] =	vst v11  }
0x3ef: {  	v28 =	vadd.s32 $0x44E8, v1;
	[tilespmem:s29+$0x199B0] =	vst v13;
	v11 =	vld.idx.msk [tilespmem:v25+s15+$0x0], $0xffff  }
0x3f0: {  	v29 =	vadd.s32 $0x44E8, v4;
	[tilespmem:s14+$0x199B0] =	vst v15;
	v13 =	vld.idx.msk [tilespmem:v26+s15+$0x0], $0xffff  }
0x3f1: {  	v30 =	vadd.s32 $0x44E8, v5;
	v15 =	vld.idx.msk [tilespmem:v27+s15+$0x0], $0xffff  }
0x3f2: {  	v31 =	vadd.s32 $0x44E8, v3;
	s6 =	sor.u32 $0x900, s9  }
0x3f3: {  	s14 =	sadd.s32 s19, s6;
	[tilespmem:s11+$0x182B0] =	vst v9  }
0x3f4: {  	s29 =	sadd.s32 s20, s6;
	v9 =	vld.idx.msk [tilespmem:v28+s17+$0x0], $0xffff;
	[tilespmem:s14+$0x179B0] =	vst v11  }
0x3f5: {  	v32 =	vadd.s32 $0x12F3, v2;
	s6 =	sadd.s32 s5, s6;
	[tilespmem:s29+$0x179B0] =	vst v13;
	v11 =	vld.idx.msk [tilespmem:v29+s17+$0x0], $0xffff  }
0x3f6: {  	v33 =	vadd.s32 $0x12F3, v8;
	[tilespmem:s6+$0x179B0] =	vst v15;
	v13 =	vld.idx.msk [tilespmem:v30+s17+$0x0], $0xffff  }
0x3f7: {  	v34 =	vadd.s32 $0x12F3, v7;
	v15 =	vld.idx.msk [tilespmem:v31+s17+$0x0], $0xffff  }
0x3f8: {  	v35 =	vadd.s32 $0x12F3, v6  }
0x3f9: {  	[tilespmem:s11+$0x1A2B0] =	vst v9  }
0x3fa: {  	v9 =	vld.idx.msk [tilespmem:v32+s15+$0x0], $0xffff;
	[tilespmem:s14+$0x199B0] =	vst v11  }
0x3fb: {  	v36 =	vadd.s32 $0x4BCC, v1;
	[tilespmem:s29+$0x199B0] =	vst v13;
	v11 =	vld.idx.msk [tilespmem:v33+s15+$0x0], $0xffff  }
0x3fc: {  	v37 =	vadd.s32 $0x4BCC, v4;
	[tilespmem:s6+$0x199B0] =	vst v15;
	v13 =	vld.idx.msk [tilespmem:v34+s15+$0x0], $0xffff  }
0x3fd: {  	v38 =	vadd.s32 $0x4BCC, v5;
	v15 =	vld.idx.msk [tilespmem:v35+s15+$0x0], $0xffff  }
0x3fe: {  	v39 =	vadd.s32 $0x4BCC, v3;
	s6 =	sor.u32 $0x980, s10;
	s14 =	sor.u32 $0x980, s9  }
0x3ff: {  	[tilespmem:s6+$0x179B0] =	vst v9;
	s28 =	sadd.s32 s19, s14  }
0x400: {  	s29 =	sadd.s32 s20, s14;
	v9 =	vld.idx.msk [tilespmem:v36+s17+$0x0], $0xffff;
	[tilespmem:s28+$0x179B0] =	vst v11  }
0x401: {  	v40 =	vadd.s32 $0x14AC, v2;
	s14 =	sadd.s32 s5, s14;
	[tilespmem:s29+$0x179B0] =	vst v13;
	v11 =	vld.idx.msk [tilespmem:v37+s17+$0x0], $0xffff  }
0x402: {  	v41 =	vadd.s32 $0x14AC, v8;
	[tilespmem:s14+$0x179B0] =	vst v15;
	v13 =	vld.idx.msk [tilespmem:v38+s17+$0x0], $0xffff  }
0x403: {  	v42 =	vadd.s32 $0x14AC, v7;
	v15 =	vld.idx.msk [tilespmem:v39+s17+$0x0], $0xffff  }
0x404: {  	v43 =	vadd.s32 $0x14AC, v6  }
0x405: {  	[tilespmem:s6+$0x199B0] =	vst v9  }
0x406: {  	v9 =	vld.idx.msk [tilespmem:v40+s15+$0x0], $0xffff;
	[tilespmem:s28+$0x199B0] =	vst v11  }
0x407: {  	v44 =	vadd.s32 $0x52B0, v1;
	[tilespmem:s29+$0x199B0] =	vst v13;
	v11 =	vld.idx.msk [tilespmem:v41+s15+$0x0], $0xffff  }
0x408: {  	v45 =	vadd.s32 $0x52B0, v4;
	[tilespmem:s14+$0x199B0] =	vst v15;
	v13 =	vld.idx.msk [tilespmem:v42+s15+$0x0], $0xffff  }
0x409: {  	v46 =	vadd.s32 $0x52B0, v5;
	v15 =	vld.idx.msk [tilespmem:v43+s15+$0x0], $0xffff  }
0x40a: {  	v47 =	vadd.s32 $0x52B0, v3;
	s6 =	sor.u32 $0xA00, s7;
	s14 =	sor.u32 $0xA00, s18  }
0x40b: {  	[tilespmem:s6+$0x179B0] =	vst v9;
	s28 =	sadd.s32 s19, s14  }
0x40c: {  	s29 =	sadd.s32 s20, s14;
	v9 =	vld.idx.msk [tilespmem:v44+s17+$0x0], $0xffff;
	[tilespmem:s28+$0x179B0] =	vst v11  }
0x40d: {  	v48 =	vadd.s32 $0x1665, v2;
	s14 =	sadd.s32 s5, s14;
	[tilespmem:s29+$0x179B0] =	vst v13;
	v11 =	vld.idx.msk [tilespmem:v45+s17+$0x0], $0xffff  }
0x40e: {  	v49 =	vadd.s32 $0x1665, v8;
	[tilespmem:s14+$0x179B0] =	vst v15;
	v13 =	vld.idx.msk [tilespmem:v46+s17+$0x0], $0xffff  }
0x40f: {  	v50 =	vadd.s32 $0x1665, v7;
	v15 =	vld.idx.msk [tilespmem:v47+s17+$0x0], $0xffff  }
0x410: {  	v51 =	vadd.s32 $0x1665, v6  }
0x411: {  	[tilespmem:s6+$0x199B0] =	vst v9  }
0x412: {  	v9 =	vld.idx.msk [tilespmem:v48+s15+$0x0], $0xffff;
	[tilespmem:s28+$0x199B0] =	vst v11  }
0x413: {  	v52 =	vadd.s32 $0x5994, v1;
	[tilespmem:s29+$0x199B0] =	vst v13;
	v11 =	vld.idx.msk [tilespmem:v49+s15+$0x0], $0xffff  }
0x414: {  	v53 =	vadd.s32 $0x5994, v4;
	[tilespmem:s14+$0x199B0] =	vst v15;
	v13 =	vld.idx.msk [tilespmem:v50+s15+$0x0], $0xffff  }
0x415: {  	v54 =	vadd.s32 $0x5994, v5;
	v15 =	vld.idx.msk [tilespmem:v51+s15+$0x0], $0xffff  }
0x416: {  	v55 =	vadd.s32 $0x5994, v3;
	s6 =	sor.u32 $0xA80, s12;
	s14 =	sor.u32 $0xA80, s18  }
0x417: {  	[tilespmem:s6+$0x179B0] =	vst v9;
	s28 =	sadd.s32 s19, s14  }
0x418: {  	s29 =	sadd.s32 s20, s14;
	v9 =	vld.idx.msk [tilespmem:v52+s17+$0x0], $0xffff;
	[tilespmem:s28+$0x179B0] =	vst v11  }
0x419: {  	v56 =	vadd.s32 $0x181E, v2;
	s14 =	sadd.s32 s5, s14;
	[tilespmem:s29+$0x179B0] =	vst v13;
	v11 =	vld.idx.msk [tilespmem:v53+s17+$0x0], $0xffff  }
0x41a: {  	v57 =	vadd.s32 $0x181E, v8;
	[tilespmem:s14+$0x179B0] =	vst v15;
	v13 =	vld.idx.msk [tilespmem:v54+s17+$0x0], $0xffff  }
0x41b: {  	v58 =	vadd.s32 $0x181E, v7;
	v15 =	vld.idx.msk [tilespmem:v55+s17+$0x0], $0xffff  }
0x41c: {  	v59 =	vadd.s32 $0x181E, v6  }
0x41d: {  	[tilespmem:s6+$0x199B0] =	vst v9  }
0x41e: {  	v9 =	vld.idx.msk [tilespmem:v56+s15+$0x0], $0xffff;
	[tilespmem:s28+$0x199B0] =	vst v11  }
0x41f: {  	v60 =	vadd.s32 $0x6078, v1;
	[tilespmem:s29+$0x199B0] =	vst v13;
	v11 =	vld.idx.msk [tilespmem:v57+s15+$0x0], $0xffff  }
0x420: {  	v61 =	vadd.s32 $0x6078, v4;
	[tilespmem:s14+$0x199B0] =	vst v15;
	v13 =	vld.idx.msk [tilespmem:v58+s15+$0x0], $0xffff  }
0x421: {  	v62 =	vadd.s32 $0x6078, v5;
	v15 =	vld.idx.msk [tilespmem:v59+s15+$0x0], $0xffff  }
0x422: {  	v63 =	vadd.s32 $0x6078, v3;
	s6 =	sor.u32 $0xB00, s7;
	s14 =	sor.u32 $0xB00, s18  }
0x423: {  	[tilespmem:s6+$0x179B0] =	vst v9;
	s28 =	sadd.s32 s19, s14  }
0x424: {  	s29 =	sadd.s32 s20, s14;
	v9 =	vld.idx.msk [tilespmem:v60+s17+$0x0], $0xffff;
	[tilespmem:s28+$0x179B0] =	vst v11  }
0x425: {  	v20 =	vadd.s32 $0x19D7, v2;
	s14 =	sadd.s32 s5, s14;
	[tilespmem:s29+$0x179B0] =	vst v13;
	v11 =	vld.idx.msk [tilespmem:v61+s17+$0x0], $0xffff  }
0x426: {  	v21 =	vadd.s32 $0x19D7, v8;
	[tilespmem:s14+$0x179B0] =	vst v15;
	v13 =	vld.idx.msk [tilespmem:v62+s17+$0x0], $0xffff  }
0x427: {  	v22 =	vadd.s32 $0x19D7, v7;
	v15 =	vld.idx.msk [tilespmem:v63+s17+$0x0], $0xffff  }
0x428: {  	v23 =	vadd.s32 $0x19D7, v6  }
0x429: {  	[tilespmem:s6+$0x199B0] =	vst v9  }
0x42a: {  	v9 =	vld.idx.msk [tilespmem:v20+s15+$0x0], $0xffff;
	[tilespmem:s28+$0x199B0] =	vst v11  }
0x42b: {  	v24 =	vadd.s32 $0x675C, v1;
	[tilespmem:s29+$0x199B0] =	vst v13;
	v11 =	vld.idx.msk [tilespmem:v21+s15+$0x0], $0xffff  }
0x42c: {  	v25 =	vadd.s32 $0x675C, v4;
	[tilespmem:s14+$0x199B0] =	vst v15;
	v13 =	vld.idx.msk [tilespmem:v22+s15+$0x0], $0xffff  }
0x42d: {  	v26 =	vadd.s32 $0x675C, v5;
	v15 =	vld.idx.msk [tilespmem:v23+s15+$0x0], $0xffff  }
0x42e: {  	v27 =	vadd.s32 $0x675C, v3;
	s6 =	sor.u32 $0xB80, s12;
	s14 =	sor.u32 $0xB80, s18  }
0x42f: {  	[tilespmem:s6+$0x179B0] =	vst v9;
	s28 =	sadd.s32 s19, s14  }
0x430: {  	s29 =	sadd.s32 s20, s14;
	v9 =	vld.idx.msk [tilespmem:v24+s17+$0x0], $0xffff;
	[tilespmem:s28+$0x179B0] =	vst v11  }
0x431: {  	v28 =	vadd.s32 $0x1B90, v2;
	s14 =	sadd.s32 s5, s14;
	[tilespmem:s29+$0x179B0] =	vst v13;
	v11 =	vld.idx.msk [tilespmem:v25+s17+$0x0], $0xffff  }
0x432: {  	v29 =	vadd.s32 $0x1B90, v8;
	[tilespmem:s14+$0x179B0] =	vst v15;
	v13 =	vld.idx.msk [tilespmem:v26+s17+$0x0], $0xffff  }
0x433: {  	v30 =	vadd.s32 $0x1B90, v7;
	v15 =	vld.idx.msk [tilespmem:v27+s17+$0x0], $0xffff  }
0x434: {  	v31 =	vadd.s32 $0x1B90, v6  }
0x435: {  	[tilespmem:s6+$0x199B0] =	vst v9  }
0x436: {  	v9 =	vld.idx.msk [tilespmem:v28+s15+$0x0], $0xffff;
	[tilespmem:s28+$0x199B0] =	vst v11  }
0x437: {  	v32 =	vadd.s32 $0x6E40, v1;
	[tilespmem:s29+$0x199B0] =	vst v13;
	v11 =	vld.idx.msk [tilespmem:v29+s15+$0x0], $0xffff  }
0x438: {  	v33 =	vadd.s32 $0x6E40, v4;
	[tilespmem:s14+$0x199B0] =	vst v15;
	v13 =	vld.idx.msk [tilespmem:v30+s15+$0x0], $0xffff  }
0x439: {  	v34 =	vadd.s32 $0x6E40, v5;
	v15 =	vld.idx.msk [tilespmem:v31+s15+$0x0], $0xffff  }
0x43a: {  	v35 =	vadd.s32 $0x6E40, v3;
	s6 =	sor.u32 $0x1000, s9  }
0x43b: {  	s14 =	sadd.s32 s19, s6;
	[tilespmem:s11+$0x189B0] =	vst v9  }
0x43c: {  	s29 =	sadd.s32 s20, s6;
	v9 =	vld.idx.msk [tilespmem:v32+s17+$0x0], $0xffff;
	[tilespmem:s14+$0x179B0] =	vst v11  }
0x43d: {  	v36 =	vadd.s32 $0x1D49, v2;
	s6 =	sadd.s32 s5, s6;
	[tilespmem:s29+$0x179B0] =	vst v13;
	v11 =	vld.idx.msk [tilespmem:v33+s17+$0x0], $0xffff  }
0x43e: {  	v37 =	vadd.s32 $0x1D49, v8;
	[tilespmem:s6+$0x179B0] =	vst v15;
	v13 =	vld.idx.msk [tilespmem:v34+s17+$0x0], $0xffff  }
0x43f: {  	v38 =	vadd.s32 $0x1D49, v7;
	v15 =	vld.idx.msk [tilespmem:v35+s17+$0x0], $0xffff  }
0x440: {  	v39 =	vadd.s32 $0x1D49, v6  }
0x441: {  	[tilespmem:s11+$0x1A9B0] =	vst v9  }
0x442: {  	v9 =	vld.idx.msk [tilespmem:v36+s15+$0x0], $0xffff;
	[tilespmem:s14+$0x199B0] =	vst v11  }
0x443: {  	v40 =	vadd.s32 $0x7524, v1;
	[tilespmem:s29+$0x199B0] =	vst v13;
	v11 =	vld.idx.msk [tilespmem:v37+s15+$0x0], $0xffff  }
0x444: {  	v41 =	vadd.s32 $0x7524, v4;
	[tilespmem:s6+$0x199B0] =	vst v15;
	v13 =	vld.idx.msk [tilespmem:v38+s15+$0x0], $0xffff  }
0x445: {  	v42 =	vadd.s32 $0x7524, v5;
	v15 =	vld.idx.msk [tilespmem:v39+s15+$0x0], $0xffff  }
0x446: {  	v43 =	vadd.s32 $0x7524, v3;
	s6 =	sor.u32 $0x1080, s10;
	s14 =	sor.u32 $0x1080, s9  }
0x447: {  	[tilespmem:s6+$0x179B0] =	vst v9;
	s28 =	sadd.s32 s19, s14  }
0x448: {  	s29 =	sadd.s32 s20, s14;
	v9 =	vld.idx.msk [tilespmem:v40+s17+$0x0], $0xffff;
	[tilespmem:s28+$0x179B0] =	vst v11  }
0x449: {  	v44 =	vadd.s32 $0x1F02, v2;
	s14 =	sadd.s32 s5, s14;
	[tilespmem:s29+$0x179B0] =	vst v13;
	v11 =	vld.idx.msk [tilespmem:v41+s17+$0x0], $0xffff  }
0x44a: {  	v45 =	vadd.s32 $0x1F02, v8;
	[tilespmem:s14+$0x179B0] =	vst v15;
	v13 =	vld.idx.msk [tilespmem:v42+s17+$0x0], $0xffff  }
0x44b: {  	v46 =	vadd.s32 $0x1F02, v7;
	v15 =	vld.idx.msk [tilespmem:v43+s17+$0x0], $0xffff  }
0x44c: {  	v47 =	vadd.s32 $0x1F02, v6  }
0x44d: {  	[tilespmem:s6+$0x199B0] =	vst v9  }
0x44e: {  	v9 =	vld.idx.msk [tilespmem:v44+s15+$0x0], $0xffff;
	[tilespmem:s28+$0x199B0] =	vst v11  }
0x44f: {  	v48 =	vadd.s32 $0x7C08, v1;
	[tilespmem:s29+$0x199B0] =	vst v13;
	v11 =	vld.idx.msk [tilespmem:v45+s15+$0x0], $0xffff  }
0x450: {  	v49 =	vadd.s32 $0x7C08, v4;
	[tilespmem:s14+$0x199B0] =	vst v15;
	v13 =	vld.idx.msk [tilespmem:v46+s15+$0x0], $0xffff  }
0x451: {  	v50 =	vadd.s32 $0x7C08, v5;
	v15 =	vld.idx.msk [tilespmem:v47+s15+$0x0], $0xffff  }
0x452: {  	v51 =	vadd.s32 $0x7C08, v3;
	s6 =	sor.u32 $0x1100, s9  }
0x453: {  	s14 =	sadd.s32 s19, s6;
	[tilespmem:s11+$0x18AB0] =	vst v9  }
0x454: {  	s29 =	sadd.s32 s20, s6;
	v9 =	vld.idx.msk [tilespmem:v48+s17+$0x0], $0xffff;
	[tilespmem:s14+$0x179B0] =	vst v11  }
0x455: {  	v52 =	vadd.s32 $0x20BB, v2;
	s6 =	sadd.s32 s5, s6;
	[tilespmem:s29+$0x179B0] =	vst v13;
	v11 =	vld.idx.msk [tilespmem:v49+s17+$0x0], $0xffff  }
0x456: {  	v53 =	vadd.s32 $0x20BB, v8;
	[tilespmem:s6+$0x179B0] =	vst v15;
	v13 =	vld.idx.msk [tilespmem:v50+s17+$0x0], $0xffff  }
0x457: {  	v54 =	vadd.s32 $0x20BB, v7;
	v15 =	vld.idx.msk [tilespmem:v51+s17+$0x0], $0xffff  }
0x458: {  	v55 =	vadd.s32 $0x20BB, v6  }
0x459: {  	[tilespmem:s11+$0x1AAB0] =	vst v9  }
0x45a: {  	v9 =	vld.idx.msk [tilespmem:v52+s15+$0x0], $0xffff;
	[tilespmem:s14+$0x199B0] =	vst v11  }
0x45b: {  	v56 =	vadd.s32 $0x82EC, v1;
	[tilespmem:s29+$0x199B0] =	vst v13;
	v11 =	vld.idx.msk [tilespmem:v53+s15+$0x0], $0xffff  }
0x45c: {  	v57 =	vadd.s32 $0x82EC, v4;
	[tilespmem:s6+$0x199B0] =	vst v15;
	v13 =	vld.idx.msk [tilespmem:v54+s15+$0x0], $0xffff  }
0x45d: {  	v58 =	vadd.s32 $0x82EC, v5;
	v15 =	vld.idx.msk [tilespmem:v55+s15+$0x0], $0xffff  }
0x45e: {  	v59 =	vadd.s32 $0x82EC, v3;
	s6 =	sor.u32 $0x1180, s10;
	s14 =	sor.u32 $0x1180, s9  }
0x45f: {  	[tilespmem:s6+$0x179B0] =	vst v9;
	s28 =	sadd.s32 s19, s14  }
0x460: {  	s29 =	sadd.s32 s20, s14;
	v9 =	vld.idx.msk [tilespmem:v56+s17+$0x0], $0xffff;
	[tilespmem:s28+$0x179B0] =	vst v11  }
0x461: {  	v60 =	vadd.s32 $0x2274, v2;
	s14 =	sadd.s32 s5, s14;
	[tilespmem:s29+$0x179B0] =	vst v13;
	v11 =	vld.idx.msk [tilespmem:v57+s17+$0x0], $0xffff  }
0x462: {  	v61 =	vadd.s32 $0x2274, v8;
	[tilespmem:s14+$0x179B0] =	vst v15;
	v13 =	vld.idx.msk [tilespmem:v58+s17+$0x0], $0xffff  }
0x463: {  	v62 =	vadd.s32 $0x2274, v7;
	v15 =	vld.idx.msk [tilespmem:v59+s17+$0x0], $0xffff  }
0x464: {  	v63 =	vadd.s32 $0x2274, v6  }
0x465: {  	[tilespmem:s6+$0x199B0] =	vst v9  }
0x466: {  	v9 =	vld.idx.msk [tilespmem:v60+s15+$0x0], $0xffff;
	[tilespmem:s28+$0x199B0] =	vst v11  }
0x467: {  	v20 =	vadd.s32 $0x89D0, v1;
	[tilespmem:s29+$0x199B0] =	vst v13;
	v11 =	vld.idx.msk [tilespmem:v61+s15+$0x0], $0xffff  }
0x468: {  	v21 =	vadd.s32 $0x89D0, v4;
	[tilespmem:s14+$0x199B0] =	vst v15;
	v13 =	vld.idx.msk [tilespmem:v62+s15+$0x0], $0xffff  }
0x469: {  	v22 =	vadd.s32 $0x89D0, v5;
	v15 =	vld.idx.msk [tilespmem:v63+s15+$0x0], $0xffff  }
0x46a: {  	v23 =	vadd.s32 $0x89D0, v3;
	s6 =	sor.u32 $0x1200, s7;
	s14 =	sor.u32 $0x1200, s18  }
0x46b: {  	[tilespmem:s6+$0x179B0] =	vst v9;
	s28 =	sadd.s32 s19, s14  }
0x46c: {  	s29 =	sadd.s32 s20, s14;
	v9 =	vld.idx.msk [tilespmem:v20+s17+$0x0], $0xffff;
	[tilespmem:s28+$0x179B0] =	vst v11  }
0x46d: {  	v24 =	vadd.s32 $0x242D, v2;
	s14 =	sadd.s32 s5, s14;
	[tilespmem:s29+$0x179B0] =	vst v13;
	v11 =	vld.idx.msk [tilespmem:v21+s17+$0x0], $0xffff  }
0x46e: {  	v25 =	vadd.s32 $0x242D, v8;
	[tilespmem:s14+$0x179B0] =	vst v15;
	v13 =	vld.idx.msk [tilespmem:v22+s17+$0x0], $0xffff  }
0x46f: {  	v26 =	vadd.s32 $0x242D, v7;
	v15 =	vld.idx.msk [tilespmem:v23+s17+$0x0], $0xffff  }
0x470: {  	v27 =	vadd.s32 $0x242D, v6  }
0x471: {  	[tilespmem:s6+$0x199B0] =	vst v9  }
0x472: {  	v9 =	vld.idx.msk [tilespmem:v24+s15+$0x0], $0xffff;
	[tilespmem:s28+$0x199B0] =	vst v11  }
0x473: {  	v28 =	vadd.s32 $0x90B4, v1;
	[tilespmem:s29+$0x199B0] =	vst v13;
	v11 =	vld.idx.msk [tilespmem:v25+s15+$0x0], $0xffff  }
0x474: {  	v29 =	vadd.s32 $0x90B4, v4;
	[tilespmem:s14+$0x199B0] =	vst v15;
	v13 =	vld.idx.msk [tilespmem:v26+s15+$0x0], $0xffff  }
0x475: {  	v30 =	vadd.s32 $0x90B4, v5;
	v15 =	vld.idx.msk [tilespmem:v27+s15+$0x0], $0xffff  }
0x476: {  	v31 =	vadd.s32 $0x90B4, v3;
	s6 =	sor.u32 $0x1280, s12;
	s14 =	sor.u32 $0x1280, s18  }
0x477: {  	[tilespmem:s6+$0x179B0] =	vst v9;
	s28 =	sadd.s32 s19, s14  }
0x478: {  	s29 =	sadd.s32 s20, s14;
	v9 =	vld.idx.msk [tilespmem:v28+s17+$0x0], $0xffff;
	[tilespmem:s28+$0x179B0] =	vst v11  }
0x479: {  	v32 =	vadd.s32 $0x25E6, v2;
	s14 =	sadd.s32 s5, s14;
	[tilespmem:s29+$0x179B0] =	vst v13;
	v11 =	vld.idx.msk [tilespmem:v29+s17+$0x0], $0xffff  }
0x47a: {  	v33 =	vadd.s32 $0x25E6, v8;
	[tilespmem:s14+$0x179B0] =	vst v15;
	v13 =	vld.idx.msk [tilespmem:v30+s17+$0x0], $0xffff  }
0x47b: {  	v34 =	vadd.s32 $0x25E6, v7;
	v15 =	vld.idx.msk [tilespmem:v31+s17+$0x0], $0xffff  }
0x47c: {  	v35 =	vadd.s32 $0x25E6, v6  }
0x47d: {  	[tilespmem:s6+$0x199B0] =	vst v9  }
0x47e: {  	v9 =	vld.idx.msk [tilespmem:v32+s15+$0x0], $0xffff;
	[tilespmem:s28+$0x199B0] =	vst v11  }
0x47f: {  	v36 =	vadd.s32 $0x9798, v1;
	[tilespmem:s29+$0x199B0] =	vst v13;
	v11 =	vld.idx.msk [tilespmem:v33+s15+$0x0], $0xffff  }
0x480: {  	v37 =	vadd.s32 $0x9798, v4;
	[tilespmem:s14+$0x199B0] =	vst v15;
	v13 =	vld.idx.msk [tilespmem:v34+s15+$0x0], $0xffff  }
0x481: {  	v38 =	vadd.s32 $0x9798, v5;
	v15 =	vld.idx.msk [tilespmem:v35+s15+$0x0], $0xffff  }
0x482: {  	v39 =	vadd.s32 $0x9798, v3;
	s6 =	sor.u32 $0x1300, s7;
	s14 =	sor.u32 $0x1300, s18  }
0x483: {  	[tilespmem:s6+$0x179B0] =	vst v9;
	s28 =	sadd.s32 s19, s14  }
0x484: {  	s29 =	sadd.s32 s20, s14;
	v9 =	vld.idx.msk [tilespmem:v36+s17+$0x0], $0xffff;
	[tilespmem:s28+$0x179B0] =	vst v11  }
0x485: {  	v40 =	vadd.s32 $0x279F, v2;
	s14 =	sadd.s32 s5, s14;
	[tilespmem:s29+$0x179B0] =	vst v13;
	v11 =	vld.idx.msk [tilespmem:v37+s17+$0x0], $0xffff  }
0x486: {  	v41 =	vadd.s32 $0x279F, v8;
	[tilespmem:s14+$0x179B0] =	vst v15;
	v13 =	vld.idx.msk [tilespmem:v38+s17+$0x0], $0xffff  }
0x487: {  	v42 =	vadd.s32 $0x279F, v7;
	v15 =	vld.idx.msk [tilespmem:v39+s17+$0x0], $0xffff  }
0x488: {  	v43 =	vadd.s32 $0x279F, v6  }
0x489: {  	[tilespmem:s6+$0x199B0] =	vst v9  }
0x48a: {  	v9 =	vld.idx.msk [tilespmem:v40+s15+$0x0], $0xffff;
	[tilespmem:s28+$0x199B0] =	vst v11  }
0x48b: {  	v44 =	vadd.s32 $0x9E7C, v1;
	[tilespmem:s29+$0x199B0] =	vst v13;
	v11 =	vld.idx.msk [tilespmem:v41+s15+$0x0], $0xffff  }
0x48c: {  	v45 =	vadd.s32 $0x9E7C, v4;
	[tilespmem:s14+$0x199B0] =	vst v15;
	v13 =	vld.idx.msk [tilespmem:v42+s15+$0x0], $0xffff  }
0x48d: {  	v46 =	vadd.s32 $0x9E7C, v5;
	v15 =	vld.idx.msk [tilespmem:v43+s15+$0x0], $0xffff  }
0x48e: {  	v47 =	vadd.s32 $0x9E7C, v3;
	s6 =	sor.u32 $0x1380, s12;
	s14 =	sor.u32 $0x1380, s18  }
0x48f: {  	[tilespmem:s6+$0x179B0] =	vst v9;
	s28 =	sadd.s32 s19, s14  }
0x490: {  	s29 =	sadd.s32 s20, s14;
	v9 =	vld.idx.msk [tilespmem:v44+s17+$0x0], $0xffff;
	[tilespmem:s28+$0x179B0] =	vst v11  }
0x491: {  	v48 =	vadd.s32 $0x2958, v2;
	s14 =	sadd.s32 s5, s14;
	[tilespmem:s29+$0x179B0] =	vst v13;
	v11 =	vld.idx.msk [tilespmem:v45+s17+$0x0], $0xffff  }
0x492: {  	v49 =	vadd.s32 $0x2958, v8;
	[tilespmem:s14+$0x179B0] =	vst v15;
	v13 =	vld.idx.msk [tilespmem:v46+s17+$0x0], $0xffff  }
0x493: {  	v50 =	vadd.s32 $0x2958, v7;
	v15 =	vld.idx.msk [tilespmem:v47+s17+$0x0], $0xffff  }
0x494: {  	v51 =	vadd.s32 $0x2958, v6  }
0x495: {  	[tilespmem:s6+$0x199B0] =	vst v9  }
0x496: {  	v9 =	vld.idx.msk [tilespmem:v48+s15+$0x0], $0xffff;
	[tilespmem:s28+$0x199B0] =	vst v11  }
0x497: {  	v52 =	vadd.s32 $0xA560, v1;
	[tilespmem:s29+$0x199B0] =	vst v13;
	v11 =	vld.idx.msk [tilespmem:v49+s15+$0x0], $0xffff  }
0x498: {  	v53 =	vadd.s32 $0xA560, v4;
	[tilespmem:s14+$0x199B0] =	vst v15;
	v13 =	vld.idx.msk [tilespmem:v50+s15+$0x0], $0xffff  }
0x499: {  	v54 =	vadd.s32 $0xA560, v5;
	v15 =	vld.idx.msk [tilespmem:v51+s15+$0x0], $0xffff  }
0x49a: {  	v55 =	vadd.s32 $0xA560, v3;
	s6 =	sor.u32 $0x1800, s9  }
0x49b: {  	s14 =	sadd.s32 s19, s6;
	[tilespmem:s11+$0x191B0] =	vst v9  }
0x49c: {  	s29 =	sadd.s32 s20, s6;
	v9 =	vld.idx.msk [tilespmem:v52+s17+$0x0], $0xffff;
	[tilespmem:s14+$0x179B0] =	vst v11  }
0x49d: {  	v56 =	vadd.s32 $0x2B11, v2;
	s6 =	sadd.s32 s5, s6;
	[tilespmem:s29+$0x179B0] =	vst v13;
	v11 =	vld.idx.msk [tilespmem:v53+s17+$0x0], $0xffff  }
0x49e: {  	v57 =	vadd.s32 $0x2B11, v8;
	[tilespmem:s6+$0x179B0] =	vst v15;
	v13 =	vld.idx.msk [tilespmem:v54+s17+$0x0], $0xffff  }
0x49f: {  	v58 =	vadd.s32 $0x2B11, v7;
	v15 =	vld.idx.msk [tilespmem:v55+s17+$0x0], $0xffff  }
0x4a0: {  	v59 =	vadd.s32 $0x2B11, v6  }
0x4a1: {  	[tilespmem:s11+$0x1B1B0] =	vst v9  }
0x4a2: {  	v9 =	vld.idx.msk [tilespmem:v56+s15+$0x0], $0xffff;
	[tilespmem:s14+$0x199B0] =	vst v11  }
0x4a3: {  	v60 =	vadd.s32 $0xAC44, v1;
	[tilespmem:s29+$0x199B0] =	vst v13;
	v11 =	vld.idx.msk [tilespmem:v57+s15+$0x0], $0xffff  }
0x4a4: {  	v61 =	vadd.s32 $0xAC44, v4;
	[tilespmem:s6+$0x199B0] =	vst v15;
	v13 =	vld.idx.msk [tilespmem:v58+s15+$0x0], $0xffff  }
0x4a5: {  	v62 =	vadd.s32 $0xAC44, v5;
	v15 =	vld.idx.msk [tilespmem:v59+s15+$0x0], $0xffff  }
0x4a6: {  	v63 =	vadd.s32 $0xAC44, v3;
	s6 =	sor.u32 $0x1880, s10;
	s14 =	sor.u32 $0x1880, s9  }
0x4a7: {  	[tilespmem:s6+$0x179B0] =	vst v9;
	s28 =	sadd.s32 s19, s14  }
0x4a8: {  	s29 =	sadd.s32 s20, s14;
	v9 =	vld.idx.msk [tilespmem:v60+s17+$0x0], $0xffff;
	[tilespmem:s28+$0x179B0] =	vst v11  }
0x4a9: {  	v20 =	vadd.s32 $0x2CCA, v2;
	s14 =	sadd.s32 s5, s14;
	[tilespmem:s29+$0x179B0] =	vst v13;
	v11 =	vld.idx.msk [tilespmem:v61+s17+$0x0], $0xffff  }
0x4aa: {  	v21 =	vadd.s32 $0x2CCA, v8;
	[tilespmem:s14+$0x179B0] =	vst v15;
	v13 =	vld.idx.msk [tilespmem:v62+s17+$0x0], $0xffff  }
0x4ab: {  	v22 =	vadd.s32 $0x2CCA, v7;
	v15 =	vld.idx.msk [tilespmem:v63+s17+$0x0], $0xffff  }
0x4ac: {  	v23 =	vadd.s32 $0x2CCA, v6  }
0x4ad: {  	[tilespmem:s6+$0x199B0] =	vst v9  }
0x4ae: {  	v9 =	vld.idx.msk [tilespmem:v20+s15+$0x0], $0xffff;
	[tilespmem:s28+$0x199B0] =	vst v11  }
0x4af: {  	v24 =	vadd.s32 $0xB328, v1;
	[tilespmem:s29+$0x199B0] =	vst v13;
	v11 =	vld.idx.msk [tilespmem:v21+s15+$0x0], $0xffff  }
0x4b0: {  	v25 =	vadd.s32 $0xB328, v4;
	[tilespmem:s14+$0x199B0] =	vst v15;
	v13 =	vld.idx.msk [tilespmem:v22+s15+$0x0], $0xffff  }
0x4b1: {  	v26 =	vadd.s32 $0xB328, v5;
	v15 =	vld.idx.msk [tilespmem:v23+s15+$0x0], $0xffff  }
0x4b2: {  	v27 =	vadd.s32 $0xB328, v3;
	s6 =	sor.u32 $0x1900, s9  }
0x4b3: {  	s14 =	sadd.s32 s19, s6;
	[tilespmem:s11+$0x192B0] =	vst v9  }
0x4b4: {  	s29 =	sadd.s32 s20, s6;
	v9 =	vld.idx.msk [tilespmem:v24+s17+$0x0], $0xffff;
	[tilespmem:s14+$0x179B0] =	vst v11  }
0x4b5: {  	v28 =	vadd.s32 $0x2E83, v2;
	s6 =	sadd.s32 s5, s6;
	[tilespmem:s29+$0x179B0] =	vst v13;
	v11 =	vld.idx.msk [tilespmem:v25+s17+$0x0], $0xffff  }
0x4b6: {  	v29 =	vadd.s32 $0x2E83, v8;
	[tilespmem:s6+$0x179B0] =	vst v15;
	v13 =	vld.idx.msk [tilespmem:v26+s17+$0x0], $0xffff  }
0x4b7: {  	v30 =	vadd.s32 $0x2E83, v7;
	v15 =	vld.idx.msk [tilespmem:v27+s17+$0x0], $0xffff  }
0x4b8: {  	v31 =	vadd.s32 $0x2E83, v6  }
0x4b9: {  	[tilespmem:s11+$0x1B2B0] =	vst v9  }
0x4ba: {  	v9 =	vld.idx.msk [tilespmem:v28+s15+$0x0], $0xffff;
	[tilespmem:s14+$0x199B0] =	vst v11  }
0x4bb: {  	v32 =	vadd.s32 $0xBA0C, v1;
	[tilespmem:s29+$0x199B0] =	vst v13;
	v11 =	vld.idx.msk [tilespmem:v29+s15+$0x0], $0xffff  }
0x4bc: {  	v33 =	vadd.s32 $0xBA0C, v4;
	[tilespmem:s6+$0x199B0] =	vst v15;
	v13 =	vld.idx.msk [tilespmem:v30+s15+$0x0], $0xffff  }
0x4bd: {  	v34 =	vadd.s32 $0xBA0C, v5;
	v15 =	vld.idx.msk [tilespmem:v31+s15+$0x0], $0xffff  }
0x4be: {  	v35 =	vadd.s32 $0xBA0C, v3;
	s9 =	sor.u32 $0x1980, s9;
	s14 =	sor.u32 $0x1980, s10  }
0x4bf: {  	s28 =	sadd.s32 s19, s9;
	[tilespmem:s14+$0x179B0] =	vst v9  }
0x4c0: {  	s29 =	sadd.s32 s20, s9;
	v9 =	vld.idx.msk [tilespmem:v32+s17+$0x0], $0xffff;
	[tilespmem:s28+$0x179B0] =	vst v11  }
0x4c1: {  	v36 =	vadd.s32 $0x303C, v2;
	s9 =	sadd.s32 s5, s9;
	[tilespmem:s29+$0x179B0] =	vst v13;
	v11 =	vld.idx.msk [tilespmem:v33+s17+$0x0], $0xffff  }
0x4c2: {  	v37 =	vadd.s32 $0x303C, v8;
	[tilespmem:s9+$0x179B0] =	vst v15;
	v13 =	vld.idx.msk [tilespmem:v34+s17+$0x0], $0xffff  }
0x4c3: {  	v38 =	vadd.s32 $0x303C, v7;
	v15 =	vld.idx.msk [tilespmem:v35+s17+$0x0], $0xffff  }
0x4c4: {  	v39 =	vadd.s32 $0x303C, v6  }
0x4c5: {  	[tilespmem:s14+$0x199B0] =	vst v9  }
0x4c6: {  	v9 =	vld.idx.msk [tilespmem:v36+s15+$0x0], $0xffff;
	[tilespmem:s28+$0x199B0] =	vst v11  }
0x4c7: {  	v40 =	vadd.s32 $0xC0F0, v1;
	[tilespmem:s29+$0x199B0] =	vst v13;
	v11 =	vld.idx.msk [tilespmem:v37+s15+$0x0], $0xffff  }
0x4c8: {  	v41 =	vadd.s32 $0xC0F0, v4;
	[tilespmem:s9+$0x199B0] =	vst v15;
	v13 =	vld.idx.msk [tilespmem:v38+s15+$0x0], $0xffff  }
0x4c9: {  	v42 =	vadd.s32 $0xC0F0, v5;
	v15 =	vld.idx.msk [tilespmem:v39+s15+$0x0], $0xffff  }
0x4ca: {  	v43 =	vadd.s32 $0xC0F0, v3;
	s11 =	sor.u32 $0x1A00, s7;
	s14 =	sor.u32 $0x1A00, s18  }
0x4cb: {  	s28 =	sadd.s32 s19, s14;
	[tilespmem:s11+$0x179B0] =	vst v9  }
0x4cc: {  	s29 =	sadd.s32 s20, s14;
	v9 =	vld.idx.msk [tilespmem:v40+s17+$0x0], $0xffff;
	[tilespmem:s28+$0x179B0] =	vst v11  }
0x4cd: {  	v44 =	vadd.s32 $0x31F5, v2;
	s9 =	sadd.s32 s5, s14;
	[tilespmem:s29+$0x179B0] =	vst v13;
	v11 =	vld.idx.msk [tilespmem:v41+s17+$0x0], $0xffff  }
0x4ce: {  	v45 =	vadd.s32 $0x31F5, v8;
	[tilespmem:s9+$0x179B0] =	vst v15;
	v13 =	vld.idx.msk [tilespmem:v42+s17+$0x0], $0xffff  }
0x4cf: {  	v46 =	vadd.s32 $0x31F5, v7;
	v15 =	vld.idx.msk [tilespmem:v43+s17+$0x0], $0xffff  }
0x4d0: {  	v47 =	vadd.s32 $0x31F5, v6  }
0x4d1: {  	[tilespmem:s11+$0x199B0] =	vst v9  }
0x4d2: {  	v9 =	vld.idx.msk [tilespmem:v44+s15+$0x0], $0xffff;
	[tilespmem:s28+$0x199B0] =	vst v11  }
0x4d3: {  	v48 =	vadd.s32 $0xC7D4, v1;
	[tilespmem:s29+$0x199B0] =	vst v13;
	v11 =	vld.idx.msk [tilespmem:v45+s15+$0x0], $0xffff  }
0x4d4: {  	v49 =	vadd.s32 $0xC7D4, v4;
	[tilespmem:s9+$0x199B0] =	vst v15;
	v13 =	vld.idx.msk [tilespmem:v46+s15+$0x0], $0xffff  }
0x4d5: {  	v50 =	vadd.s32 $0xC7D4, v5;
	v15 =	vld.idx.msk [tilespmem:v47+s15+$0x0], $0xffff  }
0x4d6: {  	v51 =	vadd.s32 $0xC7D4, v3;
	s10 =	sor.u32 $0x1A80, s12;
	s11 =	sor.u32 $0x1A80, s18  }
0x4d7: {  	s14 =	sadd.s32 s19, s11;
	[tilespmem:s10+$0x179B0] =	vst v9  }
0x4d8: {  	s28 =	sadd.s32 s20, s11;
	v9 =	vld.idx.msk [tilespmem:v48+s17+$0x0], $0xffff;
	[tilespmem:s14+$0x179B0] =	vst v11  }
0x4d9: {  	v52 =	vadd.s32 $0x33AE, v2;
	s9 =	sadd.s32 s5, s11;
	[tilespmem:s28+$0x179B0] =	vst v13;
	v11 =	vld.idx.msk [tilespmem:v49+s17+$0x0], $0xffff  }
0x4da: {  	v53 =	vadd.s32 $0x33AE, v8;
	[tilespmem:s9+$0x179B0] =	vst v15;
	v13 =	vld.idx.msk [tilespmem:v50+s17+$0x0], $0xffff  }
0x4db: {  	v54 =	vadd.s32 $0x33AE, v7;
	v15 =	vld.idx.msk [tilespmem:v51+s17+$0x0], $0xffff  }
0x4dc: {  	v55 =	vadd.s32 $0x33AE, v6  }
0x4dd: {  	[tilespmem:s10+$0x199B0] =	vst v9  }
0x4de: {  	v9 =	vld.idx.msk [tilespmem:v52+s15+$0x0], $0xffff;
	[tilespmem:s14+$0x199B0] =	vst v11  }
0x4df: {  	v56 =	vadd.s32 $0xCEB8, v1;
	[tilespmem:s28+$0x199B0] =	vst v13;
	v11 =	vld.idx.msk [tilespmem:v53+s15+$0x0], $0xffff  }
0x4e0: {  	v57 =	vadd.s32 $0xCEB8, v4;
	[tilespmem:s9+$0x199B0] =	vst v15;
	v13 =	vld.idx.msk [tilespmem:v54+s15+$0x0], $0xffff  }
0x4e1: {  	v58 =	vadd.s32 $0xCEB8, v5;
	v15 =	vld.idx.msk [tilespmem:v55+s15+$0x0], $0xffff  }
0x4e2: {  	v59 =	vadd.s32 $0xCEB8, v3;
	s29 =	sor.u32 $0x1B00, s7;
	s9 =	sor.u32 $0x1B00, s18  }
0x4e3: {  	[tilespmem:s29+$0x179B0] =	vst v9;
	s10 =	sadd.s32 s19, s9  }
0x4e4: {  	s11 =	sadd.s32 s20, s9;
	v9 =	vld.idx.msk [tilespmem:v56+s17+$0x0], $0xffff;
	[tilespmem:s10+$0x179B0] =	vst v11  }
0x4e5: {  	v2 =	vadd.s32 $0x3567, v2;
	s7 =	sadd.s32 s5, s9;
	[tilespmem:s11+$0x179B0] =	vst v13;
	v60 =	vld.idx.msk [tilespmem:v57+s17+$0x0], $0xffff  }
0x4e6: {  	v8 =	vadd.s32 $0x3567, v8;
	[tilespmem:s7+$0x179B0] =	vst v15;
	v61 =	vld.idx.msk [tilespmem:v58+s17+$0x0], $0xffff  }
0x4e7: {  	v7 =	vadd.s32 $0x3567, v7;
	v62 =	vld.idx.msk [tilespmem:v59+s17+$0x0], $0xffff  }
0x4e8: {  	v6 =	vadd.s32 $0x3567, v6  }
0x4e9: {  	[tilespmem:s29+$0x199B0] =	vst v9  }
0x4ea: {  	v2 =	vld.idx.msk [tilespmem:v2+s15+$0x0], $0xffff;
	[tilespmem:s10+$0x199B0] =	vst v60  }
0x4eb: {  	v1 =	vadd.s32 $0xD59C, v1;
	[tilespmem:s11+$0x199B0] =	vst v61;
	v8 =	vld.idx.msk [tilespmem:v8+s15+$0x0], $0xffff  }
0x4ec: {  	v4 =	vadd.s32 $0xD59C, v4;
	[tilespmem:s7+$0x199B0] =	vst v62;
	v7 =	vld.idx.msk [tilespmem:v7+s15+$0x0], $0xffff  }
0x4ed: {  	v5 =	vadd.s32 $0xD59C, v5;
	v6 =	vld.idx.msk [tilespmem:v6+s15+$0x0], $0xffff  }
0x4ee: {  	v3 =	vadd.s32 $0xD59C, v3;
	s14 =	sor.u32 $0x1B80, s12;
	s18 =	sor.u32 $0x1B80, s18  }
0x4ef: {  	s28 =	sadd.s32 s19, s18;
	[tilespmem:s14+$0x179B0] =	vst v2  }
0x4f0: {  	s29 =	sadd.s32 s20, s18;
	v1 =	vld.idx.msk [tilespmem:v1+s17+$0x0], $0xffff;
	[tilespmem:s28+$0x179B0] =	vst v8  }
0x4f1: {  	s5 =	sadd.s32 s5, s18;
	[tilespmem:s29+$0x179B0] =	vst v7;
	v2 =	vld.idx.msk [tilespmem:v4+s17+$0x0], $0xffff  }
0x4f2: {  	[tilespmem:s5+$0x179B0] =	vst v6;
	v63 =	vld.idx.msk [tilespmem:v5+s17+$0x0], $0xffff  }
0x4f3: {  	p0 =	slt.u32 s0, $0xC0;
	v3 =	vld.idx.msk [tilespmem:v3+s17+$0x0], $0xffff  }
.Ltmp1:
0x4f4: {  	_ = 	snop;
	(pc) =	sbr.rel @p0 .LBB2_5-.Ltmp1, $4  }
0x4f5: {  	[tilespmem:s14+$0x199B0] =	vst v1  }
0x4f6: {  	[tilespmem:s28+$0x199B0] =	vst v2  }
0x4f7: {  	[tilespmem:s29+$0x199B0] =	vst v63  }
0x4f8: {  	s0 =	sadd.s32 $0x40, s0;
	[tilespmem:s5+$0x199B0] =	vst v3  }
0x4f9: {  	s0 =	sshll.u32 s1, $0xE;
	s31 =	sadd.s32 $0x1, s31  }
0x4fa: {  	s0 =	sadd.s32 s13, s0;
	p0 =	sne.s32 s31, $0x20  }
.Ltmp2:
0x4fb: {  	s0 =	sshrl.u32 s0, $0x3;
	(pc) =	sbr.rel @p0 .LBB2_2-.Ltmp2, $4  }
0x4fc: {  	s29 =	sadd.s32 s2, s0  }
0x4fd: {  	[hbm4b:s29+s4] =	stream.linear.scatter [tilespmem:s25], [sflag:$0x2], $0x2000, $0x38;
	[tilespmem:$0x1B9B0] =	vst v63  }
0x4fe: {  	s30 =	sadd.s32 $0x2, s30;
	s0 =	sadd.s32 s3, s0  }
0x4ff: {  	[hbm4b:s0+s4] =	stream.linear.scatter [tilespmem:s26], [sflag:$0x2], $0x2000, $0x38;
	[tilespmem:$0x1B9B0] =	vst v63  }
0x500: {  	s0 =	simm.s32 $0x1  }
0x501: {  	_ =	swait.ge [sflag:s0], $0x2000  }
0x502: {  	[sflag:s0] =	ssyncset.done $0x0  }
0x503: {  	[sflag:s0] =	ssyncadd.s32 $0xFFFFE000  }
0x504: {  	_ =	swait.ge [sflag:s0], $0x2000  }
0x505: {  	[sflag:s0] =	ssyncset.done $0x0  }
0x506: {  	s1 =	simm.s32 $0x2;
	[sflag:s0] =	ssyncadd.s32 $0xFFFFE000  }
0x507: {  	_ =	swait.ge [sflag:s1], $0x2000  }
0x508: {  	[sflag:s1] =	ssyncset.done $0x0  }
0x509: {  	[sflag:s1] =	ssyncadd.s32 $0xFFFFE000  }
0x50a: {  	_ =	swait.ge [sflag:s1], $0x2000  }
0x50b: {  	s5 =	rddreg [dreg:$0xb]  }
0x50c: {  	s31 =	rddreg [dreg:$0xa];
	s5 =	sadd.s32 $0x1, s5  }
0x50d: {  	p0 =	sne.s32 s5, s31  }
.Ltmp3:
0x50e: {  	_ = 	snop;
	(pc) =	sbr.rel @p0 .LBB2_1-.Ltmp3, $3  }
0x50f: {  	_ =	sdelay $0x1  }
0x510: {  	[sflag:s1] =	ssyncset.done $0x0  }
0x511: {  	[sflag:s1] =	ssyncadd.s32 $0xFFFFE000  }
0x512: {  	_ =	sfence.sel $0x180000  }
0x513: {  	[bflag:$0x0] =	sbarrier.arrive $0xFFFF  }
0x514: {  	_ =	strace $0x90000047  }
0x515: {  	s0 =	stileid.u32;
	[bflag:$0x2] =	sbarrier.arrive $0xFFFF  }
0x516: {  	p0 =	sne.s32 s0, $0x0;
	s0 =	rddreg [dreg:$0x3]  }
0x517: {  	s0 =	sadd.s32 @!p0 $0x100000, s0  }
0x518: {  	[sflag:s0] =	ssyncadd.tile.s32 @!p0 $0x1;
	_ =	shalt  }
.Lfunc_end2:
_tile_overlayer_lowered:
.L_overlay_start_2:
0x519: {  	(tag) =	ssettag $0x2  }
0x51a: {  	s0 =	rddreg [dreg:$0x0];
	s2 =	stileid.u32  }
0x51b: {  	s1 =	rddreg [dreg:$0x1];
	p0 =	sne.s32 s2, $0x0  }
0x51c: {  	s3 =	rddreg [dreg:$0x2];
	[bflag:$0x3] =	sbarrier.arrive $0xFFFF;
	s2 =	simm.s32 @!p0 $0x1C03  }
0x51d: {  	[timem:s3], [sflag:s2] =	dma.local @!p0 [hbm:s0], s1  }
0x51e: {  	s0 =	simm.s32 @!p0 $0x3  }
0x51f: {  	_ =	swait.ge @!p0 [sflag:s0], s1  }
0x520: {  	s1 =	ssub.s32 @!p0 $0x0, s1;
	[sflag:s0] =	ssyncset.done @!p0 $0x0  }
0x521: {  	[sflag:s0] =	ssyncadd.s32 @!p0 s1  }
0x522: {  	[bflag:$0x3] =	sbarrier.arrive $0xFFFF  }
0x523: {  	_ =	shalt  }

</sc_bundles>
